<compile_context>
chip_gen: v7x
topology: tpu7x:2x2x1
jax: 0.10.2.dev20260603
libtpu: 0.0.44.dev20260713+nightly
codegen_flags: <defaults>
</compile_context>

<pallas_src>
import functools

import jax
import jax.numpy as jnp
from jax import lax
from jax.experimental import pallas as pl
from jax.experimental.pallas import tpu as pltpu
from jax.experimental.pallas import tpu_sc as plsc

_FL = 512.0


def _build_sc_kernel(n_total, n_ch, hw, h, w, nb, n_workers, chunk):
    pw = n_total // n_workers
    nchunks = pw // chunk
    ngroups = chunk // 16
    wpb = n_workers // nb
    wpb_shift = wpb.bit_length() - 1
    assert (1 << wpb_shift) == wpb
    assert nchunks % 2 == 0
    nset = 12 + 4 * n_ch

    mesh = plsc.VectorSubcoreMesh(core_axis_name="c", subcore_axis_name="s")
    info = plsc.get_sparse_core_info()
    nc = info.num_cores

    def set_types():
        return (
            [pltpu.VMEM((chunk * 3,), jnp.float32)]
            + [pltpu.VMEM((chunk,), jnp.int32)] * 5
            + [pltpu.VMEM((chunk,), jnp.float32)] * (4 * n_ch)
            + [pltpu.VMEM((chunk,), jnp.float32)]
            + [pltpu.VMEM((chunk,), jnp.float32)] * 3
            + [pltpu.VMEM((chunk * n_ch,), jnp.float32)]
            + [pltpu.SemaphoreType.DMA]
        )

    @functools.partial(
        pl.kernel,
        out_type=jax.ShapeDtypeStruct((n_total * n_ch,), jnp.float32),
        mesh=mesh,
        compiler_params=pltpu.CompilerParams(
            needs_layout_passes=False, use_tc_tiling_on_sc=False),
        scratch_types=[pltpu.VMEM((192,), jnp.float32)]
        + list(set_types()) + list(set_types()),
    )
    def sc_kernel(locs_hbm, image_hbm, depth_hbm, params_hbm, out_hbm,
                  params_v, *sets_flat):
        set0 = sets_flat[:nset]
        set1 = sets_flat[nset:]
        wid = lax.axis_index("s") * nc + lax.axis_index("c")
        b = wid >> wpb_shift
        pbase = wid * pw

        pltpu.sync_copy(params_hbm.at[pl.ds(b * 192, 192)], params_v)

        iota = lax.iota(jnp.int32, 16)

        def prm(j):
            return params_v[pl.ds(j * 16, 16)]

        m00, m10, m20 = prm(0), prm(3), prm(6)
        m01, m11, m21 = prm(1), prm(4), prm(7)
        m02, m12, m22 = prm(2), prm(5), prm(8)
        ppx, ppy, ppz = prm(9), prm(10), prm(11)

        def floor_i32(v):
            t = v.astype(jnp.int32)
            tf = t.astype(jnp.float32)
            return t - jnp.where(v < tf, 1, 0).astype(jnp.int32)

        def bf16_rne(v):
            r = lax.bitcast_convert_type(v, jnp.int32)
            r = r + 0x7FFF + ((r >> 16) & 1)
            return lax.bitcast_convert_type(
                r & jnp.int32(-65536), jnp.float32)

        def unpack(st):
            locs_v = st[0]
            idx = st[1:6]
            vals = st[6:6 + 4 * n_ch]
            dm_v = st[6 + 4 * n_ch]
            fi_v, fj_v, zc_v = st[7 + 4 * n_ch:10 + 4 * n_ch]
            out_v = st[10 + 4 * n_ch]
            sem = st[11 + 4 * n_ch]
            return locs_v, idx, vals, dm_v, fi_v, fj_v, zc_v, out_v, sem

        def prep(g, st):
            locs_v, idx, vals, dm_v, fi_v, fj_v, zc_v, out_v, sem = unpack(st)
            i00, i01, i10, i11, inn = idx
            goff = pbase + g * chunk
            pltpu.sync_copy(locs_hbm.at[pl.ds(goff * 3, chunk * 3)], locs_v)

            def phase_a(i, c2):
                o = i * 16
                p = o + iota
                p3 = p * 3
                x = bf16_rne(plsc.load_gather(locs_v, [p3]) - ppx)
                y = bf16_rne(plsc.load_gather(locs_v, [p3 + 1]) - ppy)
                z = bf16_rne(plsc.load_gather(locs_v, [p3 + 2]) - ppz)
                xc = x * m00 + y * m10 + z * m20
                yc = x * m01 + y * m11 + z * m21
                zc = x * m02 + y * m12 + z * m22
                zsafe = jnp.where(zc == 0.0, jnp.float32(1e-10), zc)
                px = xc * _FL / zsafe + w * 0.5
                py = yc * _FL / zsafe + h * 0.5
                fi = px - 0.5
                fj = py - 0.5
                x0i = floor_i32(fi)
                y0i = floor_i32(fj)
                wx = fi - x0i.astype(jnp.float32)
                wy = fj - y0i.astype(jnp.float32)
                x0c = jnp.minimum(jnp.maximum(x0i, 0), w - 1)
                x1c = jnp.minimum(jnp.maximum(x0i + 1, 0), w - 1)
                y0c = jnp.minimum(jnp.maximum(y0i, 0), h - 1)
                y1c = jnp.minimum(jnp.maximum(y0i + 1, 0), h - 1)
                selx = (wx > 0.5) | ((wx == 0.5) & ((x0i & 1) == 1))
                sely = (wy > 0.5) | ((wy == 0.5) & ((y0i & 1) == 1))
                xn = jnp.minimum(jnp.maximum(
                    x0i + selx.astype(jnp.int32), 0), w - 1)
                yn = jnp.minimum(jnp.maximum(
                    y0i + sely.astype(jnp.int32), 0), h - 1)
                yb0 = y0c * w
                yb1 = y1c * w
                i00[pl.ds(o, 16)] = yb0 + x0c
                i01[pl.ds(o, 16)] = yb0 + x1c
                i10[pl.ds(o, 16)] = yb1 + x0c
                i11[pl.ds(o, 16)] = yb1 + x1c
                inn[pl.ds(o, 16)] = yn * w + xn
                fi_v[pl.ds(o, 16)] = fi
                fj_v[pl.ds(o, 16)] = fj
                zc_v[pl.ds(o, 16)] = zc
                return c2

            lax.fori_loop(0, ngroups, phase_a, 0, unroll=2)
            for ci, iref in enumerate((i00, i01, i10, i11)):
                for c in range(n_ch):
                    plane = image_hbm.at[pl.ds((b * n_ch + c) * hw, hw)]
                    pltpu.async_copy(plane.at[iref],
                                     vals[ci * n_ch + c], sem)
            pltpu.async_copy(depth_hbm.at[pl.ds(b * hw, hw)].at[inn],
                             dm_v, sem)

        def finish(g, st):
            locs_v, idx, vals, dm_v, fi_v, fj_v, zc_v, out_v, sem = unpack(st)
            i00, i01, i10, i11, inn = idx
            goff = pbase + g * chunk
            for ci, iref in enumerate((i00, i01, i10, i11)):
                for c in range(n_ch):
                    plane = image_hbm.at[pl.ds((b * n_ch + c) * hw, hw)]
                    pltpu.make_async_copy(plane.at[iref],
                                          vals[ci * n_ch + c], sem).wait()
            pltpu.make_async_copy(depth_hbm.at[pl.ds(b * hw, hw)].at[inn],
                                  dm_v, sem).wait()

            def phase_b(i, c2):
                o = i * 16
                p = o + iota
                fi = fi_v[pl.ds(o, 16)]
                fj = fj_v[pl.ds(o, 16)]
                zc = zc_v[pl.ds(o, 16)]
                dm = dm_v[pl.ds(o, 16)]
                x0i = floor_i32(fi)
                y0i = floor_i32(fj)
                wx = fi - x0i.astype(jnp.float32)
                wy = fj - y0i.astype(jnp.float32)
                x1i = x0i + 1
                y1i = y0i + 1
                x0ok = (x0i >= 0) & (x0i < w)
                x1ok = (x1i >= 0) & (x1i < w)
                y0ok = (y0i >= 0) & (y0i < h)
                y1ok = (y1i >= 0) & (y1i < h)
                omwx = 1.0 - wx
                omwy = 1.0 - wy
                w00 = jnp.where(x0ok & y0ok, omwx * omwy, jnp.float32(0.0))
                w01 = jnp.where(x1ok & y0ok, wx * omwy, jnp.float32(0.0))
                w10 = jnp.where(x0ok & y1ok, omwx * wy, jnp.float32(0.0))
                w11 = jnp.where(x1ok & y1ok, wx * wy, jnp.float32(0.0))
                px = fi + 0.5
                py = fj + 0.5
                vis = ((zc > 0.0) & (px >= 0.0) & (px < w)
                       & (py >= 0.0) & (py < h) & (zc <= dm))
                pn = p * n_ch
                for c in range(n_ch):
                    v = (vals[c][pl.ds(o, 16)] * w00
                         + vals[n_ch + c][pl.ds(o, 16)] * w01
                         + vals[2 * n_ch + c][pl.ds(o, 16)] * w10
                         + vals[3 * n_ch + c][pl.ds(o, 16)] * w11)
                    plsc.store_scatter(out_v, [pn + c],
                                       jnp.where(vis, v, jnp.float32(0.0)))
                return c2

            lax.fori_loop(0, ngroups, phase_b, 0, unroll=2)
            pltpu.sync_copy(out_v,
                            out_hbm.at[pl.ds(goff * n_ch, chunk * n_ch)])

        ntp = nchunks // 2
        prep(0, set0)

        def body(t, carry):
            g0 = 2 * t
            prep(g0 + 1, set1)
            finish(g0, set0)

            @pl.when(t + 1 < ntp)
            def _():
                prep(g0 + 2, set0)

            finish(g0 + 1, set1)
            return carry

        lax.fori_loop(0, ntp, body, 0)

    return sc_kernel


def _quat_to_mat(quat):
    qx, qy, qz, qw = quat[:, 0], quat[:, 1], quat[:, 2], quat[:, 3]
    qx2, qy2, qz2 = qx * qx, qy * qy, qz * qz
    qxqy, qxqz, qxqw = qx * qy, qx * qz, qx * qw
    qyqz, qyqw, qzqw = qy * qz, qy * qw, qz * qw
    r0 = jnp.stack([1 - 2 * qy2 - 2 * qz2, 2 * qxqy + 2 * qzqw,
                    2 * qxqz - 2 * qyqw], axis=1)
    r1 = jnp.stack([2 * qxqy - 2 * qzqw, 1 - 2 * qx2 - 2 * qz2,
                    2 * qyqz + 2 * qxqw], axis=1)
    r2 = jnp.stack([2 * qxqz + 2 * qyqw, 2 * qyqz - 2 * qxqw,
                    1 - 2 * qx2 - 2 * qy2], axis=1)
    return jnp.stack([r0, r1, r2], axis=1)


def kernel(locs, image, camera_pose, camera_rot, depth_mask):
    nb, n, _ = locs.shape
    _, n_ch, h, w = image.shape
    hw = h * w
    n_workers = 32
    chunk = 512
    wpb = n_workers // nb

    q = camera_rot / jnp.sqrt(jnp.sum(camera_rot ** 2, axis=1, keepdims=True))
    q = q * jnp.array([[-1.0, -1.0, -1.0, 1.0]], dtype=jnp.float32)
    rot = _quat_to_mat(q).astype(jnp.bfloat16).astype(jnp.float32)
    params = jnp.concatenate([rot.reshape(nb, 9), camera_pose], axis=1)
    params = jnp.broadcast_to(params[:, :, None], (nb, 12, 16)).reshape(-1)

    step = wpb * chunk * 2
    npad = -(-n // step) * step
    locs_p = jnp.pad(locs, ((0, 0), (0, npad - n), (0, 0))).reshape(-1)

    sc = _build_sc_kernel(nb * npad, n_ch, hw, h, w, nb, n_workers, chunk)
    out = sc(locs_p, image.reshape(-1), depth_mask.reshape(-1), params)
    return out.reshape(nb, npad, n_ch)[:, :n, :]

# --- scband reference (transcript-rebuilt; emitter-appended) ---
"""Pipeline reference for scband-image-projection-69982197121559 (READ-ONLY COPY).

The authoritative reference and input builder live on the scoring server;
editing this copy changes nothing except your own understanding.
"""

import jax, jax.numpy as jnp
import numpy as np

CAMERA_FL = 512.0
B, N, C, H, W = 4, 200000, 3, 512, 512


def setup_inputs(seed: int = 0) -> dict:
    key = jax.random.key(seed)
    k1, k2, k3, k4, k5 = jax.random.split(key, 5)
    xy = jax.random.uniform(k1, (B, N, 2), minval=-1.0, maxval=1.0, dtype=jnp.float32)
    z = jax.random.uniform(k2, (B, N, 1), minval=1.0, maxval=5.0, dtype=jnp.float32)
    locs = jnp.concatenate([xy, z], axis=-1)
    image = jax.random.normal(k3, (B, C, H, W), dtype=jnp.float32)
    camera_pose = jax.random.normal(k4, (B, 3), dtype=jnp.float32) * 0.1
    camera_rot = jnp.tile(jnp.array([0.0, 0.0, 0.0, 1.0], dtype=jnp.float32), (B, 1)) \
        + jax.random.normal(k5, (B, 4), dtype=jnp.float32) * 0.05
    depth_mask = jax.random.uniform(jax.random.fold_in(key, 7), (B, H, W), minval=0.0, maxval=10.0, dtype=jnp.float32)
    return {"locs": locs, "image": image, "camera_pose": camera_pose,
            "camera_rot": camera_rot, "depth_mask": depth_mask}


def _rotation_matrix_from_quaternion(quat):
    # mirrors torch code: operates on quat.data (detached)
    quat = jax.lax.stop_gradient(quat)
    qx, qy, qz, qw = quat[:, 0], quat[:, 1], quat[:, 2], quat[:, 3]
    qx2, qy2, qz2 = qx * qx, qy * qy, qz * qz
    qxqy, qxqz, qxqw = qx * qy, qx * qz, qx * qw
    qyqz, qyqw, qzqw = qy * qz, qy * qw, qz * qw
    r0 = jnp.stack([1 - 2 * qy2 - 2 * qz2, 2 * qxqy + 2 * qzqw, 2 * qxqz - 2 * qyqw], axis=1)
    r1 = jnp.stack([2 * qxqy - 2 * qzqw, 1 - 2 * qx2 - 2 * qz2, 2 * qyqz + 2 * qxqw], axis=1)
    r2 = jnp.stack([2 * qxqz + 2 * qyqw, 2 * qyqz - 2 * qxqw, 1 - 2 * qx2 - 2 * qy2], axis=1)
    return jnp.stack([r0, r1, r2], axis=1)  # (B,3,3)


def _project_single(locs, image, depth):
    # locs (N,3) in camera frame, image (C,H,W), depth (H,W) -> (N,C)
    x, y, z = locs[:, 0], locs[:, 1], locs[:, 2]
    zsafe = jnp.where(z == 0, 1e-10, z)
    px = x * CAMERA_FL / zsafe + W * 0.5
    py = y * CAMERA_FL / zsafe + H * 0.5
    fi = px - 0.5
    fj = py - 0.5
    x0 = jnp.floor(fi)
    y0 = jnp.floor(fj)
    wx = fi - x0
    wy = fj - y0
    x0i = x0.astype(jnp.int32)
    x1i = x0i + 1
    y0i = y0.astype(jnp.int32)
    y1i = y0i + 1

    def gather(yy, xx):
        valid = (xx >= 0) & (xx < W) & (yy >= 0) & (yy < H)
        xxc = jnp.clip(xx, 0, W - 1)
        yyc = jnp.clip(yy, 0, H - 1)
        vals = image[:, yyc, xxc]  # (C, N) gather
        return jnp.where(valid[None, :], vals, 0.0)

    v = (gather(y0i, x0i) * ((1 - wx) * (1 - wy))[None]
         + gather(y0i, x1i) * (wx * (1 - wy))[None]
         + gather(y1i, x0i) * ((1 - wx) * wy)[None]
         + gather(y1i, x1i) * (wx * wy)[None])
    xn = jnp.clip(jnp.round(fi).astype(jnp.int32), 0, W - 1)
    yn = jnp.clip(jnp.round(fj).astype(jnp.int32), 0, H - 1)
    dm = jax.lax.stop_gradient(depth[yn, xn])
    visible = (z > 0) & (px >= 0) & (px < W) & (py >= 0) & (py < H) & (z <= dm)
    return jnp.where(visible[None, :], v, 0.0).T  # (N, C)


def reference(locs, image, camera_pose, camera_rot, depth_mask):
    locs = locs - camera_pose[:, None, :]
    camera_rot = camera_rot / jnp.sqrt(jnp.sum(camera_rot ** 2, axis=1, keepdims=True))
    inv = jnp.array([[-1.0, -1.0, -1.0, 1.0]], dtype=jnp.float32)
    camera_rot = camera_rot * inv
    rot = _rotation_matrix_from_quaternion(camera_rot)
    locs = jnp.einsum('bnd,bde->bne', locs, rot)  # torch.bmm(locs, rot)
    out = jax.vmap(_project_single)(locs, image, depth_mask)
    return out  # (B, N, C)

if __name__ == "__main__":
    import jax
    _d = setup_inputs()
    print(jax.jit(kernel)(*tuple(_d.values())))

</pallas_src>

<mosaic_0001>
#map = affine_map<(d0, d1) -> (0)>
module attributes {stable_mosaic.version = 14 : i64} {
  func.func @sc_kernel(%arg0: i32, %arg1: i32, %arg2: memref<2457600xf32, #tpu.memory_space<hbm>>, %arg3: memref<3145728xf32, #tpu.memory_space<hbm>>, %arg4: memref<1048576xf32, #tpu.memory_space<hbm>>, %arg5: memref<768xf32, #tpu.memory_space<hbm>>, %arg6: memref<2457600xf32, #tpu.memory_space<hbm>>, %arg7: memref<192xf32, #tpu.memory_space<vmem>>, %arg8: memref<1536xf32, #tpu.memory_space<vmem>>, %arg9: memref<512xi32, #tpu.memory_space<vmem>>, %arg10: memref<512xi32, #tpu.memory_space<vmem>>, %arg11: memref<512xi32, #tpu.memory_space<vmem>>, %arg12: memref<512xi32, #tpu.memory_space<vmem>>, %arg13: memref<512xi32, #tpu.memory_space<vmem>>, %arg14: memref<512xf32, #tpu.memory_space<vmem>>, %arg15: memref<512xf32, #tpu.memory_space<vmem>>, %arg16: memref<512xf32, #tpu.memory_space<vmem>>, %arg17: memref<512xf32, #tpu.memory_space<vmem>>, %arg18: memref<512xf32, #tpu.memory_space<vmem>>, %arg19: memref<512xf32, #tpu.memory_space<vmem>>, %arg20: memref<512xf32, #tpu.memory_space<vmem>>, %arg21: memref<512xf32, #tpu.memory_space<vmem>>, %arg22: memref<512xf32, #tpu.memory_space<vmem>>, %arg23: memref<512xf32, #tpu.memory_space<vmem>>, %arg24: memref<512xf32, #tpu.memory_space<vmem>>, %arg25: memref<512xf32, #tpu.memory_space<vmem>>, %arg26: memref<512xf32, #tpu.memory_space<vmem>>, %arg27: memref<512xf32, #tpu.memory_space<vmem>>, %arg28: memref<512xf32, #tpu.memory_space<vmem>>, %arg29: memref<512xf32, #tpu.memory_space<vmem>>, %arg30: memref<1536xf32, #tpu.memory_space<vmem>>, %arg31: memref<!tpu.dma_semaphore, #tpu.memory_space<semaphore_mem>>, %arg32: memref<1536xf32, #tpu.memory_space<vmem>>, %arg33: memref<512xi32, #tpu.memory_space<vmem>>, %arg34: memref<512xi32, #tpu.memory_space<vmem>>, %arg35: memref<512xi32, #tpu.memory_space<vmem>>, %arg36: memref<512xi32, #tpu.memory_space<vmem>>, %arg37: memref<512xi32, #tpu.memory_space<vmem>>, %arg38: memref<512xf32, #tpu.memory_space<vmem>>, %arg39: memref<512xf32, #tpu.memory_space<vmem>>, %arg40: memref<512xf32, #tpu.memory_space<vmem>>, %arg41: memref<512xf32, #tpu.memory_space<vmem>>, %arg42: memref<512xf32, #tpu.memory_space<vmem>>, %arg43: memref<512xf32, #tpu.memory_space<vmem>>, %arg44: memref<512xf32, #tpu.memory_space<vmem>>, %arg45: memref<512xf32, #tpu.memory_space<vmem>>, %arg46: memref<512xf32, #tpu.memory_space<vmem>>, %arg47: memref<512xf32, #tpu.memory_space<vmem>>, %arg48: memref<512xf32, #tpu.memory_space<vmem>>, %arg49: memref<512xf32, #tpu.memory_space<vmem>>, %arg50: memref<512xf32, #tpu.memory_space<vmem>>, %arg51: memref<512xf32, #tpu.memory_space<vmem>>, %arg52: memref<512xf32, #tpu.memory_space<vmem>>, %arg53: memref<512xf32, #tpu.memory_space<vmem>>, %arg54: memref<1536xf32, #tpu.memory_space<vmem>>, %arg55: memref<!tpu.dma_semaphore, #tpu.memory_space<semaphore_mem>>) attributes {dimension_semantics = [#tpu.dimension_semantics<core_parallel>, #tpu.dimension_semantics<subcore_parallel>], iteration_bounds = array<i64: 2, 16>, scalar_prefetch = 0 : i64, scratch_operands = 49 : i64, tpu.core_type = #tpu.core_type<sc_vector_subcore>, window_params = [{transform_indices = #map}, {transform_indices = #map}, {transform_indices = #map}, {transform_indices = #map}, {transform_indices = #map}]} {
    %mul3A = arith.constant 2 : i32
    %mul3A_0 = arith.muli %arg1, %mul3A : i32
    %add3A = arith.addi %mul3A_0, %arg0 : i32
    %shift_right_arithmetic3A = arith.constant 3 : i32
    %shift_right_arithmetic3A_1 = arith.shrsi %add3A, %shift_right_arithmetic3A : i32
    %mul3A_2 = arith.constant 25600 : i32
    %mul3A_3 = arith.muli %add3A, %mul3A_2 : i32
    %mul3A_4 = arith.constant 192 : i32
    %mul3A_5 = arith.muli %shift_right_arithmetic3A_1, %mul3A_4 : i32
    "tpu.region"() ({
      %run_scoped3A = tpu.sem_alloc : memref<!tpu.dma_semaphore, #tpu.memory_space<semaphore_mem>>
      %dma_start3A_156 = tpu.memref_slice %arg5[%mul3A_5] : memref<768xf32, #tpu.memory_space<hbm>> -> memref<192xf32, #tpu.memory_space<hbm>>
      %dma_start3A_157 = tpu.memref_slice %arg5[%mul3A_5] : memref<768xf32, #tpu.memory_space<hbm>> -> memref<192xf32, #tpu.memory_space<hbm>>
      tpu.enqueue_dma source(%dma_start3A_157 : memref<192xf32, #tpu.memory_space<hbm>>) target(%arg7 : memref<192xf32, #tpu.memory_space<vmem>>) target_semaphore(%run_scoped3A : memref<!tpu.dma_semaphore, #tpu.memory_space<semaphore_mem>>)
      %dma_wait3A = tpu.memref_slice %arg5[%mul3A_5] : memref<768xf32, #tpu.memory_space<hbm>> -> memref<192xf32, #tpu.memory_space<hbm>>
      %dma_wait3A_158 = tpu.memref_slice %arg5[%mul3A_5] : memref<768xf32, #tpu.memory_space<hbm>> -> memref<192xf32, #tpu.memory_space<hbm>>
      tpu.wait_dma2 semaphore(%run_scoped3A : memref<!tpu.dma_semaphore, #tpu.memory_space<semaphore_mem>>) src(%dma_wait3A_158 : memref<192xf32, #tpu.memory_space<hbm>>) dst(%arg7 : memref<192xf32, #tpu.memory_space<vmem>>)
      tpu.yield
    }) : () -> ()
    %iota3A = tpu.iota {dimensions = array<i32: 0>} : vector<16xi32>
    %get3A = arith.constant 0 : index
    %get3A_6 = tpu.vector_load %arg7[%get3A] {strides = array<i32>} : memref<192xf32, #tpu.memory_space<vmem>>, vector<16xf32>,
    %get3A_7 = arith.constant 48 : index
    %get3A_8 = tpu.vector_load %arg7[%get3A_7] {strides = array<i32>} : memref<192xf32, #tpu.memory_space<vmem>>, vector<16xf32>,
    %get3A_9 = arith.constant 96 : index
    %get3A_10 = tpu.vector_load %arg7[%get3A_9] {strides = array<i32>} : memref<192xf32, #tpu.memory_space<vmem>>, vector<16xf32>,
    %get3A_11 = arith.constant 16 : index
    %get3A_12 = tpu.vector_load %arg7[%get3A_11] {strides = array<i32>} : memref<192xf32, #tpu.memory_space<vmem>>, vector<16xf32>,
    %get3A_13 = arith.constant 64 : index
    %get3A_14 = tpu.vector_load %arg7[%get3A_13] {strides = array<i32>} : memref<192xf32, #tpu.memory_space<vmem>>, vector<16xf32>,
    %get3A_15 = arith.constant 112 : index
    %get3A_16 = tpu.vector_load %arg7[%get3A_15] {strides = array<i32>} : memref<192xf32, #tpu.memory_space<vmem>>, vector<16xf32>,
    %get3A_17 = arith.constant 32 : index
    %get3A_18 = tpu.vector_load %arg7[%get3A_17] {strides = array<i32>} : memref<192xf32, #tpu.memory_space<vmem>>, vector<16xf32>,
    %get3A_19 = arith.constant 80 : index
    %get3A_20 = tpu.vector_load %arg7[%get3A_19] {strides = array<i32>} : memref<192xf32, #tpu.memory_space<vmem>>, vector<16xf32>,
    %get3A_21 = arith.constant 128 : index
    %get3A_22 = tpu.vector_load %arg7[%get3A_21] {strides = array<i32>} : memref<192xf32, #tpu.memory_space<vmem>>, vector<16xf32>,
    %get3A_23 = arith.constant 144 : index
    %get3A_24 = tpu.vector_load %arg7[%get3A_23] {strides = array<i32>} : memref<192xf32, #tpu.memory_space<vmem>>, vector<16xf32>,
    %get3A_25 = arith.constant 160 : index
    %get3A_26 = tpu.vector_load %arg7[%get3A_25] {strides = array<i32>} : memref<192xf32, #tpu.memory_space<vmem>>, vector<16xf32>,
    %get3A_27 = arith.constant 176 : index
    %get3A_28 = tpu.vector_load %arg7[%get3A_27] {strides = array<i32>} : memref<192xf32, #tpu.memory_space<vmem>>, vector<16xf32>,
    %add3A_29 = arith.constant 0 : i32
    %add3A_30 = arith.addi %mul3A_3, %add3A_29 : i32
    %mul3A_31 = arith.constant 3 : i32
    %mul3A_32 = arith.muli %add3A_30, %mul3A_31 : i32
    "tpu.region"() ({
      %run_scoped3A = tpu.sem_alloc : memref<!tpu.dma_semaphore, #tpu.memory_space<semaphore_mem>>
      %dma_start3A_156 = tpu.memref_slice %arg2[%mul3A_32] : memref<2457600xf32, #tpu.memory_space<hbm>> -> memref<1536xf32, #tpu.memory_space<hbm>>
      %dma_start3A_157 = tpu.memref_slice %arg2[%mul3A_32] : memref<2457600xf32, #tpu.memory_space<hbm>> -> memref<1536xf32, #tpu.memory_space<hbm>>
      tpu.enqueue_dma source(%dma_start3A_157 : memref<1536xf32, #tpu.memory_space<hbm>>) target(%arg8 : memref<1536xf32, #tpu.memory_space<vmem>>) target_semaphore(%run_scoped3A : memref<!tpu.dma_semaphore, #tpu.memory_space<semaphore_mem>>)
      %dma_wait3A = tpu.memref_slice %arg2[%mul3A_32] : memref<2457600xf32, #tpu.memory_space<hbm>> -> memref<1536xf32, #tpu.memory_space<hbm>>
      %dma_wait3A_158 = tpu.memref_slice %arg2[%mul3A_32] : memref<2457600xf32, #tpu.memory_space<hbm>> -> memref<1536xf32, #tpu.memory_space<hbm>>
      tpu.wait_dma2 semaphore(%run_scoped3A : memref<!tpu.dma_semaphore, #tpu.memory_space<semaphore_mem>>) src(%dma_wait3A_158 : memref<1536xf32, #tpu.memory_space<hbm>>) dst(%arg8 : memref<1536xf32, #tpu.memory_space<vmem>>)
      tpu.yield
    }) : () -> ()
    %scan3A = arith.constant 0 : i32
    %scan3A_33 = arith.constant 0 : i32
    %scan3A_34 = arith.constant 32 : i32
    %scan3A_35 = arith.addi %scan3A_33, %scan3A_34 : i32
    %scan3A_36 = arith.constant 2 : i32
    scf.for %scan3A_156 = %scan3A_33 to %scan3A_35 step %scan3A_36  : i32 {
      %mul3A_157 = arith.constant 16 : i32
      %mul3A_158 = arith.muli %scan3A_156, %mul3A_157 : i32
      %add3A_159 = vector.broadcast %mul3A_158 : i32 to vector<16xi32>
      %add3A_160 = arith.addi %add3A_159, %iota3A : vector<16xi32>
      %mul3A_161 = arith.constant 3 : i32
      %mul3A_162 = vector.broadcast %mul3A_161 : i32 to vector<16xi32>
      %mul3A_163 = arith.muli %add3A_160, %mul3A_162 : vector<16xi32>
      %gather3A = tpu.vector_load_idx %arg8[%mul3A_163] : memref<1536xf32, #tpu.memory_space<vmem>>[vector<16xi32>], vector<16xf32>,
      %sub3A = arith.subf %gather3A, %get3A_24 : vector<16xf32>
      %bitcast_convert_type3A = tpu.bitcast %sub3A : vector<16xf32> -> vector<16xi32>
      %add3A_164 = arith.constant 32767 : i32
      %add3A_165 = vector.broadcast %add3A_164 : i32 to vector<16xi32>
      %add3A_166 = arith.addi %bitcast_convert_type3A, %add3A_165 : vector<16xi32>
      %shift_right_arithmetic3A_167 = arith.constant 16 : i32
      %shift_right_arithmetic3A_168 = vector.broadcast %shift_right_arithmetic3A_167 : i32 to vector<16xi32>
      %shift_right_arithmetic3A_169 = arith.shrsi %bitcast_convert_type3A, %shift_right_arithmetic3A_168 : vector<16xi32>
      %and3A = arith.constant 1 : i32
      %and3A_170 = vector.broadcast %and3A : i32 to vector<16xi32>
      %and3A_171 = arith.andi %shift_right_arithmetic3A_169, %and3A_170 : vector<16xi32>
      %add3A_172 = arith.addi %add3A_166, %and3A_171 : vector<16xi32>
      %and3A_173 = arith.constant -65536 : i32
      %and3A_174 = vector.broadcast %and3A_173 : i32 to vector<16xi32>
      %and3A_175 = arith.andi %add3A_172, %and3A_174 : vector<16xi32>
      %bitcast_convert_type3A_176 = tpu.bitcast %and3A_175 : vector<16xi32> -> vector<16xf32>
      %add3A_177 = arith.constant 1 : i32
      %add3A_178 = vector.broadcast %add3A_177 : i32 to vector<16xi32>
      %add3A_179 = arith.addi %mul3A_163, %add3A_178 : vector<16xi32>
      %gather3A_180 = tpu.vector_load_idx %arg8[%add3A_179] : memref<1536xf32, #tpu.memory_space<vmem>>[vector<16xi32>], vector<16xf32>,
      %sub3A_181 = arith.subf %gather3A_180, %get3A_26 : vector<16xf32>
      %bitcast_convert_type3A_182 = tpu.bitcast %sub3A_181 : vector<16xf32> -> vector<16xi32>
      %add3A_183 = arith.constant 32767 : i32
      %add3A_184 = vector.broadcast %add3A_183 : i32 to vector<16xi32>
      %add3A_185 = arith.addi %bitcast_convert_type3A_182, %add3A_184 : vector<16xi32>
      %shift_right_arithmetic3A_186 = arith.constant 16 : i32
      %shift_right_arithmetic3A_187 = vector.broadcast %shift_right_arithmetic3A_186 : i32 to vector<16xi32>
      %shift_right_arithmetic3A_188 = arith.shrsi %bitcast_convert_type3A_182, %shift_right_arithmetic3A_187 : vector<16xi32>
      %and3A_189 = arith.constant 1 : i32
      %and3A_190 = vector.broadcast %and3A_189 : i32 to vector<16xi32>
      %and3A_191 = arith.andi %shift_right_arithmetic3A_188, %and3A_190 : vector<16xi32>
      %add3A_192 = arith.addi %add3A_185, %and3A_191 : vector<16xi32>
      %and3A_193 = arith.constant -65536 : i32
      %and3A_194 = vector.broadcast %and3A_193 : i32 to vector<16xi32>
      %and3A_195 = arith.andi %add3A_192, %and3A_194 : vector<16xi32>
      %bitcast_convert_type3A_196 = tpu.bitcast %and3A_195 : vector<16xi32> -> vector<16xf32>
      %add3A_197 = arith.constant 2 : i32
      %add3A_198 = vector.broadcast %add3A_197 : i32 to vector<16xi32>
      %add3A_199 = arith.addi %mul3A_163, %add3A_198 : vector<16xi32>
      %gather3A_200 = tpu.vector_load_idx %arg8[%add3A_199] : memref<1536xf32, #tpu.memory_space<vmem>>[vector<16xi32>], vector<16xf32>,
      %sub3A_201 = arith.subf %gather3A_200, %get3A_28 : vector<16xf32>
      %bitcast_convert_type3A_202 = tpu.bitcast %sub3A_201 : vector<16xf32> -> vector<16xi32>
      %add3A_203 = arith.constant 32767 : i32
      %add3A_204 = vector.broadcast %add3A_203 : i32 to vector<16xi32>
      %add3A_205 = arith.addi %bitcast_convert_type3A_202, %add3A_204 : vector<16xi32>
      %shift_right_arithmetic3A_206 = arith.constant 16 : i32
      %shift_right_arithmetic3A_207 = vector.broadcast %shift_right_arithmetic3A_206 : i32 to vector<16xi32>
      %shift_right_arithmetic3A_208 = arith.shrsi %bitcast_convert_type3A_202, %shift_right_arithmetic3A_207 : vector<16xi32>
      %and3A_209 = arith.constant 1 : i32
      %and3A_210 = vector.broadcast %and3A_209 : i32 to vector<16xi32>
      %and3A_211 = arith.andi %shift_right_arithmetic3A_208, %and3A_210 : vector<16xi32>
      %add3A_212 = arith.addi %add3A_205, %and3A_211 : vector<16xi32>
      %and3A_213 = arith.constant -65536 : i32
      %and3A_214 = vector.broadcast %and3A_213 : i32 to vector<16xi32>
      %and3A_215 = arith.andi %add3A_212, %and3A_214 : vector<16xi32>
      %bitcast_convert_type3A_216 = tpu.bitcast %and3A_215 : vector<16xi32> -> vector<16xf32>
      %mul3A_217 = arith.mulf %bitcast_convert_type3A_176, %get3A_6 : vector<16xf32>
      %mul3A_218 = arith.mulf %bitcast_convert_type3A_196, %get3A_8 : vector<16xf32>
      %add3A_219 = arith.addf %mul3A_217, %mul3A_218 : vector<16xf32>
      %mul3A_220 = arith.mulf %bitcast_convert_type3A_216, %get3A_10 : vector<16xf32>
      %add3A_221 = arith.addf %add3A_219, %mul3A_220 : vector<16xf32>
      %mul3A_222 = arith.mulf %bitcast_convert_type3A_176, %get3A_12 : vector<16xf32>
      %mul3A_223 = arith.mulf %bitcast_convert_type3A_196, %get3A_14 : vector<16xf32>
      %add3A_224 = arith.addf %mul3A_222, %mul3A_223 : vector<16xf32>
      %mul3A_225 = arith.mulf %bitcast_convert_type3A_216, %get3A_16 : vector<16xf32>
      %add3A_226 = arith.addf %add3A_224, %mul3A_225 : vector<16xf32>
      %mul3A_227 = arith.mulf %bitcast_convert_type3A_176, %get3A_18 : vector<16xf32>
      %mul3A_228 = arith.mulf %bitcast_convert_type3A_196, %get3A_20 : vector<16xf32>
      %add3A_229 = arith.addf %mul3A_227, %mul3A_228 : vector<16xf32>
      %mul3A_230 = arith.mulf %bitcast_convert_type3A_216, %get3A_22 : vector<16xf32>
      %add3A_231 = arith.addf %add3A_229, %mul3A_230 : vector<16xf32>
      %eq3A = arith.constant 0.000000e+00 : f32
      %eq3A_232 = vector.broadcast %eq3A : f32 to vector<16xf32>
      %eq3A_233 = arith.cmpf oeq, %add3A_231, %eq3A_232 : vector<16xf32>
      %jit3A = arith.constant 1.000000e-10 : f32
      %broadcast_in_dim3A = vector.broadcast %jit3A : f32 to vector<16xf32>
      %select_n3A = arith.select %eq3A_233, %broadcast_in_dim3A, %add3A_231 : vector<16xi1>, vector<16xf32>
      %mul3A_234 = arith.constant 5.120000e+02 : f32
      %mul3A_235 = vector.broadcast %mul3A_234 : f32 to vector<16xf32>
      %mul3A_236 = arith.mulf %add3A_221, %mul3A_235 : vector<16xf32>
      %div3A = arith.divf %mul3A_236, %select_n3A : vector<16xf32>
      %add3A_237 = arith.constant 2.560000e+02 : f32
      %add3A_238 = vector.broadcast %add3A_237 : f32 to vector<16xf32>
      %add3A_239 = arith.addf %div3A, %add3A_238 : vector<16xf32>
      %mul3A_240 = arith.constant 5.120000e+02 : f32
      %mul3A_241 = vector.broadcast %mul3A_240 : f32 to vector<16xf32>
      %mul3A_242 = arith.mulf %add3A_226, %mul3A_241 : vector<16xf32>
      %div3A_243 = arith.divf %mul3A_242, %select_n3A : vector<16xf32>
      %add3A_244 = arith.constant 2.560000e+02 : f32
      %add3A_245 = vector.broadcast %add3A_244 : f32 to vector<16xf32>
      %add3A_246 = arith.addf %div3A_243, %add3A_245 : vector<16xf32>
      %sub3A_247 = arith.constant 5.000000e-01 : f32
      %sub3A_248 = vector.broadcast %sub3A_247 : f32 to vector<16xf32>
      %sub3A_249 = arith.subf %add3A_239, %sub3A_248 : vector<16xf32>
      %sub3A_250 = arith.constant 5.000000e-01 : f32
      %sub3A_251 = vector.broadcast %sub3A_250 : f32 to vector<16xf32>
      %sub3A_252 = arith.subf %add3A_246, %sub3A_251 : vector<16xf32>
      %convert_element_type3A = arith.fptosi %sub3A_249 : vector<16xf32> to vector<16xi32>
      %convert_element_type3A_253 = arith.sitofp %convert_element_type3A : vector<16xi32> to vector<16xf32>
      %lt3A = arith.cmpf olt, %sub3A_249, %convert_element_type3A_253 : vector<16xf32>
      %jit3A_254 = arith.constant 1 : i32
      %jit3A_255 = arith.constant 0 : i32
      %broadcast_in_dim3A_256 = vector.broadcast %jit3A_254 : i32 to vector<16xi32>
      %broadcast_in_dim3A_257 = vector.broadcast %jit3A_255 : i32 to vector<16xi32>
      %select_n3A_258 = arith.select %lt3A, %broadcast_in_dim3A_256, %broadcast_in_dim3A_257 : vector<16xi1>, vector<16xi32>
      %sub3A_259 = arith.subi %convert_element_type3A, %select_n3A_258 : vector<16xi32>
      %convert_element_type3A_260 = arith.fptosi %sub3A_252 : vector<16xf32> to vector<16xi32>
      %convert_element_type3A_261 = arith.sitofp %convert_element_type3A_260 : vector<16xi32> to vector<16xf32>
      %lt3A_262 = arith.cmpf olt, %sub3A_252, %convert_element_type3A_261 : vector<16xf32>
      %jit3A_263 = arith.constant 1 : i32
      %jit3A_264 = arith.constant 0 : i32
      %broadcast_in_dim3A_265 = vector.broadcast %jit3A_263 : i32 to vector<16xi32>
      %broadcast_in_dim3A_266 = vector.broadcast %jit3A_264 : i32 to vector<16xi32>
      %select_n3A_267 = arith.select %lt3A_262, %broadcast_in_dim3A_265, %broadcast_in_dim3A_266 : vector<16xi1>, vector<16xi32>
      %sub3A_268 = arith.subi %convert_element_type3A_260, %select_n3A_267 : vector<16xi32>
      %convert_element_type3A_269 = arith.sitofp %sub3A_259 : vector<16xi32> to vector<16xf32>
      %sub3A_270 = arith.subf %sub3A_249, %convert_element_type3A_269 : vector<16xf32>
      %convert_element_type3A_271 = arith.sitofp %sub3A_268 : vector<16xi32> to vector<16xf32>
      %sub3A_272 = arith.subf %sub3A_252, %convert_element_type3A_271 : vector<16xf32>
      %max3A = arith.constant 0 : i32
      %max3A_273 = vector.broadcast %max3A : i32 to vector<16xi32>
      %max3A_274 = arith.maxsi %sub3A_259, %max3A_273 : vector<16xi32>
      %min3A = arith.constant 511 : i32
      %min3A_275 = vector.broadcast %min3A : i32 to vector<16xi32>
      %min3A_276 = arith.minsi %max3A_274, %min3A_275 : vector<16xi32>
      %add3A_277 = arith.constant 1 : i32
      %add3A_278 = vector.broadcast %add3A_277 : i32 to vector<16xi32>
      %add3A_279 = arith.addi %sub3A_259, %add3A_278 : vector<16xi32>
      %max3A_280 = arith.constant 0 : i32
      %max3A_281 = vector.broadcast %max3A_280 : i32 to vector<16xi32>
      %max3A_282 = arith.maxsi %add3A_279, %max3A_281 : vector<16xi32>
      %min3A_283 = arith.constant 511 : i32
      %min3A_284 = vector.broadcast %min3A_283 : i32 to vector<16xi32>
      %min3A_285 = arith.minsi %max3A_282, %min3A_284 : vector<16xi32>
      %max3A_286 = arith.constant 0 : i32
      %max3A_287 = vector.broadcast %max3A_286 : i32 to vector<16xi32>
      %max3A_288 = arith.maxsi %sub3A_268, %max3A_287 : vector<16xi32>
      %min3A_289 = arith.constant 511 : i32
      %min3A_290 = vector.broadcast %min3A_289 : i32 to vector<16xi32>
      %min3A_291 = arith.minsi %max3A_288, %min3A_290 : vector<16xi32>
      %add3A_292 = arith.constant 1 : i32
      %add3A_293 = vector.broadcast %add3A_292 : i32 to vector<16xi32>
      %add3A_294 = arith.addi %sub3A_268, %add3A_293 : vector<16xi32>
      %max3A_295 = arith.constant 0 : i32
      %max3A_296 = vector.broadcast %max3A_295 : i32 to vector<16xi32>
      %max3A_297 = arith.maxsi %add3A_294, %max3A_296 : vector<16xi32>
      %min3A_298 = arith.constant 511 : i32
      %min3A_299 = vector.broadcast %min3A_298 : i32 to vector<16xi32>
      %min3A_300 = arith.minsi %max3A_297, %min3A_299 : vector<16xi32>
      %gt3A = arith.constant 5.000000e-01 : f32
      %gt3A_301 = vector.broadcast %gt3A : f32 to vector<16xf32>
      %gt3A_302 = arith.cmpf ogt, %sub3A_270, %gt3A_301 : vector<16xf32>
      %eq3A_303 = arith.constant 5.000000e-01 : f32
      %eq3A_304 = vector.broadcast %eq3A_303 : f32 to vector<16xf32>
      %eq3A_305 = arith.cmpf oeq, %sub3A_270, %eq3A_304 : vector<16xf32>
      %and3A_306 = arith.constant 1 : i32
      %and3A_307 = vector.broadcast %and3A_306 : i32 to vector<16xi32>
      %and3A_308 = arith.andi %sub3A_259, %and3A_307 : vector<16xi32>
      %eq3A_309 = arith.constant 1 : i32
      %eq3A_310 = vector.broadcast %eq3A_309 : i32 to vector<16xi32>
      %eq3A_311 = arith.cmpi eq, %and3A_308, %eq3A_310 : vector<16xi32>
      %and3A_312 = arith.andi %eq3A_305, %eq3A_311 : vector<16xi1>
      %or3A = arith.ori %gt3A_302, %and3A_312 : vector<16xi1>
      %gt3A_313 = arith.constant 5.000000e-01 : f32
      %gt3A_314 = vector.broadcast %gt3A_313 : f32 to vector<16xf32>
      %gt3A_315 = arith.cmpf ogt, %sub3A_272, %gt3A_314 : vector<16xf32>
      %eq3A_316 = arith.constant 5.000000e-01 : f32
      %eq3A_317 = vector.broadcast %eq3A_316 : f32 to vector<16xf32>
      %eq3A_318 = arith.cmpf oeq, %sub3A_272, %eq3A_317 : vector<16xf32>
      %and3A_319 = arith.constant 1 : i32
      %and3A_320 = vector.broadcast %and3A_319 : i32 to vector<16xi32>
      %and3A_321 = arith.andi %sub3A_268, %and3A_320 : vector<16xi32>
      %eq3A_322 = arith.constant 1 : i32
      %eq3A_323 = vector.broadcast %eq3A_322 : i32 to vector<16xi32>
      %eq3A_324 = arith.cmpi eq, %and3A_321, %eq3A_323 : vector<16xi32>
      %and3A_325 = arith.andi %eq3A_318, %eq3A_324 : vector<16xi1>
      %or3A_326 = arith.ori %gt3A_315, %and3A_325 : vector<16xi1>
      %convert_element_type3A_327 = arith.extui %or3A : vector<16xi1> to vector<16xi32>
      %add3A_328 = arith.addi %sub3A_259, %convert_element_type3A_327 : vector<16xi32>
      %max3A_329 = arith.constant 0 : i32
      %max3A_330 = vector.broadcast %max3A_329 : i32 to vector<16xi32>
      %max3A_331 = arith.maxsi %add3A_328, %max3A_330 : vector<16xi32>
      %min3A_332 = arith.constant 511 : i32
      %min3A_333 = vector.broadcast %min3A_332 : i32 to vector<16xi32>
      %min3A_334 = arith.minsi %max3A_331, %min3A_333 : vector<16xi32>
      %convert_element_type3A_335 = arith.extui %or3A_326 : vector<16xi1> to vector<16xi32>
      %add3A_336 = arith.addi %sub3A_268, %convert_element_type3A_335 : vector<16xi32>
      %max3A_337 = arith.constant 0 : i32
      %max3A_338 = vector.broadcast %max3A_337 : i32 to vector<16xi32>
      %max3A_339 = arith.maxsi %add3A_336, %max3A_338 : vector<16xi32>
      %min3A_340 = arith.constant 511 : i32
      %min3A_341 = vector.broadcast %min3A_340 : i32 to vector<16xi32>
      %min3A_342 = arith.minsi %max3A_339, %min3A_341 : vector<16xi32>
      %mul3A_343 = arith.constant 512 : i32
      %mul3A_344 = vector.broadcast %mul3A_343 : i32 to vector<16xi32>
      %mul3A_345 = arith.muli %min3A_291, %mul3A_344 : vector<16xi32>
      %mul3A_346 = arith.constant 512 : i32
      %mul3A_347 = vector.broadcast %mul3A_346 : i32 to vector<16xi32>
      %mul3A_348 = arith.muli %min3A_300, %mul3A_347 : vector<16xi32>
      %add3A_349 = arith.addi %mul3A_345, %min3A_276 : vector<16xi32>
      %swap3A = arith.index_cast %mul3A_158 : i32 to index
      %swap3A_350 = tpu.vector_load %arg9[%swap3A] {strides = array<i32>} : memref<512xi32, #tpu.memory_space<vmem>>, vector<16xi32>,
      tpu.vector_store %arg9[%swap3A], %add3A_349 {strides = array<i32>} : memref<512xi32, #tpu.memory_space<vmem>>, vector<16xi32>,
      %add3A_351 = arith.addi %mul3A_345, %min3A_285 : vector<16xi32>
      %swap3A_352 = arith.index_cast %mul3A_158 : i32 to index
      %swap3A_353 = tpu.vector_load %arg10[%swap3A_352] {strides = array<i32>} : memref<512xi32, #tpu.memory_space<vmem>>, vector<16xi32>,
      tpu.vector_store %arg10[%swap3A_352], %add3A_351 {strides = array<i32>} : memref<512xi32, #tpu.memory_space<vmem>>, vector<16xi32>,
      %add3A_354 = arith.addi %mul3A_348, %min3A_276 : vector<16xi32>
      %swap3A_355 = arith.index_cast %mul3A_158 : i32 to index
      %swap3A_356 = tpu.vector_load %arg11[%swap3A_355] {strides = array<i32>} : memref<512xi32, #tpu.memory_space<vmem>>, vector<16xi32>,
      tpu.vector_store %arg11[%swap3A_355], %add3A_354 {strides = array<i32>} : memref<512xi32, #tpu.memory_space<vmem>>, vector<16xi32>,
      %add3A_357 = arith.addi %mul3A_348, %min3A_285 : vector<16xi32>
      %swap3A_358 = arith.index_cast %mul3A_158 : i32 to index
      %swap3A_359 = tpu.vector_load %arg12[%swap3A_358] {strides = array<i32>} : memref<512xi32, #tpu.memory_space<vmem>>, vector<16xi32>,
      tpu.vector_store %arg12[%swap3A_358], %add3A_357 {strides = array<i32>} : memref<512xi32, #tpu.memory_space<vmem>>, vector<16xi32>,
      %mul3A_360 = arith.constant 512 : i32
      %mul3A_361 = vector.broadcast %mul3A_360 : i32 to vector<16xi32>
      %mul3A_362 = arith.muli %min3A_342, %mul3A_361 : vector<16xi32>
      %add3A_363 = arith.addi %mul3A_362, %min3A_334 : vector<16xi32>
      %swap3A_364 = arith.index_cast %mul3A_158 : i32 to index
      %swap3A_365 = tpu.vector_load %arg13[%swap3A_364] {strides = array<i32>} : memref<512xi32, #tpu.memory_space<vmem>>, vector<16xi32>,
      tpu.vector_store %arg13[%swap3A_364], %add3A_363 {strides = array<i32>} : memref<512xi32, #tpu.memory_space<vmem>>, vector<16xi32>,
      %swap3A_366 = arith.index_cast %mul3A_158 : i32 to index
      %swap3A_367 = tpu.vector_load %arg27[%swap3A_366] {strides = array<i32>} : memref<512xf32, #tpu.memory_space<vmem>>, vector<16xf32>,
      tpu.vector_store %arg27[%swap3A_366], %sub3A_249 {strides = array<i32>} : memref<512xf32, #tpu.memory_space<vmem>>, vector<16xf32>,
      %swap3A_368 = arith.index_cast %mul3A_158 : i32 to index
      %swap3A_369 = tpu.vector_load %arg28[%swap3A_368] {strides = array<i32>} : memref<512xf32, #tpu.memory_space<vmem>>, vector<16xf32>,
      tpu.vector_store %arg28[%swap3A_368], %sub3A_252 {strides = array<i32>} : memref<512xf32, #tpu.memory_space<vmem>>, vector<16xf32>,
      %swap3A_370 = arith.index_cast %mul3A_158 : i32 to index
      %swap3A_371 = tpu.vector_load %arg29[%swap3A_370] {strides = array<i32>} : memref<512xf32, #tpu.memory_space<vmem>>, vector<16xf32>,
      tpu.vector_store %arg29[%swap3A_370], %add3A_231 {strides = array<i32>} : memref<512xf32, #tpu.memory_space<vmem>>, vector<16xf32>,
      %scan3A_372 = arith.constant 1 : i32
      %scan3A_373 = arith.addi %scan3A_156, %scan3A_372 : i32
      %mul3A_374 = arith.constant 16 : i32
      %mul3A_375 = arith.muli %scan3A_373, %mul3A_374 : i32
      %add3A_376 = vector.broadcast %mul3A_375 : i32 to vector<16xi32>
      %add3A_377 = arith.addi %add3A_376, %iota3A : vector<16xi32>
      %mul3A_378 = arith.constant 3 : i32
      %mul3A_379 = vector.broadcast %mul3A_378 : i32 to vector<16xi32>
      %mul3A_380 = arith.muli %add3A_377, %mul3A_379 : vector<16xi32>
      %gather3A_381 = tpu.vector_load_idx %arg8[%mul3A_380] : memref<1536xf32, #tpu.memory_space<vmem>>[vector<16xi32>], vector<16xf32>,
      %sub3A_382 = arith.subf %gather3A_381, %get3A_24 : vector<16xf32>
      %bitcast_convert_type3A_383 = tpu.bitcast %sub3A_382 : vector<16xf32> -> vector<16xi32>
      %add3A_384 = arith.constant 32767 : i32
      %add3A_385 = vector.broadcast %add3A_384 : i32 to vector<16xi32>
      %add3A_386 = arith.addi %bitcast_convert_type3A_383, %add3A_385 : vector<16xi32>
      %shift_right_arithmetic3A_387 = arith.constant 16 : i32
      %shift_right_arithmetic3A_388 = vector.broadcast %shift_right_arithmetic3A_387 : i32 to vector<16xi32>
      %shift_right_arithmetic3A_389 = arith.shrsi %bitcast_convert_type3A_383, %shift_right_arithmetic3A_388 : vector<16xi32>
      %and3A_390 = arith.constant 1 : i32
      %and3A_391 = vector.broadcast %and3A_390 : i32 to vector<16xi32>
      %and3A_392 = arith.andi %shift_right_arithmetic3A_389, %and3A_391 : vector<16xi32>
      %add3A_393 = arith.addi %add3A_386, %and3A_392 : vector<16xi32>
      %and3A_394 = arith.constant -65536 : i32
      %and3A_395 = vector.broadcast %and3A_394 : i32 to vector<16xi32>
      %and3A_396 = arith.andi %add3A_393, %and3A_395 : vector<16xi32>
      %bitcast_convert_type3A_397 = tpu.bitcast %and3A_396 : vector<16xi32> -> vector<16xf32>
      %add3A_398 = arith.constant 1 : i32
      %add3A_399 = vector.broadcast %add3A_398 : i32 to vector<16xi32>
      %add3A_400 = arith.addi %mul3A_380, %add3A_399 : vector<16xi32>
      %gather3A_401 = tpu.vector_load_idx %arg8[%add3A_400] : memref<1536xf32, #tpu.memory_space<vmem>>[vector<16xi32>], vector<16xf32>,
      %sub3A_402 = arith.subf %gather3A_401, %get3A_26 : vector<16xf32>
      %bitcast_convert_type3A_403 = tpu.bitcast %sub3A_402 : vector<16xf32> -> vector<16xi32>
      %add3A_404 = arith.constant 32767 : i32
      %add3A_405 = vector.broadcast %add3A_404 : i32 to vector<16xi32>
      %add3A_406 = arith.addi %bitcast_convert_type3A_403, %add3A_405 : vector<16xi32>
      %shift_right_arithmetic3A_407 = arith.constant 16 : i32
      %shift_right_arithmetic3A_408 = vector.broadcast %shift_right_arithmetic3A_407 : i32 to vector<16xi32>
      %shift_right_arithmetic3A_409 = arith.shrsi %bitcast_convert_type3A_403, %shift_right_arithmetic3A_408 : vector<16xi32>
      %and3A_410 = arith.constant 1 : i32
      %and3A_411 = vector.broadcast %and3A_410 : i32 to vector<16xi32>
      %and3A_412 = arith.andi %shift_right_arithmetic3A_409, %and3A_411 : vector<16xi32>
      %add3A_413 = arith.addi %add3A_406, %and3A_412 : vector<16xi32>
      %and3A_414 = arith.constant -65536 : i32
      %and3A_415 = vector.broadcast %and3A_414 : i32 to vector<16xi32>
      %and3A_416 = arith.andi %add3A_413, %and3A_415 : vector<16xi32>
      %bitcast_convert_type3A_417 = tpu.bitcast %and3A_416 : vector<16xi32> -> vector<16xf32>
      %add3A_418 = arith.constant 2 : i32
      %add3A_419 = vector.broadcast %add3A_418 : i32 to vector<16xi32>
      %add3A_420 = arith.addi %mul3A_380, %add3A_419 : vector<16xi32>
      %gather3A_421 = tpu.vector_load_idx %arg8[%add3A_420] : memref<1536xf32, #tpu.memory_space<vmem>>[vector<16xi32>], vector<16xf32>,
      %sub3A_422 = arith.subf %gather3A_421, %get3A_28 : vector<16xf32>
      %bitcast_convert_type3A_423 = tpu.bitcast %sub3A_422 : vector<16xf32> -> vector<16xi32>
      %add3A_424 = arith.constant 32767 : i32
      %add3A_425 = vector.broadcast %add3A_424 : i32 to vector<16xi32>
      %add3A_426 = arith.addi %bitcast_convert_type3A_423, %add3A_425 : vector<16xi32>
      %shift_right_arithmetic3A_427 = arith.constant 16 : i32
      %shift_right_arithmetic3A_428 = vector.broadcast %shift_right_arithmetic3A_427 : i32 to vector<16xi32>
      %shift_right_arithmetic3A_429 = arith.shrsi %bitcast_convert_type3A_423, %shift_right_arithmetic3A_428 : vector<16xi32>
      %and3A_430 = arith.constant 1 : i32
      %and3A_431 = vector.broadcast %and3A_430 : i32 to vector<16xi32>
      %and3A_432 = arith.andi %shift_right_arithmetic3A_429, %and3A_431 : vector<16xi32>
      %add3A_433 = arith.addi %add3A_426, %and3A_432 : vector<16xi32>
      %and3A_434 = arith.constant -65536 : i32
      %and3A_435 = vector.broadcast %and3A_434 : i32 to vector<16xi32>
      %and3A_436 = arith.andi %add3A_433, %and3A_435 : vector<16xi32>
      %bitcast_convert_type3A_437 = tpu.bitcast %and3A_436 : vector<16xi32> -> vector<16xf32>
      %mul3A_438 = arith.mulf %bitcast_convert_type3A_397, %get3A_6 : vector<16xf32>
      %mul3A_439 = arith.mulf %bitcast_convert_type3A_417, %get3A_8 : vector<16xf32>
      %add3A_440 = arith.addf %mul3A_438, %mul3A_439 : vector<16xf32>
      %mul3A_441 = arith.mulf %bitcast_convert_type3A_437, %get3A_10 : vector<16xf32>
      %add3A_442 = arith.addf %add3A_440, %mul3A_441 : vector<16xf32>
      %mul3A_443 = arith.mulf %bitcast_convert_type3A_397, %get3A_12 : vector<16xf32>
      %mul3A_444 = arith.mulf %bitcast_convert_type3A_417, %get3A_14 : vector<16xf32>
      %add3A_445 = arith.addf %mul3A_443, %mul3A_444 : vector<16xf32>
      %mul3A_446 = arith.mulf %bitcast_convert_type3A_437, %get3A_16 : vector<16xf32>
      %add3A_447 = arith.addf %add3A_445, %mul3A_446 : vector<16xf32>
      %mul3A_448 = arith.mulf %bitcast_convert_type3A_397, %get3A_18 : vector<16xf32>
      %mul3A_449 = arith.mulf %bitcast_convert_type3A_417, %get3A_20 : vector<16xf32>
      %add3A_450 = arith.addf %mul3A_448, %mul3A_449 : vector<16xf32>
      %mul3A_451 = arith.mulf %bitcast_convert_type3A_437, %get3A_22 : vector<16xf32>
      %add3A_452 = arith.addf %add3A_450, %mul3A_451 : vector<16xf32>
      %eq3A_453 = arith.constant 0.000000e+00 : f32
      %eq3A_454 = vector.broadcast %eq3A_453 : f32 to vector<16xf32>
      %eq3A_455 = arith.cmpf oeq, %add3A_452, %eq3A_454 : vector<16xf32>
      %jit3A_456 = arith.constant 1.000000e-10 : f32
      %broadcast_in_dim3A_457 = vector.broadcast %jit3A_456 : f32 to vector<16xf32>
      %select_n3A_458 = arith.select %eq3A_455, %broadcast_in_dim3A_457, %add3A_452 : vector<16xi1>, vector<16xf32>
      %mul3A_459 = arith.constant 5.120000e+02 : f32
      %mul3A_460 = vector.broadcast %mul3A_459 : f32 to vector<16xf32>
      %mul3A_461 = arith.mulf %add3A_442, %mul3A_460 : vector<16xf32>
      %div3A_462 = arith.divf %mul3A_461, %select_n3A_458 : vector<16xf32>
      %add3A_463 = arith.constant 2.560000e+02 : f32
      %add3A_464 = vector.broadcast %add3A_463 : f32 to vector<16xf32>
      %add3A_465 = arith.addf %div3A_462, %add3A_464 : vector<16xf32>
      %mul3A_466 = arith.constant 5.120000e+02 : f32
      %mul3A_467 = vector.broadcast %mul3A_466 : f32 to vector<16xf32>
      %mul3A_468 = arith.mulf %add3A_447, %mul3A_467 : vector<16xf32>
      %div3A_469 = arith.divf %mul3A_468, %select_n3A_458 : vector<16xf32>
      %add3A_470 = arith.constant 2.560000e+02 : f32
      %add3A_471 = vector.broadcast %add3A_470 : f32 to vector<16xf32>
      %add3A_472 = arith.addf %div3A_469, %add3A_471 : vector<16xf32>
      %sub3A_473 = arith.constant 5.000000e-01 : f32
      %sub3A_474 = vector.broadcast %sub3A_473 : f32 to vector<16xf32>
      %sub3A_475 = arith.subf %add3A_465, %sub3A_474 : vector<16xf32>
      %sub3A_476 = arith.constant 5.000000e-01 : f32
      %sub3A_477 = vector.broadcast %sub3A_476 : f32 to vector<16xf32>
      %sub3A_478 = arith.subf %add3A_472, %sub3A_477 : vector<16xf32>
      %convert_element_type3A_479 = arith.fptosi %sub3A_475 : vector<16xf32> to vector<16xi32>
      %convert_element_type3A_480 = arith.sitofp %convert_element_type3A_479 : vector<16xi32> to vector<16xf32>
      %lt3A_481 = arith.cmpf olt, %sub3A_475, %convert_element_type3A_480 : vector<16xf32>
      %jit3A_482 = arith.constant 1 : i32
      %jit3A_483 = arith.constant 0 : i32
      %broadcast_in_dim3A_484 = vector.broadcast %jit3A_482 : i32 to vector<16xi32>
      %broadcast_in_dim3A_485 = vector.broadcast %jit3A_483 : i32 to vector<16xi32>
      %select_n3A_486 = arith.select %lt3A_481, %broadcast_in_dim3A_484, %broadcast_in_dim3A_485 : vector<16xi1>, vector<16xi32>
      %sub3A_487 = arith.subi %convert_element_type3A_479, %select_n3A_486 : vector<16xi32>
      %convert_element_type3A_488 = arith.fptosi %sub3A_478 : vector<16xf32> to vector<16xi32>
      %convert_element_type3A_489 = arith.sitofp %convert_element_type3A_488 : vector<16xi32> to vector<16xf32>
      %lt3A_490 = arith.cmpf olt, %sub3A_478, %convert_element_type3A_489 : vector<16xf32>
      %jit3A_491 = arith.constant 1 : i32
      %jit3A_492 = arith.constant 0 : i32
      %broadcast_in_dim3A_493 = vector.broadcast %jit3A_491 : i32 to vector<16xi32>
      %broadcast_in_dim3A_494 = vector.broadcast %jit3A_492 : i32 to vector<16xi32>
      %select_n3A_495 = arith.select %lt3A_490, %broadcast_in_dim3A_493, %broadcast_in_dim3A_494 : vector<16xi1>, vector<16xi32>
      %sub3A_496 = arith.subi %convert_element_type3A_488, %select_n3A_495 : vector<16xi32>
      %convert_element_type3A_497 = arith.sitofp %sub3A_487 : vector<16xi32> to vector<16xf32>
      %sub3A_498 = arith.subf %sub3A_475, %convert_element_type3A_497 : vector<16xf32>
      %convert_element_type3A_499 = arith.sitofp %sub3A_496 : vector<16xi32> to vector<16xf32>
      %sub3A_500 = arith.subf %sub3A_478, %convert_element_type3A_499 : vector<16xf32>
      %max3A_501 = arith.constant 0 : i32
      %max3A_502 = vector.broadcast %max3A_501 : i32 to vector<16xi32>
      %max3A_503 = arith.maxsi %sub3A_487, %max3A_502 : vector<16xi32>
      %min3A_504 = arith.constant 511 : i32
      %min3A_505 = vector.broadcast %min3A_504 : i32 to vector<16xi32>
      %min3A_506 = arith.minsi %max3A_503, %min3A_505 : vector<16xi32>
      %add3A_507 = arith.constant 1 : i32
      %add3A_508 = vector.broadcast %add3A_507 : i32 to vector<16xi32>
      %add3A_509 = arith.addi %sub3A_487, %add3A_508 : vector<16xi32>
      %max3A_510 = arith.constant 0 : i32
      %max3A_511 = vector.broadcast %max3A_510 : i32 to vector<16xi32>
      %max3A_512 = arith.maxsi %add3A_509, %max3A_511 : vector<16xi32>
      %min3A_513 = arith.constant 511 : i32
      %min3A_514 = vector.broadcast %min3A_513 : i32 to vector<16xi32>
      %min3A_515 = arith.minsi %max3A_512, %min3A_514 : vector<16xi32>
      %max3A_516 = arith.constant 0 : i32
      %max3A_517 = vector.broadcast %max3A_516 : i32 to vector<16xi32>
      %max3A_518 = arith.maxsi %sub3A_496, %max3A_517 : vector<16xi32>
      %min3A_519 = arith.constant 511 : i32
      %min3A_520 = vector.broadcast %min3A_519 : i32 to vector<16xi32>
      %min3A_521 = arith.minsi %max3A_518, %min3A_520 : vector<16xi32>
      %add3A_522 = arith.constant 1 : i32
      %add3A_523 = vector.broadcast %add3A_522 : i32 to vector<16xi32>
      %add3A_524 = arith.addi %sub3A_496, %add3A_523 : vector<16xi32>
      %max3A_525 = arith.constant 0 : i32
      %max3A_526 = vector.broadcast %max3A_525 : i32 to vector<16xi32>
      %max3A_527 = arith.maxsi %add3A_524, %max3A_526 : vector<16xi32>
      %min3A_528 = arith.constant 511 : i32
      %min3A_529 = vector.broadcast %min3A_528 : i32 to vector<16xi32>
      %min3A_530 = arith.minsi %max3A_527, %min3A_529 : vector<16xi32>
      %gt3A_531 = arith.constant 5.000000e-01 : f32
      %gt3A_532 = vector.broadcast %gt3A_531 : f32 to vector<16xf32>
      %gt3A_533 = arith.cmpf ogt, %sub3A_498, %gt3A_532 : vector<16xf32>
      %eq3A_534 = arith.constant 5.000000e-01 : f32
      %eq3A_535 = vector.broadcast %eq3A_534 : f32 to vector<16xf32>
      %eq3A_536 = arith.cmpf oeq, %sub3A_498, %eq3A_535 : vector<16xf32>
      %and3A_537 = arith.constant 1 : i32
      %and3A_538 = vector.broadcast %and3A_537 : i32 to vector<16xi32>
      %and3A_539 = arith.andi %sub3A_487, %and3A_538 : vector<16xi32>
      %eq3A_540 = arith.constant 1 : i32
      %eq3A_541 = vector.broadcast %eq3A_540 : i32 to vector<16xi32>
      %eq3A_542 = arith.cmpi eq, %and3A_539, %eq3A_541 : vector<16xi32>
      %and3A_543 = arith.andi %eq3A_536, %eq3A_542 : vector<16xi1>
      %or3A_544 = arith.ori %gt3A_533, %and3A_543 : vector<16xi1>
      %gt3A_545 = arith.constant 5.000000e-01 : f32
      %gt3A_546 = vector.broadcast %gt3A_545 : f32 to vector<16xf32>
      %gt3A_547 = arith.cmpf ogt, %sub3A_500, %gt3A_546 : vector<16xf32>
      %eq3A_548 = arith.constant 5.000000e-01 : f32
      %eq3A_549 = vector.broadcast %eq3A_548 : f32 to vector<16xf32>
      %eq3A_550 = arith.cmpf oeq, %sub3A_500, %eq3A_549 : vector<16xf32>
      %and3A_551 = arith.constant 1 : i32
      %and3A_552 = vector.broadcast %and3A_551 : i32 to vector<16xi32>
      %and3A_553 = arith.andi %sub3A_496, %and3A_552 : vector<16xi32>
      %eq3A_554 = arith.constant 1 : i32
      %eq3A_555 = vector.broadcast %eq3A_554 : i32 to vector<16xi32>
      %eq3A_556 = arith.cmpi eq, %and3A_553, %eq3A_555 : vector<16xi32>
      %and3A_557 = arith.andi %eq3A_550, %eq3A_556 : vector<16xi1>
      %or3A_558 = arith.ori %gt3A_547, %and3A_557 : vector<16xi1>
      %convert_element_type3A_559 = arith.extui %or3A_544 : vector<16xi1> to vector<16xi32>
      %add3A_560 = arith.addi %sub3A_487, %convert_element_type3A_559 : vector<16xi32>
      %max3A_561 = arith.constant 0 : i32
      %max3A_562 = vector.broadcast %max3A_561 : i32 to vector<16xi32>
      %max3A_563 = arith.maxsi %add3A_560, %max3A_562 : vector<16xi32>
      %min3A_564 = arith.constant 511 : i32
      %min3A_565 = vector.broadcast %min3A_564 : i32 to vector<16xi32>
      %min3A_566 = arith.minsi %max3A_563, %min3A_565 : vector<16xi32>
      %convert_element_type3A_567 = arith.extui %or3A_558 : vector<16xi1> to vector<16xi32>
      %add3A_568 = arith.addi %sub3A_496, %convert_element_type3A_567 : vector<16xi32>
      %max3A_569 = arith.constant 0 : i32
      %max3A_570 = vector.broadcast %max3A_569 : i32 to vector<16xi32>
      %max3A_571 = arith.maxsi %add3A_568, %max3A_570 : vector<16xi32>
      %min3A_572 = arith.constant 511 : i32
      %min3A_573 = vector.broadcast %min3A_572 : i32 to vector<16xi32>
      %min3A_574 = arith.minsi %max3A_571, %min3A_573 : vector<16xi32>
      %mul3A_575 = arith.constant 512 : i32
      %mul3A_576 = vector.broadcast %mul3A_575 : i32 to vector<16xi32>
      %mul3A_577 = arith.muli %min3A_521, %mul3A_576 : vector<16xi32>
      %mul3A_578 = arith.constant 512 : i32
      %mul3A_579 = vector.broadcast %mul3A_578 : i32 to vector<16xi32>
      %mul3A_580 = arith.muli %min3A_530, %mul3A_579 : vector<16xi32>
      %add3A_581 = arith.addi %mul3A_577, %min3A_506 : vector<16xi32>
      %swap3A_582 = arith.index_cast %mul3A_375 : i32 to index
      %swap3A_583 = tpu.vector_load %arg9[%swap3A_582] {strides = array<i32>} : memref<512xi32, #tpu.memory_space<vmem>>, vector<16xi32>,
      tpu.vector_store %arg9[%swap3A_582], %add3A_581 {strides = array<i32>} : memref<512xi32, #tpu.memory_space<vmem>>, vector<16xi32>,
      %add3A_584 = arith.addi %mul3A_577, %min3A_515 : vector<16xi32>
      %swap3A_585 = arith.index_cast %mul3A_375 : i32 to index
      %swap3A_586 = tpu.vector_load %arg10[%swap3A_585] {strides = array<i32>} : memref<512xi32, #tpu.memory_space<vmem>>, vector<16xi32>,
      tpu.vector_store %arg10[%swap3A_585], %add3A_584 {strides = array<i32>} : memref<512xi32, #tpu.memory_space<vmem>>, vector<16xi32>,
      %add3A_587 = arith.addi %mul3A_580, %min3A_506 : vector<16xi32>
      %swap3A_588 = arith.index_cast %mul3A_375 : i32 to index
      %swap3A_589 = tpu.vector_load %arg11[%swap3A_588] {strides = array<i32>} : memref<512xi32, #tpu.memory_space<vmem>>, vector<16xi32>,
      tpu.vector_store %arg11[%swap3A_588], %add3A_587 {strides = array<i32>} : memref<512xi32, #tpu.memory_space<vmem>>, vector<16xi32>,
      %add3A_590 = arith.addi %mul3A_580, %min3A_515 : vector<16xi32>
      %swap3A_591 = arith.index_cast %mul3A_375 : i32 to index
      %swap3A_592 = tpu.vector_load %arg12[%swap3A_591] {strides = array<i32>} : memref<512xi32, #tpu.memory_space<vmem>>, vector<16xi32>,
      tpu.vector_store %arg12[%swap3A_591], %add3A_590 {strides = array<i32>} : memref<512xi32, #tpu.memory_space<vmem>>, vector<16xi32>,
      %mul3A_593 = arith.constant 512 : i32
      %mul3A_594 = vector.broadcast %mul3A_593 : i32 to vector<16xi32>
      %mul3A_595 = arith.muli %min3A_574, %mul3A_594 : vector<16xi32>
      %add3A_596 = arith.addi %mul3A_595, %min3A_566 : vector<16xi32>
      %swap3A_597 = arith.index_cast %mul3A_375 : i32 to index
      %swap3A_598 = tpu.vector_load %arg13[%swap3A_597] {strides = array<i32>} : memref<512xi32, #tpu.memory_space<vmem>>, vector<16xi32>,
      tpu.vector_store %arg13[%swap3A_597], %add3A_596 {strides = array<i32>} : memref<512xi32, #tpu.memory_space<vmem>>, vector<16xi32>,
      %swap3A_599 = arith.index_cast %mul3A_375 : i32 to index
      %swap3A_600 = tpu.vector_load %arg27[%swap3A_599] {strides = array<i32>} : memref<512xf32, #tpu.memory_space<vmem>>, vector<16xf32>,
      tpu.vector_store %arg27[%swap3A_599], %sub3A_475 {strides = array<i32>} : memref<512xf32, #tpu.memory_space<vmem>>, vector<16xf32>,
      %swap3A_601 = arith.index_cast %mul3A_375 : i32 to index
      %swap3A_602 = tpu.vector_load %arg28[%swap3A_601] {strides = array<i32>} : memref<512xf32, #tpu.memory_space<vmem>>, vector<16xf32>,
      tpu.vector_store %arg28[%swap3A_601], %sub3A_478 {strides = array<i32>} : memref<512xf32, #tpu.memory_space<vmem>>, vector<16xf32>,
      %swap3A_603 = arith.index_cast %mul3A_375 : i32 to index
      %swap3A_604 = tpu.vector_load %arg29[%swap3A_603] {strides = array<i32>} : memref<512xf32, #tpu.memory_space<vmem>>, vector<16xf32>,
      tpu.vector_store %arg29[%swap3A_603], %add3A_452 {strides = array<i32>} : memref<512xf32, #tpu.memory_space<vmem>>, vector<16xf32>,
    }
    %scan3A_37 = arith.constant 32 : i32
    %mul3A_38 = arith.constant 3 : i32
    %mul3A_39 = arith.muli %shift_right_arithmetic3A_1, %mul3A_38 : i32
    %add3A_40 = arith.constant 0 : i32
    %add3A_41 = arith.addi %mul3A_39, %add3A_40 : i32
    %mul3A_42 = arith.constant 262144 : i32
    %mul3A_43 = arith.muli %add3A_41, %mul3A_42 : i32
    %dma_start3A = tpu.memref_slice %arg3[%mul3A_43] : memref<3145728xf32, #tpu.memory_space<hbm>> -> memref<262144xf32, #tpu.memory_space<hbm>>
    %dma_start3A_44 = arith.constant 0 : i32
    %dma_start3A_45 = tpu.memref_slice %dma_start3A[%dma_start3A_44] : memref<262144xf32, #tpu.memory_space<hbm>> -> memref<262144xf32, #tpu.memory_space<hbm>>
    tpu.enqueue_indirect_dma source(%dma_start3A_45 : memref<262144xf32, #tpu.memory_space<hbm>>) target(%arg14 : memref<512xf32, #tpu.memory_space<vmem>>) offsets(%arg9 : memref<512xi32, #tpu.memory_space<vmem>>) semaphore(%arg31 : memref<!tpu.dma_semaphore, #tpu.memory_space<semaphore_mem>>)
    %mul3A_46 = arith.constant 3 : i32
    %mul3A_47 = arith.muli %shift_right_arithmetic3A_1, %mul3A_46 : i32
    %add3A_48 = arith.constant 1 : i32
    %add3A_49 = arith.addi %mul3A_47, %add3A_48 : i32
    %mul3A_50 = arith.constant 262144 : i32
    %mul3A_51 = arith.muli %add3A_49, %mul3A_50 : i32
    %dma_start3A_52 = tpu.memref_slice %arg3[%mul3A_51] : memref<3145728xf32, #tpu.memory_space<hbm>> -> memref<262144xf32, #tpu.memory_space<hbm>>
    %dma_start3A_53 = arith.constant 0 : i32
    %dma_start3A_54 = tpu.memref_slice %dma_start3A_52[%dma_start3A_53] : memref<262144xf32, #tpu.memory_space<hbm>> -> memref<262144xf32, #tpu.memory_space<hbm>>
    tpu.enqueue_indirect_dma source(%dma_start3A_54 : memref<262144xf32, #tpu.memory_space<hbm>>) target(%arg15 : memref<512xf32, #tpu.memory_space<vmem>>) offsets(%arg9 : memref<512xi32, #tpu.memory_space<vmem>>) semaphore(%arg31 : memref<!tpu.dma_semaphore, #tpu.memory_space<semaphore_mem>>)
    %mul3A_55 = arith.constant 3 : i32
    %mul3A_56 = arith.muli %shift_right_arithmetic3A_1, %mul3A_55 : i32
    %add3A_57 = arith.constant 2 : i32
    %add3A_58 = arith.addi %mul3A_56, %add3A_57 : i32
    %mul3A_59 = arith.constant 262144 : i32
    %mul3A_60 = arith.muli %add3A_58, %mul3A_59 : i32
    %dma_start3A_61 = tpu.memref_slice %arg3[%mul3A_60] : memref<3145728xf32, #tpu.memory_space<hbm>> -> memref<262144xf32, #tpu.memory_space<hbm>>
    %dma_start3A_62 = arith.constant 0 : i32
    %dma_start3A_63 = tpu.memref_slice %dma_start3A_61[%dma_start3A_62] : memref<262144xf32, #tpu.memory_space<hbm>> -> memref<262144xf32, #tpu.memory_space<hbm>>
    tpu.enqueue_indirect_dma source(%dma_start3A_63 : memref<262144xf32, #tpu.memory_space<hbm>>) target(%arg16 : memref<512xf32, #tpu.memory_space<vmem>>) offsets(%arg9 : memref<512xi32, #tpu.memory_space<vmem>>) semaphore(%arg31 : memref<!tpu.dma_semaphore, #tpu.memory_space<semaphore_mem>>)
    %mul3A_64 = arith.constant 3 : i32
    %mul3A_65 = arith.muli %shift_right_arithmetic3A_1, %mul3A_64 : i32
    %add3A_66 = arith.constant 0 : i32
    %add3A_67 = arith.addi %mul3A_65, %add3A_66 : i32
    %mul3A_68 = arith.constant 262144 : i32
    %mul3A_69 = arith.muli %add3A_67, %mul3A_68 : i32
    %dma_start3A_70 = tpu.memref_slice %arg3[%mul3A_69] : memref<3145728xf32, #tpu.memory_space<hbm>> -> memref<262144xf32, #tpu.memory_space<hbm>>
    %dma_start3A_71 = arith.constant 0 : i32
    %dma_start3A_72 = tpu.memref_slice %dma_start3A_70[%dma_start3A_71] : memref<262144xf32, #tpu.memory_space<hbm>> -> memref<262144xf32, #tpu.memory_space<hbm>>
    tpu.enqueue_indirect_dma source(%dma_start3A_72 : memref<262144xf32, #tpu.memory_space<hbm>>) target(%arg17 : memref<512xf32, #tpu.memory_space<vmem>>) offsets(%arg10 : memref<512xi32, #tpu.memory_space<vmem>>) semaphore(%arg31 : memref<!tpu.dma_semaphore, #tpu.memory_space<semaphore_mem>>)
    %mul3A_73 = arith.constant 3 : i32
    %mul3A_74 = arith.muli %shift_right_arithmetic3A_1, %mul3A_73 : i32
    %add3A_75 = arith.constant 1 : i32
    %add3A_76 = arith.addi %mul3A_74, %add3A_75 : i32
    %mul3A_77 = arith.constant 262144 : i32
    %mul3A_78 = arith.muli %add3A_76, %mul3A_77 : i32
    %dma_start3A_79 = tpu.memref_slice %arg3[%mul3A_78] : memref<3145728xf32, #tpu.memory_space<hbm>> -> memref<262144xf32, #tpu.memory_space<hbm>>
    %dma_start3A_80 = arith.constant 0 : i32
    %dma_start3A_81 = tpu.memref_slice %dma_start3A_79[%dma_start3A_80] : memref<262144xf32, #tpu.memory_space<hbm>> -> memref<262144xf32, #tpu.memory_space<hbm>>
    tpu.enqueue_indirect_dma source(%dma_start3A_81 : memref<262144xf32, #tpu.memory_space<hbm>>) target(%arg18 : memref<512xf32, #tpu.memory_space<vmem>>) offsets(%arg10 : memref<512xi32, #tpu.memory_space<vmem>>) semaphore(%arg31 : memref<!tpu.dma_semaphore, #tpu.memory_space<semaphore_mem>>)
    %mul3A_82 = arith.constant 3 : i32
    %mul3A_83 = arith.muli %shift_right_arithmetic3A_1, %mul3A_82 : i32
    %add3A_84 = arith.constant 2 : i32
    %add3A_85 = arith.addi %mul3A_83, %add3A_84 : i32
    %mul3A_86 = arith.constant 262144 : i32
    %mul3A_87 = arith.muli %add3A_85, %mul3A_86 : i32
    %dma_start3A_88 = tpu.memref_slice %arg3[%mul3A_87] : memref<3145728xf32, #tpu.memory_space<hbm>> -> memref<262144xf32, #tpu.memory_space<hbm>>
    %dma_start3A_89 = arith.constant 0 : i32
    %dma_start3A_90 = tpu.memref_slice %dma_start3A_88[%dma_start3A_89] : memref<262144xf32, #tpu.memory_space<hbm>> -> memref<262144xf32, #tpu.memory_space<hbm>>
    tpu.enqueue_indirect_dma source(%dma_start3A_90 : memref<262144xf32, #tpu.memory_space<hbm>>) target(%arg19 : memref<512xf32, #tpu.memory_space<vmem>>) offsets(%arg10 : memref<512xi32, #tpu.memory_space<vmem>>) semaphore(%arg31 : memref<!tpu.dma_semaphore, #tpu.memory_space<semaphore_mem>>)
    %mul3A_91 = arith.constant 3 : i32
    %mul3A_92 = arith.muli %shift_right_arithmetic3A_1, %mul3A_91 : i32
    %add3A_93 = arith.constant 0 : i32
    %add3A_94 = arith.addi %mul3A_92, %add3A_93 : i32
    %mul3A_95 = arith.constant 262144 : i32
    %mul3A_96 = arith.muli %add3A_94, %mul3A_95 : i32
    %dma_start3A_97 = tpu.memref_slice %arg3[%mul3A_96] : memref<3145728xf32, #tpu.memory_space<hbm>> -> memref<262144xf32, #tpu.memory_space<hbm>>
    %dma_start3A_98 = arith.constant 0 : i32
    %dma_start3A_99 = tpu.memref_slice %dma_start3A_97[%dma_start3A_98] : memref<262144xf32, #tpu.memory_space<hbm>> -> memref<262144xf32, #tpu.memory_space<hbm>>
    tpu.enqueue_indirect_dma source(%dma_start3A_99 : memref<262144xf32, #tpu.memory_space<hbm>>) target(%arg20 : memref<512xf32, #tpu.memory_space<vmem>>) offsets(%arg11 : memref<512xi32, #tpu.memory_space<vmem>>) semaphore(%arg31 : memref<!tpu.dma_semaphore, #tpu.memory_space<semaphore_mem>>)
    %mul3A_100 = arith.constant 3 : i32
    %mul3A_101 = arith.muli %shift_right_arithmetic3A_1, %mul3A_100 : i32
    %add3A_102 = arith.constant 1 : i32
    %add3A_103 = arith.addi %mul3A_101, %add3A_102 : i32
    %mul3A_104 = arith.constant 262144 : i32
    %mul3A_105 = arith.muli %add3A_103, %mul3A_104 : i32
    %dma_start3A_106 = tpu.memref_slice %arg3[%mul3A_105] : memref<3145728xf32, #tpu.memory_space<hbm>> -> memref<262144xf32, #tpu.memory_space<hbm>>
    %dma_start3A_107 = arith.constant 0 : i32
    %dma_start3A_108 = tpu.memref_slice %dma_start3A_106[%dma_start3A_107] : memref<262144xf32, #tpu.memory_space<hbm>> -> memref<262144xf32, #tpu.memory_space<hbm>>
    tpu.enqueue_indirect_dma source(%dma_start3A_108 : memref<262144xf32, #tpu.memory_space<hbm>>) target(%arg21 : memref<512xf32, #tpu.memory_space<vmem>>) offsets(%arg11 : memref<512xi32, #tpu.memory_space<vmem>>) semaphore(%arg31 : memref<!tpu.dma_semaphore, #tpu.memory_space<semaphore_mem>>)
    %mul3A_109 = arith.constant 3 : i32
    %mul3A_110 = arith.muli %shift_right_arithmetic3A_1, %mul3A_109 : i32
    %add3A_111 = arith.constant 2 : i32
    %add3A_112 = arith.addi %mul3A_110, %add3A_111 : i32
    %mul3A_113 = arith.constant 262144 : i32
    %mul3A_114 = arith.muli %add3A_112, %mul3A_113 : i32
    %dma_start3A_115 = tpu.memref_slice %arg3[%mul3A_114] : memref<3145728xf32, #tpu.memory_space<hbm>> -> memref<262144xf32, #tpu.memory_space<hbm>>
    %dma_start3A_116 = arith.constant 0 : i32
    %dma_start3A_117 = tpu.memref_slice %dma_start3A_115[%dma_start3A_116] : memref<262144xf32, #tpu.memory_space<hbm>> -> memref<262144xf32, #tpu.memory_space<hbm>>
    tpu.enqueue_indirect_dma source(%dma_start3A_117 : memref<262144xf32, #tpu.memory_space<hbm>>) target(%arg22 : memref<512xf32, #tpu.memory_space<vmem>>) offsets(%arg11 : memref<512xi32, #tpu.memory_space<vmem>>) semaphore(%arg31 : memref<!tpu.dma_semaphore, #tpu.memory_space<semaphore_mem>>)
    %mul3A_118 = arith.constant 3 : i32
    %mul3A_119 = arith.muli %shift_right_arithmetic3A_1, %mul3A_118 : i32
    %add3A_120 = arith.constant 0 : i32
    %add3A_121 = arith.addi %mul3A_119, %add3A_120 : i32
    %mul3A_122 = arith.constant 262144 : i32
    %mul3A_123 = arith.muli %add3A_121, %mul3A_122 : i32
    %dma_start3A_124 = tpu.memref_slice %arg3[%mul3A_123] : memref<3145728xf32, #tpu.memory_space<hbm>> -> memref<262144xf32, #tpu.memory_space<hbm>>
    %dma_start3A_125 = arith.constant 0 : i32
    %dma_start3A_126 = tpu.memref_slice %dma_start3A_124[%dma_start3A_125] : memref<262144xf32, #tpu.memory_space<hbm>> -> memref<262144xf32, #tpu.memory_space<hbm>>
    tpu.enqueue_indirect_dma source(%dma_start3A_126 : memref<262144xf32, #tpu.memory_space<hbm>>) target(%arg23 : memref<512xf32, #tpu.memory_space<vmem>>) offsets(%arg12 : memref<512xi32, #tpu.memory_space<vmem>>) semaphore(%arg31 : memref<!tpu.dma_semaphore, #tpu.memory_space<semaphore_mem>>)
    %mul3A_127 = arith.constant 3 : i32
    %mul3A_128 = arith.muli %shift_right_arithmetic3A_1, %mul3A_127 : i32
    %add3A_129 = arith.constant 1 : i32
    %add3A_130 = arith.addi %mul3A_128, %add3A_129 : i32
    %mul3A_131 = arith.constant 262144 : i32
    %mul3A_132 = arith.muli %add3A_130, %mul3A_131 : i32
    %dma_start3A_133 = tpu.memref_slice %arg3[%mul3A_132] : memref<3145728xf32, #tpu.memory_space<hbm>> -> memref<262144xf32, #tpu.memory_space<hbm>>
    %dma_start3A_134 = arith.constant 0 : i32
    %dma_start3A_135 = tpu.memref_slice %dma_start3A_133[%dma_start3A_134] : memref<262144xf32, #tpu.memory_space<hbm>> -> memref<262144xf32, #tpu.memory_space<hbm>>
    tpu.enqueue_indirect_dma source(%dma_start3A_135 : memref<262144xf32, #tpu.memory_space<hbm>>) target(%arg24 : memref<512xf32, #tpu.memory_space<vmem>>) offsets(%arg12 : memref<512xi32, #tpu.memory_space<vmem>>) semaphore(%arg31 : memref<!tpu.dma_semaphore, #tpu.memory_space<semaphore_mem>>)
    %mul3A_136 = arith.constant 3 : i32
    %mul3A_137 = arith.muli %shift_right_arithmetic3A_1, %mul3A_136 : i32
    %add3A_138 = arith.constant 2 : i32
    %add3A_139 = arith.addi %mul3A_137, %add3A_138 : i32
    %mul3A_140 = arith.constant 262144 : i32
    %mul3A_141 = arith.muli %add3A_139, %mul3A_140 : i32
    %dma_start3A_142 = tpu.memref_slice %arg3[%mul3A_141] : memref<3145728xf32, #tpu.memory_space<hbm>> -> memref<262144xf32, #tpu.memory_space<hbm>>
    %dma_start3A_143 = arith.constant 0 : i32
    %dma_start3A_144 = tpu.memref_slice %dma_start3A_142[%dma_start3A_143] : memref<262144xf32, #tpu.memory_space<hbm>> -> memref<262144xf32, #tpu.memory_space<hbm>>
    tpu.enqueue_indirect_dma source(%dma_start3A_144 : memref<262144xf32, #tpu.memory_space<hbm>>) target(%arg25 : memref<512xf32, #tpu.memory_space<vmem>>) offsets(%arg12 : memref<512xi32, #tpu.memory_space<vmem>>) semaphore(%arg31 : memref<!tpu.dma_semaphore, #tpu.memory_space<semaphore_mem>>)
    %mul3A_145 = arith.constant 262144 : i32
    %mul3A_146 = arith.muli %shift_right_arithmetic3A_1, %mul3A_145 : i32
    %dma_start3A_147 = tpu.memref_slice %arg4[%mul3A_146] : memref<1048576xf32, #tpu.memory_space<hbm>> -> memref<262144xf32, #tpu.memory_space<hbm>>
    %dma_start3A_148 = arith.constant 0 : i32
    %dma_start3A_149 = tpu.memref_slice %dma_start3A_147[%dma_start3A_148] : memref<262144xf32, #tpu.memory_space<hbm>> -> memref<262144xf32, #tpu.memory_space<hbm>>
    tpu.enqueue_indirect_dma source(%dma_start3A_149 : memref<262144xf32, #tpu.memory_space<hbm>>) target(%arg26 : memref<512xf32, #tpu.memory_space<vmem>>) offsets(%arg13 : memref<512xi32, #tpu.memory_space<vmem>>) semaphore(%arg31 : memref<!tpu.dma_semaphore, #tpu.memory_space<semaphore_mem>>)
    %scan3A_150 = arith.constant 0 : i32
    %scan3A_151 = arith.constant 0 : i32
    %scan3A_152 = arith.constant 25 : i32
    %scan3A_153 = arith.addi %scan3A_151, %scan3A_152 : i32
    %scan3A_154 = arith.constant 1 : i32
    scf.for %scan3A_156 = %scan3A_151 to %scan3A_153 step %scan3A_154  : i32 {
      %mul3A_157 = arith.constant 2 : i32
      %mul3A_158 = arith.muli %mul3A_157, %scan3A_156 : i32
      %add3A_159 = arith.constant 1 : i32
      %add3A_160 = arith.addi %mul3A_158, %add3A_159 : i32
      %mul3A_161 = arith.constant 512 : i32
      %mul3A_162 = arith.muli %add3A_160, %mul3A_161 : i32
      %add3A_163 = arith.addi %mul3A_3, %mul3A_162 : i32
      %mul3A_164 = arith.constant 3 : i32
      %mul3A_165 = arith.muli %add3A_163, %mul3A_164 : i32
      "tpu.region"() ({
        %run_scoped3A = tpu.sem_alloc : memref<!tpu.dma_semaphore, #tpu.memory_space<semaphore_mem>>
        %dma_start3A_538 = tpu.memref_slice %arg2[%mul3A_165] : memref<2457600xf32, #tpu.memory_space<hbm>> -> memref<1536xf32, #tpu.memory_space<hbm>>
        %dma_start3A_539 = tpu.memref_slice %arg2[%mul3A_165] : memref<2457600xf32, #tpu.memory_space<hbm>> -> memref<1536xf32, #tpu.memory_space<hbm>>
        tpu.enqueue_dma source(%dma_start3A_539 : memref<1536xf32, #tpu.memory_space<hbm>>) target(%arg32 : memref<1536xf32, #tpu.memory_space<vmem>>) target_semaphore(%run_scoped3A : memref<!tpu.dma_semaphore, #tpu.memory_space<semaphore_mem>>)
        %dma_wait3A_540 = tpu.memref_slice %arg2[%mul3A_165] : memref<2457600xf32, #tpu.memory_space<hbm>> -> memref<1536xf32, #tpu.memory_space<hbm>>
        %dma_wait3A_541 = tpu.memref_slice %arg2[%mul3A_165] : memref<2457600xf32, #tpu.memory_space<hbm>> -> memref<1536xf32, #tpu.memory_space<hbm>>
        tpu.wait_dma2 semaphore(%run_scoped3A : memref<!tpu.dma_semaphore, #tpu.memory_space<semaphore_mem>>) src(%dma_wait3A_541 : memref<1536xf32, #tpu.memory_space<hbm>>) dst(%arg32 : memref<1536xf32, #tpu.memory_space<vmem>>)
        tpu.yield
      }) : () -> ()
      %scan3A_166 = arith.constant 0 : i32
      %scan3A_167 = arith.constant 0 : i32
      %scan3A_168 = arith.constant 32 : i32
      %scan3A_169 = arith.addi %scan3A_167, %scan3A_168 : i32
      %scan3A_170 = arith.constant 2 : i32
      scf.for %scan3A_538 = %scan3A_167 to %scan3A_169 step %scan3A_170  : i32 {
        %mul3A_539 = arith.constant 16 : i32
        %mul3A_540 = arith.muli %scan3A_538, %mul3A_539 : i32
        %add3A_541 = vector.broadcast %mul3A_540 : i32 to vector<16xi32>
        %add3A_542 = arith.addi %add3A_541, %iota3A : vector<16xi32>
        %mul3A_543 = arith.constant 3 : i32
        %mul3A_544 = vector.broadcast %mul3A_543 : i32 to vector<16xi32>
        %mul3A_545 = arith.muli %add3A_542, %mul3A_544 : vector<16xi32>
        %gather3A = tpu.vector_load_idx %arg32[%mul3A_545] : memref<1536xf32, #tpu.memory_space<vmem>>[vector<16xi32>], vector<16xf32>,
        %sub3A = arith.subf %gather3A, %get3A_24 : vector<16xf32>
        %bitcast_convert_type3A = tpu.bitcast %sub3A : vector<16xf32> -> vector<16xi32>
        %add3A_546 = arith.constant 32767 : i32
        %add3A_547 = vector.broadcast %add3A_546 : i32 to vector<16xi32>
        %add3A_548 = arith.addi %bitcast_convert_type3A, %add3A_547 : vector<16xi32>
        %shift_right_arithmetic3A_549 = arith.constant 16 : i32
        %shift_right_arithmetic3A_550 = vector.broadcast %shift_right_arithmetic3A_549 : i32 to vector<16xi32>
        %shift_right_arithmetic3A_551 = arith.shrsi %bitcast_convert_type3A, %shift_right_arithmetic3A_550 : vector<16xi32>
        %and3A = arith.constant 1 : i32
        %and3A_552 = vector.broadcast %and3A : i32 to vector<16xi32>
        %and3A_553 = arith.andi %shift_right_arithmetic3A_551, %and3A_552 : vector<16xi32>
        %add3A_554 = arith.addi %add3A_548, %and3A_553 : vector<16xi32>
        %and3A_555 = arith.constant -65536 : i32
        %and3A_556 = vector.broadcast %and3A_555 : i32 to vector<16xi32>
        %and3A_557 = arith.andi %add3A_554, %and3A_556 : vector<16xi32>
        %bitcast_convert_type3A_558 = tpu.bitcast %and3A_557 : vector<16xi32> -> vector<16xf32>
        %add3A_559 = arith.constant 1 : i32
        %add3A_560 = vector.broadcast %add3A_559 : i32 to vector<16xi32>
        %add3A_561 = arith.addi %mul3A_545, %add3A_560 : vector<16xi32>
        %gather3A_562 = tpu.vector_load_idx %arg32[%add3A_561] : memref<1536xf32, #tpu.memory_space<vmem>>[vector<16xi32>], vector<16xf32>,
        %sub3A_563 = arith.subf %gather3A_562, %get3A_26 : vector<16xf32>
        %bitcast_convert_type3A_564 = tpu.bitcast %sub3A_563 : vector<16xf32> -> vector<16xi32>
        %add3A_565 = arith.constant 32767 : i32
        %add3A_566 = vector.broadcast %add3A_565 : i32 to vector<16xi32>
        %add3A_567 = arith.addi %bitcast_convert_type3A_564, %add3A_566 : vector<16xi32>
        %shift_right_arithmetic3A_568 = arith.constant 16 : i32
        %shift_right_arithmetic3A_569 = vector.broadcast %shift_right_arithmetic3A_568 : i32 to vector<16xi32>
        %shift_right_arithmetic3A_570 = arith.shrsi %bitcast_convert_type3A_564, %shift_right_arithmetic3A_569 : vector<16xi32>
        %and3A_571 = arith.constant 1 : i32
        %and3A_572 = vector.broadcast %and3A_571 : i32 to vector<16xi32>
        %and3A_573 = arith.andi %shift_right_arithmetic3A_570, %and3A_572 : vector<16xi32>
        %add3A_574 = arith.addi %add3A_567, %and3A_573 : vector<16xi32>
        %and3A_575 = arith.constant -65536 : i32
        %and3A_576 = vector.broadcast %and3A_575 : i32 to vector<16xi32>
        %and3A_577 = arith.andi %add3A_574, %and3A_576 : vector<16xi32>
        %bitcast_convert_type3A_578 = tpu.bitcast %and3A_577 : vector<16xi32> -> vector<16xf32>
        %add3A_579 = arith.constant 2 : i32
        %add3A_580 = vector.broadcast %add3A_579 : i32 to vector<16xi32>
        %add3A_581 = arith.addi %mul3A_545, %add3A_580 : vector<16xi32>
        %gather3A_582 = tpu.vector_load_idx %arg32[%add3A_581] : memref<1536xf32, #tpu.memory_space<vmem>>[vector<16xi32>], vector<16xf32>,
        %sub3A_583 = arith.subf %gather3A_582, %get3A_28 : vector<16xf32>
        %bitcast_convert_type3A_584 = tpu.bitcast %sub3A_583 : vector<16xf32> -> vector<16xi32>
        %add3A_585 = arith.constant 32767 : i32
        %add3A_586 = vector.broadcast %add3A_585 : i32 to vector<16xi32>
        %add3A_587 = arith.addi %bitcast_convert_type3A_584, %add3A_586 : vector<16xi32>
        %shift_right_arithmetic3A_588 = arith.constant 16 : i32
        %shift_right_arithmetic3A_589 = vector.broadcast %shift_right_arithmetic3A_588 : i32 to vector<16xi32>
        %shift_right_arithmetic3A_590 = arith.shrsi %bitcast_convert_type3A_584, %shift_right_arithmetic3A_589 : vector<16xi32>
        %and3A_591 = arith.constant 1 : i32
        %and3A_592 = vector.broadcast %and3A_591 : i32 to vector<16xi32>
        %and3A_593 = arith.andi %shift_right_arithmetic3A_590, %and3A_592 : vector<16xi32>
        %add3A_594 = arith.addi %add3A_587, %and3A_593 : vector<16xi32>
        %and3A_595 = arith.constant -65536 : i32
        %and3A_596 = vector.broadcast %and3A_595 : i32 to vector<16xi32>
        %and3A_597 = arith.andi %add3A_594, %and3A_596 : vector<16xi32>
        %bitcast_convert_type3A_598 = tpu.bitcast %and3A_597 : vector<16xi32> -> vector<16xf32>
        %mul3A_599 = arith.mulf %bitcast_convert_type3A_558, %get3A_6 : vector<16xf32>
        %mul3A_600 = arith.mulf %bitcast_convert_type3A_578, %get3A_8 : vector<16xf32>
        %add3A_601 = arith.addf %mul3A_599, %mul3A_600 : vector<16xf32>
        %mul3A_602 = arith.mulf %bitcast_convert_type3A_598, %get3A_10 : vector<16xf32>
        %add3A_603 = arith.addf %add3A_601, %mul3A_602 : vector<16xf32>
        %mul3A_604 = arith.mulf %bitcast_convert_type3A_558, %get3A_12 : vector<16xf32>
        %mul3A_605 = arith.mulf %bitcast_convert_type3A_578, %get3A_14 : vector<16xf32>
        %add3A_606 = arith.addf %mul3A_604, %mul3A_605 : vector<16xf32>
        %mul3A_607 = arith.mulf %bitcast_convert_type3A_598, %get3A_16 : vector<16xf32>
        %add3A_608 = arith.addf %add3A_606, %mul3A_607 : vector<16xf32>
        %mul3A_609 = arith.mulf %bitcast_convert_type3A_558, %get3A_18 : vector<16xf32>
        %mul3A_610 = arith.mulf %bitcast_convert_type3A_578, %get3A_20 : vector<16xf32>
        %add3A_611 = arith.addf %mul3A_609, %mul3A_610 : vector<16xf32>
        %mul3A_612 = arith.mulf %bitcast_convert_type3A_598, %get3A_22 : vector<16xf32>
        %add3A_613 = arith.addf %add3A_611, %mul3A_612 : vector<16xf32>
        %eq3A = arith.constant 0.000000e+00 : f32
        %eq3A_614 = vector.broadcast %eq3A : f32 to vector<16xf32>
        %eq3A_615 = arith.cmpf oeq, %add3A_613, %eq3A_614 : vector<16xf32>
        %jit3A = arith.constant 1.000000e-10 : f32
        %broadcast_in_dim3A = vector.broadcast %jit3A : f32 to vector<16xf32>
        %select_n3A = arith.select %eq3A_615, %broadcast_in_dim3A, %add3A_613 : vector<16xi1>, vector<16xf32>
        %mul3A_616 = arith.constant 5.120000e+02 : f32
        %mul3A_617 = vector.broadcast %mul3A_616 : f32 to vector<16xf32>
        %mul3A_618 = arith.mulf %add3A_603, %mul3A_617 : vector<16xf32>
        %div3A = arith.divf %mul3A_618, %select_n3A : vector<16xf32>
        %add3A_619 = arith.constant 2.560000e+02 : f32
        %add3A_620 = vector.broadcast %add3A_619 : f32 to vector<16xf32>
        %add3A_621 = arith.addf %div3A, %add3A_620 : vector<16xf32>
        %mul3A_622 = arith.constant 5.120000e+02 : f32
        %mul3A_623 = vector.broadcast %mul3A_622 : f32 to vector<16xf32>
        %mul3A_624 = arith.mulf %add3A_608, %mul3A_623 : vector<16xf32>
        %div3A_625 = arith.divf %mul3A_624, %select_n3A : vector<16xf32>
        %add3A_626 = arith.constant 2.560000e+02 : f32
        %add3A_627 = vector.broadcast %add3A_626 : f32 to vector<16xf32>
        %add3A_628 = arith.addf %div3A_625, %add3A_627 : vector<16xf32>
        %sub3A_629 = arith.constant 5.000000e-01 : f32
        %sub3A_630 = vector.broadcast %sub3A_629 : f32 to vector<16xf32>
        %sub3A_631 = arith.subf %add3A_621, %sub3A_630 : vector<16xf32>
        %sub3A_632 = arith.constant 5.000000e-01 : f32
        %sub3A_633 = vector.broadcast %sub3A_632 : f32 to vector<16xf32>
        %sub3A_634 = arith.subf %add3A_628, %sub3A_633 : vector<16xf32>
        %convert_element_type3A_635 = arith.fptosi %sub3A_631 : vector<16xf32> to vector<16xi32>
        %convert_element_type3A_636 = arith.sitofp %convert_element_type3A_635 : vector<16xi32> to vector<16xf32>
        %lt3A_637 = arith.cmpf olt, %sub3A_631, %convert_element_type3A_636 : vector<16xf32>
        %jit3A_638 = arith.constant 1 : i32
        %jit3A_639 = arith.constant 0 : i32
        %broadcast_in_dim3A_640 = vector.broadcast %jit3A_638 : i32 to vector<16xi32>
        %broadcast_in_dim3A_641 = vector.broadcast %jit3A_639 : i32 to vector<16xi32>
        %select_n3A_642 = arith.select %lt3A_637, %broadcast_in_dim3A_640, %broadcast_in_dim3A_641 : vector<16xi1>, vector<16xi32>
        %sub3A_643 = arith.subi %convert_element_type3A_635, %select_n3A_642 : vector<16xi32>
        %convert_element_type3A_644 = arith.fptosi %sub3A_634 : vector<16xf32> to vector<16xi32>
        %convert_element_type3A_645 = arith.sitofp %convert_element_type3A_644 : vector<16xi32> to vector<16xf32>
        %lt3A_646 = arith.cmpf olt, %sub3A_634, %convert_element_type3A_645 : vector<16xf32>
        %jit3A_647 = arith.constant 1 : i32
        %jit3A_648 = arith.constant 0 : i32
        %broadcast_in_dim3A_649 = vector.broadcast %jit3A_647 : i32 to vector<16xi32>
        %broadcast_in_dim3A_650 = vector.broadcast %jit3A_648 : i32 to vector<16xi32>
        %select_n3A_651 = arith.select %lt3A_646, %broadcast_in_dim3A_649, %broadcast_in_dim3A_650 : vector<16xi1>, vector<16xi32>
        %sub3A_652 = arith.subi %convert_element_type3A_644, %select_n3A_651 : vector<16xi32>
        %convert_element_type3A_653 = arith.sitofp %sub3A_643 : vector<16xi32> to vector<16xf32>
        %sub3A_654 = arith.subf %sub3A_631, %convert_element_type3A_653 : vector<16xf32>
        %convert_element_type3A_655 = arith.sitofp %sub3A_652 : vector<16xi32> to vector<16xf32>
        %sub3A_656 = arith.subf %sub3A_634, %convert_element_type3A_655 : vector<16xf32>
        %max3A = arith.constant 0 : i32
        %max3A_657 = vector.broadcast %max3A : i32 to vector<16xi32>
        %max3A_658 = arith.maxsi %sub3A_643, %max3A_657 : vector<16xi32>
        %min3A = arith.constant 511 : i32
        %min3A_659 = vector.broadcast %min3A : i32 to vector<16xi32>
        %min3A_660 = arith.minsi %max3A_658, %min3A_659 : vector<16xi32>
        %add3A_661 = arith.constant 1 : i32
        %add3A_662 = vector.broadcast %add3A_661 : i32 to vector<16xi32>
        %add3A_663 = arith.addi %sub3A_643, %add3A_662 : vector<16xi32>
        %max3A_664 = arith.constant 0 : i32
        %max3A_665 = vector.broadcast %max3A_664 : i32 to vector<16xi32>
        %max3A_666 = arith.maxsi %add3A_663, %max3A_665 : vector<16xi32>
        %min3A_667 = arith.constant 511 : i32
        %min3A_668 = vector.broadcast %min3A_667 : i32 to vector<16xi32>
        %min3A_669 = arith.minsi %max3A_666, %min3A_668 : vector<16xi32>
        %max3A_670 = arith.constant 0 : i32
        %max3A_671 = vector.broadcast %max3A_670 : i32 to vector<16xi32>
        %max3A_672 = arith.maxsi %sub3A_652, %max3A_671 : vector<16xi32>
        %min3A_673 = arith.constant 511 : i32
        %min3A_674 = vector.broadcast %min3A_673 : i32 to vector<16xi32>
        %min3A_675 = arith.minsi %max3A_672, %min3A_674 : vector<16xi32>
        %add3A_676 = arith.constant 1 : i32
        %add3A_677 = vector.broadcast %add3A_676 : i32 to vector<16xi32>
        %add3A_678 = arith.addi %sub3A_652, %add3A_677 : vector<16xi32>
        %max3A_679 = arith.constant 0 : i32
        %max3A_680 = vector.broadcast %max3A_679 : i32 to vector<16xi32>
        %max3A_681 = arith.maxsi %add3A_678, %max3A_680 : vector<16xi32>
        %min3A_682 = arith.constant 511 : i32
        %min3A_683 = vector.broadcast %min3A_682 : i32 to vector<16xi32>
        %min3A_684 = arith.minsi %max3A_681, %min3A_683 : vector<16xi32>
        %gt3A = arith.constant 5.000000e-01 : f32
        %gt3A_685 = vector.broadcast %gt3A : f32 to vector<16xf32>
        %gt3A_686 = arith.cmpf ogt, %sub3A_654, %gt3A_685 : vector<16xf32>
        %eq3A_687 = arith.constant 5.000000e-01 : f32
        %eq3A_688 = vector.broadcast %eq3A_687 : f32 to vector<16xf32>
        %eq3A_689 = arith.cmpf oeq, %sub3A_654, %eq3A_688 : vector<16xf32>
        %and3A_690 = arith.constant 1 : i32
        %and3A_691 = vector.broadcast %and3A_690 : i32 to vector<16xi32>
        %and3A_692 = arith.andi %sub3A_643, %and3A_691 : vector<16xi32>
        %eq3A_693 = arith.constant 1 : i32
        %eq3A_694 = vector.broadcast %eq3A_693 : i32 to vector<16xi32>
        %eq3A_695 = arith.cmpi eq, %and3A_692, %eq3A_694 : vector<16xi32>
        %and3A_696 = arith.andi %eq3A_689, %eq3A_695 : vector<16xi1>
        %or3A = arith.ori %gt3A_686, %and3A_696 : vector<16xi1>
        %gt3A_697 = arith.constant 5.000000e-01 : f32
        %gt3A_698 = vector.broadcast %gt3A_697 : f32 to vector<16xf32>
        %gt3A_699 = arith.cmpf ogt, %sub3A_656, %gt3A_698 : vector<16xf32>
        %eq3A_700 = arith.constant 5.000000e-01 : f32
        %eq3A_701 = vector.broadcast %eq3A_700 : f32 to vector<16xf32>
        %eq3A_702 = arith.cmpf oeq, %sub3A_656, %eq3A_701 : vector<16xf32>
        %and3A_703 = arith.constant 1 : i32
        %and3A_704 = vector.broadcast %and3A_703 : i32 to vector<16xi32>
        %and3A_705 = arith.andi %sub3A_652, %and3A_704 : vector<16xi32>
        %eq3A_706 = arith.constant 1 : i32
        %eq3A_707 = vector.broadcast %eq3A_706 : i32 to vector<16xi32>
        %eq3A_708 = arith.cmpi eq, %and3A_705, %eq3A_707 : vector<16xi32>
        %and3A_709 = arith.andi %eq3A_702, %eq3A_708 : vector<16xi1>
        %or3A_710 = arith.ori %gt3A_699, %and3A_709 : vector<16xi1>
        %convert_element_type3A_711 = arith.extui %or3A : vector<16xi1> to vector<16xi32>
        %add3A_712 = arith.addi %sub3A_643, %convert_element_type3A_711 : vector<16xi32>
        %max3A_713 = arith.constant 0 : i32
        %max3A_714 = vector.broadcast %max3A_713 : i32 to vector<16xi32>
        %max3A_715 = arith.maxsi %add3A_712, %max3A_714 : vector<16xi32>
        %min3A_716 = arith.constant 511 : i32
        %min3A_717 = vector.broadcast %min3A_716 : i32 to vector<16xi32>
        %min3A_718 = arith.minsi %max3A_715, %min3A_717 : vector<16xi32>
        %convert_element_type3A_719 = arith.extui %or3A_710 : vector<16xi1> to vector<16xi32>
        %add3A_720 = arith.addi %sub3A_652, %convert_element_type3A_719 : vector<16xi32>
        %max3A_721 = arith.constant 0 : i32
        %max3A_722 = vector.broadcast %max3A_721 : i32 to vector<16xi32>
        %max3A_723 = arith.maxsi %add3A_720, %max3A_722 : vector<16xi32>
        %min3A_724 = arith.constant 511 : i32
        %min3A_725 = vector.broadcast %min3A_724 : i32 to vector<16xi32>
        %min3A_726 = arith.minsi %max3A_723, %min3A_725 : vector<16xi32>
        %mul3A_727 = arith.constant 512 : i32
        %mul3A_728 = vector.broadcast %mul3A_727 : i32 to vector<16xi32>
        %mul3A_729 = arith.muli %min3A_675, %mul3A_728 : vector<16xi32>
        %mul3A_730 = arith.constant 512 : i32
        %mul3A_731 = vector.broadcast %mul3A_730 : i32 to vector<16xi32>
        %mul3A_732 = arith.muli %min3A_684, %mul3A_731 : vector<16xi32>
        %add3A_733 = arith.addi %mul3A_729, %min3A_660 : vector<16xi32>
        %swap3A = arith.index_cast %mul3A_540 : i32 to index
        %swap3A_734 = tpu.vector_load %arg33[%swap3A] {strides = array<i32>} : memref<512xi32, #tpu.memory_space<vmem>>, vector<16xi32>,
        tpu.vector_store %arg33[%swap3A], %add3A_733 {strides = array<i32>} : memref<512xi32, #tpu.memory_space<vmem>>, vector<16xi32>,
        %add3A_735 = arith.addi %mul3A_729, %min3A_669 : vector<16xi32>
        %swap3A_736 = arith.index_cast %mul3A_540 : i32 to index
        %swap3A_737 = tpu.vector_load %arg34[%swap3A_736] {strides = array<i32>} : memref<512xi32, #tpu.memory_space<vmem>>, vector<16xi32>,
        tpu.vector_store %arg34[%swap3A_736], %add3A_735 {strides = array<i32>} : memref<512xi32, #tpu.memory_space<vmem>>, vector<16xi32>,
        %add3A_738 = arith.addi %mul3A_732, %min3A_660 : vector<16xi32>
        %swap3A_739 = arith.index_cast %mul3A_540 : i32 to index
        %swap3A_740 = tpu.vector_load %arg35[%swap3A_739] {strides = array<i32>} : memref<512xi32, #tpu.memory_space<vmem>>, vector<16xi32>,
        tpu.vector_store %arg35[%swap3A_739], %add3A_738 {strides = array<i32>} : memref<512xi32, #tpu.memory_space<vmem>>, vector<16xi32>,
        %add3A_741 = arith.addi %mul3A_732, %min3A_669 : vector<16xi32>
        %swap3A_742 = arith.index_cast %mul3A_540 : i32 to index
        %swap3A_743 = tpu.vector_load %arg36[%swap3A_742] {strides = array<i32>} : memref<512xi32, #tpu.memory_space<vmem>>, vector<16xi32>,
        tpu.vector_store %arg36[%swap3A_742], %add3A_741 {strides = array<i32>} : memref<512xi32, #tpu.memory_space<vmem>>, vector<16xi32>,
        %mul3A_744 = arith.constant 512 : i32
        %mul3A_745 = vector.broadcast %mul3A_744 : i32 to vector<16xi32>
        %mul3A_746 = arith.muli %min3A_726, %mul3A_745 : vector<16xi32>
        %add3A_747 = arith.addi %mul3A_746, %min3A_718 : vector<16xi32>
        %swap3A_748 = arith.index_cast %mul3A_540 : i32 to index
        %swap3A_749 = tpu.vector_load %arg37[%swap3A_748] {strides = array<i32>} : memref<512xi32, #tpu.memory_space<vmem>>, vector<16xi32>,
        tpu.vector_store %arg37[%swap3A_748], %add3A_747 {strides = array<i32>} : memref<512xi32, #tpu.memory_space<vmem>>, vector<16xi32>,
        %swap3A_750 = arith.index_cast %mul3A_540 : i32 to index
        %swap3A_751 = tpu.vector_load %arg51[%swap3A_750] {strides = array<i32>} : memref<512xf32, #tpu.memory_space<vmem>>, vector<16xf32>,
        tpu.vector_store %arg51[%swap3A_750], %sub3A_631 {strides = array<i32>} : memref<512xf32, #tpu.memory_space<vmem>>, vector<16xf32>,
        %swap3A_752 = arith.index_cast %mul3A_540 : i32 to index
        %swap3A_753 = tpu.vector_load %arg52[%swap3A_752] {strides = array<i32>} : memref<512xf32, #tpu.memory_space<vmem>>, vector<16xf32>,
        tpu.vector_store %arg52[%swap3A_752], %sub3A_634 {strides = array<i32>} : memref<512xf32, #tpu.memory_space<vmem>>, vector<16xf32>,
        %swap3A_754 = arith.index_cast %mul3A_540 : i32 to index
        %swap3A_755 = tpu.vector_load %arg53[%swap3A_754] {strides = array<i32>} : memref<512xf32, #tpu.memory_space<vmem>>, vector<16xf32>,
        tpu.vector_store %arg53[%swap3A_754], %add3A_613 {strides = array<i32>} : memref<512xf32, #tpu.memory_space<vmem>>, vector<16xf32>,
        %scan3A_756 = arith.constant 1 : i32
        %scan3A_757 = arith.addi %scan3A_538, %scan3A_756 : i32
        %mul3A_758 = arith.constant 16 : i32
        %mul3A_759 = arith.muli %scan3A_757, %mul3A_758 : i32
        %add3A_760 = vector.broadcast %mul3A_759 : i32 to vector<16xi32>
        %add3A_761 = arith.addi %add3A_760, %iota3A : vector<16xi32>
        %mul3A_762 = arith.constant 3 : i32
        %mul3A_763 = vector.broadcast %mul3A_762 : i32 to vector<16xi32>
        %mul3A_764 = arith.muli %add3A_761, %mul3A_763 : vector<16xi32>
        %gather3A_765 = tpu.vector_load_idx %arg32[%mul3A_764] : memref<1536xf32, #tpu.memory_space<vmem>>[vector<16xi32>], vector<16xf32>,
        %sub3A_766 = arith.subf %gather3A_765, %get3A_24 : vector<16xf32>
        %bitcast_convert_type3A_767 = tpu.bitcast %sub3A_766 : vector<16xf32> -> vector<16xi32>
        %add3A_768 = arith.constant 32767 : i32
        %add3A_769 = vector.broadcast %add3A_768 : i32 to vector<16xi32>
        %add3A_770 = arith.addi %bitcast_convert_type3A_767, %add3A_769 : vector<16xi32>
        %shift_right_arithmetic3A_771 = arith.constant 16 : i32
        %shift_right_arithmetic3A_772 = vector.broadcast %shift_right_arithmetic3A_771 : i32 to vector<16xi32>
        %shift_right_arithmetic3A_773 = arith.shrsi %bitcast_convert_type3A_767, %shift_right_arithmetic3A_772 : vector<16xi32>
        %and3A_774 = arith.constant 1 : i32
        %and3A_775 = vector.broadcast %and3A_774 : i32 to vector<16xi32>
        %and3A_776 = arith.andi %shift_right_arithmetic3A_773, %and3A_775 : vector<16xi32>
        %add3A_777 = arith.addi %add3A_770, %and3A_776 : vector<16xi32>
        %and3A_778 = arith.constant -65536 : i32
        %and3A_779 = vector.broadcast %and3A_778 : i32 to vector<16xi32>
        %and3A_780 = arith.andi %add3A_777, %and3A_779 : vector<16xi32>
        %bitcast_convert_type3A_781 = tpu.bitcast %and3A_780 : vector<16xi32> -> vector<16xf32>
        %add3A_782 = arith.constant 1 : i32
        %add3A_783 = vector.broadcast %add3A_782 : i32 to vector<16xi32>
        %add3A_784 = arith.addi %mul3A_764, %add3A_783 : vector<16xi32>
        %gather3A_785 = tpu.vector_load_idx %arg32[%add3A_784] : memref<1536xf32, #tpu.memory_space<vmem>>[vector<16xi32>], vector<16xf32>,
        %sub3A_786 = arith.subf %gather3A_785, %get3A_26 : vector<16xf32>
        %bitcast_convert_type3A_787 = tpu.bitcast %sub3A_786 : vector<16xf32> -> vector<16xi32>
        %add3A_788 = arith.constant 32767 : i32
        %add3A_789 = vector.broadcast %add3A_788 : i32 to vector<16xi32>
        %add3A_790 = arith.addi %bitcast_convert_type3A_787, %add3A_789 : vector<16xi32>
        %shift_right_arithmetic3A_791 = arith.constant 16 : i32
        %shift_right_arithmetic3A_792 = vector.broadcast %shift_right_arithmetic3A_791 : i32 to vector<16xi32>
        %shift_right_arithmetic3A_793 = arith.shrsi %bitcast_convert_type3A_787, %shift_right_arithmetic3A_792 : vector<16xi32>
        %and3A_794 = arith.constant 1 : i32
        %and3A_795 = vector.broadcast %and3A_794 : i32 to vector<16xi32>
        %and3A_796 = arith.andi %shift_right_arithmetic3A_793, %and3A_795 : vector<16xi32>
        %add3A_797 = arith.addi %add3A_790, %and3A_796 : vector<16xi32>
        %and3A_798 = arith.constant -65536 : i32
        %and3A_799 = vector.broadcast %and3A_798 : i32 to vector<16xi32>
        %and3A_800 = arith.andi %add3A_797, %and3A_799 : vector<16xi32>
        %bitcast_convert_type3A_801 = tpu.bitcast %and3A_800 : vector<16xi32> -> vector<16xf32>
        %add3A_802 = arith.constant 2 : i32
        %add3A_803 = vector.broadcast %add3A_802 : i32 to vector<16xi32>
        %add3A_804 = arith.addi %mul3A_764, %add3A_803 : vector<16xi32>
        %gather3A_805 = tpu.vector_load_idx %arg32[%add3A_804] : memref<1536xf32, #tpu.memory_space<vmem>>[vector<16xi32>], vector<16xf32>,
        %sub3A_806 = arith.subf %gather3A_805, %get3A_28 : vector<16xf32>
        %bitcast_convert_type3A_807 = tpu.bitcast %sub3A_806 : vector<16xf32> -> vector<16xi32>
        %add3A_808 = arith.constant 32767 : i32
        %add3A_809 = vector.broadcast %add3A_808 : i32 to vector<16xi32>
        %add3A_810 = arith.addi %bitcast_convert_type3A_807, %add3A_809 : vector<16xi32>
        %shift_right_arithmetic3A_811 = arith.constant 16 : i32
        %shift_right_arithmetic3A_812 = vector.broadcast %shift_right_arithmetic3A_811 : i32 to vector<16xi32>
        %shift_right_arithmetic3A_813 = arith.shrsi %bitcast_convert_type3A_807, %shift_right_arithmetic3A_812 : vector<16xi32>
        %and3A_814 = arith.constant 1 : i32
        %and3A_815 = vector.broadcast %and3A_814 : i32 to vector<16xi32>
        %and3A_816 = arith.andi %shift_right_arithmetic3A_813, %and3A_815 : vector<16xi32>
        %add3A_817 = arith.addi %add3A_810, %and3A_816 : vector<16xi32>
        %and3A_818 = arith.constant -65536 : i32
        %and3A_819 = vector.broadcast %and3A_818 : i32 to vector<16xi32>
        %and3A_820 = arith.andi %add3A_817, %and3A_819 : vector<16xi32>
        %bitcast_convert_type3A_821 = tpu.bitcast %and3A_820 : vector<16xi32> -> vector<16xf32>
        %mul3A_822 = arith.mulf %bitcast_convert_type3A_781, %get3A_6 : vector<16xf32>
        %mul3A_823 = arith.mulf %bitcast_convert_type3A_801, %get3A_8 : vector<16xf32>
        %add3A_824 = arith.addf %mul3A_822, %mul3A_823 : vector<16xf32>
        %mul3A_825 = arith.mulf %bitcast_convert_type3A_821, %get3A_10 : vector<16xf32>
        %add3A_826 = arith.addf %add3A_824, %mul3A_825 : vector<16xf32>
        %mul3A_827 = arith.mulf %bitcast_convert_type3A_781, %get3A_12 : vector<16xf32>
        %mul3A_828 = arith.mulf %bitcast_convert_type3A_801, %get3A_14 : vector<16xf32>
        %add3A_829 = arith.addf %mul3A_827, %mul3A_828 : vector<16xf32>
        %mul3A_830 = arith.mulf %bitcast_convert_type3A_821, %get3A_16 : vector<16xf32>
        %add3A_831 = arith.addf %add3A_829, %mul3A_830 : vector<16xf32>
        %mul3A_832 = arith.mulf %bitcast_convert_type3A_781, %get3A_18 : vector<16xf32>
        %mul3A_833 = arith.mulf %bitcast_convert_type3A_801, %get3A_20 : vector<16xf32>
        %add3A_834 = arith.addf %mul3A_832, %mul3A_833 : vector<16xf32>
        %mul3A_835 = arith.mulf %bitcast_convert_type3A_821, %get3A_22 : vector<16xf32>
        %add3A_836 = arith.addf %add3A_834, %mul3A_835 : vector<16xf32>
        %eq3A_837 = arith.constant 0.000000e+00 : f32
        %eq3A_838 = vector.broadcast %eq3A_837 : f32 to vector<16xf32>
        %eq3A_839 = arith.cmpf oeq, %add3A_836, %eq3A_838 : vector<16xf32>
        %jit3A_840 = arith.constant 1.000000e-10 : f32
        %broadcast_in_dim3A_841 = vector.broadcast %jit3A_840 : f32 to vector<16xf32>
        %select_n3A_842 = arith.select %eq3A_839, %broadcast_in_dim3A_841, %add3A_836 : vector<16xi1>, vector<16xf32>
        %mul3A_843 = arith.constant 5.120000e+02 : f32
        %mul3A_844 = vector.broadcast %mul3A_843 : f32 to vector<16xf32>
        %mul3A_845 = arith.mulf %add3A_826, %mul3A_844 : vector<16xf32>
        %div3A_846 = arith.divf %mul3A_845, %select_n3A_842 : vector<16xf32>
        %add3A_847 = arith.constant 2.560000e+02 : f32
        %add3A_848 = vector.broadcast %add3A_847 : f32 to vector<16xf32>
        %add3A_849 = arith.addf %div3A_846, %add3A_848 : vector<16xf32>
        %mul3A_850 = arith.constant 5.120000e+02 : f32
        %mul3A_851 = vector.broadcast %mul3A_850 : f32 to vector<16xf32>
        %mul3A_852 = arith.mulf %add3A_831, %mul3A_851 : vector<16xf32>
        %div3A_853 = arith.divf %mul3A_852, %select_n3A_842 : vector<16xf32>
        %add3A_854 = arith.constant 2.560000e+02 : f32
        %add3A_855 = vector.broadcast %add3A_854 : f32 to vector<16xf32>
        %add3A_856 = arith.addf %div3A_853, %add3A_855 : vector<16xf32>
        %sub3A_857 = arith.constant 5.000000e-01 : f32
        %sub3A_858 = vector.broadcast %sub3A_857 : f32 to vector<16xf32>
        %sub3A_859 = arith.subf %add3A_849, %sub3A_858 : vector<16xf32>
        %sub3A_860 = arith.constant 5.000000e-01 : f32
        %sub3A_861 = vector.broadcast %sub3A_860 : f32 to vector<16xf32>
        %sub3A_862 = arith.subf %add3A_856, %sub3A_861 : vector<16xf32>
        %convert_element_type3A_863 = arith.fptosi %sub3A_859 : vector<16xf32> to vector<16xi32>
        %convert_element_type3A_864 = arith.sitofp %convert_element_type3A_863 : vector<16xi32> to vector<16xf32>
        %lt3A_865 = arith.cmpf olt, %sub3A_859, %convert_element_type3A_864 : vector<16xf32>
        %jit3A_866 = arith.constant 1 : i32
        %jit3A_867 = arith.constant 0 : i32
        %broadcast_in_dim3A_868 = vector.broadcast %jit3A_866 : i32 to vector<16xi32>
        %broadcast_in_dim3A_869 = vector.broadcast %jit3A_867 : i32 to vector<16xi32>
        %select_n3A_870 = arith.select %lt3A_865, %broadcast_in_dim3A_868, %broadcast_in_dim3A_869 : vector<16xi1>, vector<16xi32>
        %sub3A_871 = arith.subi %convert_element_type3A_863, %select_n3A_870 : vector<16xi32>
        %convert_element_type3A_872 = arith.fptosi %sub3A_862 : vector<16xf32> to vector<16xi32>
        %convert_element_type3A_873 = arith.sitofp %convert_element_type3A_872 : vector<16xi32> to vector<16xf32>
        %lt3A_874 = arith.cmpf olt, %sub3A_862, %convert_element_type3A_873 : vector<16xf32>
        %jit3A_875 = arith.constant 1 : i32
        %jit3A_876 = arith.constant 0 : i32
        %broadcast_in_dim3A_877 = vector.broadcast %jit3A_875 : i32 to vector<16xi32>
        %broadcast_in_dim3A_878 = vector.broadcast %jit3A_876 : i32 to vector<16xi32>
        %select_n3A_879 = arith.select %lt3A_874, %broadcast_in_dim3A_877, %broadcast_in_dim3A_878 : vector<16xi1>, vector<16xi32>
        %sub3A_880 = arith.subi %convert_element_type3A_872, %select_n3A_879 : vector<16xi32>
        %convert_element_type3A_881 = arith.sitofp %sub3A_871 : vector<16xi32> to vector<16xf32>
        %sub3A_882 = arith.subf %sub3A_859, %convert_element_type3A_881 : vector<16xf32>
        %convert_element_type3A_883 = arith.sitofp %sub3A_880 : vector<16xi32> to vector<16xf32>
        %sub3A_884 = arith.subf %sub3A_862, %convert_element_type3A_883 : vector<16xf32>
        %max3A_885 = arith.constant 0 : i32
        %max3A_886 = vector.broadcast %max3A_885 : i32 to vector<16xi32>
        %max3A_887 = arith.maxsi %sub3A_871, %max3A_886 : vector<16xi32>
        %min3A_888 = arith.constant 511 : i32
        %min3A_889 = vector.broadcast %min3A_888 : i32 to vector<16xi32>
        %min3A_890 = arith.minsi %max3A_887, %min3A_889 : vector<16xi32>
        %add3A_891 = arith.constant 1 : i32
        %add3A_892 = vector.broadcast %add3A_891 : i32 to vector<16xi32>
        %add3A_893 = arith.addi %sub3A_871, %add3A_892 : vector<16xi32>
        %max3A_894 = arith.constant 0 : i32
        %max3A_895 = vector.broadcast %max3A_894 : i32 to vector<16xi32>
        %max3A_896 = arith.maxsi %add3A_893, %max3A_895 : vector<16xi32>
        %min3A_897 = arith.constant 511 : i32
        %min3A_898 = vector.broadcast %min3A_897 : i32 to vector<16xi32>
        %min3A_899 = arith.minsi %max3A_896, %min3A_898 : vector<16xi32>
        %max3A_900 = arith.constant 0 : i32
        %max3A_901 = vector.broadcast %max3A_900 : i32 to vector<16xi32>
        %max3A_902 = arith.maxsi %sub3A_880, %max3A_901 : vector<16xi32>
        %min3A_903 = arith.constant 511 : i32
        %min3A_904 = vector.broadcast %min3A_903 : i32 to vector<16xi32>
        %min3A_905 = arith.minsi %max3A_902, %min3A_904 : vector<16xi32>
        %add3A_906 = arith.constant 1 : i32
        %add3A_907 = vector.broadcast %add3A_906 : i32 to vector<16xi32>
        %add3A_908 = arith.addi %sub3A_880, %add3A_907 : vector<16xi32>
        %max3A_909 = arith.constant 0 : i32
        %max3A_910 = vector.broadcast %max3A_909 : i32 to vector<16xi32>
        %max3A_911 = arith.maxsi %add3A_908, %max3A_910 : vector<16xi32>
        %min3A_912 = arith.constant 511 : i32
        %min3A_913 = vector.broadcast %min3A_912 : i32 to vector<16xi32>
        %min3A_914 = arith.minsi %max3A_911, %min3A_913 : vector<16xi32>
        %gt3A_915 = arith.constant 5.000000e-01 : f32
        %gt3A_916 = vector.broadcast %gt3A_915 : f32 to vector<16xf32>
        %gt3A_917 = arith.cmpf ogt, %sub3A_882, %gt3A_916 : vector<16xf32>
        %eq3A_918 = arith.constant 5.000000e-01 : f32
        %eq3A_919 = vector.broadcast %eq3A_918 : f32 to vector<16xf32>
        %eq3A_920 = arith.cmpf oeq, %sub3A_882, %eq3A_919 : vector<16xf32>
        %and3A_921 = arith.constant 1 : i32
        %and3A_922 = vector.broadcast %and3A_921 : i32 to vector<16xi32>
        %and3A_923 = arith.andi %sub3A_871, %and3A_922 : vector<16xi32>
        %eq3A_924 = arith.constant 1 : i32
        %eq3A_925 = vector.broadcast %eq3A_924 : i32 to vector<16xi32>
        %eq3A_926 = arith.cmpi eq, %and3A_923, %eq3A_925 : vector<16xi32>
        %and3A_927 = arith.andi %eq3A_920, %eq3A_926 : vector<16xi1>
        %or3A_928 = arith.ori %gt3A_917, %and3A_927 : vector<16xi1>
        %gt3A_929 = arith.constant 5.000000e-01 : f32
        %gt3A_930 = vector.broadcast %gt3A_929 : f32 to vector<16xf32>
        %gt3A_931 = arith.cmpf ogt, %sub3A_884, %gt3A_930 : vector<16xf32>
        %eq3A_932 = arith.constant 5.000000e-01 : f32
        %eq3A_933 = vector.broadcast %eq3A_932 : f32 to vector<16xf32>
        %eq3A_934 = arith.cmpf oeq, %sub3A_884, %eq3A_933 : vector<16xf32>
        %and3A_935 = arith.constant 1 : i32
        %and3A_936 = vector.broadcast %and3A_935 : i32 to vector<16xi32>
        %and3A_937 = arith.andi %sub3A_880, %and3A_936 : vector<16xi32>
        %eq3A_938 = arith.constant 1 : i32
        %eq3A_939 = vector.broadcast %eq3A_938 : i32 to vector<16xi32>
        %eq3A_940 = arith.cmpi eq, %and3A_937, %eq3A_939 : vector<16xi32>
        %and3A_941 = arith.andi %eq3A_934, %eq3A_940 : vector<16xi1>
        %or3A_942 = arith.ori %gt3A_931, %and3A_941 : vector<16xi1>
        %convert_element_type3A_943 = arith.extui %or3A_928 : vector<16xi1> to vector<16xi32>
        %add3A_944 = arith.addi %sub3A_871, %convert_element_type3A_943 : vector<16xi32>
        %max3A_945 = arith.constant 0 : i32
        %max3A_946 = vector.broadcast %max3A_945 : i32 to vector<16xi32>
        %max3A_947 = arith.maxsi %add3A_944, %max3A_946 : vector<16xi32>
        %min3A_948 = arith.constant 511 : i32
        %min3A_949 = vector.broadcast %min3A_948 : i32 to vector<16xi32>
        %min3A_950 = arith.minsi %max3A_947, %min3A_949 : vector<16xi32>
        %convert_element_type3A_951 = arith.extui %or3A_942 : vector<16xi1> to vector<16xi32>
        %add3A_952 = arith.addi %sub3A_880, %convert_element_type3A_951 : vector<16xi32>
        %max3A_953 = arith.constant 0 : i32
        %max3A_954 = vector.broadcast %max3A_953 : i32 to vector<16xi32>
        %max3A_955 = arith.maxsi %add3A_952, %max3A_954 : vector<16xi32>
        %min3A_956 = arith.constant 511 : i32
        %min3A_957 = vector.broadcast %min3A_956 : i32 to vector<16xi32>
        %min3A_958 = arith.minsi %max3A_955, %min3A_957 : vector<16xi32>
        %mul3A_959 = arith.constant 512 : i32
        %mul3A_960 = vector.broadcast %mul3A_959 : i32 to vector<16xi32>
        %mul3A_961 = arith.muli %min3A_905, %mul3A_960 : vector<16xi32>
        %mul3A_962 = arith.constant 512 : i32
        %mul3A_963 = vector.broadcast %mul3A_962 : i32 to vector<16xi32>
        %mul3A_964 = arith.muli %min3A_914, %mul3A_963 : vector<16xi32>
        %add3A_965 = arith.addi %mul3A_961, %min3A_890 : vector<16xi32>
        %swap3A_966 = arith.index_cast %mul3A_759 : i32 to index
        %swap3A_967 = tpu.vector_load %arg33[%swap3A_966] {strides = array<i32>} : memref<512xi32, #tpu.memory_space<vmem>>, vector<16xi32>,
        tpu.vector_store %arg33[%swap3A_966], %add3A_965 {strides = array<i32>} : memref<512xi32, #tpu.memory_space<vmem>>, vector<16xi32>,
        %add3A_968 = arith.addi %mul3A_961, %min3A_899 : vector<16xi32>
        %swap3A_969 = arith.index_cast %mul3A_759 : i32 to index
        %swap3A_970 = tpu.vector_load %arg34[%swap3A_969] {strides = array<i32>} : memref<512xi32, #tpu.memory_space<vmem>>, vector<16xi32>,
        tpu.vector_store %arg34[%swap3A_969], %add3A_968 {strides = array<i32>} : memref<512xi32, #tpu.memory_space<vmem>>, vector<16xi32>,
        %add3A_971 = arith.addi %mul3A_964, %min3A_890 : vector<16xi32>
        %swap3A_972 = arith.index_cast %mul3A_759 : i32 to index
        %swap3A_973 = tpu.vector_load %arg35[%swap3A_972] {strides = array<i32>} : memref<512xi32, #tpu.memory_space<vmem>>, vector<16xi32>,
        tpu.vector_store %arg35[%swap3A_972], %add3A_971 {strides = array<i32>} : memref<512xi32, #tpu.memory_space<vmem>>, vector<16xi32>,
        %add3A_974 = arith.addi %mul3A_964, %min3A_899 : vector<16xi32>
        %swap3A_975 = arith.index_cast %mul3A_759 : i32 to index
        %swap3A_976 = tpu.vector_load %arg36[%swap3A_975] {strides = array<i32>} : memref<512xi32, #tpu.memory_space<vmem>>, vector<16xi32>,
        tpu.vector_store %arg36[%swap3A_975], %add3A_974 {strides = array<i32>} : memref<512xi32, #tpu.memory_space<vmem>>, vector<16xi32>,
        %mul3A_977 = arith.constant 512 : i32
        %mul3A_978 = vector.broadcast %mul3A_977 : i32 to vector<16xi32>
        %mul3A_979 = arith.muli %min3A_958, %mul3A_978 : vector<16xi32>
        %add3A_980 = arith.addi %mul3A_979, %min3A_950 : vector<16xi32>
        %swap3A_981 = arith.index_cast %mul3A_759 : i32 to index
        %swap3A_982 = tpu.vector_load %arg37[%swap3A_981] {strides = array<i32>} : memref<512xi32, #tpu.memory_space<vmem>>, vector<16xi32>,
        tpu.vector_store %arg37[%swap3A_981], %add3A_980 {strides = array<i32>} : memref<512xi32, #tpu.memory_space<vmem>>, vector<16xi32>,
        %swap3A_983 = arith.index_cast %mul3A_759 : i32 to index
        %swap3A_984 = tpu.vector_load %arg51[%swap3A_983] {strides = array<i32>} : memref<512xf32, #tpu.memory_space<vmem>>, vector<16xf32>,
        tpu.vector_store %arg51[%swap3A_983], %sub3A_859 {strides = array<i32>} : memref<512xf32, #tpu.memory_space<vmem>>, vector<16xf32>,
        %swap3A_985 = arith.index_cast %mul3A_759 : i32 to index
        %swap3A_986 = tpu.vector_load %arg52[%swap3A_985] {strides = array<i32>} : memref<512xf32, #tpu.memory_space<vmem>>, vector<16xf32>,
        tpu.vector_store %arg52[%swap3A_985], %sub3A_862 {strides = array<i32>} : memref<512xf32, #tpu.memory_space<vmem>>, vector<16xf32>,
        %swap3A_987 = arith.index_cast %mul3A_759 : i32 to index
        %swap3A_988 = tpu.vector_load %arg53[%swap3A_987] {strides = array<i32>} : memref<512xf32, #tpu.memory_space<vmem>>, vector<16xf32>,
        tpu.vector_store %arg53[%swap3A_987], %add3A_836 {strides = array<i32>} : memref<512xf32, #tpu.memory_space<vmem>>, vector<16xf32>,
      }
      %scan3A_171 = arith.constant 32 : i32
      %mul3A_172 = arith.constant 3 : i32
      %mul3A_173 = arith.muli %shift_right_arithmetic3A_1, %mul3A_172 : i32
      %add3A_174 = arith.constant 0 : i32
      %add3A_175 = arith.addi %mul3A_173, %add3A_174 : i32
      %mul3A_176 = arith.constant 262144 : i32
      %mul3A_177 = arith.muli %add3A_175, %mul3A_176 : i32
      %dma_start3A_178 = tpu.memref_slice %arg3[%mul3A_177] : memref<3145728xf32, #tpu.memory_space<hbm>> -> memref<262144xf32, #tpu.memory_space<hbm>>
      %dma_start3A_179 = arith.constant 0 : i32
      %dma_start3A_180 = tpu.memref_slice %dma_start3A_178[%dma_start3A_179] : memref<262144xf32, #tpu.memory_space<hbm>> -> memref<262144xf32, #tpu.memory_space<hbm>>
      tpu.enqueue_indirect_dma source(%dma_start3A_180 : memref<262144xf32, #tpu.memory_space<hbm>>) target(%arg38 : memref<512xf32, #tpu.memory_space<vmem>>) offsets(%arg33 : memref<512xi32, #tpu.memory_space<vmem>>) semaphore(%arg55 : memref<!tpu.dma_semaphore, #tpu.memory_space<semaphore_mem>>)
      %mul3A_181 = arith.constant 3 : i32
      %mul3A_182 = arith.muli %shift_right_arithmetic3A_1, %mul3A_181 : i32
      %add3A_183 = arith.constant 1 : i32
      %add3A_184 = arith.addi %mul3A_182, %add3A_183 : i32
      %mul3A_185 = arith.constant 262144 : i32
      %mul3A_186 = arith.muli %add3A_184, %mul3A_185 : i32
      %dma_start3A_187 = tpu.memref_slice %arg3[%mul3A_186] : memref<3145728xf32, #tpu.memory_space<hbm>> -> memref<262144xf32, #tpu.memory_space<hbm>>
      %dma_start3A_188 = arith.constant 0 : i32
      %dma_start3A_189 = tpu.memref_slice %dma_start3A_187[%dma_start3A_188] : memref<262144xf32, #tpu.memory_space<hbm>> -> memref<262144xf32, #tpu.memory_space<hbm>>
      tpu.enqueue_indirect_dma source(%dma_start3A_189 : memref<262144xf32, #tpu.memory_space<hbm>>) target(%arg39 : memref<512xf32, #tpu.memory_space<vmem>>) offsets(%arg33 : memref<512xi32, #tpu.memory_space<vmem>>) semaphore(%arg55 : memref<!tpu.dma_semaphore, #tpu.memory_space<semaphore_mem>>)
      %mul3A_190 = arith.constant 3 : i32
      %mul3A_191 = arith.muli %shift_right_arithmetic3A_1, %mul3A_190 : i32
      %add3A_192 = arith.constant 2 : i32
      %add3A_193 = arith.addi %mul3A_191, %add3A_192 : i32
      %mul3A_194 = arith.constant 262144 : i32
      %mul3A_195 = arith.muli %add3A_193, %mul3A_194 : i32
      %dma_start3A_196 = tpu.memref_slice %arg3[%mul3A_195] : memref<3145728xf32, #tpu.memory_space<hbm>> -> memref<262144xf32, #tpu.memory_space<hbm>>
      %dma_start3A_197 = arith.constant 0 : i32
      %dma_start3A_198 = tpu.memref_slice %dma_start3A_196[%dma_start3A_197] : memref<262144xf32, #tpu.memory_space<hbm>> -> memref<262144xf32, #tpu.memory_space<hbm>>
      tpu.enqueue_indirect_dma source(%dma_start3A_198 : memref<262144xf32, #tpu.memory_space<hbm>>) target(%arg40 : memref<512xf32, #tpu.memory_space<vmem>>) offsets(%arg33 : memref<512xi32, #tpu.memory_space<vmem>>) semaphore(%arg55 : memref<!tpu.dma_semaphore, #tpu.memory_space<semaphore_mem>>)
      %mul3A_199 = arith.constant 3 : i32
      %mul3A_200 = arith.muli %shift_right_arithmetic3A_1, %mul3A_199 : i32
      %add3A_201 = arith.constant 0 : i32
      %add3A_202 = arith.addi %mul3A_200, %add3A_201 : i32
      %mul3A_203 = arith.constant 262144 : i32
      %mul3A_204 = arith.muli %add3A_202, %mul3A_203 : i32
      %dma_start3A_205 = tpu.memref_slice %arg3[%mul3A_204] : memref<3145728xf32, #tpu.memory_space<hbm>> -> memref<262144xf32, #tpu.memory_space<hbm>>
      %dma_start3A_206 = arith.constant 0 : i32
      %dma_start3A_207 = tpu.memref_slice %dma_start3A_205[%dma_start3A_206] : memref<262144xf32, #tpu.memory_space<hbm>> -> memref<262144xf32, #tpu.memory_space<hbm>>
      tpu.enqueue_indirect_dma source(%dma_start3A_207 : memref<262144xf32, #tpu.memory_space<hbm>>) target(%arg41 : memref<512xf32, #tpu.memory_space<vmem>>) offsets(%arg34 : memref<512xi32, #tpu.memory_space<vmem>>) semaphore(%arg55 : memref<!tpu.dma_semaphore, #tpu.memory_space<semaphore_mem>>)
      %mul3A_208 = arith.constant 3 : i32
      %mul3A_209 = arith.muli %shift_right_arithmetic3A_1, %mul3A_208 : i32
      %add3A_210 = arith.constant 1 : i32
      %add3A_211 = arith.addi %mul3A_209, %add3A_210 : i32
      %mul3A_212 = arith.constant 262144 : i32
      %mul3A_213 = arith.muli %add3A_211, %mul3A_212 : i32
      %dma_start3A_214 = tpu.memref_slice %arg3[%mul3A_213] : memref<3145728xf32, #tpu.memory_space<hbm>> -> memref<262144xf32, #tpu.memory_space<hbm>>
      %dma_start3A_215 = arith.constant 0 : i32
      %dma_start3A_216 = tpu.memref_slice %dma_start3A_214[%dma_start3A_215] : memref<262144xf32, #tpu.memory_space<hbm>> -> memref<262144xf32, #tpu.memory_space<hbm>>
      tpu.enqueue_indirect_dma source(%dma_start3A_216 : memref<262144xf32, #tpu.memory_space<hbm>>) target(%arg42 : memref<512xf32, #tpu.memory_space<vmem>>) offsets(%arg34 : memref<512xi32, #tpu.memory_space<vmem>>) semaphore(%arg55 : memref<!tpu.dma_semaphore, #tpu.memory_space<semaphore_mem>>)
      %mul3A_217 = arith.constant 3 : i32
      %mul3A_218 = arith.muli %shift_right_arithmetic3A_1, %mul3A_217 : i32
      %add3A_219 = arith.constant 2 : i32
      %add3A_220 = arith.addi %mul3A_218, %add3A_219 : i32
      %mul3A_221 = arith.constant 262144 : i32
      %mul3A_222 = arith.muli %add3A_220, %mul3A_221 : i32
      %dma_start3A_223 = tpu.memref_slice %arg3[%mul3A_222] : memref<3145728xf32, #tpu.memory_space<hbm>> -> memref<262144xf32, #tpu.memory_space<hbm>>
      %dma_start3A_224 = arith.constant 0 : i32
      %dma_start3A_225 = tpu.memref_slice %dma_start3A_223[%dma_start3A_224] : memref<262144xf32, #tpu.memory_space<hbm>> -> memref<262144xf32, #tpu.memory_space<hbm>>
      tpu.enqueue_indirect_dma source(%dma_start3A_225 : memref<262144xf32, #tpu.memory_space<hbm>>) target(%arg43 : memref<512xf32, #tpu.memory_space<vmem>>) offsets(%arg34 : memref<512xi32, #tpu.memory_space<vmem>>) semaphore(%arg55 : memref<!tpu.dma_semaphore, #tpu.memory_space<semaphore_mem>>)
      %mul3A_226 = arith.constant 3 : i32
      %mul3A_227 = arith.muli %shift_right_arithmetic3A_1, %mul3A_226 : i32
      %add3A_228 = arith.constant 0 : i32
      %add3A_229 = arith.addi %mul3A_227, %add3A_228 : i32
      %mul3A_230 = arith.constant 262144 : i32
      %mul3A_231 = arith.muli %add3A_229, %mul3A_230 : i32
      %dma_start3A_232 = tpu.memref_slice %arg3[%mul3A_231] : memref<3145728xf32, #tpu.memory_space<hbm>> -> memref<262144xf32, #tpu.memory_space<hbm>>
      %dma_start3A_233 = arith.constant 0 : i32
      %dma_start3A_234 = tpu.memref_slice %dma_start3A_232[%dma_start3A_233] : memref<262144xf32, #tpu.memory_space<hbm>> -> memref<262144xf32, #tpu.memory_space<hbm>>
      tpu.enqueue_indirect_dma source(%dma_start3A_234 : memref<262144xf32, #tpu.memory_space<hbm>>) target(%arg44 : memref<512xf32, #tpu.memory_space<vmem>>) offsets(%arg35 : memref<512xi32, #tpu.memory_space<vmem>>) semaphore(%arg55 : memref<!tpu.dma_semaphore, #tpu.memory_space<semaphore_mem>>)
      %mul3A_235 = arith.constant 3 : i32
      %mul3A_236 = arith.muli %shift_right_arithmetic3A_1, %mul3A_235 : i32
      %add3A_237 = arith.constant 1 : i32
      %add3A_238 = arith.addi %mul3A_236, %add3A_237 : i32
      %mul3A_239 = arith.constant 262144 : i32
      %mul3A_240 = arith.muli %add3A_238, %mul3A_239 : i32
      %dma_start3A_241 = tpu.memref_slice %arg3[%mul3A_240] : memref<3145728xf32, #tpu.memory_space<hbm>> -> memref<262144xf32, #tpu.memory_space<hbm>>
      %dma_start3A_242 = arith.constant 0 : i32
      %dma_start3A_243 = tpu.memref_slice %dma_start3A_241[%dma_start3A_242] : memref<262144xf32, #tpu.memory_space<hbm>> -> memref<262144xf32, #tpu.memory_space<hbm>>
      tpu.enqueue_indirect_dma source(%dma_start3A_243 : memref<262144xf32, #tpu.memory_space<hbm>>) target(%arg45 : memref<512xf32, #tpu.memory_space<vmem>>) offsets(%arg35 : memref<512xi32, #tpu.memory_space<vmem>>) semaphore(%arg55 : memref<!tpu.dma_semaphore, #tpu.memory_space<semaphore_mem>>)
      %mul3A_244 = arith.constant 3 : i32
      %mul3A_245 = arith.muli %shift_right_arithmetic3A_1, %mul3A_244 : i32
      %add3A_246 = arith.constant 2 : i32
      %add3A_247 = arith.addi %mul3A_245, %add3A_246 : i32
      %mul3A_248 = arith.constant 262144 : i32
      %mul3A_249 = arith.muli %add3A_247, %mul3A_248 : i32
      %dma_start3A_250 = tpu.memref_slice %arg3[%mul3A_249] : memref<3145728xf32, #tpu.memory_space<hbm>> -> memref<262144xf32, #tpu.memory_space<hbm>>
      %dma_start3A_251 = arith.constant 0 : i32
      %dma_start3A_252 = tpu.memref_slice %dma_start3A_250[%dma_start3A_251] : memref<262144xf32, #tpu.memory_space<hbm>> -> memref<262144xf32, #tpu.memory_space<hbm>>
      tpu.enqueue_indirect_dma source(%dma_start3A_252 : memref<262144xf32, #tpu.memory_space<hbm>>) target(%arg46 : memref<512xf32, #tpu.memory_space<vmem>>) offsets(%arg35 : memref<512xi32, #tpu.memory_space<vmem>>) semaphore(%arg55 : memref<!tpu.dma_semaphore, #tpu.memory_space<semaphore_mem>>)
      %mul3A_253 = arith.constant 3 : i32
      %mul3A_254 = arith.muli %shift_right_arithmetic3A_1, %mul3A_253 : i32
      %add3A_255 = arith.constant 0 : i32
      %add3A_256 = arith.addi %mul3A_254, %add3A_255 : i32
      %mul3A_257 = arith.constant 262144 : i32
      %mul3A_258 = arith.muli %add3A_256, %mul3A_257 : i32
      %dma_start3A_259 = tpu.memref_slice %arg3[%mul3A_258] : memref<3145728xf32, #tpu.memory_space<hbm>> -> memref<262144xf32, #tpu.memory_space<hbm>>
      %dma_start3A_260 = arith.constant 0 : i32
      %dma_start3A_261 = tpu.memref_slice %dma_start3A_259[%dma_start3A_260] : memref<262144xf32, #tpu.memory_space<hbm>> -> memref<262144xf32, #tpu.memory_space<hbm>>
      tpu.enqueue_indirect_dma source(%dma_start3A_261 : memref<262144xf32, #tpu.memory_space<hbm>>) target(%arg47 : memref<512xf32, #tpu.memory_space<vmem>>) offsets(%arg36 : memref<512xi32, #tpu.memory_space<vmem>>) semaphore(%arg55 : memref<!tpu.dma_semaphore, #tpu.memory_space<semaphore_mem>>)
      %mul3A_262 = arith.constant 3 : i32
      %mul3A_263 = arith.muli %shift_right_arithmetic3A_1, %mul3A_262 : i32
      %add3A_264 = arith.constant 1 : i32
      %add3A_265 = arith.addi %mul3A_263, %add3A_264 : i32
      %mul3A_266 = arith.constant 262144 : i32
      %mul3A_267 = arith.muli %add3A_265, %mul3A_266 : i32
      %dma_start3A_268 = tpu.memref_slice %arg3[%mul3A_267] : memref<3145728xf32, #tpu.memory_space<hbm>> -> memref<262144xf32, #tpu.memory_space<hbm>>
      %dma_start3A_269 = arith.constant 0 : i32
      %dma_start3A_270 = tpu.memref_slice %dma_start3A_268[%dma_start3A_269] : memref<262144xf32, #tpu.memory_space<hbm>> -> memref<262144xf32, #tpu.memory_space<hbm>>
      tpu.enqueue_indirect_dma source(%dma_start3A_270 : memref<262144xf32, #tpu.memory_space<hbm>>) target(%arg48 : memref<512xf32, #tpu.memory_space<vmem>>) offsets(%arg36 : memref<512xi32, #tpu.memory_space<vmem>>) semaphore(%arg55 : memref<!tpu.dma_semaphore, #tpu.memory_space<semaphore_mem>>)
      %mul3A_271 = arith.constant 3 : i32
      %mul3A_272 = arith.muli %shift_right_arithmetic3A_1, %mul3A_271 : i32
      %add3A_273 = arith.constant 2 : i32
      %add3A_274 = arith.addi %mul3A_272, %add3A_273 : i32
      %mul3A_275 = arith.constant 262144 : i32
      %mul3A_276 = arith.muli %add3A_274, %mul3A_275 : i32
      %dma_start3A_277 = tpu.memref_slice %arg3[%mul3A_276] : memref<3145728xf32, #tpu.memory_space<hbm>> -> memref<262144xf32, #tpu.memory_space<hbm>>
      %dma_start3A_278 = arith.constant 0 : i32
      %dma_start3A_279 = tpu.memref_slice %dma_start3A_277[%dma_start3A_278] : memref<262144xf32, #tpu.memory_space<hbm>> -> memref<262144xf32, #tpu.memory_space<hbm>>
      tpu.enqueue_indirect_dma source(%dma_start3A_279 : memref<262144xf32, #tpu.memory_space<hbm>>) target(%arg49 : memref<512xf32, #tpu.memory_space<vmem>>) offsets(%arg36 : memref<512xi32, #tpu.memory_space<vmem>>) semaphore(%arg55 : memref<!tpu.dma_semaphore, #tpu.memory_space<semaphore_mem>>)
      %mul3A_280 = arith.constant 262144 : i32
      %mul3A_281 = arith.muli %shift_right_arithmetic3A_1, %mul3A_280 : i32
      %dma_start3A_282 = tpu.memref_slice %arg4[%mul3A_281] : memref<1048576xf32, #tpu.memory_space<hbm>> -> memref<262144xf32, #tpu.memory_space<hbm>>
      %dma_start3A_283 = arith.constant 0 : i32
      %dma_start3A_284 = tpu.memref_slice %dma_start3A_282[%dma_start3A_283] : memref<262144xf32, #tpu.memory_space<hbm>> -> memref<262144xf32, #tpu.memory_space<hbm>>
      tpu.enqueue_indirect_dma source(%dma_start3A_284 : memref<262144xf32, #tpu.memory_space<hbm>>) target(%arg50 : memref<512xf32, #tpu.memory_space<vmem>>) offsets(%arg37 : memref<512xi32, #tpu.memory_space<vmem>>) semaphore(%arg55 : memref<!tpu.dma_semaphore, #tpu.memory_space<semaphore_mem>>)
      %mul3A_285 = arith.constant 512 : i32
      %mul3A_286 = arith.muli %mul3A_158, %mul3A_285 : i32
      %add3A_287 = arith.addi %mul3A_3, %mul3A_286 : i32
      %mul3A_288 = arith.constant 3 : i32
      %mul3A_289 = arith.muli %shift_right_arithmetic3A_1, %mul3A_288 : i32
      %add3A_290 = arith.constant 0 : i32
      %add3A_291 = arith.addi %mul3A_289, %add3A_290 : i32
      %mul3A_292 = arith.constant 262144 : i32
      %mul3A_293 = arith.muli %add3A_291, %mul3A_292 : i32
      %dma_wait3A = tpu.memref_slice %arg3[%mul3A_293] : memref<3145728xf32, #tpu.memory_space<hbm>> -> memref<262144xf32, #tpu.memory_space<hbm>>
      %dma_wait3A_294 = arith.constant 0 : i32
      %dma_wait3A_295 = tpu.memref_slice %dma_wait3A[%dma_wait3A_294] : memref<262144xf32, #tpu.memory_space<hbm>> -> memref<262144xf32, #tpu.memory_space<hbm>>
      tpu.wait_indirect_dma semaphore(%arg31 : memref<!tpu.dma_semaphore, #tpu.memory_space<semaphore_mem>>) src(%dma_wait3A_295 : memref<262144xf32, #tpu.memory_space<hbm>>) dst(%arg14 : memref<512xf32, #tpu.memory_space<vmem>>)
      %mul3A_296 = arith.constant 3 : i32
      %mul3A_297 = arith.muli %shift_right_arithmetic3A_1, %mul3A_296 : i32
      %add3A_298 = arith.constant 1 : i32
      %add3A_299 = arith.addi %mul3A_297, %add3A_298 : i32
      %mul3A_300 = arith.constant 262144 : i32
      %mul3A_301 = arith.muli %add3A_299, %mul3A_300 : i32
      %dma_wait3A_302 = tpu.memref_slice %arg3[%mul3A_301] : memref<3145728xf32, #tpu.memory_space<hbm>> -> memref<262144xf32, #tpu.memory_space<hbm>>
      %dma_wait3A_303 = arith.constant 0 : i32
      %dma_wait3A_304 = tpu.memref_slice %dma_wait3A_302[%dma_wait3A_303] : memref<262144xf32, #tpu.memory_space<hbm>> -> memref<262144xf32, #tpu.memory_space<hbm>>
      tpu.wait_indirect_dma semaphore(%arg31 : memref<!tpu.dma_semaphore, #tpu.memory_space<semaphore_mem>>) src(%dma_wait3A_304 : memref<262144xf32, #tpu.memory_space<hbm>>) dst(%arg15 : memref<512xf32, #tpu.memory_space<vmem>>)
      %mul3A_305 = arith.constant 3 : i32
      %mul3A_306 = arith.muli %shift_right_arithmetic3A_1, %mul3A_305 : i32
      %add3A_307 = arith.constant 2 : i32
      %add3A_308 = arith.addi %mul3A_306, %add3A_307 : i32
      %mul3A_309 = arith.constant 262144 : i32
      %mul3A_310 = arith.muli %add3A_308, %mul3A_309 : i32
      %dma_wait3A_311 = tpu.memref_slice %arg3[%mul3A_310] : memref<3145728xf32, #tpu.memory_space<hbm>> -> memref<262144xf32, #tpu.memory_space<hbm>>
      %dma_wait3A_312 = arith.constant 0 : i32
      %dma_wait3A_313 = tpu.memref_slice %dma_wait3A_311[%dma_wait3A_312] : memref<262144xf32, #tpu.memory_space<hbm>> -> memref<262144xf32, #tpu.memory_space<hbm>>
      tpu.wait_indirect_dma semaphore(%arg31 : memref<!tpu.dma_semaphore, #tpu.memory_space<semaphore_mem>>) src(%dma_wait3A_313 : memref<262144xf32, #tpu.memory_space<hbm>>) dst(%arg16 : memref<512xf32, #tpu.memory_space<vmem>>)
      %mul3A_314 = arith.constant 3 : i32
      %mul3A_315 = arith.muli %shift_right_arithmetic3A_1, %mul3A_314 : i32
      %add3A_316 = arith.constant 0 : i32
      %add3A_317 = arith.addi %mul3A_315, %add3A_316 : i32
      %mul3A_318 = arith.constant 262144 : i32
      %mul3A_319 = arith.muli %add3A_317, %mul3A_318 : i32
      %dma_wait3A_320 = tpu.memref_slice %arg3[%mul3A_319] : memref<3145728xf32, #tpu.memory_space<hbm>> -> memref<262144xf32, #tpu.memory_space<hbm>>
      %dma_wait3A_321 = arith.constant 0 : i32
      %dma_wait3A_322 = tpu.memref_slice %dma_wait3A_320[%dma_wait3A_321] : memref<262144xf32, #tpu.memory_space<hbm>> -> memref<262144xf32, #tpu.memory_space<hbm>>
      tpu.wait_indirect_dma semaphore(%arg31 : memref<!tpu.dma_semaphore, #tpu.memory_space<semaphore_mem>>) src(%dma_wait3A_322 : memref<262144xf32, #tpu.memory_space<hbm>>) dst(%arg17 : memref<512xf32, #tpu.memory_space<vmem>>)
      %mul3A_323 = arith.constant 3 : i32
      %mul3A_324 = arith.muli %shift_right_arithmetic3A_1, %mul3A_323 : i32
      %add3A_325 = arith.constant 1 : i32
      %add3A_326 = arith.addi %mul3A_324, %add3A_325 : i32
      %mul3A_327 = arith.constant 262144 : i32
      %mul3A_328 = arith.muli %add3A_326, %mul3A_327 : i32
      %dma_wait3A_329 = tpu.memref_slice %arg3[%mul3A_328] : memref<3145728xf32, #tpu.memory_space<hbm>> -> memref<262144xf32, #tpu.memory_space<hbm>>
      %dma_wait3A_330 = arith.constant 0 : i32
      %dma_wait3A_331 = tpu.memref_slice %dma_wait3A_329[%dma_wait3A_330] : memref<262144xf32, #tpu.memory_space<hbm>> -> memref<262144xf32, #tpu.memory_space<hbm>>
      tpu.wait_indirect_dma semaphore(%arg31 : memref<!tpu.dma_semaphore, #tpu.memory_space<semaphore_mem>>) src(%dma_wait3A_331 : memref<262144xf32, #tpu.memory_space<hbm>>) dst(%arg18 : memref<512xf32, #tpu.memory_space<vmem>>)
      %mul3A_332 = arith.constant 3 : i32
      %mul3A_333 = arith.muli %shift_right_arithmetic3A_1, %mul3A_332 : i32
      %add3A_334 = arith.constant 2 : i32
      %add3A_335 = arith.addi %mul3A_333, %add3A_334 : i32
      %mul3A_336 = arith.constant 262144 : i32
      %mul3A_337 = arith.muli %add3A_335, %mul3A_336 : i32
      %dma_wait3A_338 = tpu.memref_slice %arg3[%mul3A_337] : memref<3145728xf32, #tpu.memory_space<hbm>> -> memref<262144xf32, #tpu.memory_space<hbm>>
      %dma_wait3A_339 = arith.constant 0 : i32
      %dma_wait3A_340 = tpu.memref_slice %dma_wait3A_338[%dma_wait3A_339] : memref<262144xf32, #tpu.memory_space<hbm>> -> memref<262144xf32, #tpu.memory_space<hbm>>
      tpu.wait_indirect_dma semaphore(%arg31 : memref<!tpu.dma_semaphore, #tpu.memory_space<semaphore_mem>>) src(%dma_wait3A_340 : memref<262144xf32, #tpu.memory_space<hbm>>) dst(%arg19 : memref<512xf32, #tpu.memory_space<vmem>>)
      %mul3A_341 = arith.constant 3 : i32
      %mul3A_342 = arith.muli %shift_right_arithmetic3A_1, %mul3A_341 : i32
      %add3A_343 = arith.constant 0 : i32
      %add3A_344 = arith.addi %mul3A_342, %add3A_343 : i32
      %mul3A_345 = arith.constant 262144 : i32
      %mul3A_346 = arith.muli %add3A_344, %mul3A_345 : i32
      %dma_wait3A_347 = tpu.memref_slice %arg3[%mul3A_346] : memref<3145728xf32, #tpu.memory_space<hbm>> -> memref<262144xf32, #tpu.memory_space<hbm>>
      %dma_wait3A_348 = arith.constant 0 : i32
      %dma_wait3A_349 = tpu.memref_slice %dma_wait3A_347[%dma_wait3A_348] : memref<262144xf32, #tpu.memory_space<hbm>> -> memref<262144xf32, #tpu.memory_space<hbm>>
      tpu.wait_indirect_dma semaphore(%arg31 : memref<!tpu.dma_semaphore, #tpu.memory_space<semaphore_mem>>) src(%dma_wait3A_349 : memref<262144xf32, #tpu.memory_space<hbm>>) dst(%arg20 : memref<512xf32, #tpu.memory_space<vmem>>)
      %mul3A_350 = arith.constant 3 : i32
      %mul3A_351 = arith.muli %shift_right_arithmetic3A_1, %mul3A_350 : i32
      %add3A_352 = arith.constant 1 : i32
      %add3A_353 = arith.addi %mul3A_351, %add3A_352 : i32
      %mul3A_354 = arith.constant 262144 : i32
      %mul3A_355 = arith.muli %add3A_353, %mul3A_354 : i32
      %dma_wait3A_356 = tpu.memref_slice %arg3[%mul3A_355] : memref<3145728xf32, #tpu.memory_space<hbm>> -> memref<262144xf32, #tpu.memory_space<hbm>>
      %dma_wait3A_357 = arith.constant 0 : i32
      %dma_wait3A_358 = tpu.memref_slice %dma_wait3A_356[%dma_wait3A_357] : memref<262144xf32, #tpu.memory_space<hbm>> -> memref<262144xf32, #tpu.memory_space<hbm>>
      tpu.wait_indirect_dma semaphore(%arg31 : memref<!tpu.dma_semaphore, #tpu.memory_space<semaphore_mem>>) src(%dma_wait3A_358 : memref<262144xf32, #tpu.memory_space<hbm>>) dst(%arg21 : memref<512xf32, #tpu.memory_space<vmem>>)
      %mul3A_359 = arith.constant 3 : i32
      %mul3A_360 = arith.muli %shift_right_arithmetic3A_1, %mul3A_359 : i32
      %add3A_361 = arith.constant 2 : i32
      %add3A_362 = arith.addi %mul3A_360, %add3A_361 : i32
      %mul3A_363 = arith.constant 262144 : i32
      %mul3A_364 = arith.muli %add3A_362, %mul3A_363 : i32
      %dma_wait3A_365 = tpu.memref_slice %arg3[%mul3A_364] : memref<3145728xf32, #tpu.memory_space<hbm>> -> memref<262144xf32, #tpu.memory_space<hbm>>
      %dma_wait3A_366 = arith.constant 0 : i32
      %dma_wait3A_367 = tpu.memref_slice %dma_wait3A_365[%dma_wait3A_366] : memref<262144xf32, #tpu.memory_space<hbm>> -> memref<262144xf32, #tpu.memory_space<hbm>>
      tpu.wait_indirect_dma semaphore(%arg31 : memref<!tpu.dma_semaphore, #tpu.memory_space<semaphore_mem>>) src(%dma_wait3A_367 : memref<262144xf32, #tpu.memory_space<hbm>>) dst(%arg22 : memref<512xf32, #tpu.memory_space<vmem>>)
      %mul3A_368 = arith.constant 3 : i32
      %mul3A_369 = arith.muli %shift_right_arithmetic3A_1, %mul3A_368 : i32
      %add3A_370 = arith.constant 0 : i32
      %add3A_371 = arith.addi %mul3A_369, %add3A_370 : i32
      %mul3A_372 = arith.constant 262144 : i32
      %mul3A_373 = arith.muli %add3A_371, %mul3A_372 : i32
      %dma_wait3A_374 = tpu.memref_slice %arg3[%mul3A_373] : memref<3145728xf32, #tpu.memory_space<hbm>> -> memref<262144xf32, #tpu.memory_space<hbm>>
      %dma_wait3A_375 = arith.constant 0 : i32
      %dma_wait3A_376 = tpu.memref_slice %dma_wait3A_374[%dma_wait3A_375] : memref<262144xf32, #tpu.memory_space<hbm>> -> memref<262144xf32, #tpu.memory_space<hbm>>
      tpu.wait_indirect_dma semaphore(%arg31 : memref<!tpu.dma_semaphore, #tpu.memory_space<semaphore_mem>>) src(%dma_wait3A_376 : memref<262144xf32, #tpu.memory_space<hbm>>) dst(%arg23 : memref<512xf32, #tpu.memory_space<vmem>>)
      %mul3A_377 = arith.constant 3 : i32
      %mul3A_378 = arith.muli %shift_right_arithmetic3A_1, %mul3A_377 : i32
      %add3A_379 = arith.constant 1 : i32
      %add3A_380 = arith.addi %mul3A_378, %add3A_379 : i32
      %mul3A_381 = arith.constant 262144 : i32
      %mul3A_382 = arith.muli %add3A_380, %mul3A_381 : i32
      %dma_wait3A_383 = tpu.memref_slice %arg3[%mul3A_382] : memref<3145728xf32, #tpu.memory_space<hbm>> -> memref<262144xf32, #tpu.memory_space<hbm>>
      %dma_wait3A_384 = arith.constant 0 : i32
      %dma_wait3A_385 = tpu.memref_slice %dma_wait3A_383[%dma_wait3A_384] : memref<262144xf32, #tpu.memory_space<hbm>> -> memref<262144xf32, #tpu.memory_space<hbm>>
      tpu.wait_indirect_dma semaphore(%arg31 : memref<!tpu.dma_semaphore, #tpu.memory_space<semaphore_mem>>) src(%dma_wait3A_385 : memref<262144xf32, #tpu.memory_space<hbm>>) dst(%arg24 : memref<512xf32, #tpu.memory_space<vmem>>)
      %mul3A_386 = arith.constant 3 : i32
      %mul3A_387 = arith.muli %shift_right_arithmetic3A_1, %mul3A_386 : i32
      %add3A_388 = arith.constant 2 : i32
      %add3A_389 = arith.addi %mul3A_387, %add3A_388 : i32
      %mul3A_390 = arith.constant 262144 : i32
      %mul3A_391 = arith.muli %add3A_389, %mul3A_390 : i32
      %dma_wait3A_392 = tpu.memref_slice %arg3[%mul3A_391] : memref<3145728xf32, #tpu.memory_space<hbm>> -> memref<262144xf32, #tpu.memory_space<hbm>>
      %dma_wait3A_393 = arith.constant 0 : i32
      %dma_wait3A_394 = tpu.memref_slice %dma_wait3A_392[%dma_wait3A_393] : memref<262144xf32, #tpu.memory_space<hbm>> -> memref<262144xf32, #tpu.memory_space<hbm>>
      tpu.wait_indirect_dma semaphore(%arg31 : memref<!tpu.dma_semaphore, #tpu.memory_space<semaphore_mem>>) src(%dma_wait3A_394 : memref<262144xf32, #tpu.memory_space<hbm>>) dst(%arg25 : memref<512xf32, #tpu.memory_space<vmem>>)
      %mul3A_395 = arith.constant 262144 : i32
      %mul3A_396 = arith.muli %shift_right_arithmetic3A_1, %mul3A_395 : i32
      %dma_wait3A_397 = tpu.memref_slice %arg4[%mul3A_396] : memref<1048576xf32, #tpu.memory_space<hbm>> -> memref<262144xf32, #tpu.memory_space<hbm>>
      %dma_wait3A_398 = arith.constant 0 : i32
      %dma_wait3A_399 = tpu.memref_slice %dma_wait3A_397[%dma_wait3A_398] : memref<262144xf32, #tpu.memory_space<hbm>> -> memref<262144xf32, #tpu.memory_space<hbm>>
      tpu.wait_indirect_dma semaphore(%arg31 : memref<!tpu.dma_semaphore, #tpu.memory_space<semaphore_mem>>) src(%dma_wait3A_399 : memref<262144xf32, #tpu.memory_space<hbm>>) dst(%arg26 : memref<512xf32, #tpu.memory_space<vmem>>)
      %scan3A_400 = arith.constant 0 : i32
      %scan3A_401 = arith.constant 0 : i32
      %scan3A_402 = arith.constant 32 : i32
      %scan3A_403 = arith.addi %scan3A_401, %scan3A_402 : i32
      %scan3A_404 = arith.constant 2 : i32
      scf.for %scan3A_538 = %scan3A_401 to %scan3A_403 step %scan3A_404  : i32 {
        %mul3A_539 = arith.constant 16 : i32
        %mul3A_540 = arith.muli %scan3A_538, %mul3A_539 : i32
        %add3A_541 = vector.broadcast %mul3A_540 : i32 to vector<16xi32>
        %add3A_542 = arith.addi %add3A_541, %iota3A : vector<16xi32>
        %get3A_543 = arith.index_cast %mul3A_540 : i32 to index
        %get3A_544 = tpu.vector_load %arg27[%get3A_543] {strides = array<i32>} : memref<512xf32, #tpu.memory_space<vmem>>, vector<16xf32>,
        %get3A_545 = arith.index_cast %mul3A_540 : i32 to index
        %get3A_546 = tpu.vector_load %arg28[%get3A_545] {strides = array<i32>} : memref<512xf32, #tpu.memory_space<vmem>>, vector<16xf32>,
        %get3A_547 = arith.index_cast %mul3A_540 : i32 to index
        %get3A_548 = tpu.vector_load %arg29[%get3A_547] {strides = array<i32>} : memref<512xf32, #tpu.memory_space<vmem>>, vector<16xf32>,
        %get3A_549 = arith.index_cast %mul3A_540 : i32 to index
        %get3A_550 = tpu.vector_load %arg26[%get3A_549] {strides = array<i32>} : memref<512xf32, #tpu.memory_space<vmem>>, vector<16xf32>,
        %convert_element_type3A_551 = arith.fptosi %get3A_544 : vector<16xf32> to vector<16xi32>
        %convert_element_type3A_552 = arith.sitofp %convert_element_type3A_551 : vector<16xi32> to vector<16xf32>
        %lt3A_553 = arith.cmpf olt, %get3A_544, %convert_element_type3A_552 : vector<16xf32>
        %jit3A = arith.constant 1 : i32
        %jit3A_554 = arith.constant 0 : i32
        %broadcast_in_dim3A = vector.broadcast %jit3A : i32 to vector<16xi32>
        %broadcast_in_dim3A_555 = vector.broadcast %jit3A_554 : i32 to vector<16xi32>
        %select_n3A = arith.select %lt3A_553, %broadcast_in_dim3A, %broadcast_in_dim3A_555 : vector<16xi1>, vector<16xi32>
        %sub3A = arith.subi %convert_element_type3A_551, %select_n3A : vector<16xi32>
        %convert_element_type3A_556 = arith.fptosi %get3A_546 : vector<16xf32> to vector<16xi32>
        %convert_element_type3A_557 = arith.sitofp %convert_element_type3A_556 : vector<16xi32> to vector<16xf32>
        %lt3A_558 = arith.cmpf olt, %get3A_546, %convert_element_type3A_557 : vector<16xf32>
        %jit3A_559 = arith.constant 1 : i32
        %jit3A_560 = arith.constant 0 : i32
        %broadcast_in_dim3A_561 = vector.broadcast %jit3A_559 : i32 to vector<16xi32>
        %broadcast_in_dim3A_562 = vector.broadcast %jit3A_560 : i32 to vector<16xi32>
        %select_n3A_563 = arith.select %lt3A_558, %broadcast_in_dim3A_561, %broadcast_in_dim3A_562 : vector<16xi1>, vector<16xi32>
        %sub3A_564 = arith.subi %convert_element_type3A_556, %select_n3A_563 : vector<16xi32>
        %convert_element_type3A_565 = arith.sitofp %sub3A : vector<16xi32> to vector<16xf32>
        %sub3A_566 = arith.subf %get3A_544, %convert_element_type3A_565 : vector<16xf32>
        %convert_element_type3A_567 = arith.sitofp %sub3A_564 : vector<16xi32> to vector<16xf32>
        %sub3A_568 = arith.subf %get3A_546, %convert_element_type3A_567 : vector<16xf32>
        %add3A_569 = arith.constant 1 : i32
        %add3A_570 = vector.broadcast %add3A_569 : i32 to vector<16xi32>
        %add3A_571 = arith.addi %sub3A, %add3A_570 : vector<16xi32>
        %add3A_572 = arith.constant 1 : i32
        %add3A_573 = vector.broadcast %add3A_572 : i32 to vector<16xi32>
        %add3A_574 = arith.addi %sub3A_564, %add3A_573 : vector<16xi32>
        %ge3A = arith.constant 0 : i32
        %ge3A_575 = vector.broadcast %ge3A : i32 to vector<16xi32>
        %ge3A_576 = arith.cmpi sge, %sub3A, %ge3A_575 : vector<16xi32>
        %lt3A_577 = arith.constant 512 : i32
        %lt3A_578 = vector.broadcast %lt3A_577 : i32 to vector<16xi32>
        %lt3A_579 = arith.cmpi slt, %sub3A, %lt3A_578 : vector<16xi32>
        %and3A = arith.andi %ge3A_576, %lt3A_579 : vector<16xi1>
        %ge3A_580 = arith.constant 0 : i32
        %ge3A_581 = vector.broadcast %ge3A_580 : i32 to vector<16xi32>
        %ge3A_582 = arith.cmpi sge, %add3A_571, %ge3A_581 : vector<16xi32>
        %lt3A_583 = arith.constant 512 : i32
        %lt3A_584 = vector.broadcast %lt3A_583 : i32 to vector<16xi32>
        %lt3A_585 = arith.cmpi slt, %add3A_571, %lt3A_584 : vector<16xi32>
        %and3A_586 = arith.andi %ge3A_582, %lt3A_585 : vector<16xi1>
        %ge3A_587 = arith.constant 0 : i32
        %ge3A_588 = vector.broadcast %ge3A_587 : i32 to vector<16xi32>
        %ge3A_589 = arith.cmpi sge, %sub3A_564, %ge3A_588 : vector<16xi32>
        %lt3A_590 = arith.constant 512 : i32
        %lt3A_591 = vector.broadcast %lt3A_590 : i32 to vector<16xi32>
        %lt3A_592 = arith.cmpi slt, %sub3A_564, %lt3A_591 : vector<16xi32>
        %and3A_593 = arith.andi %ge3A_589, %lt3A_592 : vector<16xi1>
        %ge3A_594 = arith.constant 0 : i32
        %ge3A_595 = vector.broadcast %ge3A_594 : i32 to vector<16xi32>
        %ge3A_596 = arith.cmpi sge, %add3A_574, %ge3A_595 : vector<16xi32>
        %lt3A_597 = arith.constant 512 : i32
        %lt3A_598 = vector.broadcast %lt3A_597 : i32 to vector<16xi32>
        %lt3A_599 = arith.cmpi slt, %add3A_574, %lt3A_598 : vector<16xi32>
        %and3A_600 = arith.andi %ge3A_596, %lt3A_599 : vector<16xi1>
        %sub3A_601 = arith.constant 1.000000e+00 : f32
        %sub3A_602 = vector.broadcast %sub3A_601 : f32 to vector<16xf32>
        %sub3A_603 = arith.subf %sub3A_602, %sub3A_566 : vector<16xf32>
        %sub3A_604 = arith.constant 1.000000e+00 : f32
        %sub3A_605 = vector.broadcast %sub3A_604 : f32 to vector<16xf32>
        %sub3A_606 = arith.subf %sub3A_605, %sub3A_568 : vector<16xf32>
        %and3A_607 = arith.andi %and3A, %and3A_593 : vector<16xi1>
        %mul3A_608 = arith.mulf %sub3A_603, %sub3A_606 : vector<16xf32>
        %jit3A_609 = arith.constant 0.000000e+00 : f32
        %broadcast_in_dim3A_610 = vector.broadcast %jit3A_609 : f32 to vector<16xf32>
        %select_n3A_611 = arith.select %and3A_607, %mul3A_608, %broadcast_in_dim3A_610 : vector<16xi1>, vector<16xf32>
        %and3A_612 = arith.andi %and3A_586, %and3A_593 : vector<16xi1>
        %mul3A_613 = arith.mulf %sub3A_566, %sub3A_606 : vector<16xf32>
        %jit3A_614 = arith.constant 0.000000e+00 : f32
        %broadcast_in_dim3A_615 = vector.broadcast %jit3A_614 : f32 to vector<16xf32>
        %select_n3A_616 = arith.select %and3A_612, %mul3A_613, %broadcast_in_dim3A_615 : vector<16xi1>, vector<16xf32>
        %and3A_617 = arith.andi %and3A, %and3A_600 : vector<16xi1>
        %mul3A_618 = arith.mulf %sub3A_603, %sub3A_568 : vector<16xf32>
        %jit3A_619 = arith.constant 0.000000e+00 : f32
        %broadcast_in_dim3A_620 = vector.broadcast %jit3A_619 : f32 to vector<16xf32>
        %select_n3A_621 = arith.select %and3A_617, %mul3A_618, %broadcast_in_dim3A_620 : vector<16xi1>, vector<16xf32>
        %and3A_622 = arith.andi %and3A_586, %and3A_600 : vector<16xi1>
        %mul3A_623 = arith.mulf %sub3A_566, %sub3A_568 : vector<16xf32>
        %jit3A_624 = arith.constant 0.000000e+00 : f32
        %broadcast_in_dim3A_625 = vector.broadcast %jit3A_624 : f32 to vector<16xf32>
        %select_n3A_626 = arith.select %and3A_622, %mul3A_623, %broadcast_in_dim3A_625 : vector<16xi1>, vector<16xf32>
        %add3A_627 = arith.constant 5.000000e-01 : f32
        %add3A_628 = vector.broadcast %add3A_627 : f32 to vector<16xf32>
        %add3A_629 = arith.addf %get3A_544, %add3A_628 : vector<16xf32>
        %add3A_630 = arith.constant 5.000000e-01 : f32
        %add3A_631 = vector.broadcast %add3A_630 : f32 to vector<16xf32>
        %add3A_632 = arith.addf %get3A_546, %add3A_631 : vector<16xf32>
        %gt3A = arith.constant 0.000000e+00 : f32
        %gt3A_633 = vector.broadcast %gt3A : f32 to vector<16xf32>
        %gt3A_634 = arith.cmpf ogt, %get3A_548, %gt3A_633 : vector<16xf32>
        %ge3A_635 = arith.constant 0.000000e+00 : f32
        %ge3A_636 = vector.broadcast %ge3A_635 : f32 to vector<16xf32>
        %ge3A_637 = arith.cmpf oge, %add3A_629, %ge3A_636 : vector<16xf32>
        %and3A_638 = arith.andi %gt3A_634, %ge3A_637 : vector<16xi1>
        %lt3A_639 = arith.constant 5.120000e+02 : f32
        %lt3A_640 = vector.broadcast %lt3A_639 : f32 to vector<16xf32>
        %lt3A_641 = arith.cmpf olt, %add3A_629, %lt3A_640 : vector<16xf32>
        %and3A_642 = arith.andi %and3A_638, %lt3A_641 : vector<16xi1>
        %ge3A_643 = arith.constant 0.000000e+00 : f32
        %ge3A_644 = vector.broadcast %ge3A_643 : f32 to vector<16xf32>
        %ge3A_645 = arith.cmpf oge, %add3A_632, %ge3A_644 : vector<16xf32>
        %and3A_646 = arith.andi %and3A_642, %ge3A_645 : vector<16xi1>
        %lt3A_647 = arith.constant 5.120000e+02 : f32
        %lt3A_648 = vector.broadcast %lt3A_647 : f32 to vector<16xf32>
        %lt3A_649 = arith.cmpf olt, %add3A_632, %lt3A_648 : vector<16xf32>
        %and3A_650 = arith.andi %and3A_646, %lt3A_649 : vector<16xi1>
        %le3A = arith.cmpf ole, %get3A_548, %get3A_550 : vector<16xf32>
        %and3A_651 = arith.andi %and3A_650, %le3A : vector<16xi1>
        %mul3A_652 = arith.constant 3 : i32
        %mul3A_653 = vector.broadcast %mul3A_652 : i32 to vector<16xi32>
        %mul3A_654 = arith.muli %add3A_542, %mul3A_653 : vector<16xi32>
        %get3A_655 = arith.index_cast %mul3A_540 : i32 to index
        %get3A_656 = tpu.vector_load %arg14[%get3A_655] {strides = array<i32>} : memref<512xf32, #tpu.memory_space<vmem>>, vector<16xf32>,
        %mul3A_657 = arith.mulf %get3A_656, %select_n3A_611 : vector<16xf32>
        %get3A_658 = arith.index_cast %mul3A_540 : i32 to index
        %get3A_659 = tpu.vector_load %arg17[%get3A_658] {strides = array<i32>} : memref<512xf32, #tpu.memory_space<vmem>>, vector<16xf32>,
        %mul3A_660 = arith.mulf %get3A_659, %select_n3A_616 : vector<16xf32>
        %add3A_661 = arith.addf %mul3A_657, %mul3A_660 : vector<16xf32>
        %get3A_662 = arith.index_cast %mul3A_540 : i32 to index
        %get3A_663 = tpu.vector_load %arg20[%get3A_662] {strides = array<i32>} : memref<512xf32, #tpu.memory_space<vmem>>, vector<16xf32>,
        %mul3A_664 = arith.mulf %get3A_663, %select_n3A_621 : vector<16xf32>
        %add3A_665 = arith.addf %add3A_661, %mul3A_664 : vector<16xf32>
        %get3A_666 = arith.index_cast %mul3A_540 : i32 to index
        %get3A_667 = tpu.vector_load %arg23[%get3A_666] {strides = array<i32>} : memref<512xf32, #tpu.memory_space<vmem>>, vector<16xf32>,
        %mul3A_668 = arith.mulf %get3A_667, %select_n3A_626 : vector<16xf32>
        %add3A_669 = arith.addf %add3A_665, %mul3A_668 : vector<16xf32>
        %add3A_670 = arith.constant 0 : i32
        %add3A_671 = vector.broadcast %add3A_670 : i32 to vector<16xi32>
        %add3A_672 = arith.addi %mul3A_654, %add3A_671 : vector<16xi32>
        %jit3A_673 = arith.constant 0.000000e+00 : f32
        %broadcast_in_dim3A_674 = vector.broadcast %jit3A_673 : f32 to vector<16xf32>
        %select_n3A_675 = arith.select %and3A_651, %add3A_669, %broadcast_in_dim3A_674 : vector<16xi1>, vector<16xf32>
        tpu.vector_store_idx %arg30[%add3A_672], %select_n3A_675 : memref<1536xf32, #tpu.memory_space<vmem>>[vector<16xi32>], vector<16xf32>,
        %get3A_676 = arith.index_cast %mul3A_540 : i32 to index
        %get3A_677 = tpu.vector_load %arg15[%get3A_676] {strides = array<i32>} : memref<512xf32, #tpu.memory_space<vmem>>, vector<16xf32>,
        %mul3A_678 = arith.mulf %get3A_677, %select_n3A_611 : vector<16xf32>
        %get3A_679 = arith.index_cast %mul3A_540 : i32 to index
        %get3A_680 = tpu.vector_load %arg18[%get3A_679] {strides = array<i32>} : memref<512xf32, #tpu.memory_space<vmem>>, vector<16xf32>,
        %mul3A_681 = arith.mulf %get3A_680, %select_n3A_616 : vector<16xf32>
        %add3A_682 = arith.addf %mul3A_678, %mul3A_681 : vector<16xf32>
        %get3A_683 = arith.index_cast %mul3A_540 : i32 to index
        %get3A_684 = tpu.vector_load %arg21[%get3A_683] {strides = array<i32>} : memref<512xf32, #tpu.memory_space<vmem>>, vector<16xf32>,
        %mul3A_685 = arith.mulf %get3A_684, %select_n3A_621 : vector<16xf32>
        %add3A_686 = arith.addf %add3A_682, %mul3A_685 : vector<16xf32>
        %get3A_687 = arith.index_cast %mul3A_540 : i32 to index
        %get3A_688 = tpu.vector_load %arg24[%get3A_687] {strides = array<i32>} : memref<512xf32, #tpu.memory_space<vmem>>, vector<16xf32>,
        %mul3A_689 = arith.mulf %get3A_688, %select_n3A_626 : vector<16xf32>
        %add3A_690 = arith.addf %add3A_686, %mul3A_689 : vector<16xf32>
        %add3A_691 = arith.constant 1 : i32
        %add3A_692 = vector.broadcast %add3A_691 : i32 to vector<16xi32>
        %add3A_693 = arith.addi %mul3A_654, %add3A_692 : vector<16xi32>
        %jit3A_694 = arith.constant 0.000000e+00 : f32
        %broadcast_in_dim3A_695 = vector.broadcast %jit3A_694 : f32 to vector<16xf32>
        %select_n3A_696 = arith.select %and3A_651, %add3A_690, %broadcast_in_dim3A_695 : vector<16xi1>, vector<16xf32>
        tpu.vector_store_idx %arg30[%add3A_693], %select_n3A_696 : memref<1536xf32, #tpu.memory_space<vmem>>[vector<16xi32>], vector<16xf32>,
        %get3A_697 = arith.index_cast %mul3A_540 : i32 to index
        %get3A_698 = tpu.vector_load %arg16[%get3A_697] {strides = array<i32>} : memref<512xf32, #tpu.memory_space<vmem>>, vector<16xf32>,
        %mul3A_699 = arith.mulf %get3A_698, %select_n3A_611 : vector<16xf32>
        %get3A_700 = arith.index_cast %mul3A_540 : i32 to index
        %get3A_701 = tpu.vector_load %arg19[%get3A_700] {strides = array<i32>} : memref<512xf32, #tpu.memory_space<vmem>>, vector<16xf32>,
        %mul3A_702 = arith.mulf %get3A_701, %select_n3A_616 : vector<16xf32>
        %add3A_703 = arith.addf %mul3A_699, %mul3A_702 : vector<16xf32>
        %get3A_704 = arith.index_cast %mul3A_540 : i32 to index
        %get3A_705 = tpu.vector_load %arg22[%get3A_704] {strides = array<i32>} : memref<512xf32, #tpu.memory_space<vmem>>, vector<16xf32>,
        %mul3A_706 = arith.mulf %get3A_705, %select_n3A_621 : vector<16xf32>
        %add3A_707 = arith.addf %add3A_703, %mul3A_706 : vector<16xf32>
        %get3A_708 = arith.index_cast %mul3A_540 : i32 to index
        %get3A_709 = tpu.vector_load %arg25[%get3A_708] {strides = array<i32>} : memref<512xf32, #tpu.memory_space<vmem>>, vector<16xf32>,
        %mul3A_710 = arith.mulf %get3A_709, %select_n3A_626 : vector<16xf32>
        %add3A_711 = arith.addf %add3A_707, %mul3A_710 : vector<16xf32>
        %add3A_712 = arith.constant 2 : i32
        %add3A_713 = vector.broadcast %add3A_712 : i32 to vector<16xi32>
        %add3A_714 = arith.addi %mul3A_654, %add3A_713 : vector<16xi32>
        %jit3A_715 = arith.constant 0.000000e+00 : f32
        %broadcast_in_dim3A_716 = vector.broadcast %jit3A_715 : f32 to vector<16xf32>
        %select_n3A_717 = arith.select %and3A_651, %add3A_711, %broadcast_in_dim3A_716 : vector<16xi1>, vector<16xf32>
        tpu.vector_store_idx %arg30[%add3A_714], %select_n3A_717 : memref<1536xf32, #tpu.memory_space<vmem>>[vector<16xi32>], vector<16xf32>,
        %scan3A_718 = arith.constant 1 : i32
        %scan3A_719 = arith.addi %scan3A_538, %scan3A_718 : i32
        %mul3A_720 = arith.constant 16 : i32
        %mul3A_721 = arith.muli %scan3A_719, %mul3A_720 : i32
        %add3A_722 = vector.broadcast %mul3A_721 : i32 to vector<16xi32>
        %add3A_723 = arith.addi %add3A_722, %iota3A : vector<16xi32>
        %get3A_724 = arith.index_cast %mul3A_721 : i32 to index
        %get3A_725 = tpu.vector_load %arg27[%get3A_724] {strides = array<i32>} : memref<512xf32, #tpu.memory_space<vmem>>, vector<16xf32>,
        %get3A_726 = arith.index_cast %mul3A_721 : i32 to index
        %get3A_727 = tpu.vector_load %arg28[%get3A_726] {strides = array<i32>} : memref<512xf32, #tpu.memory_space<vmem>>, vector<16xf32>,
        %get3A_728 = arith.index_cast %mul3A_721 : i32 to index
        %get3A_729 = tpu.vector_load %arg29[%get3A_728] {strides = array<i32>} : memref<512xf32, #tpu.memory_space<vmem>>, vector<16xf32>,
        %get3A_730 = arith.index_cast %mul3A_721 : i32 to index
        %get3A_731 = tpu.vector_load %arg26[%get3A_730] {strides = array<i32>} : memref<512xf32, #tpu.memory_space<vmem>>, vector<16xf32>,
        %convert_element_type3A_732 = arith.fptosi %get3A_725 : vector<16xf32> to vector<16xi32>
        %convert_element_type3A_733 = arith.sitofp %convert_element_type3A_732 : vector<16xi32> to vector<16xf32>
        %lt3A_734 = arith.cmpf olt, %get3A_725, %convert_element_type3A_733 : vector<16xf32>
        %jit3A_735 = arith.constant 1 : i32
        %jit3A_736 = arith.constant 0 : i32
        %broadcast_in_dim3A_737 = vector.broadcast %jit3A_735 : i32 to vector<16xi32>
        %broadcast_in_dim3A_738 = vector.broadcast %jit3A_736 : i32 to vector<16xi32>
        %select_n3A_739 = arith.select %lt3A_734, %broadcast_in_dim3A_737, %broadcast_in_dim3A_738 : vector<16xi1>, vector<16xi32>
        %sub3A_740 = arith.subi %convert_element_type3A_732, %select_n3A_739 : vector<16xi32>
        %convert_element_type3A_741 = arith.fptosi %get3A_727 : vector<16xf32> to vector<16xi32>
        %convert_element_type3A_742 = arith.sitofp %convert_element_type3A_741 : vector<16xi32> to vector<16xf32>
        %lt3A_743 = arith.cmpf olt, %get3A_727, %convert_element_type3A_742 : vector<16xf32>
        %jit3A_744 = arith.constant 1 : i32
        %jit3A_745 = arith.constant 0 : i32
        %broadcast_in_dim3A_746 = vector.broadcast %jit3A_744 : i32 to vector<16xi32>
        %broadcast_in_dim3A_747 = vector.broadcast %jit3A_745 : i32 to vector<16xi32>
        %select_n3A_748 = arith.select %lt3A_743, %broadcast_in_dim3A_746, %broadcast_in_dim3A_747 : vector<16xi1>, vector<16xi32>
        %sub3A_749 = arith.subi %convert_element_type3A_741, %select_n3A_748 : vector<16xi32>
        %convert_element_type3A_750 = arith.sitofp %sub3A_740 : vector<16xi32> to vector<16xf32>
        %sub3A_751 = arith.subf %get3A_725, %convert_element_type3A_750 : vector<16xf32>
        %convert_element_type3A_752 = arith.sitofp %sub3A_749 : vector<16xi32> to vector<16xf32>
        %sub3A_753 = arith.subf %get3A_727, %convert_element_type3A_752 : vector<16xf32>
        %add3A_754 = arith.constant 1 : i32
        %add3A_755 = vector.broadcast %add3A_754 : i32 to vector<16xi32>
        %add3A_756 = arith.addi %sub3A_740, %add3A_755 : vector<16xi32>
        %add3A_757 = arith.constant 1 : i32
        %add3A_758 = vector.broadcast %add3A_757 : i32 to vector<16xi32>
        %add3A_759 = arith.addi %sub3A_749, %add3A_758 : vector<16xi32>
        %ge3A_760 = arith.constant 0 : i32
        %ge3A_761 = vector.broadcast %ge3A_760 : i32 to vector<16xi32>
        %ge3A_762 = arith.cmpi sge, %sub3A_740, %ge3A_761 : vector<16xi32>
        %lt3A_763 = arith.constant 512 : i32
        %lt3A_764 = vector.broadcast %lt3A_763 : i32 to vector<16xi32>
        %lt3A_765 = arith.cmpi slt, %sub3A_740, %lt3A_764 : vector<16xi32>
        %and3A_766 = arith.andi %ge3A_762, %lt3A_765 : vector<16xi1>
        %ge3A_767 = arith.constant 0 : i32
        %ge3A_768 = vector.broadcast %ge3A_767 : i32 to vector<16xi32>
        %ge3A_769 = arith.cmpi sge, %add3A_756, %ge3A_768 : vector<16xi32>
        %lt3A_770 = arith.constant 512 : i32
        %lt3A_771 = vector.broadcast %lt3A_770 : i32 to vector<16xi32>
        %lt3A_772 = arith.cmpi slt, %add3A_756, %lt3A_771 : vector<16xi32>
        %and3A_773 = arith.andi %ge3A_769, %lt3A_772 : vector<16xi1>
        %ge3A_774 = arith.constant 0 : i32
        %ge3A_775 = vector.broadcast %ge3A_774 : i32 to vector<16xi32>
        %ge3A_776 = arith.cmpi sge, %sub3A_749, %ge3A_775 : vector<16xi32>
        %lt3A_777 = arith.constant 512 : i32
        %lt3A_778 = vector.broadcast %lt3A_777 : i32 to vector<16xi32>
        %lt3A_779 = arith.cmpi slt, %sub3A_749, %lt3A_778 : vector<16xi32>
        %and3A_780 = arith.andi %ge3A_776, %lt3A_779 : vector<16xi1>
        %ge3A_781 = arith.constant 0 : i32
        %ge3A_782 = vector.broadcast %ge3A_781 : i32 to vector<16xi32>
        %ge3A_783 = arith.cmpi sge, %add3A_759, %ge3A_782 : vector<16xi32>
        %lt3A_784 = arith.constant 512 : i32
        %lt3A_785 = vector.broadcast %lt3A_784 : i32 to vector<16xi32>
        %lt3A_786 = arith.cmpi slt, %add3A_759, %lt3A_785 : vector<16xi32>
        %and3A_787 = arith.andi %ge3A_783, %lt3A_786 : vector<16xi1>
        %sub3A_788 = arith.constant 1.000000e+00 : f32
        %sub3A_789 = vector.broadcast %sub3A_788 : f32 to vector<16xf32>
        %sub3A_790 = arith.subf %sub3A_789, %sub3A_751 : vector<16xf32>
        %sub3A_791 = arith.constant 1.000000e+00 : f32
        %sub3A_792 = vector.broadcast %sub3A_791 : f32 to vector<16xf32>
        %sub3A_793 = arith.subf %sub3A_792, %sub3A_753 : vector<16xf32>
        %and3A_794 = arith.andi %and3A_766, %and3A_780 : vector<16xi1>
        %mul3A_795 = arith.mulf %sub3A_790, %sub3A_793 : vector<16xf32>
        %jit3A_796 = arith.constant 0.000000e+00 : f32
        %broadcast_in_dim3A_797 = vector.broadcast %jit3A_796 : f32 to vector<16xf32>
        %select_n3A_798 = arith.select %and3A_794, %mul3A_795, %broadcast_in_dim3A_797 : vector<16xi1>, vector<16xf32>
        %and3A_799 = arith.andi %and3A_773, %and3A_780 : vector<16xi1>
        %mul3A_800 = arith.mulf %sub3A_751, %sub3A_793 : vector<16xf32>
        %jit3A_801 = arith.constant 0.000000e+00 : f32
        %broadcast_in_dim3A_802 = vector.broadcast %jit3A_801 : f32 to vector<16xf32>
        %select_n3A_803 = arith.select %and3A_799, %mul3A_800, %broadcast_in_dim3A_802 : vector<16xi1>, vector<16xf32>
        %and3A_804 = arith.andi %and3A_766, %and3A_787 : vector<16xi1>
        %mul3A_805 = arith.mulf %sub3A_790, %sub3A_753 : vector<16xf32>
        %jit3A_806 = arith.constant 0.000000e+00 : f32
        %broadcast_in_dim3A_807 = vector.broadcast %jit3A_806 : f32 to vector<16xf32>
        %select_n3A_808 = arith.select %and3A_804, %mul3A_805, %broadcast_in_dim3A_807 : vector<16xi1>, vector<16xf32>
        %and3A_809 = arith.andi %and3A_773, %and3A_787 : vector<16xi1>
        %mul3A_810 = arith.mulf %sub3A_751, %sub3A_753 : vector<16xf32>
        %jit3A_811 = arith.constant 0.000000e+00 : f32
        %broadcast_in_dim3A_812 = vector.broadcast %jit3A_811 : f32 to vector<16xf32>
        %select_n3A_813 = arith.select %and3A_809, %mul3A_810, %broadcast_in_dim3A_812 : vector<16xi1>, vector<16xf32>
        %add3A_814 = arith.constant 5.000000e-01 : f32
        %add3A_815 = vector.broadcast %add3A_814 : f32 to vector<16xf32>
        %add3A_816 = arith.addf %get3A_725, %add3A_815 : vector<16xf32>
        %add3A_817 = arith.constant 5.000000e-01 : f32
        %add3A_818 = vector.broadcast %add3A_817 : f32 to vector<16xf32>
        %add3A_819 = arith.addf %get3A_727, %add3A_818 : vector<16xf32>
        %gt3A_820 = arith.constant 0.000000e+00 : f32
        %gt3A_821 = vector.broadcast %gt3A_820 : f32 to vector<16xf32>
        %gt3A_822 = arith.cmpf ogt, %get3A_729, %gt3A_821 : vector<16xf32>
        %ge3A_823 = arith.constant 0.000000e+00 : f32
        %ge3A_824 = vector.broadcast %ge3A_823 : f32 to vector<16xf32>
        %ge3A_825 = arith.cmpf oge, %add3A_816, %ge3A_824 : vector<16xf32>
        %and3A_826 = arith.andi %gt3A_822, %ge3A_825 : vector<16xi1>
        %lt3A_827 = arith.constant 5.120000e+02 : f32
        %lt3A_828 = vector.broadcast %lt3A_827 : f32 to vector<16xf32>
        %lt3A_829 = arith.cmpf olt, %add3A_816, %lt3A_828 : vector<16xf32>
        %and3A_830 = arith.andi %and3A_826, %lt3A_829 : vector<16xi1>
        %ge3A_831 = arith.constant 0.000000e+00 : f32
        %ge3A_832 = vector.broadcast %ge3A_831 : f32 to vector<16xf32>
        %ge3A_833 = arith.cmpf oge, %add3A_819, %ge3A_832 : vector<16xf32>
        %and3A_834 = arith.andi %and3A_830, %ge3A_833 : vector<16xi1>
        %lt3A_835 = arith.constant 5.120000e+02 : f32
        %lt3A_836 = vector.broadcast %lt3A_835 : f32 to vector<16xf32>
        %lt3A_837 = arith.cmpf olt, %add3A_819, %lt3A_836 : vector<16xf32>
        %and3A_838 = arith.andi %and3A_834, %lt3A_837 : vector<16xi1>
        %le3A_839 = arith.cmpf ole, %get3A_729, %get3A_731 : vector<16xf32>
        %and3A_840 = arith.andi %and3A_838, %le3A_839 : vector<16xi1>
        %mul3A_841 = arith.constant 3 : i32
        %mul3A_842 = vector.broadcast %mul3A_841 : i32 to vector<16xi32>
        %mul3A_843 = arith.muli %add3A_723, %mul3A_842 : vector<16xi32>
        %get3A_844 = arith.index_cast %mul3A_721 : i32 to index
        %get3A_845 = tpu.vector_load %arg14[%get3A_844] {strides = array<i32>} : memref<512xf32, #tpu.memory_space<vmem>>, vector<16xf32>,
        %mul3A_846 = arith.mulf %get3A_845, %select_n3A_798 : vector<16xf32>
        %get3A_847 = arith.index_cast %mul3A_721 : i32 to index
        %get3A_848 = tpu.vector_load %arg17[%get3A_847] {strides = array<i32>} : memref<512xf32, #tpu.memory_space<vmem>>, vector<16xf32>,
        %mul3A_849 = arith.mulf %get3A_848, %select_n3A_803 : vector<16xf32>
        %add3A_850 = arith.addf %mul3A_846, %mul3A_849 : vector<16xf32>
        %get3A_851 = arith.index_cast %mul3A_721 : i32 to index
        %get3A_852 = tpu.vector_load %arg20[%get3A_851] {strides = array<i32>} : memref<512xf32, #tpu.memory_space<vmem>>, vector<16xf32>,
        %mul3A_853 = arith.mulf %get3A_852, %select_n3A_808 : vector<16xf32>
        %add3A_854 = arith.addf %add3A_850, %mul3A_853 : vector<16xf32>
        %get3A_855 = arith.index_cast %mul3A_721 : i32 to index
        %get3A_856 = tpu.vector_load %arg23[%get3A_855] {strides = array<i32>} : memref<512xf32, #tpu.memory_space<vmem>>, vector<16xf32>,
        %mul3A_857 = arith.mulf %get3A_856, %select_n3A_813 : vector<16xf32>
        %add3A_858 = arith.addf %add3A_854, %mul3A_857 : vector<16xf32>
        %add3A_859 = arith.constant 0 : i32
        %add3A_860 = vector.broadcast %add3A_859 : i32 to vector<16xi32>
        %add3A_861 = arith.addi %mul3A_843, %add3A_860 : vector<16xi32>
        %jit3A_862 = arith.constant 0.000000e+00 : f32
        %broadcast_in_dim3A_863 = vector.broadcast %jit3A_862 : f32 to vector<16xf32>
        %select_n3A_864 = arith.select %and3A_840, %add3A_858, %broadcast_in_dim3A_863 : vector<16xi1>, vector<16xf32>
        tpu.vector_store_idx %arg30[%add3A_861], %select_n3A_864 : memref<1536xf32, #tpu.memory_space<vmem>>[vector<16xi32>], vector<16xf32>,
        %get3A_865 = arith.index_cast %mul3A_721 : i32 to index
        %get3A_866 = tpu.vector_load %arg15[%get3A_865] {strides = array<i32>} : memref<512xf32, #tpu.memory_space<vmem>>, vector<16xf32>,
        %mul3A_867 = arith.mulf %get3A_866, %select_n3A_798 : vector<16xf32>
        %get3A_868 = arith.index_cast %mul3A_721 : i32 to index
        %get3A_869 = tpu.vector_load %arg18[%get3A_868] {strides = array<i32>} : memref<512xf32, #tpu.memory_space<vmem>>, vector<16xf32>,
        %mul3A_870 = arith.mulf %get3A_869, %select_n3A_803 : vector<16xf32>
        %add3A_871 = arith.addf %mul3A_867, %mul3A_870 : vector<16xf32>
        %get3A_872 = arith.index_cast %mul3A_721 : i32 to index
        %get3A_873 = tpu.vector_load %arg21[%get3A_872] {strides = array<i32>} : memref<512xf32, #tpu.memory_space<vmem>>, vector<16xf32>,
        %mul3A_874 = arith.mulf %get3A_873, %select_n3A_808 : vector<16xf32>
        %add3A_875 = arith.addf %add3A_871, %mul3A_874 : vector<16xf32>
        %get3A_876 = arith.index_cast %mul3A_721 : i32 to index
        %get3A_877 = tpu.vector_load %arg24[%get3A_876] {strides = array<i32>} : memref<512xf32, #tpu.memory_space<vmem>>, vector<16xf32>,
        %mul3A_878 = arith.mulf %get3A_877, %select_n3A_813 : vector<16xf32>
        %add3A_879 = arith.addf %add3A_875, %mul3A_878 : vector<16xf32>
        %add3A_880 = arith.constant 1 : i32
        %add3A_881 = vector.broadcast %add3A_880 : i32 to vector<16xi32>
        %add3A_882 = arith.addi %mul3A_843, %add3A_881 : vector<16xi32>
        %jit3A_883 = arith.constant 0.000000e+00 : f32
        %broadcast_in_dim3A_884 = vector.broadcast %jit3A_883 : f32 to vector<16xf32>
        %select_n3A_885 = arith.select %and3A_840, %add3A_879, %broadcast_in_dim3A_884 : vector<16xi1>, vector<16xf32>
        tpu.vector_store_idx %arg30[%add3A_882], %select_n3A_885 : memref<1536xf32, #tpu.memory_space<vmem>>[vector<16xi32>], vector<16xf32>,
        %get3A_886 = arith.index_cast %mul3A_721 : i32 to index
        %get3A_887 = tpu.vector_load %arg16[%get3A_886] {strides = array<i32>} : memref<512xf32, #tpu.memory_space<vmem>>, vector<16xf32>,
        %mul3A_888 = arith.mulf %get3A_887, %select_n3A_798 : vector<16xf32>
        %get3A_889 = arith.index_cast %mul3A_721 : i32 to index
        %get3A_890 = tpu.vector_load %arg19[%get3A_889] {strides = array<i32>} : memref<512xf32, #tpu.memory_space<vmem>>, vector<16xf32>,
        %mul3A_891 = arith.mulf %get3A_890, %select_n3A_803 : vector<16xf32>
        %add3A_892 = arith.addf %mul3A_888, %mul3A_891 : vector<16xf32>
        %get3A_893 = arith.index_cast %mul3A_721 : i32 to index
        %get3A_894 = tpu.vector_load %arg22[%get3A_893] {strides = array<i32>} : memref<512xf32, #tpu.memory_space<vmem>>, vector<16xf32>,
        %mul3A_895 = arith.mulf %get3A_894, %select_n3A_808 : vector<16xf32>
        %add3A_896 = arith.addf %add3A_892, %mul3A_895 : vector<16xf32>
        %get3A_897 = arith.index_cast %mul3A_721 : i32 to index
        %get3A_898 = tpu.vector_load %arg25[%get3A_897] {strides = array<i32>} : memref<512xf32, #tpu.memory_space<vmem>>, vector<16xf32>,
        %mul3A_899 = arith.mulf %get3A_898, %select_n3A_813 : vector<16xf32>
        %add3A_900 = arith.addf %add3A_896, %mul3A_899 : vector<16xf32>
        %add3A_901 = arith.constant 2 : i32
        %add3A_902 = vector.broadcast %add3A_901 : i32 to vector<16xi32>
        %add3A_903 = arith.addi %mul3A_843, %add3A_902 : vector<16xi32>
        %jit3A_904 = arith.constant 0.000000e+00 : f32
        %broadcast_in_dim3A_905 = vector.broadcast %jit3A_904 : f32 to vector<16xf32>
        %select_n3A_906 = arith.select %and3A_840, %add3A_900, %broadcast_in_dim3A_905 : vector<16xi1>, vector<16xf32>
        tpu.vector_store_idx %arg30[%add3A_903], %select_n3A_906 : memref<1536xf32, #tpu.memory_space<vmem>>[vector<16xi32>], vector<16xf32>,
      }
      %scan3A_405 = arith.constant 32 : i32
      %mul3A_406 = arith.constant 3 : i32
      %mul3A_407 = arith.muli %add3A_287, %mul3A_406 : i32
      "tpu.region"() ({
        %run_scoped3A = tpu.sem_alloc : memref<!tpu.dma_semaphore, #tpu.memory_space<semaphore_mem>>
        %dma_start3A_538 = tpu.memref_slice %arg6[%mul3A_407] : memref<2457600xf32, #tpu.memory_space<hbm>> -> memref<1536xf32, #tpu.memory_space<hbm>>
        %dma_start3A_539 = tpu.memref_slice %arg6[%mul3A_407] : memref<2457600xf32, #tpu.memory_space<hbm>> -> memref<1536xf32, #tpu.memory_space<hbm>>
        tpu.enqueue_dma source(%arg30 : memref<1536xf32, #tpu.memory_space<vmem>>) target(%dma_start3A_539 : memref<1536xf32, #tpu.memory_space<hbm>>) target_semaphore(%run_scoped3A : memref<!tpu.dma_semaphore, #tpu.memory_space<semaphore_mem>>)
        %dma_wait3A_540 = tpu.memref_slice %arg6[%mul3A_407] : memref<2457600xf32, #tpu.memory_space<hbm>> -> memref<1536xf32, #tpu.memory_space<hbm>>
        %dma_wait3A_541 = tpu.memref_slice %arg6[%mul3A_407] : memref<2457600xf32, #tpu.memory_space<hbm>> -> memref<1536xf32, #tpu.memory_space<hbm>>
        tpu.wait_dma2 semaphore(%run_scoped3A : memref<!tpu.dma_semaphore, #tpu.memory_space<semaphore_mem>>) src(%arg30 : memref<1536xf32, #tpu.memory_space<vmem>>) dst(%dma_wait3A_541 : memref<1536xf32, #tpu.memory_space<hbm>>)
        tpu.yield
      }) : () -> ()
      %add3A_408 = arith.constant 1 : i32
      %add3A_409 = arith.addi %scan3A_156, %add3A_408 : i32
      %lt3A = arith.constant 25 : i32
      %lt3A_410 = arith.cmpi slt, %add3A_409, %lt3A : i32
      %convert_element_type3A = arith.extui %lt3A_410 : i1 to i32
      %cond3A = arith.constant 0 : i32
      %cond3A_411 = arith.cmpi ne, %convert_element_type3A, %cond3A : i32
      scf.if %cond3A_411 {
        %add3A_538 = arith.constant 2 : i32
        %add3A_539 = arith.addi %mul3A_158, %add3A_538 : i32
        %mul3A_540 = arith.constant 512 : i32
        %mul3A_541 = arith.muli %add3A_539, %mul3A_540 : i32
        %add3A_542 = arith.addi %mul3A_3, %mul3A_541 : i32
        %mul3A_543 = arith.constant 3 : i32
        %mul3A_544 = arith.muli %add3A_542, %mul3A_543 : i32
        "tpu.region"() ({
          %run_scoped3A = tpu.sem_alloc : memref<!tpu.dma_semaphore, #tpu.memory_space<semaphore_mem>>
          %dma_start3A_664 = tpu.memref_slice %arg2[%mul3A_544] : memref<2457600xf32, #tpu.memory_space<hbm>> -> memref<1536xf32, #tpu.memory_space<hbm>>
          %dma_start3A_665 = tpu.memref_slice %arg2[%mul3A_544] : memref<2457600xf32, #tpu.memory_space<hbm>> -> memref<1536xf32, #tpu.memory_space<hbm>>
          tpu.enqueue_dma source(%dma_start3A_665 : memref<1536xf32, #tpu.memory_space<hbm>>) target(%arg8 : memref<1536xf32, #tpu.memory_space<vmem>>) target_semaphore(%run_scoped3A : memref<!tpu.dma_semaphore, #tpu.memory_space<semaphore_mem>>)
          %dma_wait3A_666 = tpu.memref_slice %arg2[%mul3A_544] : memref<2457600xf32, #tpu.memory_space<hbm>> -> memref<1536xf32, #tpu.memory_space<hbm>>
          %dma_wait3A_667 = tpu.memref_slice %arg2[%mul3A_544] : memref<2457600xf32, #tpu.memory_space<hbm>> -> memref<1536xf32, #tpu.memory_space<hbm>>
          tpu.wait_dma2 semaphore(%run_scoped3A : memref<!tpu.dma_semaphore, #tpu.memory_space<semaphore_mem>>) src(%dma_wait3A_667 : memref<1536xf32, #tpu.memory_space<hbm>>) dst(%arg8 : memref<1536xf32, #tpu.memory_space<vmem>>)
          tpu.yield
        }) : () -> ()
        %scan3A_545 = arith.constant 0 : i32
        %scan3A_546 = arith.constant 0 : i32
        %scan3A_547 = arith.constant 32 : i32
        %scan3A_548 = arith.addi %scan3A_546, %scan3A_547 : i32
        %scan3A_549 = arith.constant 2 : i32
        scf.for %scan3A_664 = %scan3A_546 to %scan3A_548 step %scan3A_549  : i32 {
          %mul3A_665 = arith.constant 16 : i32
          %mul3A_666 = arith.muli %scan3A_664, %mul3A_665 : i32
          %add3A_667 = vector.broadcast %mul3A_666 : i32 to vector<16xi32>
          %add3A_668 = arith.addi %add3A_667, %iota3A : vector<16xi32>
          %mul3A_669 = arith.constant 3 : i32
          %mul3A_670 = vector.broadcast %mul3A_669 : i32 to vector<16xi32>
          %mul3A_671 = arith.muli %add3A_668, %mul3A_670 : vector<16xi32>
          %gather3A = tpu.vector_load_idx %arg8[%mul3A_671] : memref<1536xf32, #tpu.memory_space<vmem>>[vector<16xi32>], vector<16xf32>,
          %sub3A = arith.subf %gather3A, %get3A_24 : vector<16xf32>
          %bitcast_convert_type3A = tpu.bitcast %sub3A : vector<16xf32> -> vector<16xi32>
          %add3A_672 = arith.constant 32767 : i32
          %add3A_673 = vector.broadcast %add3A_672 : i32 to vector<16xi32>
          %add3A_674 = arith.addi %bitcast_convert_type3A, %add3A_673 : vector<16xi32>
          %shift_right_arithmetic3A_675 = arith.constant 16 : i32
          %shift_right_arithmetic3A_676 = vector.broadcast %shift_right_arithmetic3A_675 : i32 to vector<16xi32>
          %shift_right_arithmetic3A_677 = arith.shrsi %bitcast_convert_type3A, %shift_right_arithmetic3A_676 : vector<16xi32>
          %and3A = arith.constant 1 : i32
          %and3A_678 = vector.broadcast %and3A : i32 to vector<16xi32>
          %and3A_679 = arith.andi %shift_right_arithmetic3A_677, %and3A_678 : vector<16xi32>
          %add3A_680 = arith.addi %add3A_674, %and3A_679 : vector<16xi32>
          %and3A_681 = arith.constant -65536 : i32
          %and3A_682 = vector.broadcast %and3A_681 : i32 to vector<16xi32>
          %and3A_683 = arith.andi %add3A_680, %and3A_682 : vector<16xi32>
          %bitcast_convert_type3A_684 = tpu.bitcast %and3A_683 : vector<16xi32> -> vector<16xf32>
          %add3A_685 = arith.constant 1 : i32
          %add3A_686 = vector.broadcast %add3A_685 : i32 to vector<16xi32>
          %add3A_687 = arith.addi %mul3A_671, %add3A_686 : vector<16xi32>
          %gather3A_688 = tpu.vector_load_idx %arg8[%add3A_687] : memref<1536xf32, #tpu.memory_space<vmem>>[vector<16xi32>], vector<16xf32>,
          %sub3A_689 = arith.subf %gather3A_688, %get3A_26 : vector<16xf32>
          %bitcast_convert_type3A_690 = tpu.bitcast %sub3A_689 : vector<16xf32> -> vector<16xi32>
          %add3A_691 = arith.constant 32767 : i32
          %add3A_692 = vector.broadcast %add3A_691 : i32 to vector<16xi32>
          %add3A_693 = arith.addi %bitcast_convert_type3A_690, %add3A_692 : vector<16xi32>
          %shift_right_arithmetic3A_694 = arith.constant 16 : i32
          %shift_right_arithmetic3A_695 = vector.broadcast %shift_right_arithmetic3A_694 : i32 to vector<16xi32>
          %shift_right_arithmetic3A_696 = arith.shrsi %bitcast_convert_type3A_690, %shift_right_arithmetic3A_695 : vector<16xi32>
          %and3A_697 = arith.constant 1 : i32
          %and3A_698 = vector.broadcast %and3A_697 : i32 to vector<16xi32>
          %and3A_699 = arith.andi %shift_right_arithmetic3A_696, %and3A_698 : vector<16xi32>
          %add3A_700 = arith.addi %add3A_693, %and3A_699 : vector<16xi32>
          %and3A_701 = arith.constant -65536 : i32
          %and3A_702 = vector.broadcast %and3A_701 : i32 to vector<16xi32>
          %and3A_703 = arith.andi %add3A_700, %and3A_702 : vector<16xi32>
          %bitcast_convert_type3A_704 = tpu.bitcast %and3A_703 : vector<16xi32> -> vector<16xf32>
          %add3A_705 = arith.constant 2 : i32
          %add3A_706 = vector.broadcast %add3A_705 : i32 to vector<16xi32>
          %add3A_707 = arith.addi %mul3A_671, %add3A_706 : vector<16xi32>
          %gather3A_708 = tpu.vector_load_idx %arg8[%add3A_707] : memref<1536xf32, #tpu.memory_space<vmem>>[vector<16xi32>], vector<16xf32>,
          %sub3A_709 = arith.subf %gather3A_708, %get3A_28 : vector<16xf32>
          %bitcast_convert_type3A_710 = tpu.bitcast %sub3A_709 : vector<16xf32> -> vector<16xi32>
          %add3A_711 = arith.constant 32767 : i32
          %add3A_712 = vector.broadcast %add3A_711 : i32 to vector<16xi32>
          %add3A_713 = arith.addi %bitcast_convert_type3A_710, %add3A_712 : vector<16xi32>
          %shift_right_arithmetic3A_714 = arith.constant 16 : i32
          %shift_right_arithmetic3A_715 = vector.broadcast %shift_right_arithmetic3A_714 : i32 to vector<16xi32>
          %shift_right_arithmetic3A_716 = arith.shrsi %bitcast_convert_type3A_710, %shift_right_arithmetic3A_715 : vector<16xi32>
          %and3A_717 = arith.constant 1 : i32
          %and3A_718 = vector.broadcast %and3A_717 : i32 to vector<16xi32>
          %and3A_719 = arith.andi %shift_right_arithmetic3A_716, %and3A_718 : vector<16xi32>
          %add3A_720 = arith.addi %add3A_713, %and3A_719 : vector<16xi32>
          %and3A_721 = arith.constant -65536 : i32
          %and3A_722 = vector.broadcast %and3A_721 : i32 to vector<16xi32>
          %and3A_723 = arith.andi %add3A_720, %and3A_722 : vector<16xi32>
          %bitcast_convert_type3A_724 = tpu.bitcast %and3A_723 : vector<16xi32> -> vector<16xf32>
          %mul3A_725 = arith.mulf %bitcast_convert_type3A_684, %get3A_6 : vector<16xf32>
          %mul3A_726 = arith.mulf %bitcast_convert_type3A_704, %get3A_8 : vector<16xf32>
          %add3A_727 = arith.addf %mul3A_725, %mul3A_726 : vector<16xf32>
          %mul3A_728 = arith.mulf %bitcast_convert_type3A_724, %get3A_10 : vector<16xf32>
          %add3A_729 = arith.addf %add3A_727, %mul3A_728 : vector<16xf32>
          %mul3A_730 = arith.mulf %bitcast_convert_type3A_684, %get3A_12 : vector<16xf32>
          %mul3A_731 = arith.mulf %bitcast_convert_type3A_704, %get3A_14 : vector<16xf32>
          %add3A_732 = arith.addf %mul3A_730, %mul3A_731 : vector<16xf32>
          %mul3A_733 = arith.mulf %bitcast_convert_type3A_724, %get3A_16 : vector<16xf32>
          %add3A_734 = arith.addf %add3A_732, %mul3A_733 : vector<16xf32>
          %mul3A_735 = arith.mulf %bitcast_convert_type3A_684, %get3A_18 : vector<16xf32>
          %mul3A_736 = arith.mulf %bitcast_convert_type3A_704, %get3A_20 : vector<16xf32>
          %add3A_737 = arith.addf %mul3A_735, %mul3A_736 : vector<16xf32>
          %mul3A_738 = arith.mulf %bitcast_convert_type3A_724, %get3A_22 : vector<16xf32>
          %add3A_739 = arith.addf %add3A_737, %mul3A_738 : vector<16xf32>
          %eq3A = arith.constant 0.000000e+00 : f32
          %eq3A_740 = vector.broadcast %eq3A : f32 to vector<16xf32>
          %eq3A_741 = arith.cmpf oeq, %add3A_739, %eq3A_740 : vector<16xf32>
          %jit3A = arith.constant 1.000000e-10 : f32
          %broadcast_in_dim3A = vector.broadcast %jit3A : f32 to vector<16xf32>
          %select_n3A = arith.select %eq3A_741, %broadcast_in_dim3A, %add3A_739 : vector<16xi1>, vector<16xf32>
          %mul3A_742 = arith.constant 5.120000e+02 : f32
          %mul3A_743 = vector.broadcast %mul3A_742 : f32 to vector<16xf32>
          %mul3A_744 = arith.mulf %add3A_729, %mul3A_743 : vector<16xf32>
          %div3A = arith.divf %mul3A_744, %select_n3A : vector<16xf32>
          %add3A_745 = arith.constant 2.560000e+02 : f32
          %add3A_746 = vector.broadcast %add3A_745 : f32 to vector<16xf32>
          %add3A_747 = arith.addf %div3A, %add3A_746 : vector<16xf32>
          %mul3A_748 = arith.constant 5.120000e+02 : f32
          %mul3A_749 = vector.broadcast %mul3A_748 : f32 to vector<16xf32>
          %mul3A_750 = arith.mulf %add3A_734, %mul3A_749 : vector<16xf32>
          %div3A_751 = arith.divf %mul3A_750, %select_n3A : vector<16xf32>
          %add3A_752 = arith.constant 2.560000e+02 : f32
          %add3A_753 = vector.broadcast %add3A_752 : f32 to vector<16xf32>
          %add3A_754 = arith.addf %div3A_751, %add3A_753 : vector<16xf32>
          %sub3A_755 = arith.constant 5.000000e-01 : f32
          %sub3A_756 = vector.broadcast %sub3A_755 : f32 to vector<16xf32>
          %sub3A_757 = arith.subf %add3A_747, %sub3A_756 : vector<16xf32>
          %sub3A_758 = arith.constant 5.000000e-01 : f32
          %sub3A_759 = vector.broadcast %sub3A_758 : f32 to vector<16xf32>
          %sub3A_760 = arith.subf %add3A_754, %sub3A_759 : vector<16xf32>
          %convert_element_type3A_761 = arith.fptosi %sub3A_757 : vector<16xf32> to vector<16xi32>
          %convert_element_type3A_762 = arith.sitofp %convert_element_type3A_761 : vector<16xi32> to vector<16xf32>
          %lt3A_763 = arith.cmpf olt, %sub3A_757, %convert_element_type3A_762 : vector<16xf32>
          %jit3A_764 = arith.constant 1 : i32
          %jit3A_765 = arith.constant 0 : i32
          %broadcast_in_dim3A_766 = vector.broadcast %jit3A_764 : i32 to vector<16xi32>
          %broadcast_in_dim3A_767 = vector.broadcast %jit3A_765 : i32 to vector<16xi32>
          %select_n3A_768 = arith.select %lt3A_763, %broadcast_in_dim3A_766, %broadcast_in_dim3A_767 : vector<16xi1>, vector<16xi32>
          %sub3A_769 = arith.subi %convert_element_type3A_761, %select_n3A_768 : vector<16xi32>
          %convert_element_type3A_770 = arith.fptosi %sub3A_760 : vector<16xf32> to vector<16xi32>
          %convert_element_type3A_771 = arith.sitofp %convert_element_type3A_770 : vector<16xi32> to vector<16xf32>
          %lt3A_772 = arith.cmpf olt, %sub3A_760, %convert_element_type3A_771 : vector<16xf32>
          %jit3A_773 = arith.constant 1 : i32
          %jit3A_774 = arith.constant 0 : i32
          %broadcast_in_dim3A_775 = vector.broadcast %jit3A_773 : i32 to vector<16xi32>
          %broadcast_in_dim3A_776 = vector.broadcast %jit3A_774 : i32 to vector<16xi32>
          %select_n3A_777 = arith.select %lt3A_772, %broadcast_in_dim3A_775, %broadcast_in_dim3A_776 : vector<16xi1>, vector<16xi32>
          %sub3A_778 = arith.subi %convert_element_type3A_770, %select_n3A_777 : vector<16xi32>
          %convert_element_type3A_779 = arith.sitofp %sub3A_769 : vector<16xi32> to vector<16xf32>
          %sub3A_780 = arith.subf %sub3A_757, %convert_element_type3A_779 : vector<16xf32>
          %convert_element_type3A_781 = arith.sitofp %sub3A_778 : vector<16xi32> to vector<16xf32>
          %sub3A_782 = arith.subf %sub3A_760, %convert_element_type3A_781 : vector<16xf32>
          %max3A = arith.constant 0 : i32
          %max3A_783 = vector.broadcast %max3A : i32 to vector<16xi32>
          %max3A_784 = arith.maxsi %sub3A_769, %max3A_783 : vector<16xi32>
          %min3A = arith.constant 511 : i32
          %min3A_785 = vector.broadcast %min3A : i32 to vector<16xi32>
          %min3A_786 = arith.minsi %max3A_784, %min3A_785 : vector<16xi32>
          %add3A_787 = arith.constant 1 : i32
          %add3A_788 = vector.broadcast %add3A_787 : i32 to vector<16xi32>
          %add3A_789 = arith.addi %sub3A_769, %add3A_788 : vector<16xi32>
          %max3A_790 = arith.constant 0 : i32
          %max3A_791 = vector.broadcast %max3A_790 : i32 to vector<16xi32>
          %max3A_792 = arith.maxsi %add3A_789, %max3A_791 : vector<16xi32>
          %min3A_793 = arith.constant 511 : i32
          %min3A_794 = vector.broadcast %min3A_793 : i32 to vector<16xi32>
          %min3A_795 = arith.minsi %max3A_792, %min3A_794 : vector<16xi32>
          %max3A_796 = arith.constant 0 : i32
          %max3A_797 = vector.broadcast %max3A_796 : i32 to vector<16xi32>
          %max3A_798 = arith.maxsi %sub3A_778, %max3A_797 : vector<16xi32>
          %min3A_799 = arith.constant 511 : i32
          %min3A_800 = vector.broadcast %min3A_799 : i32 to vector<16xi32>
          %min3A_801 = arith.minsi %max3A_798, %min3A_800 : vector<16xi32>
          %add3A_802 = arith.constant 1 : i32
          %add3A_803 = vector.broadcast %add3A_802 : i32 to vector<16xi32>
          %add3A_804 = arith.addi %sub3A_778, %add3A_803 : vector<16xi32>
          %max3A_805 = arith.constant 0 : i32
          %max3A_806 = vector.broadcast %max3A_805 : i32 to vector<16xi32>
          %max3A_807 = arith.maxsi %add3A_804, %max3A_806 : vector<16xi32>
          %min3A_808 = arith.constant 511 : i32
          %min3A_809 = vector.broadcast %min3A_808 : i32 to vector<16xi32>
          %min3A_810 = arith.minsi %max3A_807, %min3A_809 : vector<16xi32>
          %gt3A = arith.constant 5.000000e-01 : f32
          %gt3A_811 = vector.broadcast %gt3A : f32 to vector<16xf32>
          %gt3A_812 = arith.cmpf ogt, %sub3A_780, %gt3A_811 : vector<16xf32>
          %eq3A_813 = arith.constant 5.000000e-01 : f32
          %eq3A_814 = vector.broadcast %eq3A_813 : f32 to vector<16xf32>
          %eq3A_815 = arith.cmpf oeq, %sub3A_780, %eq3A_814 : vector<16xf32>
          %and3A_816 = arith.constant 1 : i32
          %and3A_817 = vector.broadcast %and3A_816 : i32 to vector<16xi32>
          %and3A_818 = arith.andi %sub3A_769, %and3A_817 : vector<16xi32>
          %eq3A_819 = arith.constant 1 : i32
          %eq3A_820 = vector.broadcast %eq3A_819 : i32 to vector<16xi32>
          %eq3A_821 = arith.cmpi eq, %and3A_818, %eq3A_820 : vector<16xi32>
          %and3A_822 = arith.andi %eq3A_815, %eq3A_821 : vector<16xi1>
          %or3A = arith.ori %gt3A_812, %and3A_822 : vector<16xi1>
          %gt3A_823 = arith.constant 5.000000e-01 : f32
          %gt3A_824 = vector.broadcast %gt3A_823 : f32 to vector<16xf32>
          %gt3A_825 = arith.cmpf ogt, %sub3A_782, %gt3A_824 : vector<16xf32>
          %eq3A_826 = arith.constant 5.000000e-01 : f32
          %eq3A_827 = vector.broadcast %eq3A_826 : f32 to vector<16xf32>
          %eq3A_828 = arith.cmpf oeq, %sub3A_782, %eq3A_827 : vector<16xf32>
          %and3A_829 = arith.constant 1 : i32
          %and3A_830 = vector.broadcast %and3A_829 : i32 to vector<16xi32>
          %and3A_831 = arith.andi %sub3A_778, %and3A_830 : vector<16xi32>
          %eq3A_832 = arith.constant 1 : i32
          %eq3A_833 = vector.broadcast %eq3A_832 : i32 to vector<16xi32>
          %eq3A_834 = arith.cmpi eq, %and3A_831, %eq3A_833 : vector<16xi32>
          %and3A_835 = arith.andi %eq3A_828, %eq3A_834 : vector<16xi1>
          %or3A_836 = arith.ori %gt3A_825, %and3A_835 : vector<16xi1>
          %convert_element_type3A_837 = arith.extui %or3A : vector<16xi1> to vector<16xi32>
          %add3A_838 = arith.addi %sub3A_769, %convert_element_type3A_837 : vector<16xi32>
          %max3A_839 = arith.constant 0 : i32
          %max3A_840 = vector.broadcast %max3A_839 : i32 to vector<16xi32>
          %max3A_841 = arith.maxsi %add3A_838, %max3A_840 : vector<16xi32>
          %min3A_842 = arith.constant 511 : i32
          %min3A_843 = vector.broadcast %min3A_842 : i32 to vector<16xi32>
          %min3A_844 = arith.minsi %max3A_841, %min3A_843 : vector<16xi32>
          %convert_element_type3A_845 = arith.extui %or3A_836 : vector<16xi1> to vector<16xi32>
          %add3A_846 = arith.addi %sub3A_778, %convert_element_type3A_845 : vector<16xi32>
          %max3A_847 = arith.constant 0 : i32
          %max3A_848 = vector.broadcast %max3A_847 : i32 to vector<16xi32>
          %max3A_849 = arith.maxsi %add3A_846, %max3A_848 : vector<16xi32>
          %min3A_850 = arith.constant 511 : i32
          %min3A_851 = vector.broadcast %min3A_850 : i32 to vector<16xi32>
          %min3A_852 = arith.minsi %max3A_849, %min3A_851 : vector<16xi32>
          %mul3A_853 = arith.constant 512 : i32
          %mul3A_854 = vector.broadcast %mul3A_853 : i32 to vector<16xi32>
          %mul3A_855 = arith.muli %min3A_801, %mul3A_854 : vector<16xi32>
          %mul3A_856 = arith.constant 512 : i32
          %mul3A_857 = vector.broadcast %mul3A_856 : i32 to vector<16xi32>
          %mul3A_858 = arith.muli %min3A_810, %mul3A_857 : vector<16xi32>
          %add3A_859 = arith.addi %mul3A_855, %min3A_786 : vector<16xi32>
          %swap3A = arith.index_cast %mul3A_666 : i32 to index
          %swap3A_860 = tpu.vector_load %arg9[%swap3A] {strides = array<i32>} : memref<512xi32, #tpu.memory_space<vmem>>, vector<16xi32>,
          tpu.vector_store %arg9[%swap3A], %add3A_859 {strides = array<i32>} : memref<512xi32, #tpu.memory_space<vmem>>, vector<16xi32>,
          %add3A_861 = arith.addi %mul3A_855, %min3A_795 : vector<16xi32>
          %swap3A_862 = arith.index_cast %mul3A_666 : i32 to index
          %swap3A_863 = tpu.vector_load %arg10[%swap3A_862] {strides = array<i32>} : memref<512xi32, #tpu.memory_space<vmem>>, vector<16xi32>,
          tpu.vector_store %arg10[%swap3A_862], %add3A_861 {strides = array<i32>} : memref<512xi32, #tpu.memory_space<vmem>>, vector<16xi32>,
          %add3A_864 = arith.addi %mul3A_858, %min3A_786 : vector<16xi32>
          %swap3A_865 = arith.index_cast %mul3A_666 : i32 to index
          %swap3A_866 = tpu.vector_load %arg11[%swap3A_865] {strides = array<i32>} : memref<512xi32, #tpu.memory_space<vmem>>, vector<16xi32>,
          tpu.vector_store %arg11[%swap3A_865], %add3A_864 {strides = array<i32>} : memref<512xi32, #tpu.memory_space<vmem>>, vector<16xi32>,
          %add3A_867 = arith.addi %mul3A_858, %min3A_795 : vector<16xi32>
          %swap3A_868 = arith.index_cast %mul3A_666 : i32 to index
          %swap3A_869 = tpu.vector_load %arg12[%swap3A_868] {strides = array<i32>} : memref<512xi32, #tpu.memory_space<vmem>>, vector<16xi32>,
          tpu.vector_store %arg12[%swap3A_868], %add3A_867 {strides = array<i32>} : memref<512xi32, #tpu.memory_space<vmem>>, vector<16xi32>,
          %mul3A_870 = arith.constant 512 : i32
          %mul3A_871 = vector.broadcast %mul3A_870 : i32 to vector<16xi32>
          %mul3A_872 = arith.muli %min3A_852, %mul3A_871 : vector<16xi32>
          %add3A_873 = arith.addi %mul3A_872, %min3A_844 : vector<16xi32>
          %swap3A_874 = arith.index_cast %mul3A_666 : i32 to index
          %swap3A_875 = tpu.vector_load %arg13[%swap3A_874] {strides = array<i32>} : memref<512xi32, #tpu.memory_space<vmem>>, vector<16xi32>,
          tpu.vector_store %arg13[%swap3A_874], %add3A_873 {strides = array<i32>} : memref<512xi32, #tpu.memory_space<vmem>>, vector<16xi32>,
          %swap3A_876 = arith.index_cast %mul3A_666 : i32 to index
          %swap3A_877 = tpu.vector_load %arg27[%swap3A_876] {strides = array<i32>} : memref<512xf32, #tpu.memory_space<vmem>>, vector<16xf32>,
          tpu.vector_store %arg27[%swap3A_876], %sub3A_757 {strides = array<i32>} : memref<512xf32, #tpu.memory_space<vmem>>, vector<16xf32>,
          %swap3A_878 = arith.index_cast %mul3A_666 : i32 to index
          %swap3A_879 = tpu.vector_load %arg28[%swap3A_878] {strides = array<i32>} : memref<512xf32, #tpu.memory_space<vmem>>, vector<16xf32>,
          tpu.vector_store %arg28[%swap3A_878], %sub3A_760 {strides = array<i32>} : memref<512xf32, #tpu.memory_space<vmem>>, vector<16xf32>,
          %swap3A_880 = arith.index_cast %mul3A_666 : i32 to index
          %swap3A_881 = tpu.vector_load %arg29[%swap3A_880] {strides = array<i32>} : memref<512xf32, #tpu.memory_space<vmem>>, vector<16xf32>,
          tpu.vector_store %arg29[%swap3A_880], %add3A_739 {strides = array<i32>} : memref<512xf32, #tpu.memory_space<vmem>>, vector<16xf32>,
          %scan3A_882 = arith.constant 1 : i32
          %scan3A_883 = arith.addi %scan3A_664, %scan3A_882 : i32
          %mul3A_884 = arith.constant 16 : i32
          %mul3A_885 = arith.muli %scan3A_883, %mul3A_884 : i32
          %add3A_886 = vector.broadcast %mul3A_885 : i32 to vector<16xi32>
          %add3A_887 = arith.addi %add3A_886, %iota3A : vector<16xi32>
          %mul3A_888 = arith.constant 3 : i32
          %mul3A_889 = vector.broadcast %mul3A_888 : i32 to vector<16xi32>
          %mul3A_890 = arith.muli %add3A_887, %mul3A_889 : vector<16xi32>
          %gather3A_891 = tpu.vector_load_idx %arg8[%mul3A_890] : memref<1536xf32, #tpu.memory_space<vmem>>[vector<16xi32>], vector<16xf32>,
          %sub3A_892 = arith.subf %gather3A_891, %get3A_24 : vector<16xf32>
          %bitcast_convert_type3A_893 = tpu.bitcast %sub3A_892 : vector<16xf32> -> vector<16xi32>
          %add3A_894 = arith.constant 32767 : i32
          %add3A_895 = vector.broadcast %add3A_894 : i32 to vector<16xi32>
          %add3A_896 = arith.addi %bitcast_convert_type3A_893, %add3A_895 : vector<16xi32>
          %shift_right_arithmetic3A_897 = arith.constant 16 : i32
          %shift_right_arithmetic3A_898 = vector.broadcast %shift_right_arithmetic3A_897 : i32 to vector<16xi32>
          %shift_right_arithmetic3A_899 = arith.shrsi %bitcast_convert_type3A_893, %shift_right_arithmetic3A_898 : vector<16xi32>
          %and3A_900 = arith.constant 1 : i32
          %and3A_901 = vector.broadcast %and3A_900 : i32 to vector<16xi32>
          %and3A_902 = arith.andi %shift_right_arithmetic3A_899, %and3A_901 : vector<16xi32>
          %add3A_903 = arith.addi %add3A_896, %and3A_902 : vector<16xi32>
          %and3A_904 = arith.constant -65536 : i32
          %and3A_905 = vector.broadcast %and3A_904 : i32 to vector<16xi32>
          %and3A_906 = arith.andi %add3A_903, %and3A_905 : vector<16xi32>
          %bitcast_convert_type3A_907 = tpu.bitcast %and3A_906 : vector<16xi32> -> vector<16xf32>
          %add3A_908 = arith.constant 1 : i32
          %add3A_909 = vector.broadcast %add3A_908 : i32 to vector<16xi32>
          %add3A_910 = arith.addi %mul3A_890, %add3A_909 : vector<16xi32>
          %gather3A_911 = tpu.vector_load_idx %arg8[%add3A_910] : memref<1536xf32, #tpu.memory_space<vmem>>[vector<16xi32>], vector<16xf32>,
          %sub3A_912 = arith.subf %gather3A_911, %get3A_26 : vector<16xf32>
          %bitcast_convert_type3A_913 = tpu.bitcast %sub3A_912 : vector<16xf32> -> vector<16xi32>
          %add3A_914 = arith.constant 32767 : i32
          %add3A_915 = vector.broadcast %add3A_914 : i32 to vector<16xi32>
          %add3A_916 = arith.addi %bitcast_convert_type3A_913, %add3A_915 : vector<16xi32>
          %shift_right_arithmetic3A_917 = arith.constant 16 : i32
          %shift_right_arithmetic3A_918 = vector.broadcast %shift_right_arithmetic3A_917 : i32 to vector<16xi32>
          %shift_right_arithmetic3A_919 = arith.shrsi %bitcast_convert_type3A_913, %shift_right_arithmetic3A_918 : vector<16xi32>
          %and3A_920 = arith.constant 1 : i32
          %and3A_921 = vector.broadcast %and3A_920 : i32 to vector<16xi32>
          %and3A_922 = arith.andi %shift_right_arithmetic3A_919, %and3A_921 : vector<16xi32>
          %add3A_923 = arith.addi %add3A_916, %and3A_922 : vector<16xi32>
          %and3A_924 = arith.constant -65536 : i32
          %and3A_925 = vector.broadcast %and3A_924 : i32 to vector<16xi32>
          %and3A_926 = arith.andi %add3A_923, %and3A_925 : vector<16xi32>
          %bitcast_convert_type3A_927 = tpu.bitcast %and3A_926 : vector<16xi32> -> vector<16xf32>
          %add3A_928 = arith.constant 2 : i32
          %add3A_929 = vector.broadcast %add3A_928 : i32 to vector<16xi32>
          %add3A_930 = arith.addi %mul3A_890, %add3A_929 : vector<16xi32>
          %gather3A_931 = tpu.vector_load_idx %arg8[%add3A_930] : memref<1536xf32, #tpu.memory_space<vmem>>[vector<16xi32>], vector<16xf32>,
          %sub3A_932 = arith.subf %gather3A_931, %get3A_28 : vector<16xf32>
          %bitcast_convert_type3A_933 = tpu.bitcast %sub3A_932 : vector<16xf32> -> vector<16xi32>
          %add3A_934 = arith.constant 32767 : i32
          %add3A_935 = vector.broadcast %add3A_934 : i32 to vector<16xi32>
          %add3A_936 = arith.addi %bitcast_convert_type3A_933, %add3A_935 : vector<16xi32>
          %shift_right_arithmetic3A_937 = arith.constant 16 : i32
          %shift_right_arithmetic3A_938 = vector.broadcast %shift_right_arithmetic3A_937 : i32 to vector<16xi32>
          %shift_right_arithmetic3A_939 = arith.shrsi %bitcast_convert_type3A_933, %shift_right_arithmetic3A_938 : vector<16xi32>
          %and3A_940 = arith.constant 1 : i32
          %and3A_941 = vector.broadcast %and3A_940 : i32 to vector<16xi32>
          %and3A_942 = arith.andi %shift_right_arithmetic3A_939, %and3A_941 : vector<16xi32>
          %add3A_943 = arith.addi %add3A_936, %and3A_942 : vector<16xi32>
          %and3A_944 = arith.constant -65536 : i32
          %and3A_945 = vector.broadcast %and3A_944 : i32 to vector<16xi32>
          %and3A_946 = arith.andi %add3A_943, %and3A_945 : vector<16xi32>
          %bitcast_convert_type3A_947 = tpu.bitcast %and3A_946 : vector<16xi32> -> vector<16xf32>
          %mul3A_948 = arith.mulf %bitcast_convert_type3A_907, %get3A_6 : vector<16xf32>
          %mul3A_949 = arith.mulf %bitcast_convert_type3A_927, %get3A_8 : vector<16xf32>
          %add3A_950 = arith.addf %mul3A_948, %mul3A_949 : vector<16xf32>
          %mul3A_951 = arith.mulf %bitcast_convert_type3A_947, %get3A_10 : vector<16xf32>
          %add3A_952 = arith.addf %add3A_950, %mul3A_951 : vector<16xf32>
          %mul3A_953 = arith.mulf %bitcast_convert_type3A_907, %get3A_12 : vector<16xf32>
          %mul3A_954 = arith.mulf %bitcast_convert_type3A_927, %get3A_14 : vector<16xf32>
          %add3A_955 = arith.addf %mul3A_953, %mul3A_954 : vector<16xf32>
          %mul3A_956 = arith.mulf %bitcast_convert_type3A_947, %get3A_16 : vector<16xf32>
          %add3A_957 = arith.addf %add3A_955, %mul3A_956 : vector<16xf32>
          %mul3A_958 = arith.mulf %bitcast_convert_type3A_907, %get3A_18 : vector<16xf32>
          %mul3A_959 = arith.mulf %bitcast_convert_type3A_927, %get3A_20 : vector<16xf32>
          %add3A_960 = arith.addf %mul3A_958, %mul3A_959 : vector<16xf32>
          %mul3A_961 = arith.mulf %bitcast_convert_type3A_947, %get3A_22 : vector<16xf32>
          %add3A_962 = arith.addf %add3A_960, %mul3A_961 : vector<16xf32>
          %eq3A_963 = arith.constant 0.000000e+00 : f32
          %eq3A_964 = vector.broadcast %eq3A_963 : f32 to vector<16xf32>
          %eq3A_965 = arith.cmpf oeq, %add3A_962, %eq3A_964 : vector<16xf32>
          %jit3A_966 = arith.constant 1.000000e-10 : f32
          %broadcast_in_dim3A_967 = vector.broadcast %jit3A_966 : f32 to vector<16xf32>
          %select_n3A_968 = arith.select %eq3A_965, %broadcast_in_dim3A_967, %add3A_962 : vector<16xi1>, vector<16xf32>
          %mul3A_969 = arith.constant 5.120000e+02 : f32
          %mul3A_970 = vector.broadcast %mul3A_969 : f32 to vector<16xf32>
          %mul3A_971 = arith.mulf %add3A_952, %mul3A_970 : vector<16xf32>
          %div3A_972 = arith.divf %mul3A_971, %select_n3A_968 : vector<16xf32>
          %add3A_973 = arith.constant 2.560000e+02 : f32
          %add3A_974 = vector.broadcast %add3A_973 : f32 to vector<16xf32>
          %add3A_975 = arith.addf %div3A_972, %add3A_974 : vector<16xf32>
          %mul3A_976 = arith.constant 5.120000e+02 : f32
          %mul3A_977 = vector.broadcast %mul3A_976 : f32 to vector<16xf32>
          %mul3A_978 = arith.mulf %add3A_957, %mul3A_977 : vector<16xf32>
          %div3A_979 = arith.divf %mul3A_978, %select_n3A_968 : vector<16xf32>
          %add3A_980 = arith.constant 2.560000e+02 : f32
          %add3A_981 = vector.broadcast %add3A_980 : f32 to vector<16xf32>
          %add3A_982 = arith.addf %div3A_979, %add3A_981 : vector<16xf32>
          %sub3A_983 = arith.constant 5.000000e-01 : f32
          %sub3A_984 = vector.broadcast %sub3A_983 : f32 to vector<16xf32>
          %sub3A_985 = arith.subf %add3A_975, %sub3A_984 : vector<16xf32>
          %sub3A_986 = arith.constant 5.000000e-01 : f32
          %sub3A_987 = vector.broadcast %sub3A_986 : f32 to vector<16xf32>
          %sub3A_988 = arith.subf %add3A_982, %sub3A_987 : vector<16xf32>
          %convert_element_type3A_989 = arith.fptosi %sub3A_985 : vector<16xf32> to vector<16xi32>
          %convert_element_type3A_990 = arith.sitofp %convert_element_type3A_989 : vector<16xi32> to vector<16xf32>
          %lt3A_991 = arith.cmpf olt, %sub3A_985, %convert_element_type3A_990 : vector<16xf32>
          %jit3A_992 = arith.constant 1 : i32
          %jit3A_993 = arith.constant 0 : i32
          %broadcast_in_dim3A_994 = vector.broadcast %jit3A_992 : i32 to vector<16xi32>
          %broadcast_in_dim3A_995 = vector.broadcast %jit3A_993 : i32 to vector<16xi32>
          %select_n3A_996 = arith.select %lt3A_991, %broadcast_in_dim3A_994, %broadcast_in_dim3A_995 : vector<16xi1>, vector<16xi32>
          %sub3A_997 = arith.subi %convert_element_type3A_989, %select_n3A_996 : vector<16xi32>
          %convert_element_type3A_998 = arith.fptosi %sub3A_988 : vector<16xf32> to vector<16xi32>
          %convert_element_type3A_999 = arith.sitofp %convert_element_type3A_998 : vector<16xi32> to vector<16xf32>
          %lt3A_1000 = arith.cmpf olt, %sub3A_988, %convert_element_type3A_999 : vector<16xf32>
          %jit3A_1001 = arith.constant 1 : i32
          %jit3A_1002 = arith.constant 0 : i32
          %broadcast_in_dim3A_1003 = vector.broadcast %jit3A_1001 : i32 to vector<16xi32>
          %broadcast_in_dim3A_1004 = vector.broadcast %jit3A_1002 : i32 to vector<16xi32>
          %select_n3A_1005 = arith.select %lt3A_1000, %broadcast_in_dim3A_1003, %broadcast_in_dim3A_1004 : vector<16xi1>, vector<16xi32>
          %sub3A_1006 = arith.subi %convert_element_type3A_998, %select_n3A_1005 : vector<16xi32>
          %convert_element_type3A_1007 = arith.sitofp %sub3A_997 : vector<16xi32> to vector<16xf32>
          %sub3A_1008 = arith.subf %sub3A_985, %convert_element_type3A_1007 : vector<16xf32>
          %convert_element_type3A_1009 = arith.sitofp %sub3A_1006 : vector<16xi32> to vector<16xf32>
          %sub3A_1010 = arith.subf %sub3A_988, %convert_element_type3A_1009 : vector<16xf32>
          %max3A_1011 = arith.constant 0 : i32
          %max3A_1012 = vector.broadcast %max3A_1011 : i32 to vector<16xi32>
          %max3A_1013 = arith.maxsi %sub3A_997, %max3A_1012 : vector<16xi32>
          %min3A_1014 = arith.constant 511 : i32
          %min3A_1015 = vector.broadcast %min3A_1014 : i32 to vector<16xi32>
          %min3A_1016 = arith.minsi %max3A_1013, %min3A_1015 : vector<16xi32>
          %add3A_1017 = arith.constant 1 : i32
          %add3A_1018 = vector.broadcast %add3A_1017 : i32 to vector<16xi32>
          %add3A_1019 = arith.addi %sub3A_997, %add3A_1018 : vector<16xi32>
          %max3A_1020 = arith.constant 0 : i32
          %max3A_1021 = vector.broadcast %max3A_1020 : i32 to vector<16xi32>
          %max3A_1022 = arith.maxsi %add3A_1019, %max3A_1021 : vector<16xi32>
          %min3A_1023 = arith.constant 511 : i32
          %min3A_1024 = vector.broadcast %min3A_1023 : i32 to vector<16xi32>
          %min3A_1025 = arith.minsi %max3A_1022, %min3A_1024 : vector<16xi32>
          %max3A_1026 = arith.constant 0 : i32
          %max3A_1027 = vector.broadcast %max3A_1026 : i32 to vector<16xi32>
          %max3A_1028 = arith.maxsi %sub3A_1006, %max3A_1027 : vector<16xi32>
          %min3A_1029 = arith.constant 511 : i32
          %min3A_1030 = vector.broadcast %min3A_1029 : i32 to vector<16xi32>
          %min3A_1031 = arith.minsi %max3A_1028, %min3A_1030 : vector<16xi32>
          %add3A_1032 = arith.constant 1 : i32
          %add3A_1033 = vector.broadcast %add3A_1032 : i32 to vector<16xi32>
          %add3A_1034 = arith.addi %sub3A_1006, %add3A_1033 : vector<16xi32>
          %max3A_1035 = arith.constant 0 : i32
          %max3A_1036 = vector.broadcast %max3A_1035 : i32 to vector<16xi32>
          %max3A_1037 = arith.maxsi %add3A_1034, %max3A_1036 : vector<16xi32>
          %min3A_1038 = arith.constant 511 : i32
          %min3A_1039 = vector.broadcast %min3A_1038 : i32 to vector<16xi32>
          %min3A_1040 = arith.minsi %max3A_1037, %min3A_1039 : vector<16xi32>
          %gt3A_1041 = arith.constant 5.000000e-01 : f32
          %gt3A_1042 = vector.broadcast %gt3A_1041 : f32 to vector<16xf32>
          %gt3A_1043 = arith.cmpf ogt, %sub3A_1008, %gt3A_1042 : vector<16xf32>
          %eq3A_1044 = arith.constant 5.000000e-01 : f32
          %eq3A_1045 = vector.broadcast %eq3A_1044 : f32 to vector<16xf32>
          %eq3A_1046 = arith.cmpf oeq, %sub3A_1008, %eq3A_1045 : vector<16xf32>
          %and3A_1047 = arith.constant 1 : i32
          %and3A_1048 = vector.broadcast %and3A_1047 : i32 to vector<16xi32>
          %and3A_1049 = arith.andi %sub3A_997, %and3A_1048 : vector<16xi32>
          %eq3A_1050 = arith.constant 1 : i32
          %eq3A_1051 = vector.broadcast %eq3A_1050 : i32 to vector<16xi32>
          %eq3A_1052 = arith.cmpi eq, %and3A_1049, %eq3A_1051 : vector<16xi32>
          %and3A_1053 = arith.andi %eq3A_1046, %eq3A_1052 : vector<16xi1>
          %or3A_1054 = arith.ori %gt3A_1043, %and3A_1053 : vector<16xi1>
          %gt3A_1055 = arith.constant 5.000000e-01 : f32
          %gt3A_1056 = vector.broadcast %gt3A_1055 : f32 to vector<16xf32>
          %gt3A_1057 = arith.cmpf ogt, %sub3A_1010, %gt3A_1056 : vector<16xf32>
          %eq3A_1058 = arith.constant 5.000000e-01 : f32
          %eq3A_1059 = vector.broadcast %eq3A_1058 : f32 to vector<16xf32>
          %eq3A_1060 = arith.cmpf oeq, %sub3A_1010, %eq3A_1059 : vector<16xf32>
          %and3A_1061 = arith.constant 1 : i32
          %and3A_1062 = vector.broadcast %and3A_1061 : i32 to vector<16xi32>
          %and3A_1063 = arith.andi %sub3A_1006, %and3A_1062 : vector<16xi32>
          %eq3A_1064 = arith.constant 1 : i32
          %eq3A_1065 = vector.broadcast %eq3A_1064 : i32 to vector<16xi32>
          %eq3A_1066 = arith.cmpi eq, %and3A_1063, %eq3A_1065 : vector<16xi32>
          %and3A_1067 = arith.andi %eq3A_1060, %eq3A_1066 : vector<16xi1>
          %or3A_1068 = arith.ori %gt3A_1057, %and3A_1067 : vector<16xi1>
          %convert_element_type3A_1069 = arith.extui %or3A_1054 : vector<16xi1> to vector<16xi32>
          %add3A_1070 = arith.addi %sub3A_997, %convert_element_type3A_1069 : vector<16xi32>
          %max3A_1071 = arith.constant 0 : i32
          %max3A_1072 = vector.broadcast %max3A_1071 : i32 to vector<16xi32>
          %max3A_1073 = arith.maxsi %add3A_1070, %max3A_1072 : vector<16xi32>
          %min3A_1074 = arith.constant 511 : i32
          %min3A_1075 = vector.broadcast %min3A_1074 : i32 to vector<16xi32>
          %min3A_1076 = arith.minsi %max3A_1073, %min3A_1075 : vector<16xi32>
          %convert_element_type3A_1077 = arith.extui %or3A_1068 : vector<16xi1> to vector<16xi32>
          %add3A_1078 = arith.addi %sub3A_1006, %convert_element_type3A_1077 : vector<16xi32>
          %max3A_1079 = arith.constant 0 : i32
          %max3A_1080 = vector.broadcast %max3A_1079 : i32 to vector<16xi32>
          %max3A_1081 = arith.maxsi %add3A_1078, %max3A_1080 : vector<16xi32>
          %min3A_1082 = arith.constant 511 : i32
          %min3A_1083 = vector.broadcast %min3A_1082 : i32 to vector<16xi32>
          %min3A_1084 = arith.minsi %max3A_1081, %min3A_1083 : vector<16xi32>
          %mul3A_1085 = arith.constant 512 : i32
          %mul3A_1086 = vector.broadcast %mul3A_1085 : i32 to vector<16xi32>
          %mul3A_1087 = arith.muli %min3A_1031, %mul3A_1086 : vector<16xi32>
          %mul3A_1088 = arith.constant 512 : i32
          %mul3A_1089 = vector.broadcast %mul3A_1088 : i32 to vector<16xi32>
          %mul3A_1090 = arith.muli %min3A_1040, %mul3A_1089 : vector<16xi32>
          %add3A_1091 = arith.addi %mul3A_1087, %min3A_1016 : vector<16xi32>
          %swap3A_1092 = arith.index_cast %mul3A_885 : i32 to index
          %swap3A_1093 = tpu.vector_load %arg9[%swap3A_1092] {strides = array<i32>} : memref<512xi32, #tpu.memory_space<vmem>>, vector<16xi32>,
          tpu.vector_store %arg9[%swap3A_1092], %add3A_1091 {strides = array<i32>} : memref<512xi32, #tpu.memory_space<vmem>>, vector<16xi32>,
          %add3A_1094 = arith.addi %mul3A_1087, %min3A_1025 : vector<16xi32>
          %swap3A_1095 = arith.index_cast %mul3A_885 : i32 to index
          %swap3A_1096 = tpu.vector_load %arg10[%swap3A_1095] {strides = array<i32>} : memref<512xi32, #tpu.memory_space<vmem>>, vector<16xi32>,
          tpu.vector_store %arg10[%swap3A_1095], %add3A_1094 {strides = array<i32>} : memref<512xi32, #tpu.memory_space<vmem>>, vector<16xi32>,
          %add3A_1097 = arith.addi %mul3A_1090, %min3A_1016 : vector<16xi32>
          %swap3A_1098 = arith.index_cast %mul3A_885 : i32 to index
          %swap3A_1099 = tpu.vector_load %arg11[%swap3A_1098] {strides = array<i32>} : memref<512xi32, #tpu.memory_space<vmem>>, vector<16xi32>,
          tpu.vector_store %arg11[%swap3A_1098], %add3A_1097 {strides = array<i32>} : memref<512xi32, #tpu.memory_space<vmem>>, vector<16xi32>,
          %add3A_1100 = arith.addi %mul3A_1090, %min3A_1025 : vector<16xi32>
          %swap3A_1101 = arith.index_cast %mul3A_885 : i32 to index
          %swap3A_1102 = tpu.vector_load %arg12[%swap3A_1101] {strides = array<i32>} : memref<512xi32, #tpu.memory_space<vmem>>, vector<16xi32>,
          tpu.vector_store %arg12[%swap3A_1101], %add3A_1100 {strides = array<i32>} : memref<512xi32, #tpu.memory_space<vmem>>, vector<16xi32>,
          %mul3A_1103 = arith.constant 512 : i32
          %mul3A_1104 = vector.broadcast %mul3A_1103 : i32 to vector<16xi32>
          %mul3A_1105 = arith.muli %min3A_1084, %mul3A_1104 : vector<16xi32>
          %add3A_1106 = arith.addi %mul3A_1105, %min3A_1076 : vector<16xi32>
          %swap3A_1107 = arith.index_cast %mul3A_885 : i32 to index
          %swap3A_1108 = tpu.vector_load %arg13[%swap3A_1107] {strides = array<i32>} : memref<512xi32, #tpu.memory_space<vmem>>, vector<16xi32>,
          tpu.vector_store %arg13[%swap3A_1107], %add3A_1106 {strides = array<i32>} : memref<512xi32, #tpu.memory_space<vmem>>, vector<16xi32>,
          %swap3A_1109 = arith.index_cast %mul3A_885 : i32 to index
          %swap3A_1110 = tpu.vector_load %arg27[%swap3A_1109] {strides = array<i32>} : memref<512xf32, #tpu.memory_space<vmem>>, vector<16xf32>,
          tpu.vector_store %arg27[%swap3A_1109], %sub3A_985 {strides = array<i32>} : memref<512xf32, #tpu.memory_space<vmem>>, vector<16xf32>,
          %swap3A_1111 = arith.index_cast %mul3A_885 : i32 to index
          %swap3A_1112 = tpu.vector_load %arg28[%swap3A_1111] {strides = array<i32>} : memref<512xf32, #tpu.memory_space<vmem>>, vector<16xf32>,
          tpu.vector_store %arg28[%swap3A_1111], %sub3A_988 {strides = array<i32>} : memref<512xf32, #tpu.memory_space<vmem>>, vector<16xf32>,
          %swap3A_1113 = arith.index_cast %mul3A_885 : i32 to index
          %swap3A_1114 = tpu.vector_load %arg29[%swap3A_1113] {strides = array<i32>} : memref<512xf32, #tpu.memory_space<vmem>>, vector<16xf32>,
          tpu.vector_store %arg29[%swap3A_1113], %add3A_962 {strides = array<i32>} : memref<512xf32, #tpu.memory_space<vmem>>, vector<16xf32>,
        }
        %scan3A_550 = arith.constant 32 : i32
        %mul3A_551 = arith.constant 3 : i32
        %mul3A_552 = arith.muli %shift_right_arithmetic3A_1, %mul3A_551 : i32
        %add3A_553 = arith.constant 0 : i32
        %add3A_554 = arith.addi %mul3A_552, %add3A_553 : i32
        %mul3A_555 = arith.constant 262144 : i32
        %mul3A_556 = arith.muli %add3A_554, %mul3A_555 : i32
        %dma_start3A_557 = tpu.memref_slice %arg3[%mul3A_556] : memref<3145728xf32, #tpu.memory_space<hbm>> -> memref<262144xf32, #tpu.memory_space<hbm>>
        %dma_start3A_558 = arith.constant 0 : i32
        %dma_start3A_559 = tpu.memref_slice %dma_start3A_557[%dma_start3A_558] : memref<262144xf32, #tpu.memory_space<hbm>> -> memref<262144xf32, #tpu.memory_space<hbm>>
        tpu.enqueue_indirect_dma source(%dma_start3A_559 : memref<262144xf32, #tpu.memory_space<hbm>>) target(%arg14 : memref<512xf32, #tpu.memory_space<vmem>>) offsets(%arg9 : memref<512xi32, #tpu.memory_space<vmem>>) semaphore(%arg31 : memref<!tpu.dma_semaphore, #tpu.memory_space<semaphore_mem>>)
        %mul3A_560 = arith.constant 3 : i32
        %mul3A_561 = arith.muli %shift_right_arithmetic3A_1, %mul3A_560 : i32
        %add3A_562 = arith.constant 1 : i32
        %add3A_563 = arith.addi %mul3A_561, %add3A_562 : i32
        %mul3A_564 = arith.constant 262144 : i32
        %mul3A_565 = arith.muli %add3A_563, %mul3A_564 : i32
        %dma_start3A_566 = tpu.memref_slice %arg3[%mul3A_565] : memref<3145728xf32, #tpu.memory_space<hbm>> -> memref<262144xf32, #tpu.memory_space<hbm>>
        %dma_start3A_567 = arith.constant 0 : i32
        %dma_start3A_568 = tpu.memref_slice %dma_start3A_566[%dma_start3A_567] : memref<262144xf32, #tpu.memory_space<hbm>> -> memref<262144xf32, #tpu.memory_space<hbm>>
        tpu.enqueue_indirect_dma source(%dma_start3A_568 : memref<262144xf32, #tpu.memory_space<hbm>>) target(%arg15 : memref<512xf32, #tpu.memory_space<vmem>>) offsets(%arg9 : memref<512xi32, #tpu.memory_space<vmem>>) semaphore(%arg31 : memref<!tpu.dma_semaphore, #tpu.memory_space<semaphore_mem>>)
        %mul3A_569 = arith.constant 3 : i32
        %mul3A_570 = arith.muli %shift_right_arithmetic3A_1, %mul3A_569 : i32
        %add3A_571 = arith.constant 2 : i32
        %add3A_572 = arith.addi %mul3A_570, %add3A_571 : i32
        %mul3A_573 = arith.constant 262144 : i32
        %mul3A_574 = arith.muli %add3A_572, %mul3A_573 : i32
        %dma_start3A_575 = tpu.memref_slice %arg3[%mul3A_574] : memref<3145728xf32, #tpu.memory_space<hbm>> -> memref<262144xf32, #tpu.memory_space<hbm>>
        %dma_start3A_576 = arith.constant 0 : i32
        %dma_start3A_577 = tpu.memref_slice %dma_start3A_575[%dma_start3A_576] : memref<262144xf32, #tpu.memory_space<hbm>> -> memref<262144xf32, #tpu.memory_space<hbm>>
        tpu.enqueue_indirect_dma source(%dma_start3A_577 : memref<262144xf32, #tpu.memory_space<hbm>>) target(%arg16 : memref<512xf32, #tpu.memory_space<vmem>>) offsets(%arg9 : memref<512xi32, #tpu.memory_space<vmem>>) semaphore(%arg31 : memref<!tpu.dma_semaphore, #tpu.memory_space<semaphore_mem>>)
        %mul3A_578 = arith.constant 3 : i32
        %mul3A_579 = arith.muli %shift_right_arithmetic3A_1, %mul3A_578 : i32
        %add3A_580 = arith.constant 0 : i32
        %add3A_581 = arith.addi %mul3A_579, %add3A_580 : i32
        %mul3A_582 = arith.constant 262144 : i32
        %mul3A_583 = arith.muli %add3A_581, %mul3A_582 : i32
        %dma_start3A_584 = tpu.memref_slice %arg3[%mul3A_583] : memref<3145728xf32, #tpu.memory_space<hbm>> -> memref<262144xf32, #tpu.memory_space<hbm>>
        %dma_start3A_585 = arith.constant 0 : i32
        %dma_start3A_586 = tpu.memref_slice %dma_start3A_584[%dma_start3A_585] : memref<262144xf32, #tpu.memory_space<hbm>> -> memref<262144xf32, #tpu.memory_space<hbm>>
        tpu.enqueue_indirect_dma source(%dma_start3A_586 : memref<262144xf32, #tpu.memory_space<hbm>>) target(%arg17 : memref<512xf32, #tpu.memory_space<vmem>>) offsets(%arg10 : memref<512xi32, #tpu.memory_space<vmem>>) semaphore(%arg31 : memref<!tpu.dma_semaphore, #tpu.memory_space<semaphore_mem>>)
        %mul3A_587 = arith.constant 3 : i32
        %mul3A_588 = arith.muli %shift_right_arithmetic3A_1, %mul3A_587 : i32
        %add3A_589 = arith.constant 1 : i32
        %add3A_590 = arith.addi %mul3A_588, %add3A_589 : i32
        %mul3A_591 = arith.constant 262144 : i32
        %mul3A_592 = arith.muli %add3A_590, %mul3A_591 : i32
        %dma_start3A_593 = tpu.memref_slice %arg3[%mul3A_592] : memref<3145728xf32, #tpu.memory_space<hbm>> -> memref<262144xf32, #tpu.memory_space<hbm>>
        %dma_start3A_594 = arith.constant 0 : i32
        %dma_start3A_595 = tpu.memref_slice %dma_start3A_593[%dma_start3A_594] : memref<262144xf32, #tpu.memory_space<hbm>> -> memref<262144xf32, #tpu.memory_space<hbm>>
        tpu.enqueue_indirect_dma source(%dma_start3A_595 : memref<262144xf32, #tpu.memory_space<hbm>>) target(%arg18 : memref<512xf32, #tpu.memory_space<vmem>>) offsets(%arg10 : memref<512xi32, #tpu.memory_space<vmem>>) semaphore(%arg31 : memref<!tpu.dma_semaphore, #tpu.memory_space<semaphore_mem>>)
        %mul3A_596 = arith.constant 3 : i32
        %mul3A_597 = arith.muli %shift_right_arithmetic3A_1, %mul3A_596 : i32
        %add3A_598 = arith.constant 2 : i32
        %add3A_599 = arith.addi %mul3A_597, %add3A_598 : i32
        %mul3A_600 = arith.constant 262144 : i32
        %mul3A_601 = arith.muli %add3A_599, %mul3A_600 : i32
        %dma_start3A_602 = tpu.memref_slice %arg3[%mul3A_601] : memref<3145728xf32, #tpu.memory_space<hbm>> -> memref<262144xf32, #tpu.memory_space<hbm>>
        %dma_start3A_603 = arith.constant 0 : i32
        %dma_start3A_604 = tpu.memref_slice %dma_start3A_602[%dma_start3A_603] : memref<262144xf32, #tpu.memory_space<hbm>> -> memref<262144xf32, #tpu.memory_space<hbm>>
        tpu.enqueue_indirect_dma source(%dma_start3A_604 : memref<262144xf32, #tpu.memory_space<hbm>>) target(%arg19 : memref<512xf32, #tpu.memory_space<vmem>>) offsets(%arg10 : memref<512xi32, #tpu.memory_space<vmem>>) semaphore(%arg31 : memref<!tpu.dma_semaphore, #tpu.memory_space<semaphore_mem>>)
        %mul3A_605 = arith.constant 3 : i32
        %mul3A_606 = arith.muli %shift_right_arithmetic3A_1, %mul3A_605 : i32
        %add3A_607 = arith.constant 0 : i32
        %add3A_608 = arith.addi %mul3A_606, %add3A_607 : i32
        %mul3A_609 = arith.constant 262144 : i32
        %mul3A_610 = arith.muli %add3A_608, %mul3A_609 : i32
        %dma_start3A_611 = tpu.memref_slice %arg3[%mul3A_610] : memref<3145728xf32, #tpu.memory_space<hbm>> -> memref<262144xf32, #tpu.memory_space<hbm>>
        %dma_start3A_612 = arith.constant 0 : i32
        %dma_start3A_613 = tpu.memref_slice %dma_start3A_611[%dma_start3A_612] : memref<262144xf32, #tpu.memory_space<hbm>> -> memref<262144xf32, #tpu.memory_space<hbm>>
        tpu.enqueue_indirect_dma source(%dma_start3A_613 : memref<262144xf32, #tpu.memory_space<hbm>>) target(%arg20 : memref<512xf32, #tpu.memory_space<vmem>>) offsets(%arg11 : memref<512xi32, #tpu.memory_space<vmem>>) semaphore(%arg31 : memref<!tpu.dma_semaphore, #tpu.memory_space<semaphore_mem>>)
        %mul3A_614 = arith.constant 3 : i32
        %mul3A_615 = arith.muli %shift_right_arithmetic3A_1, %mul3A_614 : i32
        %add3A_616 = arith.constant 1 : i32
        %add3A_617 = arith.addi %mul3A_615, %add3A_616 : i32
        %mul3A_618 = arith.constant 262144 : i32
        %mul3A_619 = arith.muli %add3A_617, %mul3A_618 : i32
        %dma_start3A_620 = tpu.memref_slice %arg3[%mul3A_619] : memref<3145728xf32, #tpu.memory_space<hbm>> -> memref<262144xf32, #tpu.memory_space<hbm>>
        %dma_start3A_621 = arith.constant 0 : i32
        %dma_start3A_622 = tpu.memref_slice %dma_start3A_620[%dma_start3A_621] : memref<262144xf32, #tpu.memory_space<hbm>> -> memref<262144xf32, #tpu.memory_space<hbm>>
        tpu.enqueue_indirect_dma source(%dma_start3A_622 : memref<262144xf32, #tpu.memory_space<hbm>>) target(%arg21 : memref<512xf32, #tpu.memory_space<vmem>>) offsets(%arg11 : memref<512xi32, #tpu.memory_space<vmem>>) semaphore(%arg31 : memref<!tpu.dma_semaphore, #tpu.memory_space<semaphore_mem>>)
        %mul3A_623 = arith.constant 3 : i32
        %mul3A_624 = arith.muli %shift_right_arithmetic3A_1, %mul3A_623 : i32
        %add3A_625 = arith.constant 2 : i32
        %add3A_626 = arith.addi %mul3A_624, %add3A_625 : i32
        %mul3A_627 = arith.constant 262144 : i32
        %mul3A_628 = arith.muli %add3A_626, %mul3A_627 : i32
        %dma_start3A_629 = tpu.memref_slice %arg3[%mul3A_628] : memref<3145728xf32, #tpu.memory_space<hbm>> -> memref<262144xf32, #tpu.memory_space<hbm>>
        %dma_start3A_630 = arith.constant 0 : i32
        %dma_start3A_631 = tpu.memref_slice %dma_start3A_629[%dma_start3A_630] : memref<262144xf32, #tpu.memory_space<hbm>> -> memref<262144xf32, #tpu.memory_space<hbm>>
        tpu.enqueue_indirect_dma source(%dma_start3A_631 : memref<262144xf32, #tpu.memory_space<hbm>>) target(%arg22 : memref<512xf32, #tpu.memory_space<vmem>>) offsets(%arg11 : memref<512xi32, #tpu.memory_space<vmem>>) semaphore(%arg31 : memref<!tpu.dma_semaphore, #tpu.memory_space<semaphore_mem>>)
        %mul3A_632 = arith.constant 3 : i32
        %mul3A_633 = arith.muli %shift_right_arithmetic3A_1, %mul3A_632 : i32
        %add3A_634 = arith.constant 0 : i32
        %add3A_635 = arith.addi %mul3A_633, %add3A_634 : i32
        %mul3A_636 = arith.constant 262144 : i32
        %mul3A_637 = arith.muli %add3A_635, %mul3A_636 : i32
        %dma_start3A_638 = tpu.memref_slice %arg3[%mul3A_637] : memref<3145728xf32, #tpu.memory_space<hbm>> -> memref<262144xf32, #tpu.memory_space<hbm>>
        %dma_start3A_639 = arith.constant 0 : i32
        %dma_start3A_640 = tpu.memref_slice %dma_start3A_638[%dma_start3A_639] : memref<262144xf32, #tpu.memory_space<hbm>> -> memref<262144xf32, #tpu.memory_space<hbm>>
        tpu.enqueue_indirect_dma source(%dma_start3A_640 : memref<262144xf32, #tpu.memory_space<hbm>>) target(%arg23 : memref<512xf32, #tpu.memory_space<vmem>>) offsets(%arg12 : memref<512xi32, #tpu.memory_space<vmem>>) semaphore(%arg31 : memref<!tpu.dma_semaphore, #tpu.memory_space<semaphore_mem>>)
        %mul3A_641 = arith.constant 3 : i32
        %mul3A_642 = arith.muli %shift_right_arithmetic3A_1, %mul3A_641 : i32
        %add3A_643 = arith.constant 1 : i32
        %add3A_644 = arith.addi %mul3A_642, %add3A_643 : i32
        %mul3A_645 = arith.constant 262144 : i32
        %mul3A_646 = arith.muli %add3A_644, %mul3A_645 : i32
        %dma_start3A_647 = tpu.memref_slice %arg3[%mul3A_646] : memref<3145728xf32, #tpu.memory_space<hbm>> -> memref<262144xf32, #tpu.memory_space<hbm>>
        %dma_start3A_648 = arith.constant 0 : i32
        %dma_start3A_649 = tpu.memref_slice %dma_start3A_647[%dma_start3A_648] : memref<262144xf32, #tpu.memory_space<hbm>> -> memref<262144xf32, #tpu.memory_space<hbm>>
        tpu.enqueue_indirect_dma source(%dma_start3A_649 : memref<262144xf32, #tpu.memory_space<hbm>>) target(%arg24 : memref<512xf32, #tpu.memory_space<vmem>>) offsets(%arg12 : memref<512xi32, #tpu.memory_space<vmem>>) semaphore(%arg31 : memref<!tpu.dma_semaphore, #tpu.memory_space<semaphore_mem>>)
        %mul3A_650 = arith.constant 3 : i32
        %mul3A_651 = arith.muli %shift_right_arithmetic3A_1, %mul3A_650 : i32
        %add3A_652 = arith.constant 2 : i32
        %add3A_653 = arith.addi %mul3A_651, %add3A_652 : i32
        %mul3A_654 = arith.constant 262144 : i32
        %mul3A_655 = arith.muli %add3A_653, %mul3A_654 : i32
        %dma_start3A_656 = tpu.memref_slice %arg3[%mul3A_655] : memref<3145728xf32, #tpu.memory_space<hbm>> -> memref<262144xf32, #tpu.memory_space<hbm>>
        %dma_start3A_657 = arith.constant 0 : i32
        %dma_start3A_658 = tpu.memref_slice %dma_start3A_656[%dma_start3A_657] : memref<262144xf32, #tpu.memory_space<hbm>> -> memref<262144xf32, #tpu.memory_space<hbm>>
        tpu.enqueue_indirect_dma source(%dma_start3A_658 : memref<262144xf32, #tpu.memory_space<hbm>>) target(%arg25 : memref<512xf32, #tpu.memory_space<vmem>>) offsets(%arg12 : memref<512xi32, #tpu.memory_space<vmem>>) semaphore(%arg31 : memref<!tpu.dma_semaphore, #tpu.memory_space<semaphore_mem>>)
        %mul3A_659 = arith.constant 262144 : i32
        %mul3A_660 = arith.muli %shift_right_arithmetic3A_1, %mul3A_659 : i32
        %dma_start3A_661 = tpu.memref_slice %arg4[%mul3A_660] : memref<1048576xf32, #tpu.memory_space<hbm>> -> memref<262144xf32, #tpu.memory_space<hbm>>
        %dma_start3A_662 = arith.constant 0 : i32
        %dma_start3A_663 = tpu.memref_slice %dma_start3A_661[%dma_start3A_662] : memref<262144xf32, #tpu.memory_space<hbm>> -> memref<262144xf32, #tpu.memory_space<hbm>>
        tpu.enqueue_indirect_dma source(%dma_start3A_663 : memref<262144xf32, #tpu.memory_space<hbm>>) target(%arg26 : memref<512xf32, #tpu.memory_space<vmem>>) offsets(%arg13 : memref<512xi32, #tpu.memory_space<vmem>>) semaphore(%arg31 : memref<!tpu.dma_semaphore, #tpu.memory_space<semaphore_mem>>)
      } else {
      }
      %add3A_412 = arith.constant 1 : i32
      %add3A_413 = arith.addi %mul3A_158, %add3A_412 : i32
      %mul3A_414 = arith.constant 512 : i32
      %mul3A_415 = arith.muli %add3A_413, %mul3A_414 : i32
      %add3A_416 = arith.addi %mul3A_3, %mul3A_415 : i32
      %mul3A_417 = arith.constant 3 : i32
      %mul3A_418 = arith.muli %shift_right_arithmetic3A_1, %mul3A_417 : i32
      %add3A_419 = arith.constant 0 : i32
      %add3A_420 = arith.addi %mul3A_418, %add3A_419 : i32
      %mul3A_421 = arith.constant 262144 : i32
      %mul3A_422 = arith.muli %add3A_420, %mul3A_421 : i32
      %dma_wait3A_423 = tpu.memref_slice %arg3[%mul3A_422] : memref<3145728xf32, #tpu.memory_space<hbm>> -> memref<262144xf32, #tpu.memory_space<hbm>>
      %dma_wait3A_424 = arith.constant 0 : i32
      %dma_wait3A_425 = tpu.memref_slice %dma_wait3A_423[%dma_wait3A_424] : memref<262144xf32, #tpu.memory_space<hbm>> -> memref<262144xf32, #tpu.memory_space<hbm>>
      tpu.wait_indirect_dma semaphore(%arg55 : memref<!tpu.dma_semaphore, #tpu.memory_space<semaphore_mem>>) src(%dma_wait3A_425 : memref<262144xf32, #tpu.memory_space<hbm>>) dst(%arg38 : memref<512xf32, #tpu.memory_space<vmem>>)
      %mul3A_426 = arith.constant 3 : i32
      %mul3A_427 = arith.muli %shift_right_arithmetic3A_1, %mul3A_426 : i32
      %add3A_428 = arith.constant 1 : i32
      %add3A_429 = arith.addi %mul3A_427, %add3A_428 : i32
      %mul3A_430 = arith.constant 262144 : i32
      %mul3A_431 = arith.muli %add3A_429, %mul3A_430 : i32
      %dma_wait3A_432 = tpu.memref_slice %arg3[%mul3A_431] : memref<3145728xf32, #tpu.memory_space<hbm>> -> memref<262144xf32, #tpu.memory_space<hbm>>
      %dma_wait3A_433 = arith.constant 0 : i32
      %dma_wait3A_434 = tpu.memref_slice %dma_wait3A_432[%dma_wait3A_433] : memref<262144xf32, #tpu.memory_space<hbm>> -> memref<262144xf32, #tpu.memory_space<hbm>>
      tpu.wait_indirect_dma semaphore(%arg55 : memref<!tpu.dma_semaphore, #tpu.memory_space<semaphore_mem>>) src(%dma_wait3A_434 : memref<262144xf32, #tpu.memory_space<hbm>>) dst(%arg39 : memref<512xf32, #tpu.memory_space<vmem>>)
      %mul3A_435 = arith.constant 3 : i32
      %mul3A_436 = arith.muli %shift_right_arithmetic3A_1, %mul3A_435 : i32
      %add3A_437 = arith.constant 2 : i32
      %add3A_438 = arith.addi %mul3A_436, %add3A_437 : i32
      %mul3A_439 = arith.constant 262144 : i32
      %mul3A_440 = arith.muli %add3A_438, %mul3A_439 : i32
      %dma_wait3A_441 = tpu.memref_slice %arg3[%mul3A_440] : memref<3145728xf32, #tpu.memory_space<hbm>> -> memref<262144xf32, #tpu.memory_space<hbm>>
      %dma_wait3A_442 = arith.constant 0 : i32
      %dma_wait3A_443 = tpu.memref_slice %dma_wait3A_441[%dma_wait3A_442] : memref<262144xf32, #tpu.memory_space<hbm>> -> memref<262144xf32, #tpu.memory_space<hbm>>
      tpu.wait_indirect_dma semaphore(%arg55 : memref<!tpu.dma_semaphore, #tpu.memory_space<semaphore_mem>>) src(%dma_wait3A_443 : memref<262144xf32, #tpu.memory_space<hbm>>) dst(%arg40 : memref<512xf32, #tpu.memory_space<vmem>>)
      %mul3A_444 = arith.constant 3 : i32
      %mul3A_445 = arith.muli %shift_right_arithmetic3A_1, %mul3A_444 : i32
      %add3A_446 = arith.constant 0 : i32
      %add3A_447 = arith.addi %mul3A_445, %add3A_446 : i32
      %mul3A_448 = arith.constant 262144 : i32
      %mul3A_449 = arith.muli %add3A_447, %mul3A_448 : i32
      %dma_wait3A_450 = tpu.memref_slice %arg3[%mul3A_449] : memref<3145728xf32, #tpu.memory_space<hbm>> -> memref<262144xf32, #tpu.memory_space<hbm>>
      %dma_wait3A_451 = arith.constant 0 : i32
      %dma_wait3A_452 = tpu.memref_slice %dma_wait3A_450[%dma_wait3A_451] : memref<262144xf32, #tpu.memory_space<hbm>> -> memref<262144xf32, #tpu.memory_space<hbm>>
      tpu.wait_indirect_dma semaphore(%arg55 : memref<!tpu.dma_semaphore, #tpu.memory_space<semaphore_mem>>) src(%dma_wait3A_452 : memref<262144xf32, #tpu.memory_space<hbm>>) dst(%arg41 : memref<512xf32, #tpu.memory_space<vmem>>)
      %mul3A_453 = arith.constant 3 : i32
      %mul3A_454 = arith.muli %shift_right_arithmetic3A_1, %mul3A_453 : i32
      %add3A_455 = arith.constant 1 : i32
      %add3A_456 = arith.addi %mul3A_454, %add3A_455 : i32
      %mul3A_457 = arith.constant 262144 : i32
      %mul3A_458 = arith.muli %add3A_456, %mul3A_457 : i32
      %dma_wait3A_459 = tpu.memref_slice %arg3[%mul3A_458] : memref<3145728xf32, #tpu.memory_space<hbm>> -> memref<262144xf32, #tpu.memory_space<hbm>>
      %dma_wait3A_460 = arith.constant 0 : i32
      %dma_wait3A_461 = tpu.memref_slice %dma_wait3A_459[%dma_wait3A_460] : memref<262144xf32, #tpu.memory_space<hbm>> -> memref<262144xf32, #tpu.memory_space<hbm>>
      tpu.wait_indirect_dma semaphore(%arg55 : memref<!tpu.dma_semaphore, #tpu.memory_space<semaphore_mem>>) src(%dma_wait3A_461 : memref<262144xf32, #tpu.memory_space<hbm>>) dst(%arg42 : memref<512xf32, #tpu.memory_space<vmem>>)
      %mul3A_462 = arith.constant 3 : i32
      %mul3A_463 = arith.muli %shift_right_arithmetic3A_1, %mul3A_462 : i32
      %add3A_464 = arith.constant 2 : i32
      %add3A_465 = arith.addi %mul3A_463, %add3A_464 : i32
      %mul3A_466 = arith.constant 262144 : i32
      %mul3A_467 = arith.muli %add3A_465, %mul3A_466 : i32
      %dma_wait3A_468 = tpu.memref_slice %arg3[%mul3A_467] : memref<3145728xf32, #tpu.memory_space<hbm>> -> memref<262144xf32, #tpu.memory_space<hbm>>
      %dma_wait3A_469 = arith.constant 0 : i32
      %dma_wait3A_470 = tpu.memref_slice %dma_wait3A_468[%dma_wait3A_469] : memref<262144xf32, #tpu.memory_space<hbm>> -> memref<262144xf32, #tpu.memory_space<hbm>>
      tpu.wait_indirect_dma semaphore(%arg55 : memref<!tpu.dma_semaphore, #tpu.memory_space<semaphore_mem>>) src(%dma_wait3A_470 : memref<262144xf32, #tpu.memory_space<hbm>>) dst(%arg43 : memref<512xf32, #tpu.memory_space<vmem>>)
      %mul3A_471 = arith.constant 3 : i32
      %mul3A_472 = arith.muli %shift_right_arithmetic3A_1, %mul3A_471 : i32
      %add3A_473 = arith.constant 0 : i32
      %add3A_474 = arith.addi %mul3A_472, %add3A_473 : i32
      %mul3A_475 = arith.constant 262144 : i32
      %mul3A_476 = arith.muli %add3A_474, %mul3A_475 : i32
      %dma_wait3A_477 = tpu.memref_slice %arg3[%mul3A_476] : memref<3145728xf32, #tpu.memory_space<hbm>> -> memref<262144xf32, #tpu.memory_space<hbm>>
      %dma_wait3A_478 = arith.constant 0 : i32
      %dma_wait3A_479 = tpu.memref_slice %dma_wait3A_477[%dma_wait3A_478] : memref<262144xf32, #tpu.memory_space<hbm>> -> memref<262144xf32, #tpu.memory_space<hbm>>
      tpu.wait_indirect_dma semaphore(%arg55 : memref<!tpu.dma_semaphore, #tpu.memory_space<semaphore_mem>>) src(%dma_wait3A_479 : memref<262144xf32, #tpu.memory_space<hbm>>) dst(%arg44 : memref<512xf32, #tpu.memory_space<vmem>>)
      %mul3A_480 = arith.constant 3 : i32
      %mul3A_481 = arith.muli %shift_right_arithmetic3A_1, %mul3A_480 : i32
      %add3A_482 = arith.constant 1 : i32
      %add3A_483 = arith.addi %mul3A_481, %add3A_482 : i32
      %mul3A_484 = arith.constant 262144 : i32
      %mul3A_485 = arith.muli %add3A_483, %mul3A_484 : i32
      %dma_wait3A_486 = tpu.memref_slice %arg3[%mul3A_485] : memref<3145728xf32, #tpu.memory_space<hbm>> -> memref<262144xf32, #tpu.memory_space<hbm>>
      %dma_wait3A_487 = arith.constant 0 : i32
      %dma_wait3A_488 = tpu.memref_slice %dma_wait3A_486[%dma_wait3A_487] : memref<262144xf32, #tpu.memory_space<hbm>> -> memref<262144xf32, #tpu.memory_space<hbm>>
      tpu.wait_indirect_dma semaphore(%arg55 : memref<!tpu.dma_semaphore, #tpu.memory_space<semaphore_mem>>) src(%dma_wait3A_488 : memref<262144xf32, #tpu.memory_space<hbm>>) dst(%arg45 : memref<512xf32, #tpu.memory_space<vmem>>)
      %mul3A_489 = arith.constant 3 : i32
      %mul3A_490 = arith.muli %shift_right_arithmetic3A_1, %mul3A_489 : i32
      %add3A_491 = arith.constant 2 : i32
      %add3A_492 = arith.addi %mul3A_490, %add3A_491 : i32
      %mul3A_493 = arith.constant 262144 : i32
      %mul3A_494 = arith.muli %add3A_492, %mul3A_493 : i32
      %dma_wait3A_495 = tpu.memref_slice %arg3[%mul3A_494] : memref<3145728xf32, #tpu.memory_space<hbm>> -> memref<262144xf32, #tpu.memory_space<hbm>>
      %dma_wait3A_496 = arith.constant 0 : i32
      %dma_wait3A_497 = tpu.memref_slice %dma_wait3A_495[%dma_wait3A_496] : memref<262144xf32, #tpu.memory_space<hbm>> -> memref<262144xf32, #tpu.memory_space<hbm>>
      tpu.wait_indirect_dma semaphore(%arg55 : memref<!tpu.dma_semaphore, #tpu.memory_space<semaphore_mem>>) src(%dma_wait3A_497 : memref<262144xf32, #tpu.memory_space<hbm>>) dst(%arg46 : memref<512xf32, #tpu.memory_space<vmem>>)
      %mul3A_498 = arith.constant 3 : i32
      %mul3A_499 = arith.muli %shift_right_arithmetic3A_1, %mul3A_498 : i32
      %add3A_500 = arith.constant 0 : i32
      %add3A_501 = arith.addi %mul3A_499, %add3A_500 : i32
      %mul3A_502 = arith.constant 262144 : i32
      %mul3A_503 = arith.muli %add3A_501, %mul3A_502 : i32
      %dma_wait3A_504 = tpu.memref_slice %arg3[%mul3A_503] : memref<3145728xf32, #tpu.memory_space<hbm>> -> memref<262144xf32, #tpu.memory_space<hbm>>
      %dma_wait3A_505 = arith.constant 0 : i32
      %dma_wait3A_506 = tpu.memref_slice %dma_wait3A_504[%dma_wait3A_505] : memref<262144xf32, #tpu.memory_space<hbm>> -> memref<262144xf32, #tpu.memory_space<hbm>>
      tpu.wait_indirect_dma semaphore(%arg55 : memref<!tpu.dma_semaphore, #tpu.memory_space<semaphore_mem>>) src(%dma_wait3A_506 : memref<262144xf32, #tpu.memory_space<hbm>>) dst(%arg47 : memref<512xf32, #tpu.memory_space<vmem>>)
      %mul3A_507 = arith.constant 3 : i32
      %mul3A_508 = arith.muli %shift_right_arithmetic3A_1, %mul3A_507 : i32
      %add3A_509 = arith.constant 1 : i32
      %add3A_510 = arith.addi %mul3A_508, %add3A_509 : i32
      %mul3A_511 = arith.constant 262144 : i32
      %mul3A_512 = arith.muli %add3A_510, %mul3A_511 : i32
      %dma_wait3A_513 = tpu.memref_slice %arg3[%mul3A_512] : memref<3145728xf32, #tpu.memory_space<hbm>> -> memref<262144xf32, #tpu.memory_space<hbm>>
      %dma_wait3A_514 = arith.constant 0 : i32
      %dma_wait3A_515 = tpu.memref_slice %dma_wait3A_513[%dma_wait3A_514] : memref<262144xf32, #tpu.memory_space<hbm>> -> memref<262144xf32, #tpu.memory_space<hbm>>
      tpu.wait_indirect_dma semaphore(%arg55 : memref<!tpu.dma_semaphore, #tpu.memory_space<semaphore_mem>>) src(%dma_wait3A_515 : memref<262144xf32, #tpu.memory_space<hbm>>) dst(%arg48 : memref<512xf32, #tpu.memory_space<vmem>>)
      %mul3A_516 = arith.constant 3 : i32
      %mul3A_517 = arith.muli %shift_right_arithmetic3A_1, %mul3A_516 : i32
      %add3A_518 = arith.constant 2 : i32
      %add3A_519 = arith.addi %mul3A_517, %add3A_518 : i32
      %mul3A_520 = arith.constant 262144 : i32
      %mul3A_521 = arith.muli %add3A_519, %mul3A_520 : i32
      %dma_wait3A_522 = tpu.memref_slice %arg3[%mul3A_521] : memref<3145728xf32, #tpu.memory_space<hbm>> -> memref<262144xf32, #tpu.memory_space<hbm>>
      %dma_wait3A_523 = arith.constant 0 : i32
      %dma_wait3A_524 = tpu.memref_slice %dma_wait3A_522[%dma_wait3A_523] : memref<262144xf32, #tpu.memory_space<hbm>> -> memref<262144xf32, #tpu.memory_space<hbm>>
      tpu.wait_indirect_dma semaphore(%arg55 : memref<!tpu.dma_semaphore, #tpu.memory_space<semaphore_mem>>) src(%dma_wait3A_524 : memref<262144xf32, #tpu.memory_space<hbm>>) dst(%arg49 : memref<512xf32, #tpu.memory_space<vmem>>)
      %mul3A_525 = arith.constant 262144 : i32
      %mul3A_526 = arith.muli %shift_right_arithmetic3A_1, %mul3A_525 : i32
      %dma_wait3A_527 = tpu.memref_slice %arg4[%mul3A_526] : memref<1048576xf32, #tpu.memory_space<hbm>> -> memref<262144xf32, #tpu.memory_space<hbm>>
      %dma_wait3A_528 = arith.constant 0 : i32
      %dma_wait3A_529 = tpu.memref_slice %dma_wait3A_527[%dma_wait3A_528] : memref<262144xf32, #tpu.memory_space<hbm>> -> memref<262144xf32, #tpu.memory_space<hbm>>
      tpu.wait_indirect_dma semaphore(%arg55 : memref<!tpu.dma_semaphore, #tpu.memory_space<semaphore_mem>>) src(%dma_wait3A_529 : memref<262144xf32, #tpu.memory_space<hbm>>) dst(%arg50 : memref<512xf32, #tpu.memory_space<vmem>>)
      %scan3A_530 = arith.constant 0 : i32
      %scan3A_531 = arith.constant 0 : i32
      %scan3A_532 = arith.constant 32 : i32
      %scan3A_533 = arith.addi %scan3A_531, %scan3A_532 : i32
      %scan3A_534 = arith.constant 2 : i32
      scf.for %scan3A_538 = %scan3A_531 to %scan3A_533 step %scan3A_534  : i32 {
        %mul3A_539 = arith.constant 16 : i32
        %mul3A_540 = arith.muli %scan3A_538, %mul3A_539 : i32
        %add3A_541 = vector.broadcast %mul3A_540 : i32 to vector<16xi32>
        %add3A_542 = arith.addi %add3A_541, %iota3A : vector<16xi32>
        %get3A_543 = arith.index_cast %mul3A_540 : i32 to index
        %get3A_544 = tpu.vector_load %arg51[%get3A_543] {strides = array<i32>} : memref<512xf32, #tpu.memory_space<vmem>>, vector<16xf32>,
        %get3A_545 = arith.index_cast %mul3A_540 : i32 to index
        %get3A_546 = tpu.vector_load %arg52[%get3A_545] {strides = array<i32>} : memref<512xf32, #tpu.memory_space<vmem>>, vector<16xf32>,
        %get3A_547 = arith.index_cast %mul3A_540 : i32 to index
        %get3A_548 = tpu.vector_load %arg53[%get3A_547] {strides = array<i32>} : memref<512xf32, #tpu.memory_space<vmem>>, vector<16xf32>,
        %get3A_549 = arith.index_cast %mul3A_540 : i32 to index
        %get3A_550 = tpu.vector_load %arg50[%get3A_549] {strides = array<i32>} : memref<512xf32, #tpu.memory_space<vmem>>, vector<16xf32>,
        %convert_element_type3A_551 = arith.fptosi %get3A_544 : vector<16xf32> to vector<16xi32>
        %convert_element_type3A_552 = arith.sitofp %convert_element_type3A_551 : vector<16xi32> to vector<16xf32>
        %lt3A_553 = arith.cmpf olt, %get3A_544, %convert_element_type3A_552 : vector<16xf32>
        %jit3A = arith.constant 1 : i32
        %jit3A_554 = arith.constant 0 : i32
        %broadcast_in_dim3A = vector.broadcast %jit3A : i32 to vector<16xi32>
        %broadcast_in_dim3A_555 = vector.broadcast %jit3A_554 : i32 to vector<16xi32>
        %select_n3A = arith.select %lt3A_553, %broadcast_in_dim3A, %broadcast_in_dim3A_555 : vector<16xi1>, vector<16xi32>
        %sub3A = arith.subi %convert_element_type3A_551, %select_n3A : vector<16xi32>
        %convert_element_type3A_556 = arith.fptosi %get3A_546 : vector<16xf32> to vector<16xi32>
        %convert_element_type3A_557 = arith.sitofp %convert_element_type3A_556 : vector<16xi32> to vector<16xf32>
        %lt3A_558 = arith.cmpf olt, %get3A_546, %convert_element_type3A_557 : vector<16xf32>
        %jit3A_559 = arith.constant 1 : i32
        %jit3A_560 = arith.constant 0 : i32
        %broadcast_in_dim3A_561 = vector.broadcast %jit3A_559 : i32 to vector<16xi32>
        %broadcast_in_dim3A_562 = vector.broadcast %jit3A_560 : i32 to vector<16xi32>
        %select_n3A_563 = arith.select %lt3A_558, %broadcast_in_dim3A_561, %broadcast_in_dim3A_562 : vector<16xi1>, vector<16xi32>
        %sub3A_564 = arith.subi %convert_element_type3A_556, %select_n3A_563 : vector<16xi32>
        %convert_element_type3A_565 = arith.sitofp %sub3A : vector<16xi32> to vector<16xf32>
        %sub3A_566 = arith.subf %get3A_544, %convert_element_type3A_565 : vector<16xf32>
        %convert_element_type3A_567 = arith.sitofp %sub3A_564 : vector<16xi32> to vector<16xf32>
        %sub3A_568 = arith.subf %get3A_546, %convert_element_type3A_567 : vector<16xf32>
        %add3A_569 = arith.constant 1 : i32
        %add3A_570 = vector.broadcast %add3A_569 : i32 to vector<16xi32>
        %add3A_571 = arith.addi %sub3A, %add3A_570 : vector<16xi32>
        %add3A_572 = arith.constant 1 : i32
        %add3A_573 = vector.broadcast %add3A_572 : i32 to vector<16xi32>
        %add3A_574 = arith.addi %sub3A_564, %add3A_573 : vector<16xi32>
        %ge3A = arith.constant 0 : i32
        %ge3A_575 = vector.broadcast %ge3A : i32 to vector<16xi32>
        %ge3A_576 = arith.cmpi sge, %sub3A, %ge3A_575 : vector<16xi32>
        %lt3A_577 = arith.constant 512 : i32
        %lt3A_578 = vector.broadcast %lt3A_577 : i32 to vector<16xi32>
        %lt3A_579 = arith.cmpi slt, %sub3A, %lt3A_578 : vector<16xi32>
        %and3A = arith.andi %ge3A_576, %lt3A_579 : vector<16xi1>
        %ge3A_580 = arith.constant 0 : i32
        %ge3A_581 = vector.broadcast %ge3A_580 : i32 to vector<16xi32>
        %ge3A_582 = arith.cmpi sge, %add3A_571, %ge3A_581 : vector<16xi32>
        %lt3A_583 = arith.constant 512 : i32
        %lt3A_584 = vector.broadcast %lt3A_583 : i32 to vector<16xi32>
        %lt3A_585 = arith.cmpi slt, %add3A_571, %lt3A_584 : vector<16xi32>
        %and3A_586 = arith.andi %ge3A_582, %lt3A_585 : vector<16xi1>
        %ge3A_587 = arith.constant 0 : i32
        %ge3A_588 = vector.broadcast %ge3A_587 : i32 to vector<16xi32>
        %ge3A_589 = arith.cmpi sge, %sub3A_564, %ge3A_588 : vector<16xi32>
        %lt3A_590 = arith.constant 512 : i32
        %lt3A_591 = vector.broadcast %lt3A_590 : i32 to vector<16xi32>
        %lt3A_592 = arith.cmpi slt, %sub3A_564, %lt3A_591 : vector<16xi32>
        %and3A_593 = arith.andi %ge3A_589, %lt3A_592 : vector<16xi1>
        %ge3A_594 = arith.constant 0 : i32
        %ge3A_595 = vector.broadcast %ge3A_594 : i32 to vector<16xi32>
        %ge3A_596 = arith.cmpi sge, %add3A_574, %ge3A_595 : vector<16xi32>
        %lt3A_597 = arith.constant 512 : i32
        %lt3A_598 = vector.broadcast %lt3A_597 : i32 to vector<16xi32>
        %lt3A_599 = arith.cmpi slt, %add3A_574, %lt3A_598 : vector<16xi32>
        %and3A_600 = arith.andi %ge3A_596, %lt3A_599 : vector<16xi1>
        %sub3A_601 = arith.constant 1.000000e+00 : f32
        %sub3A_602 = vector.broadcast %sub3A_601 : f32 to vector<16xf32>
        %sub3A_603 = arith.subf %sub3A_602, %sub3A_566 : vector<16xf32>
        %sub3A_604 = arith.constant 1.000000e+00 : f32
        %sub3A_605 = vector.broadcast %sub3A_604 : f32 to vector<16xf32>
        %sub3A_606 = arith.subf %sub3A_605, %sub3A_568 : vector<16xf32>
        %and3A_607 = arith.andi %and3A, %and3A_593 : vector<16xi1>
        %mul3A_608 = arith.mulf %sub3A_603, %sub3A_606 : vector<16xf32>
        %jit3A_609 = arith.constant 0.000000e+00 : f32
        %broadcast_in_dim3A_610 = vector.broadcast %jit3A_609 : f32 to vector<16xf32>
        %select_n3A_611 = arith.select %and3A_607, %mul3A_608, %broadcast_in_dim3A_610 : vector<16xi1>, vector<16xf32>
        %and3A_612 = arith.andi %and3A_586, %and3A_593 : vector<16xi1>
        %mul3A_613 = arith.mulf %sub3A_566, %sub3A_606 : vector<16xf32>
        %jit3A_614 = arith.constant 0.000000e+00 : f32
        %broadcast_in_dim3A_615 = vector.broadcast %jit3A_614 : f32 to vector<16xf32>
        %select_n3A_616 = arith.select %and3A_612, %mul3A_613, %broadcast_in_dim3A_615 : vector<16xi1>, vector<16xf32>
        %and3A_617 = arith.andi %and3A, %and3A_600 : vector<16xi1>
        %mul3A_618 = arith.mulf %sub3A_603, %sub3A_568 : vector<16xf32>
        %jit3A_619 = arith.constant 0.000000e+00 : f32
        %broadcast_in_dim3A_620 = vector.broadcast %jit3A_619 : f32 to vector<16xf32>
        %select_n3A_621 = arith.select %and3A_617, %mul3A_618, %broadcast_in_dim3A_620 : vector<16xi1>, vector<16xf32>
        %and3A_622 = arith.andi %and3A_586, %and3A_600 : vector<16xi1>
        %mul3A_623 = arith.mulf %sub3A_566, %sub3A_568 : vector<16xf32>
        %jit3A_624 = arith.constant 0.000000e+00 : f32
        %broadcast_in_dim3A_625 = vector.broadcast %jit3A_624 : f32 to vector<16xf32>
        %select_n3A_626 = arith.select %and3A_622, %mul3A_623, %broadcast_in_dim3A_625 : vector<16xi1>, vector<16xf32>
        %add3A_627 = arith.constant 5.000000e-01 : f32
        %add3A_628 = vector.broadcast %add3A_627 : f32 to vector<16xf32>
        %add3A_629 = arith.addf %get3A_544, %add3A_628 : vector<16xf32>
        %add3A_630 = arith.constant 5.000000e-01 : f32
        %add3A_631 = vector.broadcast %add3A_630 : f32 to vector<16xf32>
        %add3A_632 = arith.addf %get3A_546, %add3A_631 : vector<16xf32>
        %gt3A = arith.constant 0.000000e+00 : f32
        %gt3A_633 = vector.broadcast %gt3A : f32 to vector<16xf32>
        %gt3A_634 = arith.cmpf ogt, %get3A_548, %gt3A_633 : vector<16xf32>
        %ge3A_635 = arith.constant 0.000000e+00 : f32
        %ge3A_636 = vector.broadcast %ge3A_635 : f32 to vector<16xf32>
        %ge3A_637 = arith.cmpf oge, %add3A_629, %ge3A_636 : vector<16xf32>
        %and3A_638 = arith.andi %gt3A_634, %ge3A_637 : vector<16xi1>
        %lt3A_639 = arith.constant 5.120000e+02 : f32
        %lt3A_640 = vector.broadcast %lt3A_639 : f32 to vector<16xf32>
        %lt3A_641 = arith.cmpf olt, %add3A_629, %lt3A_640 : vector<16xf32>
        %and3A_642 = arith.andi %and3A_638, %lt3A_641 : vector<16xi1>
        %ge3A_643 = arith.constant 0.000000e+00 : f32
        %ge3A_644 = vector.broadcast %ge3A_643 : f32 to vector<16xf32>
        %ge3A_645 = arith.cmpf oge, %add3A_632, %ge3A_644 : vector<16xf32>
        %and3A_646 = arith.andi %and3A_642, %ge3A_645 : vector<16xi1>
        %lt3A_647 = arith.constant 5.120000e+02 : f32
        %lt3A_648 = vector.broadcast %lt3A_647 : f32 to vector<16xf32>
        %lt3A_649 = arith.cmpf olt, %add3A_632, %lt3A_648 : vector<16xf32>
        %and3A_650 = arith.andi %and3A_646, %lt3A_649 : vector<16xi1>
        %le3A = arith.cmpf ole, %get3A_548, %get3A_550 : vector<16xf32>
        %and3A_651 = arith.andi %and3A_650, %le3A : vector<16xi1>
        %mul3A_652 = arith.constant 3 : i32
        %mul3A_653 = vector.broadcast %mul3A_652 : i32 to vector<16xi32>
        %mul3A_654 = arith.muli %add3A_542, %mul3A_653 : vector<16xi32>
        %get3A_655 = arith.index_cast %mul3A_540 : i32 to index
        %get3A_656 = tpu.vector_load %arg38[%get3A_655] {strides = array<i32>} : memref<512xf32, #tpu.memory_space<vmem>>, vector<16xf32>,
        %mul3A_657 = arith.mulf %get3A_656, %select_n3A_611 : vector<16xf32>
        %get3A_658 = arith.index_cast %mul3A_540 : i32 to index
        %get3A_659 = tpu.vector_load %arg41[%get3A_658] {strides = array<i32>} : memref<512xf32, #tpu.memory_space<vmem>>, vector<16xf32>,
        %mul3A_660 = arith.mulf %get3A_659, %select_n3A_616 : vector<16xf32>
        %add3A_661 = arith.addf %mul3A_657, %mul3A_660 : vector<16xf32>
        %get3A_662 = arith.index_cast %mul3A_540 : i32 to index
        %get3A_663 = tpu.vector_load %arg44[%get3A_662] {strides = array<i32>} : memref<512xf32, #tpu.memory_space<vmem>>, vector<16xf32>,
        %mul3A_664 = arith.mulf %get3A_663, %select_n3A_621 : vector<16xf32>
        %add3A_665 = arith.addf %add3A_661, %mul3A_664 : vector<16xf32>
        %get3A_666 = arith.index_cast %mul3A_540 : i32 to index
        %get3A_667 = tpu.vector_load %arg47[%get3A_666] {strides = array<i32>} : memref<512xf32, #tpu.memory_space<vmem>>, vector<16xf32>,
        %mul3A_668 = arith.mulf %get3A_667, %select_n3A_626 : vector<16xf32>
        %add3A_669 = arith.addf %add3A_665, %mul3A_668 : vector<16xf32>
        %add3A_670 = arith.constant 0 : i32
        %add3A_671 = vector.broadcast %add3A_670 : i32 to vector<16xi32>
        %add3A_672 = arith.addi %mul3A_654, %add3A_671 : vector<16xi32>
        %jit3A_673 = arith.constant 0.000000e+00 : f32
        %broadcast_in_dim3A_674 = vector.broadcast %jit3A_673 : f32 to vector<16xf32>
        %select_n3A_675 = arith.select %and3A_651, %add3A_669, %broadcast_in_dim3A_674 : vector<16xi1>, vector<16xf32>
        tpu.vector_store_idx %arg54[%add3A_672], %select_n3A_675 : memref<1536xf32, #tpu.memory_space<vmem>>[vector<16xi32>], vector<16xf32>,
        %get3A_676 = arith.index_cast %mul3A_540 : i32 to index
        %get3A_677 = tpu.vector_load %arg39[%get3A_676] {strides = array<i32>} : memref<512xf32, #tpu.memory_space<vmem>>, vector<16xf32>,
        %mul3A_678 = arith.mulf %get3A_677, %select_n3A_611 : vector<16xf32>
        %get3A_679 = arith.index_cast %mul3A_540 : i32 to index
        %get3A_680 = tpu.vector_load %arg42[%get3A_679] {strides = array<i32>} : memref<512xf32, #tpu.memory_space<vmem>>, vector<16xf32>,
        %mul3A_681 = arith.mulf %get3A_680, %select_n3A_616 : vector<16xf32>
        %add3A_682 = arith.addf %mul3A_678, %mul3A_681 : vector<16xf32>
        %get3A_683 = arith.index_cast %mul3A_540 : i32 to index
        %get3A_684 = tpu.vector_load %arg45[%get3A_683] {strides = array<i32>} : memref<512xf32, #tpu.memory_space<vmem>>, vector<16xf32>,
        %mul3A_685 = arith.mulf %get3A_684, %select_n3A_621 : vector<16xf32>
        %add3A_686 = arith.addf %add3A_682, %mul3A_685 : vector<16xf32>
        %get3A_687 = arith.index_cast %mul3A_540 : i32 to index
        %get3A_688 = tpu.vector_load %arg48[%get3A_687] {strides = array<i32>} : memref<512xf32, #tpu.memory_space<vmem>>, vector<16xf32>,
        %mul3A_689 = arith.mulf %get3A_688, %select_n3A_626 : vector<16xf32>
        %add3A_690 = arith.addf %add3A_686, %mul3A_689 : vector<16xf32>
        %add3A_691 = arith.constant 1 : i32
        %add3A_692 = vector.broadcast %add3A_691 : i32 to vector<16xi32>
        %add3A_693 = arith.addi %mul3A_654, %add3A_692 : vector<16xi32>
        %jit3A_694 = arith.constant 0.000000e+00 : f32
        %broadcast_in_dim3A_695 = vector.broadcast %jit3A_694 : f32 to vector<16xf32>
        %select_n3A_696 = arith.select %and3A_651, %add3A_690, %broadcast_in_dim3A_695 : vector<16xi1>, vector<16xf32>
        tpu.vector_store_idx %arg54[%add3A_693], %select_n3A_696 : memref<1536xf32, #tpu.memory_space<vmem>>[vector<16xi32>], vector<16xf32>,
        %get3A_697 = arith.index_cast %mul3A_540 : i32 to index
        %get3A_698 = tpu.vector_load %arg40[%get3A_697] {strides = array<i32>} : memref<512xf32, #tpu.memory_space<vmem>>, vector<16xf32>,
        %mul3A_699 = arith.mulf %get3A_698, %select_n3A_611 : vector<16xf32>
        %get3A_700 = arith.index_cast %mul3A_540 : i32 to index
        %get3A_701 = tpu.vector_load %arg43[%get3A_700] {strides = array<i32>} : memref<512xf32, #tpu.memory_space<vmem>>, vector<16xf32>,
        %mul3A_702 = arith.mulf %get3A_701, %select_n3A_616 : vector<16xf32>
        %add3A_703 = arith.addf %mul3A_699, %mul3A_702 : vector<16xf32>
        %get3A_704 = arith.index_cast %mul3A_540 : i32 to index
        %get3A_705 = tpu.vector_load %arg46[%get3A_704] {strides = array<i32>} : memref<512xf32, #tpu.memory_space<vmem>>, vector<16xf32>,
        %mul3A_706 = arith.mulf %get3A_705, %select_n3A_621 : vector<16xf32>
        %add3A_707 = arith.addf %add3A_703, %mul3A_706 : vector<16xf32>
        %get3A_708 = arith.index_cast %mul3A_540 : i32 to index
        %get3A_709 = tpu.vector_load %arg49[%get3A_708] {strides = array<i32>} : memref<512xf32, #tpu.memory_space<vmem>>, vector<16xf32>,
        %mul3A_710 = arith.mulf %get3A_709, %select_n3A_626 : vector<16xf32>
        %add3A_711 = arith.addf %add3A_707, %mul3A_710 : vector<16xf32>
        %add3A_712 = arith.constant 2 : i32
        %add3A_713 = vector.broadcast %add3A_712 : i32 to vector<16xi32>
        %add3A_714 = arith.addi %mul3A_654, %add3A_713 : vector<16xi32>
        %jit3A_715 = arith.constant 0.000000e+00 : f32
        %broadcast_in_dim3A_716 = vector.broadcast %jit3A_715 : f32 to vector<16xf32>
        %select_n3A_717 = arith.select %and3A_651, %add3A_711, %broadcast_in_dim3A_716 : vector<16xi1>, vector<16xf32>
        tpu.vector_store_idx %arg54[%add3A_714], %select_n3A_717 : memref<1536xf32, #tpu.memory_space<vmem>>[vector<16xi32>], vector<16xf32>,
        %scan3A_718 = arith.constant 1 : i32
        %scan3A_719 = arith.addi %scan3A_538, %scan3A_718 : i32
        %mul3A_720 = arith.constant 16 : i32
        %mul3A_721 = arith.muli %scan3A_719, %mul3A_720 : i32
        %add3A_722 = vector.broadcast %mul3A_721 : i32 to vector<16xi32>
        %add3A_723 = arith.addi %add3A_722, %iota3A : vector<16xi32>
        %get3A_724 = arith.index_cast %mul3A_721 : i32 to index
        %get3A_725 = tpu.vector_load %arg51[%get3A_724] {strides = array<i32>} : memref<512xf32, #tpu.memory_space<vmem>>, vector<16xf32>,
        %get3A_726 = arith.index_cast %mul3A_721 : i32 to index
        %get3A_727 = tpu.vector_load %arg52[%get3A_726] {strides = array<i32>} : memref<512xf32, #tpu.memory_space<vmem>>, vector<16xf32>,
        %get3A_728 = arith.index_cast %mul3A_721 : i32 to index
        %get3A_729 = tpu.vector_load %arg53[%get3A_728] {strides = array<i32>} : memref<512xf32, #tpu.memory_space<vmem>>, vector<16xf32>,
        %get3A_730 = arith.index_cast %mul3A_721 : i32 to index
        %get3A_731 = tpu.vector_load %arg50[%get3A_730] {strides = array<i32>} : memref<512xf32, #tpu.memory_space<vmem>>, vector<16xf32>,
        %convert_element_type3A_732 = arith.fptosi %get3A_725 : vector<16xf32> to vector<16xi32>
        %convert_element_type3A_733 = arith.sitofp %convert_element_type3A_732 : vector<16xi32> to vector<16xf32>
        %lt3A_734 = arith.cmpf olt, %get3A_725, %convert_element_type3A_733 : vector<16xf32>
        %jit3A_735 = arith.constant 1 : i32
        %jit3A_736 = arith.constant 0 : i32
        %broadcast_in_dim3A_737 = vector.broadcast %jit3A_735 : i32 to vector<16xi32>
        %broadcast_in_dim3A_738 = vector.broadcast %jit3A_736 : i32 to vector<16xi32>
        %select_n3A_739 = arith.select %lt3A_734, %broadcast_in_dim3A_737, %broadcast_in_dim3A_738 : vector<16xi1>, vector<16xi32>
        %sub3A_740 = arith.subi %convert_element_type3A_732, %select_n3A_739 : vector<16xi32>
        %convert_element_type3A_741 = arith.fptosi %get3A_727 : vector<16xf32> to vector<16xi32>
        %convert_element_type3A_742 = arith.sitofp %convert_element_type3A_741 : vector<16xi32> to vector<16xf32>
        %lt3A_743 = arith.cmpf olt, %get3A_727, %convert_element_type3A_742 : vector<16xf32>
        %jit3A_744 = arith.constant 1 : i32
        %jit3A_745 = arith.constant 0 : i32
        %broadcast_in_dim3A_746 = vector.broadcast %jit3A_744 : i32 to vector<16xi32>
        %broadcast_in_dim3A_747 = vector.broadcast %jit3A_745 : i32 to vector<16xi32>
        %select_n3A_748 = arith.select %lt3A_743, %broadcast_in_dim3A_746, %broadcast_in_dim3A_747 : vector<16xi1>, vector<16xi32>
        %sub3A_749 = arith.subi %convert_element_type3A_741, %select_n3A_748 : vector<16xi32>
        %convert_element_type3A_750 = arith.sitofp %sub3A_740 : vector<16xi32> to vector<16xf32>
        %sub3A_751 = arith.subf %get3A_725, %convert_element_type3A_750 : vector<16xf32>
        %convert_element_type3A_752 = arith.sitofp %sub3A_749 : vector<16xi32> to vector<16xf32>
        %sub3A_753 = arith.subf %get3A_727, %convert_element_type3A_752 : vector<16xf32>
        %add3A_754 = arith.constant 1 : i32
        %add3A_755 = vector.broadcast %add3A_754 : i32 to vector<16xi32>
        %add3A_756 = arith.addi %sub3A_740, %add3A_755 : vector<16xi32>
        %add3A_757 = arith.constant 1 : i32
        %add3A_758 = vector.broadcast %add3A_757 : i32 to vector<16xi32>
        %add3A_759 = arith.addi %sub3A_749, %add3A_758 : vector<16xi32>
        %ge3A_760 = arith.constant 0 : i32
        %ge3A_761 = vector.broadcast %ge3A_760 : i32 to vector<16xi32>
        %ge3A_762 = arith.cmpi sge, %sub3A_740, %ge3A_761 : vector<16xi32>
        %lt3A_763 = arith.constant 512 : i32
        %lt3A_764 = vector.broadcast %lt3A_763 : i32 to vector<16xi32>
        %lt3A_765 = arith.cmpi slt, %sub3A_740, %lt3A_764 : vector<16xi32>
        %and3A_766 = arith.andi %ge3A_762, %lt3A_765 : vector<16xi1>
        %ge3A_767 = arith.constant 0 : i32
        %ge3A_768 = vector.broadcast %ge3A_767 : i32 to vector<16xi32>
        %ge3A_769 = arith.cmpi sge, %add3A_756, %ge3A_768 : vector<16xi32>
        %lt3A_770 = arith.constant 512 : i32
        %lt3A_771 = vector.broadcast %lt3A_770 : i32 to vector<16xi32>
        %lt3A_772 = arith.cmpi slt, %add3A_756, %lt3A_771 : vector<16xi32>
        %and3A_773 = arith.andi %ge3A_769, %lt3A_772 : vector<16xi1>
        %ge3A_774 = arith.constant 0 : i32
        %ge3A_775 = vector.broadcast %ge3A_774 : i32 to vector<16xi32>
        %ge3A_776 = arith.cmpi sge, %sub3A_749, %ge3A_775 : vector<16xi32>
        %lt3A_777 = arith.constant 512 : i32
        %lt3A_778 = vector.broadcast %lt3A_777 : i32 to vector<16xi32>
        %lt3A_779 = arith.cmpi slt, %sub3A_749, %lt3A_778 : vector<16xi32>
        %and3A_780 = arith.andi %ge3A_776, %lt3A_779 : vector<16xi1>
        %ge3A_781 = arith.constant 0 : i32
        %ge3A_782 = vector.broadcast %ge3A_781 : i32 to vector<16xi32>
        %ge3A_783 = arith.cmpi sge, %add3A_759, %ge3A_782 : vector<16xi32>
        %lt3A_784 = arith.constant 512 : i32
        %lt3A_785 = vector.broadcast %lt3A_784 : i32 to vector<16xi32>
        %lt3A_786 = arith.cmpi slt, %add3A_759, %lt3A_785 : vector<16xi32>
        %and3A_787 = arith.andi %ge3A_783, %lt3A_786 : vector<16xi1>
        %sub3A_788 = arith.constant 1.000000e+00 : f32
        %sub3A_789 = vector.broadcast %sub3A_788 : f32 to vector<16xf32>
        %sub3A_790 = arith.subf %sub3A_789, %sub3A_751 : vector<16xf32>
        %sub3A_791 = arith.constant 1.000000e+00 : f32
        %sub3A_792 = vector.broadcast %sub3A_791 : f32 to vector<16xf32>
        %sub3A_793 = arith.subf %sub3A_792, %sub3A_753 : vector<16xf32>
        %and3A_794 = arith.andi %and3A_766, %and3A_780 : vector<16xi1>
        %mul3A_795 = arith.mulf %sub3A_790, %sub3A_793 : vector<16xf32>
        %jit3A_796 = arith.constant 0.000000e+00 : f32
        %broadcast_in_dim3A_797 = vector.broadcast %jit3A_796 : f32 to vector<16xf32>
        %select_n3A_798 = arith.select %and3A_794, %mul3A_795, %broadcast_in_dim3A_797 : vector<16xi1>, vector<16xf32>
        %and3A_799 = arith.andi %and3A_773, %and3A_780 : vector<16xi1>
        %mul3A_800 = arith.mulf %sub3A_751, %sub3A_793 : vector<16xf32>
        %jit3A_801 = arith.constant 0.000000e+00 : f32
        %broadcast_in_dim3A_802 = vector.broadcast %jit3A_801 : f32 to vector<16xf32>
        %select_n3A_803 = arith.select %and3A_799, %mul3A_800, %broadcast_in_dim3A_802 : vector<16xi1>, vector<16xf32>
        %and3A_804 = arith.andi %and3A_766, %and3A_787 : vector<16xi1>
        %mul3A_805 = arith.mulf %sub3A_790, %sub3A_753 : vector<16xf32>
        %jit3A_806 = arith.constant 0.000000e+00 : f32
        %broadcast_in_dim3A_807 = vector.broadcast %jit3A_806 : f32 to vector<16xf32>
        %select_n3A_808 = arith.select %and3A_804, %mul3A_805, %broadcast_in_dim3A_807 : vector<16xi1>, vector<16xf32>
        %and3A_809 = arith.andi %and3A_773, %and3A_787 : vector<16xi1>
        %mul3A_810 = arith.mulf %sub3A_751, %sub3A_753 : vector<16xf32>
        %jit3A_811 = arith.constant 0.000000e+00 : f32
        %broadcast_in_dim3A_812 = vector.broadcast %jit3A_811 : f32 to vector<16xf32>
        %select_n3A_813 = arith.select %and3A_809, %mul3A_810, %broadcast_in_dim3A_812 : vector<16xi1>, vector<16xf32>
        %add3A_814 = arith.constant 5.000000e-01 : f32
        %add3A_815 = vector.broadcast %add3A_814 : f32 to vector<16xf32>
        %add3A_816 = arith.addf %get3A_725, %add3A_815 : vector<16xf32>
        %add3A_817 = arith.constant 5.000000e-01 : f32
        %add3A_818 = vector.broadcast %add3A_817 : f32 to vector<16xf32>
        %add3A_819 = arith.addf %get3A_727, %add3A_818 : vector<16xf32>
        %gt3A_820 = arith.constant 0.000000e+00 : f32
        %gt3A_821 = vector.broadcast %gt3A_820 : f32 to vector<16xf32>
        %gt3A_822 = arith.cmpf ogt, %get3A_729, %gt3A_821 : vector<16xf32>
        %ge3A_823 = arith.constant 0.000000e+00 : f32
        %ge3A_824 = vector.broadcast %ge3A_823 : f32 to vector<16xf32>
        %ge3A_825 = arith.cmpf oge, %add3A_816, %ge3A_824 : vector<16xf32>
        %and3A_826 = arith.andi %gt3A_822, %ge3A_825 : vector<16xi1>
        %lt3A_827 = arith.constant 5.120000e+02 : f32
        %lt3A_828 = vector.broadcast %lt3A_827 : f32 to vector<16xf32>
        %lt3A_829 = arith.cmpf olt, %add3A_816, %lt3A_828 : vector<16xf32>
        %and3A_830 = arith.andi %and3A_826, %lt3A_829 : vector<16xi1>
        %ge3A_831 = arith.constant 0.000000e+00 : f32
        %ge3A_832 = vector.broadcast %ge3A_831 : f32 to vector<16xf32>
        %ge3A_833 = arith.cmpf oge, %add3A_819, %ge3A_832 : vector<16xf32>
        %and3A_834 = arith.andi %and3A_830, %ge3A_833 : vector<16xi1>
        %lt3A_835 = arith.constant 5.120000e+02 : f32
        %lt3A_836 = vector.broadcast %lt3A_835 : f32 to vector<16xf32>
        %lt3A_837 = arith.cmpf olt, %add3A_819, %lt3A_836 : vector<16xf32>
        %and3A_838 = arith.andi %and3A_834, %lt3A_837 : vector<16xi1>
        %le3A_839 = arith.cmpf ole, %get3A_729, %get3A_731 : vector<16xf32>
        %and3A_840 = arith.andi %and3A_838, %le3A_839 : vector<16xi1>
        %mul3A_841 = arith.constant 3 : i32
        %mul3A_842 = vector.broadcast %mul3A_841 : i32 to vector<16xi32>
        %mul3A_843 = arith.muli %add3A_723, %mul3A_842 : vector<16xi32>
        %get3A_844 = arith.index_cast %mul3A_721 : i32 to index
        %get3A_845 = tpu.vector_load %arg38[%get3A_844] {strides = array<i32>} : memref<512xf32, #tpu.memory_space<vmem>>, vector<16xf32>,
        %mul3A_846 = arith.mulf %get3A_845, %select_n3A_798 : vector<16xf32>
        %get3A_847 = arith.index_cast %mul3A_721 : i32 to index
        %get3A_848 = tpu.vector_load %arg41[%get3A_847] {strides = array<i32>} : memref<512xf32, #tpu.memory_space<vmem>>, vector<16xf32>,
        %mul3A_849 = arith.mulf %get3A_848, %select_n3A_803 : vector<16xf32>
        %add3A_850 = arith.addf %mul3A_846, %mul3A_849 : vector<16xf32>
        %get3A_851 = arith.index_cast %mul3A_721 : i32 to index
        %get3A_852 = tpu.vector_load %arg44[%get3A_851] {strides = array<i32>} : memref<512xf32, #tpu.memory_space<vmem>>, vector<16xf32>,
        %mul3A_853 = arith.mulf %get3A_852, %select_n3A_808 : vector<16xf32>
        %add3A_854 = arith.addf %add3A_850, %mul3A_853 : vector<16xf32>
        %get3A_855 = arith.index_cast %mul3A_721 : i32 to index
        %get3A_856 = tpu.vector_load %arg47[%get3A_855] {strides = array<i32>} : memref<512xf32, #tpu.memory_space<vmem>>, vector<16xf32>,
        %mul3A_857 = arith.mulf %get3A_856, %select_n3A_813 : vector<16xf32>
        %add3A_858 = arith.addf %add3A_854, %mul3A_857 : vector<16xf32>
        %add3A_859 = arith.constant 0 : i32
        %add3A_860 = vector.broadcast %add3A_859 : i32 to vector<16xi32>
        %add3A_861 = arith.addi %mul3A_843, %add3A_860 : vector<16xi32>
        %jit3A_862 = arith.constant 0.000000e+00 : f32
        %broadcast_in_dim3A_863 = vector.broadcast %jit3A_862 : f32 to vector<16xf32>
        %select_n3A_864 = arith.select %and3A_840, %add3A_858, %broadcast_in_dim3A_863 : vector<16xi1>, vector<16xf32>
        tpu.vector_store_idx %arg54[%add3A_861], %select_n3A_864 : memref<1536xf32, #tpu.memory_space<vmem>>[vector<16xi32>], vector<16xf32>,
        %get3A_865 = arith.index_cast %mul3A_721 : i32 to index
        %get3A_866 = tpu.vector_load %arg39[%get3A_865] {strides = array<i32>} : memref<512xf32, #tpu.memory_space<vmem>>, vector<16xf32>,
        %mul3A_867 = arith.mulf %get3A_866, %select_n3A_798 : vector<16xf32>
        %get3A_868 = arith.index_cast %mul3A_721 : i32 to index
        %get3A_869 = tpu.vector_load %arg42[%get3A_868] {strides = array<i32>} : memref<512xf32, #tpu.memory_space<vmem>>, vector<16xf32>,
        %mul3A_870 = arith.mulf %get3A_869, %select_n3A_803 : vector<16xf32>
        %add3A_871 = arith.addf %mul3A_867, %mul3A_870 : vector<16xf32>
        %get3A_872 = arith.index_cast %mul3A_721 : i32 to index
        %get3A_873 = tpu.vector_load %arg45[%get3A_872] {strides = array<i32>} : memref<512xf32, #tpu.memory_space<vmem>>, vector<16xf32>,
        %mul3A_874 = arith.mulf %get3A_873, %select_n3A_808 : vector<16xf32>
        %add3A_875 = arith.addf %add3A_871, %mul3A_874 : vector<16xf32>
        %get3A_876 = arith.index_cast %mul3A_721 : i32 to index
        %get3A_877 = tpu.vector_load %arg48[%get3A_876] {strides = array<i32>} : memref<512xf32, #tpu.memory_space<vmem>>, vector<16xf32>,
        %mul3A_878 = arith.mulf %get3A_877, %select_n3A_813 : vector<16xf32>
        %add3A_879 = arith.addf %add3A_875, %mul3A_878 : vector<16xf32>
        %add3A_880 = arith.constant 1 : i32
        %add3A_881 = vector.broadcast %add3A_880 : i32 to vector<16xi32>
        %add3A_882 = arith.addi %mul3A_843, %add3A_881 : vector<16xi32>
        %jit3A_883 = arith.constant 0.000000e+00 : f32
        %broadcast_in_dim3A_884 = vector.broadcast %jit3A_883 : f32 to vector<16xf32>
        %select_n3A_885 = arith.select %and3A_840, %add3A_879, %broadcast_in_dim3A_884 : vector<16xi1>, vector<16xf32>
        tpu.vector_store_idx %arg54[%add3A_882], %select_n3A_885 : memref<1536xf32, #tpu.memory_space<vmem>>[vector<16xi32>], vector<16xf32>,
        %get3A_886 = arith.index_cast %mul3A_721 : i32 to index
        %get3A_887 = tpu.vector_load %arg40[%get3A_886] {strides = array<i32>} : memref<512xf32, #tpu.memory_space<vmem>>, vector<16xf32>,
        %mul3A_888 = arith.mulf %get3A_887, %select_n3A_798 : vector<16xf32>
        %get3A_889 = arith.index_cast %mul3A_721 : i32 to index
        %get3A_890 = tpu.vector_load %arg43[%get3A_889] {strides = array<i32>} : memref<512xf32, #tpu.memory_space<vmem>>, vector<16xf32>,
        %mul3A_891 = arith.mulf %get3A_890, %select_n3A_803 : vector<16xf32>
        %add3A_892 = arith.addf %mul3A_888, %mul3A_891 : vector<16xf32>
        %get3A_893 = arith.index_cast %mul3A_721 : i32 to index
        %get3A_894 = tpu.vector_load %arg46[%get3A_893] {strides = array<i32>} : memref<512xf32, #tpu.memory_space<vmem>>, vector<16xf32>,
        %mul3A_895 = arith.mulf %get3A_894, %select_n3A_808 : vector<16xf32>
        %add3A_896 = arith.addf %add3A_892, %mul3A_895 : vector<16xf32>
        %get3A_897 = arith.index_cast %mul3A_721 : i32 to index
        %get3A_898 = tpu.vector_load %arg49[%get3A_897] {strides = array<i32>} : memref<512xf32, #tpu.memory_space<vmem>>, vector<16xf32>,
        %mul3A_899 = arith.mulf %get3A_898, %select_n3A_813 : vector<16xf32>
        %add3A_900 = arith.addf %add3A_896, %mul3A_899 : vector<16xf32>
        %add3A_901 = arith.constant 2 : i32
        %add3A_902 = vector.broadcast %add3A_901 : i32 to vector<16xi32>
        %add3A_903 = arith.addi %mul3A_843, %add3A_902 : vector<16xi32>
        %jit3A_904 = arith.constant 0.000000e+00 : f32
        %broadcast_in_dim3A_905 = vector.broadcast %jit3A_904 : f32 to vector<16xf32>
        %select_n3A_906 = arith.select %and3A_840, %add3A_900, %broadcast_in_dim3A_905 : vector<16xi1>, vector<16xf32>
        tpu.vector_store_idx %arg54[%add3A_903], %select_n3A_906 : memref<1536xf32, #tpu.memory_space<vmem>>[vector<16xi32>], vector<16xf32>,
      }
      %scan3A_535 = arith.constant 32 : i32
      %mul3A_536 = arith.constant 3 : i32
      %mul3A_537 = arith.muli %add3A_416, %mul3A_536 : i32
      "tpu.region"() ({
        %run_scoped3A = tpu.sem_alloc : memref<!tpu.dma_semaphore, #tpu.memory_space<semaphore_mem>>
        %dma_start3A_538 = tpu.memref_slice %arg6[%mul3A_537] : memref<2457600xf32, #tpu.memory_space<hbm>> -> memref<1536xf32, #tpu.memory_space<hbm>>
        %dma_start3A_539 = tpu.memref_slice %arg6[%mul3A_537] : memref<2457600xf32, #tpu.memory_space<hbm>> -> memref<1536xf32, #tpu.memory_space<hbm>>
        tpu.enqueue_dma source(%arg54 : memref<1536xf32, #tpu.memory_space<vmem>>) target(%dma_start3A_539 : memref<1536xf32, #tpu.memory_space<hbm>>) target_semaphore(%run_scoped3A : memref<!tpu.dma_semaphore, #tpu.memory_space<semaphore_mem>>)
        %dma_wait3A_540 = tpu.memref_slice %arg6[%mul3A_537] : memref<2457600xf32, #tpu.memory_space<hbm>> -> memref<1536xf32, #tpu.memory_space<hbm>>
        %dma_wait3A_541 = tpu.memref_slice %arg6[%mul3A_537] : memref<2457600xf32, #tpu.memory_space<hbm>> -> memref<1536xf32, #tpu.memory_space<hbm>>
        tpu.wait_dma2 semaphore(%run_scoped3A : memref<!tpu.dma_semaphore, #tpu.memory_space<semaphore_mem>>) src(%arg54 : memref<1536xf32, #tpu.memory_space<vmem>>) dst(%dma_wait3A_541 : memref<1536xf32, #tpu.memory_space<hbm>>)
        tpu.yield
      }) : () -> ()
    }
    %scan3A_155 = arith.constant 25 : i32
    return
  }
}

</mosaic_0001>

<sc_bundles>
// kernel: kernel.3.cloned.1.call-start
scs
__scs_entry_jumppad:
0x0: {  	(pc) =	sbr.rel $0x88, $3  }
0x1: {  	(tag) =	ssettag $0x0;
	lr =	simm.s32 $0x1  }
0x2: {  	[smem:$0x3F9C] =	sst lr;
	_ =	strace $0xD0000000  }
0x3: {  	_ = 	snop  }
0x4: {  	_ = 	snop  }
0x5: {  	_ = 	snop  }
0x6: {  	_ = 	snop  }
0x7: {  	_ = 	snop  }
__scs_overlays_trampoline_lowered:
0x8: {  	[smem:$0x3FAB] =	sst s0  }
0x9: {  	[smem:$0x3FAC] =	sst s1  }
0xa: {  	[smem:$0x3FAD] =	sst s2  }
0xb: {  	[smem:$0x3FAE] =	sst s3  }
0xc: {  	[smem:$0x3FAF] =	sst s4  }
0xd: {  	[smem:$0x3FB0] =	sst s5  }
0xe: {  	[smem:$0x3FB1] =	sst s6  }
0xf: {  	[smem:$0x3FB2] =	sst s7  }
0x10: {  	[smem:$0x3FB3] =	sst s8  }
0x11: {  	[smem:$0x3FB4] =	sst s9;
	s0 =	simm.s32 @!p0 $0x0  }
0x12: {  	s1 =	sld [smem:$0x3F9A];
	s0 =	simm.s32 @p0 $0x1  }
0x13: {  	[smem:$0x3FB5] =	sst s0;
	s0 =	simm.s32 @!p1 $0x0  }
0x14: {  	s2 =	sld [smem:$0x3F99];
	s0 =	simm.s32 @p1 $0x1  }
0x15: {  	[smem:$0x3FB6] =	sst s0;
	s0 =	simm.s32 @!p2 $0x0  }
0x16: {  	s3 =	sld [smem:$0x3FDB];
	s0 =	simm.s32 @p2 $0x1  }
0x17: {  	s4 =	simm.s32 $0x1BF5;
	[smem:$0x3FB8] =	sst s0  }
0x18: {  	s0 =	sld [smem:$0x3F9B];
	_ =	swait.ge [sflag:s4], $0x0  }
0x19: {  	s7 =	sld [smem:$0x3F9C]  }
0x1a: {  	s8 =	sadd.s32 $0xFFFFE003, lr  }
0x1b: {  	s9 =	sadd.s32 $0xFFFFFEF7, lr;
	s5 =	simm.s32 $0xFFFFFFFF;
	p2 =	slt.u32 s8, $0xFFFFF086  }
0x1c: {  	p1 =	slt.u32 s9, $0xF7A;
	s5 =	simm.s32 @!p2 $0x0  }
0x1d: {  	s5 =	simm.s32 @p1 $0x1;
	p0 =	seq.s32 s7, s2  }
0x1e: {  	s7 =	smul.u32 @!p0 $0xF7A, s2;
	p2 =	seq.s32 @!p0 s5, $0x0  }
0x1f: {  	s9 =	smul.u32 $0xF7A, s1;
	s8 =	simm.s32 @!p0 $0x1BF5;
	p2 =	por !p2, p0  }
0x20: {  	[sflag:s8] =	ssyncset.s32 @!p0 $0xFFFFF086;
	s6 =	sadd.s32 @!p0 s3, s7;
	s7 =	simm.s32 @!p0 $0x108  }
0x21: {  	s3 =	sadd.s32 s3, s9;
	s6 =	sadd.s32 @!p0 $0x88, s6;
	s7 =	simm.s32 @p2 $0x1082  }
0x22: {  	[simem:s7], [sflag:s8] =	dma.local @!p0 [hbm:s6], $0xF7A  }
0x23: {  	s9 =	sor.u32 $0xD0000000, s2;
	s6 =	simm.s32 $0x108;
	_ =	swait.ge @!p0 [sflag:s8], $0x0  }
0x24: {  	s3 =	sadd.s32 $0x88, s3;
	s6 =	simm.s32 @!p1 $0x1082;
	[sflag:s4] =	ssyncset.s32 $0xFFFFF086  }
0x25: {  	[simem:s6], [sflag:s4] =	dma.local [hbm:s3], $0xF7A  }
0x26: {  	[smem:$0x3F9C] =	sst s1;
	(tag) =	ssettag s2;
	_ =	strace s9  }
0x27: {  	s1 =	sld [smem:$0x3FAC]  }
0x28: {  	s2 =	sld [smem:$0x3FAD]  }
0x29: {  	s4 =	sld [smem:$0x3FAF]  }
0x2a: {  	p0 =	seq.s32 s5, $0x0;
	s5 =	sld [smem:$0x3FB0]  }
0x2b: {  	s6 =	sld [smem:$0x3FB1]  }
0x2c: {  	s7 =	sld [smem:$0x3FB2]  }
0x2d: {  	s3 =	simm.s32 $0x108;
	s8 =	sld [smem:$0x3FB3]  }
0x2e: {  	s3 =	simm.s32 @!p0 $0x1082;
	s9 =	sld [smem:$0x3FB4]  }
0x2f: {  	lr =	sadd.s32 s0, s3;
	s0 =	sld [smem:$0x3FAB]  }
0x30: {  	s3 =	sld [smem:$0x3FAE]  }
0x31: {  	[smem:$0x3FB7] =	sst s10  }
0x32: {  	s10 =	sld [smem:$0x3FB5];
	_ =	sdelay $0x3  }
0x33: {  	p0 =	seq.s32 s10, $0x1;
	s10 =	sld [smem:$0x3FB7];
	_ =	sdelay $0x3  }
0x34: {  	[smem:$0x3FB7] =	sst s10  }
0x35: {  	s10 =	sld [smem:$0x3FB6];
	_ =	sdelay $0x3  }
0x36: {  	p1 =	seq.s32 s10, $0x1;
	s10 =	sld [smem:$0x3FB7];
	_ =	sdelay $0x3  }
0x37: {  	[smem:$0x3FB7] =	sst s10  }
0x38: {  	s10 =	sld [smem:$0x3FB8]  }
0x39: {  	_ = 	snop;
	(pc) =	sbr.ind lr, $3  }
0x3a: {  	_ = 	snop  }
0x3b: {  	_ = 	snop  }
0x3c: {  	p2 =	seq.s32 s10, $0x1;
	s10 =	sld [smem:$0x3FB7]  }
0x3d: {  	_ =	shalt  }
0x3e: {  	_ =	shalt  }
0x3f: {  	_ =	shalt  }
0x40: {  	_ =	shalt  }
0x41: {  	_ =	shalt  }
0x42: {  	_ =	shalt  }
0x43: {  	_ =	shalt  }
0x44: {  	_ =	shalt  }
0x45: {  	_ =	shalt  }
0x46: {  	_ =	shalt  }
0x47: {  	_ =	shalt  }
0x48: {  	_ =	shalt  }
0x49: {  	_ =	shalt  }
0x4a: {  	_ =	shalt  }
0x4b: {  	_ =	shalt  }
0x4c: {  	_ =	shalt  }
0x4d: {  	_ =	shalt  }
0x4e: {  	_ =	shalt  }
0x4f: {  	_ =	shalt  }
0x50: {  	_ =	shalt  }
0x51: {  	_ =	shalt  }
0x52: {  	_ =	shalt  }
0x53: {  	_ =	shalt  }
0x54: {  	_ =	shalt  }
0x55: {  	_ =	shalt  }
0x56: {  	_ =	shalt  }
0x57: {  	_ =	shalt  }
0x58: {  	_ =	shalt  }
0x59: {  	_ =	shalt  }
0x5a: {  	_ =	shalt  }
0x5b: {  	_ =	shalt  }
0x5c: {  	_ =	shalt  }
0x5d: {  	_ =	shalt  }
0x5e: {  	_ =	shalt  }
0x5f: {  	_ =	shalt  }
0x60: {  	_ =	shalt  }
0x61: {  	_ =	shalt  }
0x62: {  	_ =	shalt  }
0x63: {  	_ =	shalt  }
0x64: {  	_ =	shalt  }
0x65: {  	_ =	shalt  }
0x66: {  	_ =	shalt  }
0x67: {  	_ =	shalt  }
0x68: {  	_ =	shalt  }
0x69: {  	_ =	shalt  }
0x6a: {  	_ =	shalt  }
0x6b: {  	_ =	shalt  }
0x6c: {  	_ =	shalt  }
0x6d: {  	_ =	shalt  }
0x6e: {  	_ =	shalt  }
0x6f: {  	_ =	shalt  }
0x70: {  	_ =	shalt  }
0x71: {  	_ =	shalt  }
0x72: {  	_ =	shalt  }
0x73: {  	_ =	shalt  }
0x74: {  	_ =	shalt  }
0x75: {  	_ =	shalt  }
0x76: {  	_ =	shalt  }
0x77: {  	_ =	shalt  }
0x78: {  	_ =	shalt  }
0x79: {  	_ =	shalt  }
0x7a: {  	_ =	shalt  }
0x7b: {  	_ =	shalt  }
0x7c: {  	_ =	shalt  }
0x7d: {  	_ =	shalt  }
0x7e: {  	_ =	shalt  }
0x7f: {  	_ =	shalt  }
0x80: {  	_ =	shalt  }
0x81: {  	_ =	shalt  }
0x82: {  	_ =	shalt  }
0x83: {  	_ =	shalt  }
0x84: {  	_ =	shalt  }
0x85: {  	_ =	shalt  }
0x86: {  	_ =	shalt  }
0x87: {  	_ =	shalt  }
.Lfunc_end0:
.L_simem_size_0:
called_computation_lowered:
.L_overlay_start_0:
0x88: {  	s2 =	sld [smem:$0x3FD9]  }
0x89: {  	s3 =	sld [smem:$0x3FFE];
	_ =	sdelay $0x1  }
0x8a: {  	s1 =	srdreg.scid  }
0x8b: {  	s0 =	sand.u32 $0x1, s1  }
0x8c: {  	s17 =	sshll.u32 s0, $0xA;
	s2 =	sadd.s32 s3, s2  }
0x8d: {  	s2 =	sadd.s32 s2, s17  }
0x8e: {  	[smem:$0x3FC3] =	sst s2  }
0x8f: {  	_ = 	snop  }
0x90: {  	s2 =	sld [smem:$0x3FD0];
	(tm) =	ssettm $0x1  }
0x91: {  	s18 =	sld [smem:$0x3FFB];
	_ =	sdelay $0x3  }
0x92: {  	_ =	strace s18  }
0x93: {  	s3 =	sld [smem:$0x3FFC];
	_ =	sdelay $0x3  }
0x94: {  	_ =	strace s3  }
0x95: {  	s3 =	sld [smem:$0x3FFD];
	_ =	sdelay $0x3  }
0x96: {  	_ =	strace s3  }
0x97: {  	_ =	strace $0x8FFFFFFF  }
0x98: {  	s19 =	sld [smem:$0x3FDB];
	_ =	sdelay $0x1  }
0x99: {  	s4 =	simm.s32 $_scs_section_size  }
0x9a: {  	s5 =	simm.s32 $_size__tile_overlayer_lowered;
	s6 =	simm.s32 $_tile_overlayer_lowered  }
0x9b: {  	s22 =	simm.s32 $0x1BFF;
	s21 =	sshll.u32 s6, $0x1;
	s3 =	sadd.s32 s4, s19  }
0x9c: {  	s7 =	simm.s32 $0x0;
	s20 =	sshll.u32 s5, $0x1;
	s5 =	sadd.s32 s21, s3  }
0x9d: {  	[timem:s7], [sflag:s22] =	dma.local [hbm:s5], s20  }
0x9e: {  	_ =	swait.ge [sflag:s22], s20  }
0x9f: {  	s4 =	ssub.s32 $0x0, s20;
	[sflag:s22] =	ssyncset.done $0x0  }
0xa0: {  	[sflag:s22] =	ssyncadd.s32 s4;
	_ =	sdelay $0x1  }
0xa1: {  	s23 =	simm.s32 $0x1B8B  }
0xa2: {  	_ =	swait.ge [sflag:s23], $0x1  }
0xa3: {  	[sflag:s23] =	ssyncset.done $0x0  }
0xa4: {  	s25 =	simm.s32 $0x1B8E;
	s24 =	sld [smem:$0x3FFE];
	[sflag:s23] =	ssyncadd.s32 $0xFFFFFFFF  }
0xa5: {  	s26 =	simm.s32 $execute0_lowered;
	[smem:$0x3FD2] =	sst s25  }
0xa6: {  	s5 =	sshll.u32 s26, $0x1;
	_ =	strace $0x80000046;
	[dreg:$0x1] =	wrdreg $0xFFFFFFFF  }
0xa7: {  	s28 =	simm.s32 $_size_execute0_lowered;
	s3 =	sadd.s32 s3, s5;
	[dreg:$0x0] =	wrdreg $0x0  }
0xa8: {  	s5 =	sshll.u32 s28, $0x1;
	[dreg:$0x2] =	wrdreg s3  }
0xa9: {  	[dreg:$0x3] =	wrdreg s5  }
0xaa: {  	[dreg:$0x4] =	wrdreg $0xC0  }
0xab: {  	_ =	task [dreg:s7], $0x5FFFF  }
0xac: {  	[dreg:$0x1] =	wrdreg $0xFFFFFFFF  }
0xad: {  	[dreg:$0x0] =	wrdreg $0x60  }
0xae: {  	[dreg:$0x2] =	wrdreg s24  }
0xaf: {  	[dreg:$0x3] =	wrdreg s2  }
0xb0: {  	[dreg:$0x4] =	wrdreg $0x9  }
0xb1: {  	_ =	task.clear_ibuf [dreg:s7], $0x5FFFF;
	_ =	strace $0x90000046  }
0xb2: {  	s29 =	simm.s32 $0x9;
	_ =	strace $0x80000048  }
0xb3: {  	_ =	swait.ge [sflag:s29], $0x1  }
0xb4: {  	[sflag:s29] =	ssyncadd.s32 $0xFFFFFFFF  }
0xb5: {  	_ =	strace $0x90000048  }
0xb6: {  	_ =	sfence  }
0xb7: {  	s30 =	sld [smem:$0x0];
	_ =	sdelay $0x2  }
0xb8: {  	s31 =	sshll.u32 s1, $0xD;
	s1 =	sshrl.u32 s1, $0x2  }
0xb9: {  	s3 =	sand.u32 $0x4000, s31;
	s1 =	sadd.s32 s1, s30  }
0xba: {  	s0 =	sor.u32 s3, s0;
	s1 =	sshll.u32 s1, $0x11  }
0xbb: {  	s0 =	sor.u32 s1, s0  }
0xbc: {  	s0 =	sadd.s32 $0x8F2B, s0  }
0xbd: {  	[sflag:s0] =	ssyncadd.remote.s32 $0x1  }
0xbe: {  	_ =	sfence.sel $0xFFFF  }
0xbf: {  	[dreg:$0x0] =	wrdreg $0xFFFFFFFF;
	(pc) =	sbr.abs _section_cstart, $3  }
0xc0: {  	[dreg:$0x1] =	wrdreg $0xFFFFFFFF  }
0xc1: {  	_ =	task.clear_ibuf [dreg:s7], $0x2FFFF;
	_ =	strace $0x9FFFFFFF  }
0xc2: {  	(tm) =	ssettm $0x7FFFFFFF  }
0xc3: {  	_ =	shalt  }
tec
execute0_lowered:
.L_overlay_start_1:
0x0: {  	(tag) =	ssettag $0x1  }
0x1: {  	s0 =	rddreg [dreg:$0x0]  }
0x2: {  	s1 =	rddreg [dreg:$0x1]  }
0x3: {  	s5 =	simm.s32 $0x0;
	s4 =	stileid.u32;
	s2 =	srdreg.scid  }
0x4: {  	s16 =	simm.s32 $0xC0;
	s17 =	simm.s32 $0x200;
	s19 =	simm.s32 $0x36C0  }
0x5: {  	s29 =	simm.s32 $0x1;
	s30 =	simm.s32 $0x30C0;
	s3 =	sshrl.u32 s4, $0x2  }
0x6: {  	s2 =	sand.u32 $0x1, s2;
	s4 =	sshll.u32 s4, $0x1;
	s22 =	smul.u32 $0x18, s3  }
0x7: {  	[smem:$0x7FF] =	sst s5;
	s9 =	sadd.s32 $0x3000, s0;
	s8 =	smul.u32 $0xC0000, s3  }
0x8: {  	s6 =	sadd.s32 $0x4E000, s0;
	s4 =	sor.u32 s2, s4;
	s24 =	smul.u32 $0x18000, s3  }
0x9: {  	_ =	strace $0x80000047;
	s2 =	ssub.s32 $0x2, s2;
	s11 =	smul.u32 $0x6400, s4  }
0xa: {  	[dreg:$0x3] =	wrdreg s9;
	s3 =	sshll.u32 s3, $0xF;
	s4 =	smul.u32 $0x2580, s4  }
0xb: {  	s7 =	sshrl.u32 s2, $0x1;
	s1 =	sadd.s32 s1, s3;
	s5 =	sadd.s32 s22, s0  }
0xc: {  	s0 =	sadd.s32 $0xAE000, s0;
	s23 =	ssub.s32 s2, s7;
	[dreg:$0x8] =	wrdreg s1  }
0xd: {  	s25 =	sshrl.u32 s8, $0x3;
	s8 =	sadd.s32 s6, s24;
	[dreg:$0x5] =	wrdreg s0  }
0xe: {  	v0 =	vlaneseq.u32;
	s1 =	simm.s32 $0x2;
	s5 =	sadd.s32 $0x1E00, s5;
	[dreg:$0x4] =	wrdreg s11  }
0xf: {  	v1 =	vimm.s32 $0x52741630;
	v2 =	vimm.s32 $0x63052741;
	v0 =	vmul.u32 $0x3, v0;
	s2 =	simm.s32 $0x0;
	s4 =	sadd.s32 s9, s4;
	[dreg:$0x6] =	wrdreg s5  }
0x10: {  	v1 =	vunpack.c.l.s4.s8 v1;
	v3 =	vunpack.c.l.s4.s8 v2;
	v2 =	vimm.s32 $0x74163052;
	s26 =	sadd.s32 s6, s25;
	s28 =	sor.u32 $0x200, s11;
	[dreg:$0x7] =	wrdreg s4  }
0x11: {  	v5 =	vunpack.c.l.s4.s8 v2;
	s31 =	sadd.s32 $0x400, s11;
	s0 =	smax.u32 s23, $0x1;
	[dreg:$0x9] =	wrdreg s28  }
0x12: {  	v6 =	vimm.s32 $0x0;
	v1 =	vunpack.c.0.s8.s32 v1;
	v2 =	vadd.s32 $0x1, v0;
	s25 =	simm.s32 $0x3;
	s6 =	simm.s32 $0x66C0;
	[dreg:$0xa] =	wrdreg s31  }
0x13: {  	v3 =	vunpack.c.0.s8.s32 v3;
	v4 =	vadd.s32 $0x2, v0;
	v5 =	vunpack.c.0.s8.s32 v5;
	s9 =	sadd.s32 $0x8000, s26;
	s10 =	sadd.s32 $0x10000, s26;
	[dreg:$0xb] =	wrdreg s0  }
.LBB2_1:
0x14: {  	[dreg:$0xc] =	wrdreg s2  }
0x15: {  	s0 =	simm.s32 $0x0;
	s26 =	rddreg [dreg:$0x6]  }
0x16: {  	[tilespmem:s0], [sflag:$0x3] =	stream.linear.gather [hbm4b:s26+s0], $0xC0, $0x38;
	[tilespmem:$0x6CC0] =	vst v63  }
0x17: {  	_ =	swait.ge [sflag:s25], $0xC0  }
0x18: {  	[sflag:s25] =	ssyncset.done $0x0  }
0x19: {  	[sflag:s25] =	ssyncadd.s32 $0xFFFFFF40  }
0x1a: {  	v7 =	vld [tilespmem:$0x0]  }
0x1b: {  	v8 =	vld [tilespmem:$0x30]  }
0x1c: {  	v9 =	vld [tilespmem:$0x60]  }
0x1d: {  	v13 =	vmov s0;
	v10 =	vld [tilespmem:$0x10]  }
0x1e: {  	v15 =	vmul.u32 $0x3, v13;
	v11 =	vld [tilespmem:$0x40]  }
0x1f: {  	v12 =	vld [tilespmem:$0x70]  }
0x20: {  	v19 =	vbroadcast v15, $0x0;
	v13 =	vld [tilespmem:$0x20]  }
0x21: {  	v14 =	vld [tilespmem:$0x50]  }
0x22: {  	v15 =	vld [tilespmem:$0x80];
	v18 =	vadd.s32 v0, v19  }
0x23: {  	v16 =	vld [tilespmem:$0x90];
	v20 =	vadd.s32 v2, v19;
	v21 =	vand.u32 $0xFFFFFFF8, v18  }
0x24: {  	s28 =	rddreg [dreg:$0x7];
	v17 =	vld [tilespmem:$0xA0];
	v20 =	vand.u32 $0xFFFFFFF8, v20;
	v21 =	vor.u32 v1, v21  }
0x25: {  	v19 =	vadd.s32 v4, v19;
	v18 =	vld [tilespmem:$0xB0];
	[tilespmem:s16], [sflag:$0x3] =	stream.linear.gather [hbm4b:s28+s0], $0x600, $0x38;
	v20 =	vor.u32 v3, v20  }
0x26: {  	v19 =	vand.u32 $0xFFFFFFF8, v19;
	_ =	swait.ge [sflag:s25], $0x600  }
0x27: {  	v19 =	vor.u32 v5, v19;
	[sflag:s25] =	ssyncset.done $0x0  }
0x28: {  	[sflag:s25] =	ssyncadd.s32 $0xFFFFFA00  }
0x29: {  	v21 =	vld.idx.msk [tilespmem:v21+s16+$0x0], $0xffff  }
0x2a: {  	v20 =	vld.idx.msk [tilespmem:v20+s16+$0x0], $0xffff;
	_ =	sdelay $0x1  }
0x2b: {  	v19 =	vld.idx.msk [tilespmem:v19+s16+$0x0], $0xffff;
	_ =	sdelay $0x2  }
0x2c: {  	v21 =	vsub.f32 v21, v16;
	v20 =	vsub.f32 v20, v17;
	_ =	sdelay $0x1  }
0x2d: {  	v19 =	vsub.f32 v19, v18;
	v22 =	vshrl.u32 v21, $0x10;
	v23 =	vshrl.u32 v20, $0x10  }
0x2e: {  	v22 =	vand.u32 $0x1, v22;
	v23 =	vand.u32 $0x1, v23  }
0x2f: {  	v21 =	vadd.s32 v22, v21;
	v20 =	vadd.s32 v23, v20;
	v22 =	vshrl.u32 v19, $0x10  }
0x30: {  	v21 =	vadd.s32 $0x7FFF, v21;
	v20 =	vadd.s32 $0x7FFF, v20;
	v22 =	vand.u32 $0x1, v22  }
0x31: {  	v21 =	vand.u32 $0xFFFF0000, v21;
	v20 =	vand.u32 $0xFFFF0000, v20;
	v19 =	vadd.s32 v22, v19  }
0x32: {  	v19 =	vadd.s32 $0x7FFF, v19;
	v22 =	vmul.f32 v21, v13;
	v23 =	vmul.f32 v20, v14  }
0x33: {  	v19 =	vand.u32 $0xFFFF0000, v19  }
0x34: {  	v24 =	vmul.f32 v19, v15;
	v22 =	vadd.f32 v23, v22;
	_ =	sdelay $0x1  }
0x35: {  	v22 =	vadd.f32 v24, v22;
	_ =	sdelay $0x1  }
0x36: {  	vm0 =	veq.f32 v22, $0.0e+00  }
0x37: {  	v23 =	vsel vm0, $0x2EDBE6FF, v22  }
0x38: {  	(erf) = vrcp.f32 v23  }
0x39: {  	v49 =	vmul.f32 v20, v11;
	v23 =	vmul.f32 v21, v10  }
0x3a: {  	v20 =	vmul.f32 v20, v8  }
0x3b: {  	v50 =	vmul.f32 v19, v12;
	v21 =	vmul.f32 v21, v7;
	v23 =	vadd.f32 v49, v23;
	_ =	sdelay $0x1  }
0x3c: {  	v19 =	vmul.f32 v19, v9;
	v20 =	vadd.f32 v20, v21;
	v21 =	vadd.f32 v50, v23;
	_ =	sdelay $0x1  }
0x3d: {  	v19 =	vadd.f32 v19, v20  }
0x3e: {  	v20 =	vmul.f32 $5.120000000e+02, v21  }
0x3f: {  	v19 =	vmul.f32 $5.120000000e+02, v19;
	v21 =	vpop (erf)  }
0x40: {  	v20 =	vmul.f32 v21, v20  }
0x41: {  	v19 =	vmul.f32 v21, v19  }
0x42: {  	v20 =	vadd.f32 $2.560000000e+02, v20  }
0x43: {  	v19 =	vadd.f32 $2.560000000e+02, v19  }
0x44: {  	v20 =	vadd.f32 $-5.000000000e-01, v20  }
0x45: {  	v19 =	vadd.f32 $-5.000000000e-01, v19  }
0x46: {  	v21 =	vtrunc.f32 v20  }
0x47: {  	v23 =	vtrunc.f32 v19;
	v51 =	vcvt.f32.s32 v21  }
0x48: {  	s31 =	simm.s32 $0x10;
	vm13 =	vlt.f32 v20, v21;
	v21 =	vcvt.f32.s32 v23;
	vm1 =	vlt.f32 v19, v23  }
0x49: {  	v56 =	vmov s31;
	v23 =	vsel vm13, $0xFFFFFFFF, v6;
	v25 =	vsel vm1, $0xFFFFFFFF, v6  }
0x4a: {  	v57 =	vmul.u32 $0x3, v56;
	v23 =	vadd.s32 v51, v23;
	v21 =	vadd.s32 v21, v25  }
0x4b: {  	v24 =	vcvt.s32.f32 v23;
	v52 =	vand.u32 $0x1, v23;
	v26 =	vcvt.s32.f32 v21  }
0x4c: {  	vm14 =	vgt.s32 v23, $0x0;
	v27 =	vand.u32 $0x1, v21;
	v28 =	vadd.s32 $0x1, v21  }
0x4d: {  	v29 =	vadd.s32 $0x1, v23;
	vm3 =	vgt.s32 v21, $0x0;
	v30 =	vnsel vm14, $0x0, v23  }
0x4e: {  	vm15 =	vgt.s32 v29, $0x0;
	vm2 =	veq.s32 v52, $0x1;
	vm9 =	veq.s32 v27, $0x1  }
0x4f: {  	v54 =	vnsel vm3, $0x0, v21;
	vm12 =	vgt.s32 v28, $0x0;
	v24 =	vsub.f32 v20, v24  }
0x50: {  	v26 =	vsub.f32 v19, v26;
	v30 =	vmin.u32 v30, $0x1FF;
	v53 =	vnsel vm15, $0x0, v29  }
0x51: {  	v58 =	vnsel vm12, $0x0, v28;
	v59 =	vshll.u32 v30, $0x9;
	v25 =	vmin.u32 v53, $0x1FF  }
0x52: {  	v27 =	vmin.u32 v58, $0x1FF;
	vm8 =	veq.f32 v24, $5.000000000e-01;
	vm4 =	veq.f32 v26, $5.000000000e-01  }
0x53: {  	vm10 =	vgt.f32 v24, $5.000000000e-01;
	vm11 =	vgt.f32 v26, $5.000000000e-01;
	vm1 =	vmand vm8, vm2  }
0x54: {  	v26 =	vbroadcast v57, $0x0;
	vm0 =	vmand vm4, vm9;
	vm1 =	vmor vm10, vm1  }
0x55: {  	v24 =	vmin.u32 v54, $0x1FF;
	vm0 =	vmor vm11, vm0;
	v55 =	vsel vm1, $0x1, v6  }
0x56: {  	v25 =	vshll.u32 v25, $0x9;
	v60 =	vsel vm0, $0x1, v6;
	v23 =	vadd.s32 v55, v23  }
0x57: {  	s7 =	simm.s32 $0x6D0;
	v30 =	vor.u32 v24, v59;
	v21 =	vadd.s32 v60, v21;
	vm13 =	vgt.s32 v23, $0x0  }
0x58: {  	s4 =	simm.s32 $0x8D0;
	v28 =	vor.u32 v27, v59;
	[tilespmem:s7+$0xFFFFFFF0] =	vst v30;
	vm14 =	vgt.s32 v21, $0x0;
	v23 =	vnsel vm13, $0x0, v23  }
0x59: {  	s13 =	simm.s32 $0xAD0;
	v24 =	vor.u32 v24, v25;
	[tilespmem:s4+$0xFFFFFFF0] =	vst v28;
	v21 =	vnsel vm14, $0x0, v21;
	v23 =	vmin.u32 v23, $0x1FF  }
0x5a: {  	s21 =	simm.s32 $0xCD0;
	v61 =	vor.u32 v27, v25;
	[tilespmem:s13+$0xFFFFFFF0] =	vst v24;
	v21 =	vmin.u32 v21, $0x1FF;
	v23 =	vshll.u32 v23, $0x9  }
0x5b: {  	s18 =	simm.s32 $0xED0;
	v62 =	vadd.s32 v0, v26;
	[tilespmem:s21+$0xFFFFFFF0] =	vst v61;
	v21 =	vor.u32 v21, v23  }
0x5c: {  	s22 =	simm.s32 $0x2AD0;
	v23 =	vadd.s32 v2, v26;
	[tilespmem:s18+$0xFFFFFFF0] =	vst v21  }
0x5d: {  	s23 =	simm.s32 $0x2CD0;
	[tilespmem:s22+$0xFFFFFFF0] =	vst v19  }
0x5e: {  	s24 =	simm.s32 $0x2ED0;
	v19 =	vadd.s32 v4, v26;
	[tilespmem:s23+$0xFFFFFFF0] =	vst v20  }
0x5f: {  	[tilespmem:s24+$0xFFFFFFF0] =	vst v22  }
0x60: {  	v20 =	vld.idx.msk [tilespmem:v62+s16+$0x0], $0xffff  }
0x61: {  	v21 =	vld.idx.msk [tilespmem:v23+s16+$0x0], $0xffff;
	_ =	sdelay $0x1  }
0x62: {  	v19 =	vld.idx.msk [tilespmem:v19+s16+$0x0], $0xffff;
	_ =	sdelay $0x2  }
0x63: {  	v20 =	vsub.f32 v20, v16;
	v21 =	vsub.f32 v21, v17;
	_ =	sdelay $0x1  }
0x64: {  	v22 =	vshrl.u32 v20, $0x10;
	v19 =	vsub.f32 v19, v18;
	v23 =	vshrl.u32 v21, $0x10  }
0x65: {  	v22 =	vand.u32 $0x1, v22;
	v23 =	vand.u32 $0x1, v23  }
0x66: {  	v20 =	vadd.s32 v22, v20;
	v22 =	vshrl.u32 v19, $0x10;
	v21 =	vadd.s32 v23, v21  }
0x67: {  	v20 =	vadd.s32 $0x7FFF, v20;
	v22 =	vand.u32 $0x1, v22;
	v21 =	vadd.s32 $0x7FFF, v21  }
0x68: {  	v20 =	vand.u32 $0xFFFF0000, v20;
	v19 =	vadd.s32 v22, v19;
	v21 =	vand.u32 $0xFFFF0000, v21  }
0x69: {  	v19 =	vadd.s32 $0x7FFF, v19;
	v22 =	vmul.f32 v20, v13;
	v23 =	vmul.f32 v21, v14  }
0x6a: {  	v63 =	vand.u32 $0xFFFF0000, v19  }
0x6b: {  	v19 =	vadd.f32 v23, v22;
	v22 =	vmul.f32 v63, v15;
	_ =	sdelay $0x1  }
0x6c: {  	v19 =	vadd.f32 v22, v19;
	_ =	sdelay $0x1  }
0x6d: {  	vm15 =	veq.f32 v19, $0.0e+00  }
0x6e: {  	v22 =	vsel vm15, $0x2EDBE6FF, v19  }
0x6f: {  	(erf) = vrcp.f32 v22  }
0x70: {  	v23 =	vmul.f32 v21, v8;
	v22 =	vmul.f32 v20, v7  }
0x71: {  	v21 =	vmul.f32 v21, v11;
	v20 =	vmul.f32 v20, v10  }
0x72: {  	v22 =	vadd.f32 v23, v22;
	v23 =	vmul.f32 v63, v9  }
0x73: {  	v20 =	vadd.f32 v21, v20;
	v21 =	vmul.f32 v63, v12  }
0x74: {  	v22 =	vadd.f32 v23, v22  }
0x75: {  	v20 =	vadd.f32 v21, v20;
	_ =	sdelay $0x1  }
0x76: {  	v21 =	vmul.f32 $5.120000000e+02, v22;
	v20 =	vmul.f32 $5.120000000e+02, v20  }
0x77: {  	v22 =	vpop (erf)  }
0x78: {  	v21 =	vmul.f32 v22, v21;
	v20 =	vmul.f32 v22, v20  }
0x79: {  	s2 =	simm.s32 $0x0  }
0x7a: {  	s3 =	simm.s32 $0x2AF0;
	s20 =	simm.s32 $0x2CF0;
	s14 =	simm.s32 $0xCF0;
	v21 =	vadd.f32 $2.560000000e+02, v21;
	v20 =	vadd.f32 $2.560000000e+02, v20  }
0x7b: {  	s11 =	simm.s32 $0xEF0;
	s5 =	simm.s32 $0x0;
	s12 =	simm.s32 $0x8D0  }
0x7c: {  	s26 =	simm.s32 $0x6F0;
	s0 =	simm.s32 $0xAF0;
	s25 =	simm.s32 $0x2EF0;
	v21 =	vadd.f32 $-5.000000000e-01, v21;
	v20 =	vadd.f32 $-5.000000000e-01, v20  }
.LBB2_2:
0x7d: {  	s2 =	sadd.s32 $0x2, s2;
	s5 =	sadd.s32 $0x20, s5;
	s4 =	sadd.s32 $0x20, s4  }
0x7e: {  	p0 =	slt.u32 s2, $0x1E;
	v22 =	vtrunc.f32 v21;
	v23 =	vtrunc.f32 v20  }
0x7f: {  	v24 =	vcvt.f32.s32 v22;
	v25 =	vcvt.f32.s32 v23;
	vm0 =	vlt.f32 v20, v23  }
0x80: {  	vm1 =	vlt.f32 v21, v22;
	v22 =	vsel vm0, $0xFFFFFFFF, v6  }
0x81: {  	v23 =	vsel vm1, $0xFFFFFFFF, v6;
	v22 =	vadd.s32 v25, v22  }
0x82: {  	v23 =	vadd.s32 v24, v23;
	v24 =	vcvt.s32.f32 v22;
	v25 =	vand.u32 $0x1, v22  }
0x83: {  	v26 =	vcvt.s32.f32 v23;
	v27 =	vadd.s32 $0x1, v22;
	v28 =	vand.u32 $0x1, v23  }
0x84: {  	v29 =	vadd.s32 $0x1, v23;
	vm1 =	vgt.s32 v27, $0x0;
	v24 =	vsub.f32 v20, v24  }
0x85: {  	vm0 =	vgt.s32 v23, $0x0;
	vm2 =	veq.s32 v25, $0x1;
	v26 =	vsub.f32 v21, v26  }
0x86: {  	v25 =	vmov s5;
	v30 =	vnsel vm0, $0x0, v23;
	vm0 =	veq.f32 v24, $5.000000000e-01  }
0x87: {  	vm3 =	vgt.s32 v22, $0x0;
	v25 =	vmul.u32 $0x3, v25;
	vm0 =	vmand vm0, vm2  }
0x88: {  	v30 =	vmin.u32 v30, $0x1FF;
	vm4 =	veq.f32 v26, $5.000000000e-01;
	vm2 =	vgt.s32 v29, $0x0  }
0x89: {  	v31 =	vnsel vm3, $0x0, v22;
	vm3 =	veq.s32 v28, $0x1;
	v25 =	vbroadcast v25, $0x0  }
0x8a: {  	vm3 =	vmand vm4, vm3;
	v28 =	vnsel vm2, $0x0, v29;
	vm2 =	vgt.f32 v26, $5.000000000e-01  }
0x8b: {  	v26 =	vadd.s32 v0, v25;
	v29 =	vadd.s32 v2, v25;
	v28 =	vmin.u32 v28, $0x1FF  }
0x8c: {  	v31 =	vmin.u32 v31, $0x1FF;
	v26 =	vand.u32 $0xFFFFFFF8, v26;
	v29 =	vand.u32 $0xFFFFFFF8, v29  }
0x8d: {  	v31 =	vshll.u32 v31, $0x9;
	v26 =	vor.u32 v1, v26;
	v29 =	vor.u32 v3, v29  }
0x8e: {  	v27 =	vnsel vm1, $0x0, v27;
	v25 =	vadd.s32 v4, v25;
	vm1 =	vmor vm2, vm3  }
0x8f: {  	v27 =	vmin.u32 v27, $0x1FF;
	v33 =	vor.u32 v30, v31;
	v32 =	vsel vm1, $0x1, v6  }
0x90: {  	v27 =	vshll.u32 v27, $0x9;
	v31 =	vor.u32 v28, v31;
	v23 =	vadd.s32 v32, v23;
	[tilespmem:s7+$0x0] =	vst v33;
	s7 =	smov.u32 s26  }
0x91: {  	vm1 =	vgt.f32 v24, $5.000000000e-01;
	v24 =	vor.u32 v30, v27;
	vm2 =	vgt.s32 v23, $0x0;
	[tilespmem:s12+$0x0] =	vst v31;
	s12 =	smov.u32 s4  }
0x92: {  	v25 =	vand.u32 $0xFFFFFFF8, v25;
	vm0 =	vmor vm1, vm0;
	[tilespmem:s13+$0x0] =	vst v24;
	v24 =	vor.u32 v28, v27;
	s13 =	smov.u32 s0  }
0x93: {  	v25 =	vor.u32 v5, v25;
	v23 =	vnsel vm2, $0x0, v23;
	v27 =	vsel vm0, $0x1, v6;
	[tilespmem:s21+$0x0] =	vst v24;
	s21 =	smov.u32 s14  }
0x94: {  	v22 =	vadd.s32 v27, v22  }
0x95: {  	vm0 =	vgt.s32 v22, $0x0  }
0x96: {  	v22 =	vnsel vm0, $0x0, v22  }
0x97: {  	v22 =	vmin.u32 v22, $0x1FF  }
0x98: {  	v23 =	vmin.u32 v23, $0x1FF;
	v22 =	vshll.u32 v22, $0x9  }
0x99: {  	v22 =	vor.u32 v23, v22  }
0x9a: {  	[tilespmem:s18+$0x0] =	vst v22;
	s18 =	smov.u32 s11  }
0x9b: {  	[tilespmem:s22+$0x0] =	vst v21;
	s22 =	smov.u32 s3  }
0x9c: {  	[tilespmem:s23+$0x0] =	vst v20;
	s23 =	smov.u32 s20  }
0x9d: {  	[tilespmem:s24+$0x0] =	vst v19;
	s24 =	smov.u32 s25;
	_ =	sdelay $0x1  }
0x9e: {  	v19 =	vld.idx.msk [tilespmem:v26+s16+$0x0], $0xffff  }
0x9f: {  	v20 =	vld.idx.msk [tilespmem:v29+s16+$0x0], $0xffff;
	_ =	sdelay $0x1  }
0xa0: {  	v21 =	vld.idx.msk [tilespmem:v25+s16+$0x0], $0xffff;
	_ =	sdelay $0x2  }
0xa1: {  	v19 =	vsub.f32 v19, v16  }
0xa2: {  	v20 =	vsub.f32 v20, v17  }
0xa3: {  	v22 =	vshrl.u32 v19, $0x10  }
0xa4: {  	v22 =	vand.u32 $0x1, v22;
	v23 =	vshrl.u32 v20, $0x10;
	v21 =	vsub.f32 v21, v18  }
0xa5: {  	v19 =	vadd.s32 v22, v19;
	v22 =	vand.u32 $0x1, v23  }
0xa6: {  	v20 =	vadd.s32 v22, v20;
	v22 =	vshrl.u32 v21, $0x10  }
0xa7: {  	v19 =	vadd.s32 $0x7FFF, v19;
	v20 =	vadd.s32 $0x7FFF, v20;
	v22 =	vand.u32 $0x1, v22  }
0xa8: {  	v19 =	vand.u32 $0xFFFF0000, v19;
	v20 =	vand.u32 $0xFFFF0000, v20;
	v21 =	vadd.s32 v22, v21  }
0xa9: {  	v22 =	vmul.f32 v19, v10;
	v23 =	vmul.f32 v19, v13;
	v21 =	vadd.s32 $0x7FFF, v21  }
0xaa: {  	v19 =	vmul.f32 v19, v7;
	v24 =	vmul.f32 v20, v14;
	v21 =	vand.u32 $0xFFFF0000, v21  }
0xab: {  	v25 =	vmul.f32 v20, v8;
	v26 =	vmul.f32 v21, v15  }
0xac: {  	v20 =	vmul.f32 v20, v11;
	v23 =	vadd.f32 v24, v23  }
0xad: {  	v24 =	vadd.f32 v25, v19;
	v25 =	vmul.f32 v21, v9  }
0xae: {  	v20 =	vadd.f32 v20, v22;
	v21 =	vmul.f32 v21, v12;
	v19 =	vadd.f32 v26, v23  }
0xaf: {  	v22 =	vadd.f32 v25, v24  }
0xb0: {  	v20 =	vadd.f32 v21, v20;
	vm0 =	veq.f32 v19, $0.0e+00  }
0xb1: {  	v21 =	vsel vm0, $0x2EDBE6FF, v19  }
0xb2: {  	(erf) = vrcp.f32 v21;
	_ =	sdelay $0x7  }
0xb3: {  	v20 =	vmul.f32 $5.120000000e+02, v20;
	v21 =	vmul.f32 $5.120000000e+02, v22  }
0xb4: {  	v22 =	vpop (erf)  }
0xb5: {  	v21 =	vmul.f32 v22, v21;
	v20 =	vmul.f32 v22, v20;
	_ =	sdelay $0x1  }
0xb6: {  	v21 =	vadd.f32 $2.560000000e+02, v21;
	v20 =	vadd.f32 $2.560000000e+02, v20;
	_ =	sdelay $0x1  }
0xb7: {  	v21 =	vadd.f32 $-5.000000000e-01, v21;
	v20 =	vadd.f32 $-5.000000000e-01, v20;
	_ =	sdelay $0x1  }
0xb8: {  	v22 =	vtrunc.f32 v21;
	v23 =	vtrunc.f32 v20  }
0xb9: {  	v24 =	vcvt.f32.s32 v22;
	v25 =	vcvt.f32.s32 v23;
	vm0 =	vlt.f32 v20, v23  }
0xba: {  	vm1 =	vlt.f32 v21, v22;
	v22 =	vsel vm0, $0xFFFFFFFF, v6  }
0xbb: {  	v23 =	vsel vm1, $0xFFFFFFFF, v6;
	v22 =	vadd.s32 v25, v22  }
0xbc: {  	v23 =	vadd.s32 v24, v23;
	v24 =	vcvt.s32.f32 v22;
	v25 =	vand.u32 $0x1, v22  }
0xbd: {  	v26 =	vcvt.s32.f32 v23;
	vm0 =	vgt.s32 v22, $0x0;
	v27 =	vand.u32 $0x1, v23  }
0xbe: {  	v28 =	vadd.s32 $0x1, v23;
	v29 =	vadd.s32 $0x1, v22;
	v24 =	vsub.f32 v20, v24  }
0xbf: {  	v30 =	vnsel vm0, $0x0, v22;
	vm0 =	vgt.s32 v29, $0x0;
	v26 =	vsub.f32 v21, v26  }
0xc0: {  	vm2 =	veq.s32 v25, $0x1;
	v30 =	vmin.u32 v30, $0x1FF;
	vm1 =	veq.f32 v24, $5.000000000e-01  }
0xc1: {  	vm3 =	vgt.s32 v23, $0x0;
	vm4 =	veq.f32 v26, $5.000000000e-01;
	vm1 =	vmand vm1, vm2  }
0xc2: {  	s28 =	sadd.s32 $0x10, s5;
	v25 =	vnsel vm0, $0x0, v29;
	vm0 =	veq.s32 v27, $0x1;
	vm2 =	vgt.f32 v24, $5.000000000e-01  }
0xc3: {  	v24 =	vnsel vm3, $0x0, v23;
	vm3 =	vgt.f32 v26, $5.000000000e-01;
	vm1 =	vmor vm2, vm1  }
0xc4: {  	v27 =	vmov s28;
	vm0 =	vmand vm4, vm0;
	v26 =	vsel vm1, $0x1, v6  }
0xc5: {  	vm1 =	vgt.s32 v28, $0x0;
	v22 =	vadd.s32 v26, v22;
	v26 =	vmul.u32 $0x3, v27  }
0xc6: {  	v27 =	vnsel vm1, $0x0, v28;
	v28 =	vshll.u32 v30, $0x9;
	vm1 =	vgt.s32 v22, $0x0  }
0xc7: {  	v25 =	vmin.u32 v25, $0x1FF;
	v22 =	vnsel vm1, $0x0, v22;
	v26 =	vbroadcast v26, $0x0  }
0xc8: {  	v24 =	vmin.u32 v24, $0x1FF;
	vm0 =	vmor vm3, vm0;
	v22 =	vmin.u32 v22, $0x1FF  }
0xc9: {  	v29 =	vsel vm0, $0x1, v6;
	v30 =	vadd.s32 v0, v26;
	v31 =	vadd.s32 v2, v26  }
0xca: {  	v25 =	vshll.u32 v25, $0x9;
	v32 =	vor.u32 v24, v28;
	v22 =	vshll.u32 v22, $0x9  }
0xcb: {  	v23 =	vadd.s32 v29, v23;
	v27 =	vmin.u32 v27, $0x1FF  }
0xcc: {  	vm0 =	vgt.s32 v23, $0x0;
	v28 =	vor.u32 v27, v28;
	[tilespmem:s26+$0xFFFFFFF0] =	vst v32  }
0xcd: {  	v24 =	vor.u32 v24, v25;
	v23 =	vnsel vm0, $0x0, v23;
	[tilespmem:s4+$0xFFFFFFF0] =	vst v28  }
0xce: {  	v23 =	vmin.u32 v23, $0x1FF;
	[tilespmem:s0+$0xFFFFFFF0] =	vst v24;
	v24 =	vor.u32 v27, v25  }
0xcf: {  	v22 =	vor.u32 v23, v22;
	[tilespmem:s14+$0xFFFFFFF0] =	vst v24  }
0xd0: {  	[tilespmem:s11+$0xFFFFFFF0] =	vst v22  }
0xd1: {  	[tilespmem:s3+$0xFFFFFFF0] =	vst v21;
	v21 =	vadd.s32 v4, v26  }
0xd2: {  	[tilespmem:s20+$0xFFFFFFF0] =	vst v20  }
0xd3: {  	[tilespmem:s25+$0xFFFFFFF0] =	vst v19  }
0xd4: {  	v19 =	vld.idx.msk [tilespmem:v30+s16+$0x0], $0xffff  }
0xd5: {  	v20 =	vld.idx.msk [tilespmem:v31+s16+$0x0], $0xffff  }
0xd6: {  	v21 =	vld.idx.msk [tilespmem:v21+s16+$0x0], $0xffff;
	_ =	sdelay $0x3  }
0xd7: {  	v19 =	vsub.f32 v19, v16  }
0xd8: {  	v20 =	vsub.f32 v20, v17  }
0xd9: {  	v22 =	vshrl.u32 v19, $0x10;
	v21 =	vsub.f32 v21, v18  }
0xda: {  	v22 =	vand.u32 $0x1, v22;
	v23 =	vshrl.u32 v20, $0x10  }
0xdb: {  	v19 =	vadd.s32 v22, v19;
	v22 =	vand.u32 $0x1, v23;
	v23 =	vshrl.u32 v21, $0x10  }
0xdc: {  	v19 =	vadd.s32 $0x7FFF, v19;
	v20 =	vadd.s32 v22, v20;
	v22 =	vand.u32 $0x1, v23  }
0xdd: {  	v19 =	vand.u32 $0xFFFF0000, v19;
	v20 =	vadd.s32 $0x7FFF, v20;
	v21 =	vadd.s32 v22, v21  }
0xde: {  	v20 =	vand.u32 $0xFFFF0000, v20;
	v21 =	vadd.s32 $0x7FFF, v21;
	v22 =	vmul.f32 v19, v13  }
0xdf: {  	v21 =	vand.u32 $0xFFFF0000, v21;
	v23 =	vmul.f32 v20, v11;
	v24 =	vmul.f32 v20, v14  }
0xe0: {  	v25 =	vmul.f32 v19, v7;
	v20 =	vmul.f32 v20, v8  }
0xe1: {  	v19 =	vmul.f32 v19, v10;
	v22 =	vadd.f32 v24, v22;
	v24 =	vmul.f32 v21, v15  }
0xe2: {  	v20 =	vadd.f32 v20, v25;
	v25 =	vmul.f32 v21, v9  }
0xe3: {  	v23 =	vadd.f32 v23, v19;
	v21 =	vmul.f32 v21, v12;
	v19 =	vadd.f32 v24, v22  }
0xe4: {  	v20 =	vadd.f32 v25, v20  }
0xe5: {  	v21 =	vadd.f32 v21, v23;
	vm0 =	veq.f32 v19, $0.0e+00  }
0xe6: {  	v22 =	vsel vm0, $0x2EDBE6FF, v19  }
0xe7: {  	(erf) = vrcp.f32 v22;
	_ =	sdelay $0x7  }
0xe8: {  	v20 =	vmul.f32 $5.120000000e+02, v20;
	v21 =	vmul.f32 $5.120000000e+02, v21  }
0xe9: {  	v22 =	vpop (erf)  }
.Ltmp0:
0xea: {  	v20 =	vmul.f32 v22, v20;
	v21 =	vmul.f32 v22, v21;
	(pc) =	sbr.rel @p0 .LBB2_2-.Ltmp0, $4  }
0xeb: {  	_ = 	snop  }
0xec: {  	s26 =	sadd.s32 $0x20, s26;
	v20 =	vadd.f32 $2.560000000e+02, v20;
	v22 =	vadd.f32 $2.560000000e+02, v21  }
0xed: {  	s3 =	sadd.s32 $0x20, s3;
	s20 =	sadd.s32 $0x20, s20;
	s25 =	sadd.s32 $0x20, s25  }
0xee: {  	s0 =	sadd.s32 $0x20, s0;
	s14 =	sadd.s32 $0x20, s14;
	s11 =	sadd.s32 $0x20, s11;
	v21 =	vadd.f32 $-5.000000000e-01, v20;
	v20 =	vadd.f32 $-5.000000000e-01, v22  }
0xef: {  	_ = 	snop  }
0xf0: {  	v22 =	vtrunc.f32 v20  }
0xf1: {  	v23 =	vtrunc.f32 v21;
	v24 =	vcvt.f32.s32 v22;
	vm0 =	vlt.f32 v20, v22  }
0xf2: {  	v51 =	vcvt.f32.s32 v23;
	vm1 =	vlt.f32 v21, v23;
	v52 =	vsel vm0, $0xFFFFFFFF, v6  }
0xf3: {  	v25 =	vsel vm1, $0xFFFFFFFF, v6;
	v23 =	vadd.s32 v24, v52  }
0xf4: {  	v22 =	vadd.s32 v51, v25;
	v24 =	vcvt.s32.f32 v23;
	v53 =	vand.u32 $0x1, v23  }
0xf5: {  	v26 =	vcvt.s32.f32 v22;
	v27 =	vadd.s32 $0x1, v23;
	v28 =	vand.u32 $0x1, v22  }
0xf6: {  	v29 =	vadd.s32 $0x1, v22;
	vm6 =	vgt.s32 v22, $0x0;
	vm3 =	vgt.s32 v23, $0x0  }
0xf7: {  	vm15 =	vgt.s32 v27, $0x0;
	vm2 =	veq.s32 v53, $0x1;
	v54 =	vnsel vm6, $0x0, v22  }
0xf8: {  	vm8 =	vgt.s32 v29, $0x0;
	v30 =	vnsel vm3, $0x0, v23;
	vm9 =	veq.s32 v28, $0x1  }
0xf9: {  	v24 =	vsub.f32 v20, v24;
	v26 =	vsub.f32 v21, v26;
	v25 =	vmin.u32 v54, $0x1FF  }
0xfa: {  	v55 =	vnsel vm8, $0x0, v29;
	v57 =	vmin.u32 v30, $0x1FF;
	v27 =	vnsel vm15, $0x0, v27  }
0xfb: {  	v56 =	vmin.u32 v55, $0x1FF;
	v58 =	vshll.u32 v57, $0x9;
	vm7 =	veq.f32 v24, $5.000000000e-01  }
0xfc: {  	vm4 =	veq.f32 v26, $5.000000000e-01;
	vm11 =	vgt.f32 v24, $5.000000000e-01;
	vm1 =	vmand vm7, vm2  }
0xfd: {  	vm10 =	vgt.f32 v26, $5.000000000e-01;
	vm3 =	vmand vm4, vm9;
	vm12 =	vmor vm11, vm1  }
0xfe: {  	v27 =	vmin.u32 v27, $0x1FF;
	vm13 =	vmor vm10, vm3;
	v59 =	vsel vm12, $0x1, v6  }
0xff: {  	v61 =	vor.u32 v25, v58;
	v60 =	vsel vm13, $0x1, v6;
	v23 =	vadd.s32 v59, v23  }
0x100: {  	v27 =	vshll.u32 v27, $0x9;
	v22 =	vadd.s32 v60, v22;
	vm14 =	vgt.s32 v23, $0x0  }
0x101: {  	v24 =	vor.u32 v56, v58;
	[tilespmem:s7+$0x0] =	vst v61;
	vm15 =	vgt.s32 v22, $0x0;
	v23 =	vnsel vm14, $0x0, v23  }
0x102: {  	v62 =	vor.u32 v25, v27;
	[tilespmem:s12+$0x0] =	vst v24;
	v22 =	vnsel vm15, $0x0, v22;
	v23 =	vmin.u32 v23, $0x1FF  }
0x103: {  	v63 =	vor.u32 v56, v27;
	[tilespmem:s13+$0x0] =	vst v62;
	v22 =	vmin.u32 v22, $0x1FF;
	v23 =	vshll.u32 v23, $0x9  }
0x104: {  	[tilespmem:s21+$0x0] =	vst v63;
	v22 =	vor.u32 v22, v23  }
0x105: {  	[tilespmem:s18+$0x0] =	vst v22  }
0x106: {  	[tilespmem:s22+$0x0] =	vst v21  }
0x107: {  	[tilespmem:s23+$0x0] =	vst v20  }
0x108: {  	s0 =	simm.s32 $0x6C0;
	s2 =	simm.s32 $0x10C0;
	[tilespmem:s24+$0x0] =	vst v19  }
0x109: {  	[tilespmem:s2], [sflag:$0x1] =	stream.indirect.gather [hbm4b:s8+s17], $0x1, s0, s17, $0xb8;
	[tilespmem:$0x6CC0] =	vst v63  }
0x10a: {  	s7 =	simm.s32 $0x12C0  }
0x10b: {  	[tilespmem:s7], [sflag:$0x1] =	stream.indirect.gather [hbm4b:s9+s17], $0x1, s0, s17, $0xb8;
	[tilespmem:$0x6CC0] =	vst v63  }
0x10c: {  	s11 =	simm.s32 $0x14C0  }
0x10d: {  	[tilespmem:s11], [sflag:$0x1] =	stream.indirect.gather [hbm4b:s10+s17], $0x1, s0, s17, $0xb8;
	[tilespmem:$0x6CC0] =	vst v63  }
0x10e: {  	s12 =	simm.s32 $0x8C0;
	s13 =	simm.s32 $0x16C0  }
0x10f: {  	[tilespmem:s13], [sflag:$0x1] =	stream.indirect.gather [hbm4b:s8+s17], $0x1, s12, s17, $0xb8;
	[tilespmem:$0x6CC0] =	vst v63  }
0x110: {  	s14 =	simm.s32 $0x18C0  }
0x111: {  	[tilespmem:s14], [sflag:$0x1] =	stream.indirect.gather [hbm4b:s9+s17], $0x1, s12, s17, $0xb8;
	[tilespmem:$0x6CC0] =	vst v63  }
0x112: {  	s15 =	simm.s32 $0x1AC0  }
0x113: {  	[tilespmem:s15], [sflag:$0x1] =	stream.indirect.gather [hbm4b:s10+s17], $0x1, s12, s17, $0xb8;
	[tilespmem:$0x6CC0] =	vst v63  }
0x114: {  	s20 =	simm.s32 $0x1CC0;
	s18 =	simm.s32 $0xAC0  }
0x115: {  	[tilespmem:s20], [sflag:$0x1] =	stream.indirect.gather [hbm4b:s8+s17], $0x1, s18, s17, $0xb8;
	[tilespmem:$0x6CC0] =	vst v63  }
0x116: {  	s21 =	simm.s32 $0x1EC0  }
0x117: {  	[tilespmem:s21], [sflag:$0x1] =	stream.indirect.gather [hbm4b:s9+s17], $0x1, s18, s17, $0xb8;
	[tilespmem:$0x6CC0] =	vst v63  }
0x118: {  	s22 =	simm.s32 $0x20C0  }
0x119: {  	[tilespmem:s22], [sflag:$0x1] =	stream.indirect.gather [hbm4b:s10+s17], $0x1, s18, s17, $0xb8;
	[tilespmem:$0x6CC0] =	vst v63  }
0x11a: {  	s23 =	simm.s32 $0xCC0;
	s24 =	simm.s32 $0x22C0  }
0x11b: {  	[tilespmem:s24], [sflag:$0x1] =	stream.indirect.gather [hbm4b:s8+s17], $0x1, s23, s17, $0xb8;
	[tilespmem:$0x6CC0] =	vst v63  }
0x11c: {  	s25 =	simm.s32 $0x24C0  }
0x11d: {  	[tilespmem:s25], [sflag:$0x1] =	stream.indirect.gather [hbm4b:s9+s17], $0x1, s23, s17, $0xb8;
	[tilespmem:$0x6CC0] =	vst v63  }
0x11e: {  	s26 =	simm.s32 $0x26C0;
	s28 =	rddreg [dreg:$0x8];
	s31 =	simm.s32 $0xEC0  }
0x11f: {  	[tilespmem:s26], [sflag:$0x1] =	stream.indirect.gather [hbm4b:s10+s17], $0x1, s23, s17, $0xb8;
	[tilespmem:$0x6CC0] =	vst v63  }
0x120: {  	s3 =	simm.s32 $0x28C0;
	s13 =	simm.s32 $0x0;
	s25 =	simm.s32 $0x3  }
0x121: {  	[tilespmem:s3], [sflag:$0x1] =	stream.indirect.gather [hbm4b:s28+s17], $0x1, s31, s17, $0xb8;
	[tilespmem:$0x6CC0] =	vst v63  }
.LBB2_4:
0x122: {  	s2 =	simm.s32 $0x0  }
0x123: {  	v19 =	vmov s2  }
0x124: {  	v19 =	vmul.u32 $0x3, v19  }
0x125: {  	s23 =	sshll.u32 s13, $0xA;
	s0 =	rddreg [dreg:$0x9]  }
0x126: {  	s0 =	sadd.s32 s23, s0;
	v19 =	vbroadcast v19, $0x0  }
0x127: {  	s0 =	smul.u32 $0x3, s0  }
0x128: {  	v20 =	vadd.s32 v0, v19  }
0x129: {  	s24 =	rddreg [dreg:$0x3];
	s3 =	sshrl.u32 s0, $0x3;
	v21 =	vadd.s32 v2, v19;
	v20 =	vand.u32 $0xFFFFFFF8, v20  }
0x12a: {  	[dreg:$0xd] =	wrdreg s3;
	s0 =	sadd.s32 s24, s3;
	v21 =	vand.u32 $0xFFFFFFF8, v21;
	v20 =	vor.u32 v1, v20  }
0x12b: {  	[tilespmem:s19], [sflag:$0x3] =	stream.linear.gather [hbm4b:s0+s2], $0x600, $0x38;
	v19 =	vadd.s32 v4, v19;
	v21 =	vor.u32 v3, v21;
	[tilespmem:$0x6CC0] =	vst v63  }
0x12c: {  	_ =	swait.ge [sflag:s25], $0x600;
	v19 =	vand.u32 $0xFFFFFFF8, v19  }
0x12d: {  	[sflag:s25] =	ssyncset.done $0x0;
	v19 =	vor.u32 v5, v19  }
0x12e: {  	[sflag:s25] =	ssyncadd.s32 $0xFFFFFA00  }
0x12f: {  	v20 =	vld.idx.msk [tilespmem:v20+s19+$0x0], $0xffff  }
0x130: {  	v21 =	vld.idx.msk [tilespmem:v21+s19+$0x0], $0xffff;
	_ =	sdelay $0x1  }
0x131: {  	v19 =	vld.idx.msk [tilespmem:v19+s19+$0x0], $0xffff;
	_ =	sdelay $0x2  }
0x132: {  	v20 =	vsub.f32 v20, v16;
	v21 =	vsub.f32 v21, v17;
	_ =	sdelay $0x1  }
0x133: {  	v19 =	vsub.f32 v19, v18;
	v22 =	vshrl.u32 v20, $0x10;
	v23 =	vshrl.u32 v21, $0x10  }
0x134: {  	v22 =	vand.u32 $0x1, v22;
	v23 =	vand.u32 $0x1, v23  }
0x135: {  	v20 =	vadd.s32 v22, v20;
	v21 =	vadd.s32 v23, v21;
	v22 =	vshrl.u32 v19, $0x10  }
0x136: {  	v20 =	vadd.s32 $0x7FFF, v20;
	v21 =	vadd.s32 $0x7FFF, v21;
	v22 =	vand.u32 $0x1, v22  }
0x137: {  	v20 =	vand.u32 $0xFFFF0000, v20;
	v21 =	vand.u32 $0xFFFF0000, v21;
	v19 =	vadd.s32 v22, v19  }
0x138: {  	v19 =	vadd.s32 $0x7FFF, v19;
	v22 =	vmul.f32 v20, v13;
	v23 =	vmul.f32 v21, v14  }
0x139: {  	v19 =	vand.u32 $0xFFFF0000, v19  }
0x13a: {  	v24 =	vmul.f32 v19, v15;
	v22 =	vadd.f32 v23, v22;
	_ =	sdelay $0x1  }
0x13b: {  	v22 =	vadd.f32 v24, v22;
	_ =	sdelay $0x1  }
0x13c: {  	vm0 =	veq.f32 v22, $0.0e+00  }
0x13d: {  	v23 =	vsel vm0, $0x2EDBE6FF, v22  }
0x13e: {  	(erf) = vrcp.f32 v23  }
0x13f: {  	v49 =	vmul.f32 v21, v11;
	v23 =	vmul.f32 v20, v10  }
0x140: {  	v21 =	vmul.f32 v21, v8  }
0x141: {  	v50 =	vmul.f32 v19, v12;
	v20 =	vmul.f32 v20, v7;
	v23 =	vadd.f32 v49, v23;
	_ =	sdelay $0x1  }
0x142: {  	v19 =	vmul.f32 v19, v9;
	v20 =	vadd.f32 v21, v20;
	v21 =	vadd.f32 v50, v23;
	_ =	sdelay $0x1  }
0x143: {  	v19 =	vadd.f32 v19, v20  }
0x144: {  	v20 =	vmul.f32 $5.120000000e+02, v21  }
0x145: {  	v19 =	vmul.f32 $5.120000000e+02, v19;
	v21 =	vpop (erf)  }
0x146: {  	v20 =	vmul.f32 v21, v20  }
0x147: {  	v19 =	vmul.f32 v21, v19  }
0x148: {  	v20 =	vadd.f32 $2.560000000e+02, v20  }
0x149: {  	v19 =	vadd.f32 $2.560000000e+02, v19  }
0x14a: {  	v20 =	vadd.f32 $-5.000000000e-01, v20  }
0x14b: {  	v19 =	vadd.f32 $-5.000000000e-01, v19  }
0x14c: {  	v21 =	vtrunc.f32 v20  }
0x14d: {  	v23 =	vtrunc.f32 v19;
	v51 =	vcvt.f32.s32 v21  }
0x14e: {  	s26 =	simm.s32 $0x10;
	vm13 =	vlt.f32 v20, v21;
	v21 =	vcvt.f32.s32 v23;
	vm1 =	vlt.f32 v19, v23  }
0x14f: {  	v56 =	vmov s26;
	v23 =	vsel vm13, $0xFFFFFFFF, v6;
	v25 =	vsel vm1, $0xFFFFFFFF, v6  }
0x150: {  	v57 =	vmul.u32 $0x3, v56;
	v23 =	vadd.s32 v51, v23;
	v21 =	vadd.s32 v21, v25  }
0x151: {  	v24 =	vcvt.s32.f32 v23;
	v52 =	vand.u32 $0x1, v23;
	v26 =	vcvt.s32.f32 v21  }
0x152: {  	vm14 =	vgt.s32 v23, $0x0;
	v27 =	vand.u32 $0x1, v21;
	v28 =	vadd.s32 $0x1, v21  }
0x153: {  	v29 =	vadd.s32 $0x1, v23;
	vm3 =	vgt.s32 v21, $0x0;
	v30 =	vnsel vm14, $0x0, v23  }
0x154: {  	vm15 =	vgt.s32 v29, $0x0;
	vm2 =	veq.s32 v52, $0x1;
	vm9 =	veq.s32 v27, $0x1  }
0x155: {  	v54 =	vnsel vm3, $0x0, v21;
	vm12 =	vgt.s32 v28, $0x0;
	v24 =	vsub.f32 v20, v24  }
0x156: {  	v26 =	vsub.f32 v19, v26;
	v30 =	vmin.u32 v30, $0x1FF;
	v53 =	vnsel vm15, $0x0, v29  }
0x157: {  	v58 =	vnsel vm12, $0x0, v28;
	v59 =	vshll.u32 v30, $0x9;
	v25 =	vmin.u32 v53, $0x1FF  }
0x158: {  	v27 =	vmin.u32 v58, $0x1FF;
	vm8 =	veq.f32 v24, $5.000000000e-01;
	vm4 =	veq.f32 v26, $5.000000000e-01  }
0x159: {  	vm10 =	vgt.f32 v24, $5.000000000e-01;
	vm11 =	vgt.f32 v26, $5.000000000e-01;
	vm1 =	vmand vm8, vm2  }
0x15a: {  	v26 =	vbroadcast v57, $0x0;
	vm0 =	vmand vm4, vm9;
	vm1 =	vmor vm10, vm1  }
0x15b: {  	v24 =	vmin.u32 v54, $0x1FF;
	vm0 =	vmor vm11, vm0;
	v55 =	vsel vm1, $0x1, v6  }
0x15c: {  	v25 =	vshll.u32 v25, $0x9;
	v60 =	vsel vm0, $0x1, v6;
	v23 =	vadd.s32 v55, v23  }
0x15d: {  	s24 =	simm.s32 $0x3CD0;
	v30 =	vor.u32 v24, v59;
	v21 =	vadd.s32 v60, v21;
	vm13 =	vgt.s32 v23, $0x0  }
0x15e: {  	s12 =	simm.s32 $0x3ED0;
	v28 =	vor.u32 v27, v59;
	[tilespmem:s24+$0xFFFFFFF0] =	vst v30;
	vm14 =	vgt.s32 v21, $0x0;
	v23 =	vnsel vm13, $0x0, v23  }
0x15f: {  	s28 =	simm.s32 $0x40D0;
	v24 =	vor.u32 v24, v25;
	[tilespmem:s12+$0xFFFFFFF0] =	vst v28;
	v21 =	vnsel vm14, $0x0, v21;
	v23 =	vmin.u32 v23, $0x1FF  }
0x160: {  	s18 =	simm.s32 $0x42D0;
	v61 =	vor.u32 v27, v25;
	[tilespmem:s28+$0xFFFFFFF0] =	vst v24;
	v21 =	vmin.u32 v21, $0x1FF;
	v23 =	vshll.u32 v23, $0x9  }
0x161: {  	s22 =	simm.s32 $0x44D0;
	v62 =	vadd.s32 v0, v26;
	[tilespmem:s18+$0xFFFFFFF0] =	vst v61;
	v21 =	vor.u32 v21, v23  }
0x162: {  	s26 =	simm.s32 $0x60D0;
	v23 =	vadd.s32 v2, v26;
	[tilespmem:s22+$0xFFFFFFF0] =	vst v21  }
0x163: {  	s31 =	simm.s32 $0x62D0;
	[tilespmem:s26+$0xFFFFFFF0] =	vst v19  }
0x164: {  	s4 =	simm.s32 $0x64D0;
	v19 =	vadd.s32 v4, v26;
	[tilespmem:s31+$0xFFFFFFF0] =	vst v20  }
0x165: {  	[tilespmem:s4+$0xFFFFFFF0] =	vst v22  }
0x166: {  	v20 =	vld.idx.msk [tilespmem:v62+s19+$0x0], $0xffff  }
0x167: {  	v21 =	vld.idx.msk [tilespmem:v23+s19+$0x0], $0xffff;
	_ =	sdelay $0x1  }
0x168: {  	v19 =	vld.idx.msk [tilespmem:v19+s19+$0x0], $0xffff;
	_ =	sdelay $0x2  }
0x169: {  	v20 =	vsub.f32 v20, v16;
	v21 =	vsub.f32 v21, v17;
	_ =	sdelay $0x1  }
0x16a: {  	v22 =	vshrl.u32 v20, $0x10;
	v19 =	vsub.f32 v19, v18;
	v23 =	vshrl.u32 v21, $0x10  }
0x16b: {  	v22 =	vand.u32 $0x1, v22;
	v23 =	vand.u32 $0x1, v23  }
0x16c: {  	v20 =	vadd.s32 v22, v20;
	v22 =	vshrl.u32 v19, $0x10;
	v21 =	vadd.s32 v23, v21  }
0x16d: {  	v20 =	vadd.s32 $0x7FFF, v20;
	v22 =	vand.u32 $0x1, v22;
	v21 =	vadd.s32 $0x7FFF, v21  }
0x16e: {  	v20 =	vand.u32 $0xFFFF0000, v20;
	v19 =	vadd.s32 v22, v19;
	v21 =	vand.u32 $0xFFFF0000, v21  }
0x16f: {  	v19 =	vadd.s32 $0x7FFF, v19;
	v22 =	vmul.f32 v20, v13;
	v23 =	vmul.f32 v21, v14  }
0x170: {  	v63 =	vand.u32 $0xFFFF0000, v19  }
0x171: {  	v19 =	vadd.f32 v23, v22;
	v22 =	vmul.f32 v63, v15;
	_ =	sdelay $0x1  }
0x172: {  	v19 =	vadd.f32 v22, v19;
	_ =	sdelay $0x1  }
0x173: {  	vm15 =	veq.f32 v19, $0.0e+00  }
0x174: {  	v22 =	vsel vm15, $0x2EDBE6FF, v19  }
0x175: {  	(erf) = vrcp.f32 v22  }
0x176: {  	v23 =	vmul.f32 v21, v8;
	v22 =	vmul.f32 v20, v7  }
0x177: {  	v21 =	vmul.f32 v21, v11;
	v20 =	vmul.f32 v20, v10  }
0x178: {  	v22 =	vadd.f32 v23, v22;
	v23 =	vmul.f32 v63, v9  }
0x179: {  	v20 =	vadd.f32 v21, v20;
	v21 =	vmul.f32 v63, v12  }
0x17a: {  	v22 =	vadd.f32 v23, v22  }
0x17b: {  	v20 =	vadd.f32 v21, v20;
	_ =	sdelay $0x1  }
0x17c: {  	v21 =	vmul.f32 $5.120000000e+02, v22;
	v20 =	vmul.f32 $5.120000000e+02, v20  }
0x17d: {  	v22 =	vpop (erf)  }
0x17e: {  	v21 =	vmul.f32 v22, v21;
	v20 =	vmul.f32 v22, v20  }
0x17f: {  	s7 =	simm.s32 $0x0  }
0x180: {  	s20 =	simm.s32 $0x60F0;
	s14 =	simm.s32 $0x40F0;
	s11 =	simm.s32 $0x42F0;
	v21 =	vadd.f32 $2.560000000e+02, v21;
	v20 =	vadd.f32 $2.560000000e+02, v20  }
0x181: {  	s5 =	simm.s32 $0x44F0;
	s21 =	simm.s32 $0x0;
	s3 =	simm.s32 $0x3CF0  }
0x182: {  	s0 =	simm.s32 $0x64F0;
	s2 =	simm.s32 $0x3ED0;
	s25 =	simm.s32 $0x62F0;
	v21 =	vadd.f32 $-5.000000000e-01, v21;
	v20 =	vadd.f32 $-5.000000000e-01, v20  }
.LBB2_5:
0x183: {  	s7 =	sadd.s32 $0x2, s7;
	s21 =	sadd.s32 $0x20, s21;
	s12 =	sadd.s32 $0x20, s12  }
0x184: {  	p0 =	slt.u32 s7, $0x1E;
	v22 =	vtrunc.f32 v21;
	v23 =	vtrunc.f32 v20  }
0x185: {  	v24 =	vcvt.f32.s32 v22;
	v25 =	vcvt.f32.s32 v23;
	vm0 =	vlt.f32 v20, v23  }
0x186: {  	vm1 =	vlt.f32 v21, v22;
	v22 =	vsel vm0, $0xFFFFFFFF, v6  }
0x187: {  	v23 =	vsel vm1, $0xFFFFFFFF, v6;
	v22 =	vadd.s32 v25, v22  }
0x188: {  	v23 =	vadd.s32 v24, v23;
	v24 =	vcvt.s32.f32 v22;
	v25 =	vand.u32 $0x1, v22  }
0x189: {  	v26 =	vcvt.s32.f32 v23;
	v27 =	vadd.s32 $0x1, v22;
	v28 =	vand.u32 $0x1, v23  }
0x18a: {  	v29 =	vadd.s32 $0x1, v23;
	vm1 =	vgt.s32 v27, $0x0;
	v24 =	vsub.f32 v20, v24  }
0x18b: {  	vm0 =	vgt.s32 v23, $0x0;
	vm2 =	veq.s32 v25, $0x1;
	v26 =	vsub.f32 v21, v26  }
0x18c: {  	v25 =	vmov s21;
	v30 =	vnsel vm0, $0x0, v23;
	vm0 =	veq.f32 v24, $5.000000000e-01  }
0x18d: {  	vm3 =	vgt.s32 v22, $0x0;
	v25 =	vmul.u32 $0x3, v25;
	vm0 =	vmand vm0, vm2  }
0x18e: {  	v30 =	vmin.u32 v30, $0x1FF;
	vm4 =	veq.f32 v26, $5.000000000e-01;
	vm2 =	vgt.s32 v29, $0x0  }
0x18f: {  	v31 =	vnsel vm3, $0x0, v22;
	vm3 =	veq.s32 v28, $0x1;
	v25 =	vbroadcast v25, $0x0  }
0x190: {  	vm3 =	vmand vm4, vm3;
	v28 =	vnsel vm2, $0x0, v29;
	vm2 =	vgt.f32 v26, $5.000000000e-01  }
0x191: {  	v26 =	vadd.s32 v0, v25;
	v29 =	vadd.s32 v2, v25;
	v28 =	vmin.u32 v28, $0x1FF  }
0x192: {  	v31 =	vmin.u32 v31, $0x1FF;
	v26 =	vand.u32 $0xFFFFFFF8, v26;
	v29 =	vand.u32 $0xFFFFFFF8, v29  }
0x193: {  	v31 =	vshll.u32 v31, $0x9;
	v26 =	vor.u32 v1, v26;
	v29 =	vor.u32 v3, v29  }
0x194: {  	v27 =	vnsel vm1, $0x0, v27;
	v25 =	vadd.s32 v4, v25;
	vm1 =	vmor vm2, vm3  }
0x195: {  	v27 =	vmin.u32 v27, $0x1FF;
	v33 =	vor.u32 v30, v31;
	v32 =	vsel vm1, $0x1, v6  }
0x196: {  	v27 =	vshll.u32 v27, $0x9;
	v31 =	vor.u32 v28, v31;
	v23 =	vadd.s32 v32, v23;
	[tilespmem:s24+$0x0] =	vst v33;
	s24 =	smov.u32 s3  }
0x197: {  	vm1 =	vgt.f32 v24, $5.000000000e-01;
	v24 =	vor.u32 v30, v27;
	vm2 =	vgt.s32 v23, $0x0;
	[tilespmem:s2+$0x0] =	vst v31;
	s2 =	smov.u32 s12  }
0x198: {  	v25 =	vand.u32 $0xFFFFFFF8, v25;
	vm0 =	vmor vm1, vm0;
	[tilespmem:s28+$0x0] =	vst v24;
	v24 =	vor.u32 v28, v27;
	s28 =	smov.u32 s14  }
0x199: {  	v25 =	vor.u32 v5, v25;
	v23 =	vnsel vm2, $0x0, v23;
	v27 =	vsel vm0, $0x1, v6;
	[tilespmem:s18+$0x0] =	vst v24;
	s18 =	smov.u32 s11  }
0x19a: {  	v22 =	vadd.s32 v27, v22  }
0x19b: {  	vm0 =	vgt.s32 v22, $0x0  }
0x19c: {  	v22 =	vnsel vm0, $0x0, v22  }
0x19d: {  	v22 =	vmin.u32 v22, $0x1FF  }
0x19e: {  	v23 =	vmin.u32 v23, $0x1FF;
	v22 =	vshll.u32 v22, $0x9  }
0x19f: {  	v22 =	vor.u32 v23, v22  }
0x1a0: {  	[tilespmem:s22+$0x0] =	vst v22;
	s22 =	smov.u32 s5  }
0x1a1: {  	[tilespmem:s26+$0x0] =	vst v21;
	s26 =	smov.u32 s20  }
0x1a2: {  	[tilespmem:s31+$0x0] =	vst v20;
	s31 =	smov.u32 s25  }
0x1a3: {  	[tilespmem:s4+$0x0] =	vst v19;
	s4 =	smov.u32 s0;
	_ =	sdelay $0x1  }
0x1a4: {  	v19 =	vld.idx.msk [tilespmem:v26+s19+$0x0], $0xffff  }
0x1a5: {  	v20 =	vld.idx.msk [tilespmem:v29+s19+$0x0], $0xffff;
	_ =	sdelay $0x1  }
0x1a6: {  	v21 =	vld.idx.msk [tilespmem:v25+s19+$0x0], $0xffff;
	_ =	sdelay $0x2  }
0x1a7: {  	v19 =	vsub.f32 v19, v16  }
0x1a8: {  	v20 =	vsub.f32 v20, v17  }
0x1a9: {  	v22 =	vshrl.u32 v19, $0x10  }
0x1aa: {  	v22 =	vand.u32 $0x1, v22;
	v23 =	vshrl.u32 v20, $0x10;
	v21 =	vsub.f32 v21, v18  }
0x1ab: {  	v19 =	vadd.s32 v22, v19;
	v22 =	vand.u32 $0x1, v23  }
0x1ac: {  	v20 =	vadd.s32 v22, v20;
	v22 =	vshrl.u32 v21, $0x10  }
0x1ad: {  	v19 =	vadd.s32 $0x7FFF, v19;
	v20 =	vadd.s32 $0x7FFF, v20;
	v22 =	vand.u32 $0x1, v22  }
0x1ae: {  	v19 =	vand.u32 $0xFFFF0000, v19;
	v20 =	vand.u32 $0xFFFF0000, v20;
	v21 =	vadd.s32 v22, v21  }
0x1af: {  	v22 =	vmul.f32 v19, v10;
	v23 =	vmul.f32 v19, v13;
	v21 =	vadd.s32 $0x7FFF, v21  }
0x1b0: {  	v19 =	vmul.f32 v19, v7;
	v24 =	vmul.f32 v20, v14;
	v21 =	vand.u32 $0xFFFF0000, v21  }
0x1b1: {  	v25 =	vmul.f32 v20, v8;
	v26 =	vmul.f32 v21, v15  }
0x1b2: {  	v20 =	vmul.f32 v20, v11;
	v23 =	vadd.f32 v24, v23  }
0x1b3: {  	v24 =	vadd.f32 v25, v19;
	v25 =	vmul.f32 v21, v9  }
0x1b4: {  	v20 =	vadd.f32 v20, v22;
	v21 =	vmul.f32 v21, v12;
	v19 =	vadd.f32 v26, v23  }
0x1b5: {  	v22 =	vadd.f32 v25, v24  }
0x1b6: {  	v20 =	vadd.f32 v21, v20;
	vm0 =	veq.f32 v19, $0.0e+00  }
0x1b7: {  	v21 =	vsel vm0, $0x2EDBE6FF, v19  }
0x1b8: {  	(erf) = vrcp.f32 v21;
	_ =	sdelay $0x7  }
0x1b9: {  	v20 =	vmul.f32 $5.120000000e+02, v20;
	v21 =	vmul.f32 $5.120000000e+02, v22  }
0x1ba: {  	v22 =	vpop (erf)  }
0x1bb: {  	v21 =	vmul.f32 v22, v21;
	v20 =	vmul.f32 v22, v20;
	_ =	sdelay $0x1  }
0x1bc: {  	v21 =	vadd.f32 $2.560000000e+02, v21;
	v20 =	vadd.f32 $2.560000000e+02, v20;
	_ =	sdelay $0x1  }
0x1bd: {  	v21 =	vadd.f32 $-5.000000000e-01, v21;
	v20 =	vadd.f32 $-5.000000000e-01, v20;
	_ =	sdelay $0x1  }
0x1be: {  	v22 =	vtrunc.f32 v21;
	v23 =	vtrunc.f32 v20  }
0x1bf: {  	v24 =	vcvt.f32.s32 v22;
	v25 =	vcvt.f32.s32 v23;
	vm0 =	vlt.f32 v20, v23  }
0x1c0: {  	vm1 =	vlt.f32 v21, v22;
	v22 =	vsel vm0, $0xFFFFFFFF, v6  }
0x1c1: {  	v23 =	vsel vm1, $0xFFFFFFFF, v6;
	v22 =	vadd.s32 v25, v22  }
0x1c2: {  	v23 =	vadd.s32 v24, v23;
	v24 =	vcvt.s32.f32 v22;
	v25 =	vand.u32 $0x1, v22  }
0x1c3: {  	v26 =	vcvt.s32.f32 v23;
	vm0 =	vgt.s32 v22, $0x0;
	v27 =	vand.u32 $0x1, v23  }
0x1c4: {  	v28 =	vadd.s32 $0x1, v23;
	v29 =	vadd.s32 $0x1, v22;
	v24 =	vsub.f32 v20, v24  }
0x1c5: {  	v30 =	vnsel vm0, $0x0, v22;
	vm0 =	vgt.s32 v29, $0x0;
	v26 =	vsub.f32 v21, v26  }
0x1c6: {  	vm2 =	veq.s32 v25, $0x1;
	v30 =	vmin.u32 v30, $0x1FF;
	vm1 =	veq.f32 v24, $5.000000000e-01  }
0x1c7: {  	vm3 =	vgt.s32 v23, $0x0;
	vm4 =	veq.f32 v26, $5.000000000e-01;
	vm1 =	vmand vm1, vm2  }
0x1c8: {  	s15 =	sadd.s32 $0x10, s21;
	v25 =	vnsel vm0, $0x0, v29;
	vm0 =	veq.s32 v27, $0x1;
	vm2 =	vgt.f32 v24, $5.000000000e-01  }
0x1c9: {  	v24 =	vnsel vm3, $0x0, v23;
	vm3 =	vgt.f32 v26, $5.000000000e-01;
	vm1 =	vmor vm2, vm1  }
0x1ca: {  	v27 =	vmov s15;
	vm0 =	vmand vm4, vm0;
	v26 =	vsel vm1, $0x1, v6  }
0x1cb: {  	vm1 =	vgt.s32 v28, $0x0;
	v22 =	vadd.s32 v26, v22;
	v26 =	vmul.u32 $0x3, v27  }
0x1cc: {  	v27 =	vnsel vm1, $0x0, v28;
	v28 =	vshll.u32 v30, $0x9;
	vm1 =	vgt.s32 v22, $0x0  }
0x1cd: {  	v25 =	vmin.u32 v25, $0x1FF;
	v22 =	vnsel vm1, $0x0, v22;
	v26 =	vbroadcast v26, $0x0  }
0x1ce: {  	v24 =	vmin.u32 v24, $0x1FF;
	vm0 =	vmor vm3, vm0;
	v22 =	vmin.u32 v22, $0x1FF  }
0x1cf: {  	v29 =	vsel vm0, $0x1, v6;
	v30 =	vadd.s32 v0, v26;
	v31 =	vadd.s32 v2, v26  }
0x1d0: {  	v25 =	vshll.u32 v25, $0x9;
	v32 =	vor.u32 v24, v28;
	v22 =	vshll.u32 v22, $0x9  }
0x1d1: {  	v23 =	vadd.s32 v29, v23;
	v27 =	vmin.u32 v27, $0x1FF  }
0x1d2: {  	vm0 =	vgt.s32 v23, $0x0;
	v28 =	vor.u32 v27, v28;
	[tilespmem:s3+$0xFFFFFFF0] =	vst v32  }
0x1d3: {  	v24 =	vor.u32 v24, v25;
	v23 =	vnsel vm0, $0x0, v23;
	[tilespmem:s12+$0xFFFFFFF0] =	vst v28  }
0x1d4: {  	v23 =	vmin.u32 v23, $0x1FF;
	[tilespmem:s14+$0xFFFFFFF0] =	vst v24;
	v24 =	vor.u32 v27, v25  }
0x1d5: {  	v22 =	vor.u32 v23, v22;
	[tilespmem:s11+$0xFFFFFFF0] =	vst v24  }
0x1d6: {  	[tilespmem:s5+$0xFFFFFFF0] =	vst v22  }
0x1d7: {  	[tilespmem:s20+$0xFFFFFFF0] =	vst v21;
	v21 =	vadd.s32 v4, v26  }
0x1d8: {  	[tilespmem:s25+$0xFFFFFFF0] =	vst v20  }
0x1d9: {  	[tilespmem:s0+$0xFFFFFFF0] =	vst v19  }
0x1da: {  	v19 =	vld.idx.msk [tilespmem:v30+s19+$0x0], $0xffff  }
0x1db: {  	v20 =	vld.idx.msk [tilespmem:v31+s19+$0x0], $0xffff  }
0x1dc: {  	v21 =	vld.idx.msk [tilespmem:v21+s19+$0x0], $0xffff;
	_ =	sdelay $0x3  }
0x1dd: {  	v19 =	vsub.f32 v19, v16  }
0x1de: {  	v20 =	vsub.f32 v20, v17  }
0x1df: {  	v22 =	vshrl.u32 v19, $0x10;
	v21 =	vsub.f32 v21, v18  }
0x1e0: {  	v22 =	vand.u32 $0x1, v22;
	v23 =	vshrl.u32 v20, $0x10  }
0x1e1: {  	v19 =	vadd.s32 v22, v19;
	v22 =	vand.u32 $0x1, v23;
	v23 =	vshrl.u32 v21, $0x10  }
0x1e2: {  	v19 =	vadd.s32 $0x7FFF, v19;
	v20 =	vadd.s32 v22, v20;
	v22 =	vand.u32 $0x1, v23  }
0x1e3: {  	v19 =	vand.u32 $0xFFFF0000, v19;
	v20 =	vadd.s32 $0x7FFF, v20;
	v21 =	vadd.s32 v22, v21  }
0x1e4: {  	v20 =	vand.u32 $0xFFFF0000, v20;
	v21 =	vadd.s32 $0x7FFF, v21;
	v22 =	vmul.f32 v19, v13  }
0x1e5: {  	v21 =	vand.u32 $0xFFFF0000, v21;
	v23 =	vmul.f32 v20, v11;
	v24 =	vmul.f32 v20, v14  }
0x1e6: {  	v25 =	vmul.f32 v19, v7;
	v20 =	vmul.f32 v20, v8  }
0x1e7: {  	v19 =	vmul.f32 v19, v10;
	v22 =	vadd.f32 v24, v22;
	v24 =	vmul.f32 v21, v15  }
0x1e8: {  	v20 =	vadd.f32 v20, v25;
	v25 =	vmul.f32 v21, v9  }
0x1e9: {  	v23 =	vadd.f32 v23, v19;
	v21 =	vmul.f32 v21, v12;
	v19 =	vadd.f32 v24, v22  }
0x1ea: {  	v20 =	vadd.f32 v25, v20  }
0x1eb: {  	v21 =	vadd.f32 v21, v23;
	vm0 =	veq.f32 v19, $0.0e+00  }
0x1ec: {  	v22 =	vsel vm0, $0x2EDBE6FF, v19  }
0x1ed: {  	(erf) = vrcp.f32 v22;
	_ =	sdelay $0x7  }
0x1ee: {  	v20 =	vmul.f32 $5.120000000e+02, v20;
	v21 =	vmul.f32 $5.120000000e+02, v21  }
0x1ef: {  	v22 =	vpop (erf)  }
.Ltmp1:
0x1f0: {  	v20 =	vmul.f32 v22, v20;
	v21 =	vmul.f32 v22, v21;
	(pc) =	sbr.rel @p0 .LBB2_5-.Ltmp1, $4  }
0x1f1: {  	_ = 	snop  }
0x1f2: {  	s3 =	sadd.s32 $0x20, s3;
	v20 =	vadd.f32 $2.560000000e+02, v20;
	v22 =	vadd.f32 $2.560000000e+02, v21  }
0x1f3: {  	s20 =	sadd.s32 $0x20, s20;
	s25 =	sadd.s32 $0x20, s25;
	s0 =	sadd.s32 $0x20, s0  }
0x1f4: {  	s14 =	sadd.s32 $0x20, s14;
	s11 =	sadd.s32 $0x20, s11;
	s5 =	sadd.s32 $0x20, s5;
	v21 =	vadd.f32 $-5.000000000e-01, v20;
	v20 =	vadd.f32 $-5.000000000e-01, v22  }
0x1f5: {  	_ = 	snop  }
0x1f6: {  	v22 =	vtrunc.f32 v20  }
0x1f7: {  	v23 =	vtrunc.f32 v21;
	v24 =	vcvt.f32.s32 v22;
	vm0 =	vlt.f32 v20, v22  }
0x1f8: {  	v22 =	vcvt.f32.s32 v23;
	vm1 =	vlt.f32 v21, v23;
	v23 =	vsel vm0, $0xFFFFFFFF, v6  }
0x1f9: {  	v25 =	vsel vm1, $0xFFFFFFFF, v6;
	v23 =	vadd.s32 v24, v23  }
0x1fa: {  	v22 =	vadd.s32 v22, v25;
	v24 =	vcvt.s32.f32 v23;
	v25 =	vand.u32 $0x1, v23  }
0x1fb: {  	v26 =	vcvt.s32.f32 v22;
	v27 =	vadd.s32 $0x1, v23;
	v28 =	vand.u32 $0x1, v22  }
0x1fc: {  	v29 =	vadd.s32 $0x1, v22;
	vm1 =	vgt.s32 v22, $0x0;
	vm3 =	vgt.s32 v23, $0x0  }
0x1fd: {  	vm0 =	vgt.s32 v27, $0x0;
	vm2 =	veq.s32 v25, $0x1;
	v25 =	vnsel vm1, $0x0, v22  }
0x1fe: {  	v30 =	vnsel vm3, $0x0, v23;
	vm3 =	veq.s32 v28, $0x1;
	v24 =	vsub.f32 v20, v24  }
0x1ff: {  	v26 =	vsub.f32 v21, v26;
	v25 =	vmin.u32 v25, $0x1FF;
	v27 =	vnsel vm0, $0x0, v27  }
0x200: {  	v56 =	vmin.u32 v30, $0x1FF;
	v27 =	vmin.u32 v27, $0x1FF;
	vm1 =	veq.f32 v24, $5.000000000e-01  }
0x201: {  	vm4 =	veq.f32 v26, $5.000000000e-01;
	vm15 =	vgt.f32 v24, $5.000000000e-01;
	v24 =	vshll.u32 v56, $0x9  }
0x202: {  	vm1 =	vmand vm1, vm2;
	vm2 =	vgt.s32 v29, $0x0;
	vm3 =	vmand vm4, vm3  }
0x203: {  	v55 =	vnsel vm2, $0x0, v29;
	vm2 =	vgt.f32 v26, $5.000000000e-01;
	vm0 =	vmor vm15, vm1  }
0x204: {  	v27 =	vshll.u32 v27, $0x9;
	vm1 =	vmor vm2, vm3;
	v57 =	vsel vm0, $0x1, v6  }
0x205: {  	v59 =	vor.u32 v25, v24;
	v58 =	vsel vm1, $0x1, v6;
	v23 =	vadd.s32 v57, v23  }
0x206: {  	v26 =	vmin.u32 v55, $0x1FF;
	v22 =	vadd.s32 v58, v22;
	vm0 =	vgt.s32 v23, $0x0  }
0x207: {  	[tilespmem:s24+$0x0] =	vst v59;
	v24 =	vor.u32 v26, v24;
	vm1 =	vgt.s32 v22, $0x0;
	v23 =	vnsel vm0, $0x0, v23  }
0x208: {  	[tilespmem:s2+$0x0] =	vst v24;
	v24 =	vor.u32 v25, v27;
	v22 =	vnsel vm1, $0x0, v22;
	v23 =	vmin.u32 v23, $0x1FF  }
0x209: {  	[tilespmem:s28+$0x0] =	vst v24;
	v24 =	vor.u32 v26, v27;
	v22 =	vmin.u32 v22, $0x1FF;
	v23 =	vshll.u32 v23, $0x9  }
0x20a: {  	[tilespmem:s18+$0x0] =	vst v24;
	v22 =	vor.u32 v22, v23  }
0x20b: {  	[tilespmem:s22+$0x0] =	vst v22  }
0x20c: {  	[tilespmem:s26+$0x0] =	vst v21  }
0x20d: {  	[tilespmem:s31+$0x0] =	vst v20  }
0x20e: {  	s0 =	simm.s32 $0x3CC0;
	s31 =	simm.s32 $0x46C0;
	[tilespmem:s4+$0x0] =	vst v19  }
0x20f: {  	[tilespmem:s31], [sflag:$0x2] =	stream.indirect.gather [hbm4b:s8+s17], $0x1, s0, s17, $0xb8;
	[tilespmem:$0x6CC0] =	vst v63  }
0x210: {  	s3 =	simm.s32 $0x48C0  }
0x211: {  	[tilespmem:s3], [sflag:$0x2] =	stream.indirect.gather [hbm4b:s9+s17], $0x1, s0, s17, $0xb8;
	[tilespmem:$0x6CC0] =	vst v63  }
0x212: {  	s4 =	simm.s32 $0x4AC0  }
0x213: {  	[tilespmem:s4], [sflag:$0x2] =	stream.indirect.gather [hbm4b:s10+s17], $0x1, s0, s17, $0xb8;
	[tilespmem:$0x6CC0] =	vst v63  }
0x214: {  	s5 =	simm.s32 $0x3EC0;
	s7 =	simm.s32 $0x4CC0  }
0x215: {  	[tilespmem:s7], [sflag:$0x2] =	stream.indirect.gather [hbm4b:s8+s17], $0x1, s5, s17, $0xb8;
	[tilespmem:$0x6CC0] =	vst v63  }
0x216: {  	s11 =	simm.s32 $0x4EC0  }
0x217: {  	[tilespmem:s11], [sflag:$0x2] =	stream.indirect.gather [hbm4b:s9+s17], $0x1, s5, s17, $0xb8;
	[tilespmem:$0x6CC0] =	vst v63  }
0x218: {  	s12 =	simm.s32 $0x50C0  }
0x219: {  	[tilespmem:s12], [sflag:$0x2] =	stream.indirect.gather [hbm4b:s10+s17], $0x1, s5, s17, $0xb8;
	[tilespmem:$0x6CC0] =	vst v63  }
0x21a: {  	s14 =	simm.s32 $0x40C0;
	s15 =	simm.s32 $0x52C0  }
0x21b: {  	[tilespmem:s15], [sflag:$0x2] =	stream.indirect.gather [hbm4b:s8+s17], $0x1, s14, s17, $0xb8;
	[tilespmem:$0x6CC0] =	vst v63  }
0x21c: {  	s18 =	simm.s32 $0x54C0  }
0x21d: {  	[tilespmem:s18], [sflag:$0x2] =	stream.indirect.gather [hbm4b:s9+s17], $0x1, s14, s17, $0xb8;
	[tilespmem:$0x6CC0] =	vst v63  }
0x21e: {  	s20 =	simm.s32 $0x56C0  }
0x21f: {  	[tilespmem:s20], [sflag:$0x2] =	stream.indirect.gather [hbm4b:s10+s17], $0x1, s14, s17, $0xb8;
	[tilespmem:$0x6CC0] =	vst v63  }
0x220: {  	s21 =	simm.s32 $0x42C0;
	s22 =	simm.s32 $0x58C0  }
0x221: {  	[tilespmem:s22], [sflag:$0x2] =	stream.indirect.gather [hbm4b:s8+s17], $0x1, s21, s17, $0xb8;
	[tilespmem:$0x6CC0] =	vst v63  }
0x222: {  	s24 =	simm.s32 $0x5AC0  }
0x223: {  	[tilespmem:s24], [sflag:$0x2] =	stream.indirect.gather [hbm4b:s9+s17], $0x1, s21, s17, $0xb8;
	[tilespmem:$0x6CC0] =	vst v63  }
0x224: {  	s25 =	simm.s32 $0x5CC0  }
0x225: {  	[tilespmem:s25], [sflag:$0x2] =	stream.indirect.gather [hbm4b:s10+s17], $0x1, s21, s17, $0xb8;
	[tilespmem:$0x6CC0] =	vst v63  }
0x226: {  	s28 =	simm.s32 $0x44C0;
	s26 =	rddreg [dreg:$0x8];
	s3 =	simm.s32 $0x5EC0  }
0x227: {  	[tilespmem:s3], [sflag:$0x2] =	stream.indirect.gather [hbm4b:s26+s17], $0x1, s28, s17, $0xb8;
	[tilespmem:$0x6CC0] =	vst v63  }
0x228: {  	_ =	swait.ge [sflag:s29], $0x200  }
0x229: {  	[sflag:s29] =	ssyncset.done $0x0  }
0x22a: {  	[sflag:s29] =	ssyncadd.s32 $0xFFFFFE00  }
0x22b: {  	_ =	swait.ge [sflag:s29], $0x200  }
0x22c: {  	[sflag:s29] =	ssyncset.done $0x0  }
0x22d: {  	[sflag:s29] =	ssyncadd.s32 $0xFFFFFE00  }
0x22e: {  	_ =	swait.ge [sflag:s29], $0x200  }
0x22f: {  	[sflag:s29] =	ssyncset.done $0x0  }
0x230: {  	[sflag:s29] =	ssyncadd.s32 $0xFFFFFE00  }
0x231: {  	_ =	swait.ge [sflag:s29], $0x200  }
0x232: {  	[sflag:s29] =	ssyncset.done $0x0  }
0x233: {  	[sflag:s29] =	ssyncadd.s32 $0xFFFFFE00  }
0x234: {  	_ =	swait.ge [sflag:s29], $0x200  }
0x235: {  	[sflag:s29] =	ssyncset.done $0x0  }
0x236: {  	[sflag:s29] =	ssyncadd.s32 $0xFFFFFE00  }
0x237: {  	_ =	swait.ge [sflag:s29], $0x200  }
0x238: {  	[sflag:s29] =	ssyncset.done $0x0  }
0x239: {  	[sflag:s29] =	ssyncadd.s32 $0xFFFFFE00  }
0x23a: {  	_ =	swait.ge [sflag:s29], $0x200  }
0x23b: {  	[sflag:s29] =	ssyncset.done $0x0  }
0x23c: {  	[sflag:s29] =	ssyncadd.s32 $0xFFFFFE00  }
0x23d: {  	_ =	swait.ge [sflag:s29], $0x200  }
0x23e: {  	[sflag:s29] =	ssyncset.done $0x0  }
0x23f: {  	[sflag:s29] =	ssyncadd.s32 $0xFFFFFE00  }
0x240: {  	_ =	swait.ge [sflag:s29], $0x200  }
0x241: {  	[sflag:s29] =	ssyncset.done $0x0  }
0x242: {  	[sflag:s29] =	ssyncadd.s32 $0xFFFFFE00  }
0x243: {  	_ =	swait.ge [sflag:s29], $0x200  }
0x244: {  	[sflag:s29] =	ssyncset.done $0x0  }
0x245: {  	[sflag:s29] =	ssyncadd.s32 $0xFFFFFE00  }
0x246: {  	_ =	swait.ge [sflag:s29], $0x200  }
0x247: {  	[sflag:s29] =	ssyncset.done $0x0  }
0x248: {  	[sflag:s29] =	ssyncadd.s32 $0xFFFFFE00  }
0x249: {  	_ =	swait.ge [sflag:s29], $0x200  }
0x24a: {  	[sflag:s29] =	ssyncset.done $0x0  }
0x24b: {  	[sflag:s29] =	ssyncadd.s32 $0xFFFFFE00  }
0x24c: {  	_ =	swait.ge [sflag:s29], $0x200  }
0x24d: {  	[sflag:s29] =	ssyncset.done $0x0  }
0x24e: {  	s4 =	simm.s32 $0x0;
	[sflag:s29] =	ssyncadd.s32 $0xFFFFFE00  }
0x24f: {  	v19 =	vld [tilespmem:s4+$0x2AC0]  }
0x250: {  	v20 =	vld [tilespmem:s4+$0x2CC0];
	_ =	sdelay $0x2  }
0x251: {  	s2 =	simm.s32 $0x0  }
0x252: {  	v21 =	vmov s2;
	v22 =	vtrunc.f32 v19  }
0x253: {  	v21 =	vmul.u32 $0x3, v21;
	v24 =	vtrunc.f32 v20;
	v23 =	vcvt.f32.s32 v22  }
0x254: {  	vm0 =	vlt.f32 v19, v22;
	v22 =	vcvt.f32.s32 v24;
	vm1 =	vlt.f32 v20, v24  }
0x255: {  	v27 =	vbroadcast v21, $0x0;
	v25 =	vsel vm0, $0xFFFFFFFF, v6;
	v26 =	vsel vm1, $0xFFFFFFFF, v6  }
0x256: {  	v24 =	vadd.f32 $5.000000000e-01, v19;
	v21 =	vadd.s32 v23, v25;
	v22 =	vadd.s32 v22, v26  }
0x257: {  	v23 =	vcvt.s32.f32 v21;
	v25 =	vcvt.s32.f32 v22  }
0x258: {  	v36 =	vadd.f32 $5.000000000e-01, v20;
	vm0 =	vge.f32 v24, $0.0e+00  }
0x259: {  	v26 =	vadd.s32 v0, v27;
	v19 =	vsub.f32 v19, v23;
	v23 =	vsub.f32 v20, v25  }
0x25a: {  	v31 =	vld [tilespmem:s4+$0x10C0];
	vm1 =	vlt.f32 v24, $5.120000000e+02;
	v60 =	vadd.s32 $0x1, v21;
	v61 =	vor.u32 v21, v22  }
0x25b: {  	v26 =	vand.u32 $0xFFFFFFF8, v26;
	v25 =	vld [tilespmem:s4+$0x16C0];
	v32 =	vsub.f32 $1.000000000e+00, v19;
	v33 =	vsub.f32 $1.000000000e+00, v23  }
0x25c: {  	v34 =	vld [tilespmem:s4+$0x2EC0];
	v62 =	vor.u32 v22, v60;
	v22 =	vadd.s32 $0x1, v22;
	v63 =	vmul.f32 v23, v19  }
0x25d: {  	v35 =	vld [tilespmem:s4+$0x1CC0];
	vm2 =	vlt.u32 v61, $0x200;
	v20 =	vmul.f32 v33, v32;
	v19 =	vmul.f32 v33, v19  }
0x25e: {  	v21 =	vor.u32 v21, v22;
	v22 =	vor.u32 v60, v22;
	vm3 =	vlt.u32 v62, $0x200  }
0x25f: {  	v24 =	vld [tilespmem:s4+$0x22C0];
	v23 =	vmul.f32 v23, v32;
	v29 =	vnsel vm2, $0x0, v20;
	v30 =	vnsel vm3, $0x0, v19  }
0x260: {  	vm2 =	vlt.u32 v21, $0x200;
	v19 =	vmul.f32 v29, v31;
	v21 =	vmul.f32 v30, v25  }
0x261: {  	vm3 =	vgt.f32 v34, $0.0e+00;
	v25 =	vld [tilespmem:s4+$0x28C0];
	v20 =	vnsel vm2, $0x0, v23;
	vm2 =	vlt.u32 v22, $0x200  }
0x262: {  	vm0 =	vmand vm0, vm3;
	v22 =	vmul.f32 v20, v35;
	v19 =	vadd.f32 v21, v19  }
0x263: {  	v23 =	vor.u32 v1, v26;
	vm0 =	vmand vm1, vm0;
	v21 =	vnsel vm2, $0x0, v63  }
0x264: {  	vm1 =	vge.f32 v36, $0.0e+00;
	v19 =	vadd.f32 v19, v22;
	v22 =	vmul.f32 v21, v24  }
0x265: {  	vm0 =	vmand vm1, vm0;
	vm1 =	vlt.f32 v36, $5.120000000e+02  }
0x266: {  	vm0 =	vmand vm1, vm0;
	vm2 =	vle.f32 v34, v25;
	v19 =	vadd.f32 v19, v22  }
0x267: {  	vm0 =	vmand vm2, vm0  }
0x268: {  	v19 =	vnsel vm0, $0x0, v19  }
0x269: {  	[tilespmem:v23+s30+$0x0] =	vst.idx.msk $0xffff, v19  }
0x26a: {  	v19 =	vld [tilespmem:s4+$0x12C0]  }
0x26b: {  	v22 =	vld [tilespmem:s4+$0x18C0];
	_ =	sdelay $0x1  }
0x26c: {  	v23 =	vld [tilespmem:s4+$0x1EC0];
	_ =	sdelay $0x1  }
0x26d: {  	v24 =	vld [tilespmem:s4+$0x24C0]  }
0x26e: {  	v19 =	vmul.f32 v29, v19;
	v22 =	vmul.f32 v30, v22;
	_ =	sdelay $0x1  }
0x26f: {  	v25 =	vadd.s32 v2, v27;
	v19 =	vadd.f32 v22, v19;
	v22 =	vmul.f32 v23, v20  }
0x270: {  	v23 =	vand.u32 $0xFFFFFFF8, v25  }
0x271: {  	v23 =	vor.u32 v3, v23;
	v19 =	vadd.f32 v19, v22;
	v22 =	vmul.f32 v24, v21;
	_ =	sdelay $0x1  }
0x272: {  	v19 =	vadd.f32 v19, v22;
	_ =	sdelay $0x1  }
0x273: {  	v19 =	vnsel vm0, $0x0, v19  }
0x274: {  	[tilespmem:v23+s30+$0x0] =	vst.idx.msk $0xffff, v19  }
0x275: {  	v24 =	vld [tilespmem:s4+$0x14C0]  }
0x276: {  	v26 =	vld [tilespmem:s4+$0x1AC0]  }
0x277: {  	s31 =	simm.s32 $0x10  }
0x278: {  	v19 =	vmov s31;
	v23 =	vld [tilespmem:s4+$0x20C0]  }
0x279: {  	v19 =	vmul.u32 $0x3, v19  }
0x27a: {  	v22 =	vadd.s32 v4, v27;
	v25 =	vmul.f32 v24, v29;
	v24 =	vld [tilespmem:s4+$0x26C0]  }
0x27b: {  	s0 =	simm.s32 $0x0;
	s3 =	simm.s32 $0x0;
	v22 =	vand.u32 $0xFFFFFFF8, v22;
	v19 =	vbroadcast v19, $0x0;
	v26 =	vmul.f32 v26, v30  }
.LBB2_7:
0x27c: {  	s0 =	sadd.s32 $0x2, s0;
	s2 =	sadd.s32 $0x20, s2;
	s3 =	sadd.s32 $0x80, s3  }
0x27d: {  	s5 =	sadd.s32 $0x10, s2;
	p0 =	slt.u32 s0, $0x1E;
	v25 =	vadd.f32 v26, v25;
	v20 =	vmul.f32 v23, v20  }
0x27e: {  	v23 =	vmov s5  }
0x27f: {  	v22 =	vor.u32 v5, v22;
	v20 =	vadd.f32 v20, v25;
	v21 =	vmul.f32 v24, v21  }
0x280: {  	v23 =	vmul.u32 $0x3, v23  }
0x281: {  	v21 =	vadd.f32 v21, v20  }
0x282: {  	s5 =	sshra.s32 s3, $0x2;
	v20 =	vbroadcast v23, $0x0  }
0x283: {  	v21 =	vnsel vm0, $0x0, v21  }
0x284: {  	[tilespmem:v22+s30+$0x0] =	vst.idx.msk $0xffff, v21  }
0x285: {  	v21 =	vld [tilespmem:s4+$0x2AD0]  }
0x286: {  	v22 =	vld [tilespmem:s4+$0x2CD0]  }
0x287: {  	v23 =	vld [tilespmem:s4+$0x2ED0];
	_ =	sdelay $0x2  }
0x288: {  	v24 =	vtrunc.f32 v21;
	v25 =	vadd.f32 $5.000000000e-01, v21  }
0x289: {  	v26 =	vcvt.f32.s32 v24;
	vm0 =	vlt.f32 v21, v24;
	v24 =	vtrunc.f32 v22  }
0x28a: {  	v27 =	vcvt.f32.s32 v24;
	vm1 =	vlt.f32 v22, v24;
	vm2 =	vgt.f32 v23, $0.0e+00  }
0x28b: {  	v29 =	vadd.f32 $5.000000000e-01, v22;
	v24 =	vsel vm0, $0xFFFFFFFF, v6;
	v28 =	vsel vm1, $0xFFFFFFFF, v6  }
0x28c: {  	v24 =	vadd.s32 v26, v24;
	vm1 =	vge.f32 v25, $0.0e+00;
	v26 =	vadd.s32 v27, v28  }
0x28d: {  	vm0 =	vlt.f32 v29, $5.120000000e+02;
	v27 =	vcvt.s32.f32 v24;
	v28 =	vcvt.s32.f32 v26  }
0x28e: {  	v30 =	vadd.s32 $0x1, v24;
	vm1 =	vmand vm1, vm2;
	v31 =	vadd.s32 $0x1, v26  }
0x28f: {  	vm2 =	vlt.f32 v25, $5.120000000e+02;
	v21 =	vsub.f32 v21, v27;
	v22 =	vsub.f32 v22, v28  }
0x290: {  	v25 =	vor.u32 v26, v30;
	vm1 =	vmand vm2, vm1;
	v27 =	vor.u32 v24, v31;
	v28 =	vld [tilespmem:s4+$0x16D0]  }
0x291: {  	vm2 =	vge.f32 v29, $0.0e+00;
	v32 =	vsub.f32 $1.000000000e+00, v21;
	v33 =	vsub.f32 $1.000000000e+00, v22;
	v29 =	vld [tilespmem:s4+$0x10D0]  }
0x292: {  	v24 =	vor.u32 v24, v26;
	vm1 =	vmand vm2, vm1;
	v26 =	vmul.f32 v22, v21  }
0x293: {  	v30 =	vor.u32 v30, v31;
	v34 =	vmul.f32 v33, v32;
	v21 =	vmul.f32 v33, v21;
	v31 =	vld [tilespmem:s4+$0x1CD0]  }
0x294: {  	vm3 =	vlt.u32 v25, $0x200;
	vm2 =	vlt.u32 v24, $0x200;
	v22 =	vmul.f32 v22, v32  }
0x295: {  	v24 =	vnsel vm2, $0x0, v34;
	v21 =	vnsel vm3, $0x0, v21;
	vm2 =	vlt.u32 v27, $0x200;
	v25 =	vld [tilespmem:s4+$0x22D0]  }
0x296: {  	v22 =	vnsel vm2, $0x0, v22;
	v27 =	vmul.f32 v24, v29;
	v28 =	vmul.f32 v21, v28  }
0x297: {  	vm0 =	vmand vm0, vm1;
	v29 =	vld [tilespmem:s4+$0x28D0]  }
0x298: {  	vm1 =	vlt.u32 v30, $0x200;
	v27 =	vadd.f32 v28, v27;
	v28 =	vmul.f32 v22, v31  }
0x299: {  	v26 =	vnsel vm1, $0x0, v26  }
0x29a: {  	v30 =	vadd.s32 v0, v19;
	v27 =	vadd.f32 v27, v28;
	v25 =	vmul.f32 v26, v25;
	_ =	sdelay $0x1  }
0x29b: {  	vm1 =	vle.f32 v23, v29;
	v23 =	vadd.f32 v27, v25  }
0x29c: {  	vm0 =	vmand vm1, vm0  }
0x29d: {  	v23 =	vnsel vm0, $0x0, v23  }
0x29e: {  	[tilespmem:v30+s30+$0x0] =	vst.idx.msk $0xffff, v23  }
0x29f: {  	v23 =	vld [tilespmem:s4+$0x12D0]  }
0x2a0: {  	v25 =	vld [tilespmem:s4+$0x18D0]  }
0x2a1: {  	v27 =	vld [tilespmem:s4+$0x1ED0]  }
0x2a2: {  	v28 =	vld [tilespmem:s4+$0x24D0];
	_ =	sdelay $0x1  }
0x2a3: {  	v23 =	vmul.f32 v24, v23  }
0x2a4: {  	v25 =	vmul.f32 v21, v25  }
0x2a5: {  	v27 =	vmul.f32 v27, v22  }
0x2a6: {  	v23 =	vadd.f32 v25, v23;
	_ =	sdelay $0x1  }
0x2a7: {  	v25 =	vmul.f32 v28, v26;
	v23 =	vadd.f32 v23, v27;
	v27 =	vadd.s32 v2, v19;
	_ =	sdelay $0x1  }
0x2a8: {  	v23 =	vadd.f32 v23, v25;
	_ =	sdelay $0x1  }
0x2a9: {  	v23 =	vnsel vm0, $0x0, v23  }
0x2aa: {  	[tilespmem:v27+s30+$0x0] =	vst.idx.msk $0xffff, v23  }
0x2ab: {  	v23 =	vld [tilespmem:s4+$0x14D0]  }
0x2ac: {  	v25 =	vld [tilespmem:s4+$0x1AD0]  }
0x2ad: {  	v27 =	vld [tilespmem:s4+$0x20D0]  }
0x2ae: {  	v28 =	vld [tilespmem:s4+$0x26D0];
	s4 =	smov.u32 s5;
	_ =	sdelay $0x1  }
0x2af: {  	v23 =	vmul.f32 v23, v24  }
0x2b0: {  	v21 =	vmul.f32 v25, v21  }
0x2b1: {  	v22 =	vmul.f32 v27, v22  }
0x2b2: {  	v21 =	vadd.f32 v21, v23;
	_ =	sdelay $0x1  }
0x2b3: {  	v23 =	vadd.s32 v4, v19;
	v19 =	vmovc v20;
	v21 =	vadd.f32 v22, v21;
	v22 =	vmul.f32 v28, v26;
	_ =	sdelay $0x1  }
0x2b4: {  	v20 =	vadd.f32 v22, v21;
	_ =	sdelay $0x1  }
0x2b5: {  	v20 =	vnsel vm0, $0x0, v20  }
0x2b6: {  	v21 =	vmov s2;
	[tilespmem:v23+s30+$0x0] =	vst.idx.msk $0xffff, v20  }
0x2b7: {  	v21 =	vmul.u32 $0x3, v21;
	v20 =	vld [tilespmem:s4+$0x2AC0]  }
0x2b8: {  	v22 =	vld [tilespmem:s4+$0x2CC0];
	_ =	sdelay $0x3  }
0x2b9: {  	v23 =	vtrunc.f32 v20;
	v24 =	vadd.f32 $5.000000000e-01, v20  }
0x2ba: {  	v25 =	vcvt.f32.s32 v23;
	vm0 =	vlt.f32 v20, v23;
	v23 =	vtrunc.f32 v22  }
0x2bb: {  	v21 =	vbroadcast v21, $0x0;
	v26 =	vcvt.f32.s32 v23;
	vm1 =	vlt.f32 v22, v23  }
0x2bc: {  	v23 =	vsel vm0, $0xFFFFFFFF, v6;
	vm0 =	vge.f32 v24, $0.0e+00;
	v27 =	vsel vm1, $0xFFFFFFFF, v6  }
0x2bd: {  	v23 =	vadd.s32 v25, v23;
	v25 =	vadd.s32 v26, v27;
	v26 =	vadd.s32 v0, v21;
	v27 =	vld [tilespmem:s4+$0x16C0]  }
0x2be: {  	v28 =	vcvt.s32.f32 v23;
	v30 =	vadd.s32 $0x1, v23;
	v29 =	vcvt.s32.f32 v25;
	v31 =	vld [tilespmem:s4+$0x1CC0]  }
0x2bf: {  	v32 =	vor.u32 v23, v25;
	v33 =	vor.u32 v25, v30;
	v26 =	vand.u32 $0xFFFFFFF8, v26;
	v34 =	vld [tilespmem:s4+$0x10C0]  }
0x2c0: {  	v25 =	vadd.s32 $0x1, v25;
	v20 =	vsub.f32 v20, v28;
	v28 =	vsub.f32 v22, v29;
	v29 =	vld [tilespmem:s4+$0x22C0]  }
0x2c1: {  	v23 =	vor.u32 v23, v25;
	v25 =	vor.u32 v30, v25;
	v22 =	vadd.f32 $5.000000000e-01, v22;
	v35 =	vld [tilespmem:s4+$0x2EC0]  }
0x2c2: {  	v36 =	vsub.f32 $1.000000000e+00, v20;
	v30 =	vld [tilespmem:s4+$0x28C0];
	v37 =	vsub.f32 $1.000000000e+00, v28;
	v38 =	vmul.f32 v28, v20  }
0x2c3: {  	v39 =	vadd.s32 v4, v21;
	vm1 =	vlt.f32 v24, $5.120000000e+02;
	v24 =	vadd.s32 v2, v21  }
0x2c4: {  	vm2 =	vlt.u32 v23, $0x200;
	v21 =	vmul.f32 v37, v36;
	v20 =	vmul.f32 v37, v20  }
0x2c5: {  	vm3 =	vlt.u32 v32, $0x200;
	vm4 =	vlt.u32 v33, $0x200;
	v23 =	vmul.f32 v28, v36  }
0x2c6: {  	v26 =	vor.u32 v1, v26;
	v28 =	vnsel vm3, $0x0, v21;
	v32 =	vnsel vm4, $0x0, v20  }
0x2c7: {  	vm3 =	vle.f32 v35, v30;
	v21 =	vmul.f32 v28, v34;
	v27 =	vmul.f32 v32, v27  }
0x2c8: {  	v20 =	vnsel vm2, $0x0, v23;
	vm2 =	vlt.u32 v25, $0x200;
	vm4 =	vgt.f32 v35, $0.0e+00  }
0x2c9: {  	vm0 =	vmand vm0, vm4;
	v25 =	vmul.f32 v20, v31;
	v23 =	vadd.f32 v27, v21  }
0x2ca: {  	vm0 =	vmand vm1, vm0;
	vm1 =	vge.f32 v22, $0.0e+00;
	v21 =	vnsel vm2, $0x0, v38  }
0x2cb: {  	vm0 =	vmand vm1, vm0;
	v23 =	vadd.f32 v23, v25;
	v25 =	vmul.f32 v21, v29  }
0x2cc: {  	v24 =	vand.u32 $0xFFFFFFF8, v24;
	vm1 =	vlt.f32 v22, $5.120000000e+02;
	v22 =	vand.u32 $0xFFFFFFF8, v39  }
0x2cd: {  	vm0 =	vmand vm1, vm0;
	v23 =	vadd.f32 v23, v25  }
0x2ce: {  	vm0 =	vmand vm3, vm0  }
0x2cf: {  	v23 =	vnsel vm0, $0x0, v23  }
0x2d0: {  	[tilespmem:v26+s30+$0x0] =	vst.idx.msk $0xffff, v23  }
0x2d1: {  	v23 =	vld [tilespmem:s4+$0x12C0]  }
0x2d2: {  	v25 =	vld [tilespmem:s4+$0x18C0];
	_ =	sdelay $0x1  }
0x2d3: {  	v26 =	vld [tilespmem:s4+$0x1EC0];
	_ =	sdelay $0x1  }
0x2d4: {  	v23 =	vmul.f32 v28, v23;
	v27 =	vld [tilespmem:s4+$0x24C0]  }
0x2d5: {  	v25 =	vmul.f32 v32, v25;
	_ =	sdelay $0x1  }
0x2d6: {  	v23 =	vadd.f32 v25, v23;
	v25 =	vmul.f32 v26, v20;
	_ =	sdelay $0x1  }
0x2d7: {  	v24 =	vor.u32 v3, v24;
	v23 =	vadd.f32 v23, v25;
	v25 =	vmul.f32 v27, v21;
	_ =	sdelay $0x1  }
0x2d8: {  	v23 =	vadd.f32 v23, v25;
	_ =	sdelay $0x1  }
0x2d9: {  	v23 =	vnsel vm0, $0x0, v23  }
0x2da: {  	[tilespmem:v24+s30+$0x0] =	vst.idx.msk $0xffff, v23  }
0x2db: {  	v24 =	vld [tilespmem:s4+$0x14C0]  }
0x2dc: {  	v26 =	vld [tilespmem:s4+$0x1AC0]  }
.Ltmp2:
0x2dd: {  	(pc) =	sbr.rel @p0 .LBB2_7-.Ltmp2, $3  }
0x2de: {  	v23 =	vld [tilespmem:s4+$0x20C0];
	_ =	sdelay $0x1  }
0x2df: {  	v25 =	vmul.f32 v24, v28;
	v24 =	vld [tilespmem:s4+$0x26C0]  }
0x2e0: {  	v26 =	vmul.f32 v26, v32  }
0x2e1: {  	_ = 	snop  }
0x2e2: {  	v25 =	vadd.f32 v26, v25;
	v20 =	vmul.f32 v23, v20;
	_ =	sdelay $0x1  }
0x2e3: {  	v22 =	vor.u32 v5, v22;
	v20 =	vadd.f32 v20, v25;
	v21 =	vmul.f32 v24, v21;
	_ =	sdelay $0x1  }
0x2e4: {  	v20 =	vadd.f32 v21, v20;
	_ =	sdelay $0x1  }
0x2e5: {  	v20 =	vnsel vm0, $0x0, v20  }
0x2e6: {  	[tilespmem:v22+s30+$0x0] =	vst.idx.msk $0xffff, v20  }
0x2e7: {  	v20 =	vld [tilespmem:s4+$0x2AD0]  }
0x2e8: {  	v38 =	vld [tilespmem:s4+$0x2CD0];
	_ =	sdelay $0x3  }
0x2e9: {  	v39 =	vtrunc.f32 v20  }
0x2ea: {  	v41 =	vtrunc.f32 v38;
	v40 =	vcvt.f32.s32 v39  }
0x2eb: {  	v45 =	vld [tilespmem:s4+$0x2ED0];
	vm6 =	vlt.f32 v20, v39;
	v42 =	vcvt.f32.s32 v41;
	vm1 =	vlt.f32 v38, v41  }
0x2ec: {  	v43 =	vsel vm6, $0xFFFFFFFF, v6;
	v44 =	vsel vm1, $0xFFFFFFFF, v6  }
0x2ed: {  	v23 =	vadd.s32 v40, v43;
	v22 =	vadd.s32 v42, v44  }
0x2ee: {  	v46 =	vcvt.s32.f32 v23;
	v47 =	vcvt.s32.f32 v22  }
0x2ef: {  	v54 =	vadd.s32 v0, v19  }
0x2f0: {  	vm7 =	vgt.f32 v45, $0.0e+00;
	v25 =	vsub.f32 v20, v46;
	v26 =	vsub.f32 v38, v47  }
0x2f1: {  	v29 =	vld [tilespmem:s4+$0x16D0];
	v21 =	vadd.f32 $5.000000000e-01, v38;
	v30 =	vadd.s32 $0x1, v23;
	v20 =	vadd.f32 $5.000000000e-01, v20  }
0x2f2: {  	v31 =	vld [tilespmem:s4+$0x10D0];
	v32 =	vor.u32 v23, v22;
	v27 =	vsub.f32 $1.000000000e+00, v25;
	v28 =	vsub.f32 $1.000000000e+00, v26  }
0x2f3: {  	vm8 =	vge.f32 v20, $0.0e+00;
	vm9 =	vlt.f32 v20, $5.120000000e+02;
	v20 =	vor.u32 v22, v30  }
0x2f4: {  	v48 =	vld [tilespmem:s4+$0x1CD0];
	v22 =	vadd.s32 $0x1, v22;
	v33 =	vmul.f32 v28, v27;
	v28 =	vmul.f32 v28, v25  }
0x2f5: {  	vm2 =	vlt.u32 v32, $0x200;
	vm10 =	vlt.u32 v20, $0x200;
	v20 =	vor.u32 v23, v22  }
0x2f6: {  	v51 =	vld [tilespmem:s4+$0x22D0];
	v49 =	vmul.f32 v26, v27;
	v32 =	vnsel vm2, $0x0, v33;
	v50 =	vnsel vm10, $0x0, v28  }
0x2f7: {  	vm11 =	vlt.u32 v20, $0x200;
	v20 =	vmul.f32 v32, v31;
	v29 =	vmul.f32 v50, v29  }
0x2f8: {  	v52 =	vld [tilespmem:s4+$0x28D0];
	v22 =	vor.u32 v30, v22;
	v25 =	vmul.f32 v26, v25;
	v23 =	vnsel vm11, $0x0, v49  }
0x2f9: {  	vm12 =	vlt.u32 v22, $0x200;
	v53 =	vmul.f32 v23, v48;
	v20 =	vadd.f32 v29, v20  }
0x2fa: {  	vm13 =	vge.f32 v21, $0.0e+00;
	vm0 =	vmand vm8, vm7;
	v25 =	vnsel vm12, $0x0, v25  }
0x2fb: {  	vm0 =	vmand vm9, vm0;
	v55 =	vmul.f32 v25, v51;
	v20 =	vadd.f32 v20, v53  }
0x2fc: {  	vm14 =	vlt.f32 v21, $5.120000000e+02;
	vm0 =	vmand vm13, vm0  }
0x2fd: {  	vm15 =	vle.f32 v45, v52;
	vm0 =	vmand vm14, vm0;
	v20 =	vadd.f32 v20, v55  }
0x2fe: {  	vm0 =	vmand vm15, vm0  }
0x2ff: {  	v20 =	vnsel vm0, $0x0, v20  }
0x300: {  	[tilespmem:v54+s30+$0x0] =	vst.idx.msk $0xffff, v20  }
0x301: {  	v20 =	vld [tilespmem:s4+$0x12D0]  }
0x302: {  	v56 =	vld [tilespmem:s4+$0x18D0];
	_ =	sdelay $0x1  }
0x303: {  	v57 =	vld [tilespmem:s4+$0x1ED0];
	_ =	sdelay $0x1  }
0x304: {  	v58 =	vld [tilespmem:s4+$0x24D0]  }
0x305: {  	v20 =	vmul.f32 v32, v20;
	v21 =	vmul.f32 v50, v56;
	_ =	sdelay $0x1  }
0x306: {  	v22 =	vmul.f32 v57, v23;
	v20 =	vadd.f32 v21, v20;
	_ =	sdelay $0x1  }
0x307: {  	v60 =	vadd.s32 v2, v19;
	v59 =	vmul.f32 v58, v25;
	v20 =	vadd.f32 v20, v22;
	_ =	sdelay $0x1  }
0x308: {  	v20 =	vadd.f32 v20, v59;
	_ =	sdelay $0x1  }
0x309: {  	v20 =	vnsel vm0, $0x0, v20  }
0x30a: {  	[tilespmem:v60+s30+$0x0] =	vst.idx.msk $0xffff, v20  }
0x30b: {  	v20 =	vld [tilespmem:s4+$0x14D0]  }
0x30c: {  	v61 =	vld [tilespmem:s4+$0x1AD0];
	_ =	sdelay $0x1  }
0x30d: {  	v22 =	vld [tilespmem:s4+$0x20D0];
	_ =	sdelay $0x1  }
0x30e: {  	v62 =	vld [tilespmem:s4+$0x26D0]  }
0x30f: {  	v20 =	vmul.f32 v20, v32;
	v21 =	vmul.f32 v61, v50;
	_ =	sdelay $0x1  }
0x310: {  	v22 =	vmul.f32 v22, v23;
	v20 =	vadd.f32 v21, v20;
	_ =	sdelay $0x1  }
0x311: {  	v19 =	vadd.s32 v4, v19;
	s0 =	rddreg [dreg:$0x4];
	v63 =	vmul.f32 v62, v25;
	v20 =	vadd.f32 v22, v20  }
0x312: {  	s0 =	sadd.s32 s0, s23  }
0x313: {  	s0 =	smul.u32 $0x3, s0;
	v20 =	vadd.f32 v63, v20  }
0x314: {  	s2 =	rddreg [dreg:$0x5]  }
0x315: {  	s31 =	simm.s32 $0x0;
	p0 =	seq.s32 s13, $0x18;
	s0 =	sshrl.u32 s0, $0x3;
	v20 =	vnsel vm0, $0x0, v20  }
.Ltmp3:
0x316: {  	s25 =	simm.s32 $0x3;
	s0 =	sadd.s32 s2, s0;
	[tilespmem:v19+s30+$0x0] =	vst.idx.msk $0xffff, v20;
	(pc) =	sbr.rel @p0 .LBB2_12-.Ltmp3, $4  }
0x317: {  	[hbm4b:s0+s31] =	stream.linear.scatter [tilespmem:s30], [sflag:$0x3], $0x600, $0x38;
	[tilespmem:$0x6CC0] =	vst v63  }
0x318: {  	_ =	swait.ge [sflag:s25], $0x600  }
0x319: {  	[sflag:s25] =	ssyncset.done $0x0  }
0x31a: {  	[sflag:s25] =	ssyncadd.s32 $0xFFFFFA00  }
0x31b: {  	s24 =	simm.s32 $0x0  }
0x31c: {  	v19 =	vmov s24  }
0x31d: {  	v19 =	vmul.u32 $0x3, v19  }
0x31e: {  	s0 =	rddreg [dreg:$0xa]  }
0x31f: {  	s0 =	sadd.s32 s23, s0;
	v19 =	vbroadcast v19, $0x0  }
0x320: {  	s0 =	smul.u32 $0x3, s0  }
0x321: {  	v20 =	vadd.s32 v0, v19  }
0x322: {  	s2 =	rddreg [dreg:$0x3];
	s0 =	sshrl.u32 s0, $0x3;
	v21 =	vadd.s32 v2, v19;
	v20 =	vand.u32 $0xFFFFFFF8, v20  }
0x323: {  	s0 =	sadd.s32 s2, s0;
	v21 =	vand.u32 $0xFFFFFFF8, v21;
	v20 =	vor.u32 v1, v20  }
0x324: {  	[tilespmem:s16], [sflag:$0x3] =	stream.linear.gather [hbm4b:s0+s24], $0x600, $0x38;
	v19 =	vadd.s32 v4, v19;
	v21 =	vor.u32 v3, v21;
	[tilespmem:$0x6CC0] =	vst v63  }
0x325: {  	_ =	swait.ge [sflag:s25], $0x600;
	v19 =	vand.u32 $0xFFFFFFF8, v19  }
0x326: {  	[sflag:s25] =	ssyncset.done $0x0;
	v19 =	vor.u32 v5, v19  }
0x327: {  	[sflag:s25] =	ssyncadd.s32 $0xFFFFFA00  }
0x328: {  	v20 =	vld.idx.msk [tilespmem:v20+s16+$0x0], $0xffff  }
0x329: {  	v21 =	vld.idx.msk [tilespmem:v21+s16+$0x0], $0xffff;
	_ =	sdelay $0x1  }
0x32a: {  	v19 =	vld.idx.msk [tilespmem:v19+s16+$0x0], $0xffff;
	_ =	sdelay $0x2  }
0x32b: {  	v20 =	vsub.f32 v20, v16;
	v21 =	vsub.f32 v21, v17;
	_ =	sdelay $0x1  }
0x32c: {  	v19 =	vsub.f32 v19, v18;
	v22 =	vshrl.u32 v20, $0x10;
	v23 =	vshrl.u32 v21, $0x10  }
0x32d: {  	v22 =	vand.u32 $0x1, v22;
	v23 =	vand.u32 $0x1, v23  }
0x32e: {  	v20 =	vadd.s32 v22, v20;
	v21 =	vadd.s32 v23, v21;
	v22 =	vshrl.u32 v19, $0x10  }
0x32f: {  	v20 =	vadd.s32 $0x7FFF, v20;
	v21 =	vadd.s32 $0x7FFF, v21;
	v22 =	vand.u32 $0x1, v22  }
0x330: {  	v20 =	vand.u32 $0xFFFF0000, v20;
	v21 =	vand.u32 $0xFFFF0000, v21;
	v19 =	vadd.s32 v22, v19  }
0x331: {  	v19 =	vadd.s32 $0x7FFF, v19;
	v22 =	vmul.f32 v20, v13;
	v23 =	vmul.f32 v21, v14  }
0x332: {  	v19 =	vand.u32 $0xFFFF0000, v19  }
0x333: {  	v24 =	vmul.f32 v19, v15;
	v22 =	vadd.f32 v23, v22;
	_ =	sdelay $0x1  }
0x334: {  	v22 =	vadd.f32 v24, v22;
	_ =	sdelay $0x1  }
0x335: {  	vm0 =	veq.f32 v22, $0.0e+00  }
0x336: {  	v23 =	vsel vm0, $0x2EDBE6FF, v22  }
0x337: {  	(erf) = vrcp.f32 v23  }
0x338: {  	v49 =	vmul.f32 v21, v11;
	v23 =	vmul.f32 v20, v10  }
0x339: {  	v21 =	vmul.f32 v21, v8  }
0x33a: {  	v50 =	vmul.f32 v19, v12;
	v20 =	vmul.f32 v20, v7;
	v23 =	vadd.f32 v49, v23;
	_ =	sdelay $0x1  }
0x33b: {  	v19 =	vmul.f32 v19, v9;
	v20 =	vadd.f32 v21, v20;
	v21 =	vadd.f32 v50, v23;
	_ =	sdelay $0x1  }
0x33c: {  	v19 =	vadd.f32 v19, v20  }
0x33d: {  	v20 =	vmul.f32 $5.120000000e+02, v21  }
0x33e: {  	v19 =	vmul.f32 $5.120000000e+02, v19;
	v21 =	vpop (erf)  }
0x33f: {  	v20 =	vmul.f32 v21, v20  }
0x340: {  	v19 =	vmul.f32 v21, v19  }
0x341: {  	v20 =	vadd.f32 $2.560000000e+02, v20  }
0x342: {  	v19 =	vadd.f32 $2.560000000e+02, v19  }
0x343: {  	v20 =	vadd.f32 $-5.000000000e-01, v20  }
0x344: {  	v19 =	vadd.f32 $-5.000000000e-01, v19  }
0x345: {  	v21 =	vtrunc.f32 v20  }
0x346: {  	v23 =	vtrunc.f32 v19;
	v51 =	vcvt.f32.s32 v21  }
0x347: {  	s26 =	simm.s32 $0x10;
	vm13 =	vlt.f32 v20, v21;
	v21 =	vcvt.f32.s32 v23;
	vm1 =	vlt.f32 v19, v23  }
0x348: {  	v56 =	vmov s26;
	v23 =	vsel vm13, $0xFFFFFFFF, v6;
	v25 =	vsel vm1, $0xFFFFFFFF, v6  }
0x349: {  	v57 =	vmul.u32 $0x3, v56;
	v23 =	vadd.s32 v51, v23;
	v21 =	vadd.s32 v21, v25  }
0x34a: {  	v24 =	vcvt.s32.f32 v23;
	v52 =	vand.u32 $0x1, v23;
	v26 =	vcvt.s32.f32 v21  }
0x34b: {  	vm14 =	vgt.s32 v23, $0x0;
	v27 =	vand.u32 $0x1, v21;
	v28 =	vadd.s32 $0x1, v21  }
0x34c: {  	v29 =	vadd.s32 $0x1, v23;
	vm3 =	vgt.s32 v21, $0x0;
	v30 =	vnsel vm14, $0x0, v23  }
0x34d: {  	vm15 =	vgt.s32 v29, $0x0;
	vm2 =	veq.s32 v52, $0x1;
	vm9 =	veq.s32 v27, $0x1  }
0x34e: {  	v54 =	vnsel vm3, $0x0, v21;
	vm12 =	vgt.s32 v28, $0x0;
	v24 =	vsub.f32 v20, v24  }
0x34f: {  	v26 =	vsub.f32 v19, v26;
	v30 =	vmin.u32 v30, $0x1FF;
	v53 =	vnsel vm15, $0x0, v29  }
0x350: {  	v58 =	vnsel vm12, $0x0, v28;
	v59 =	vshll.u32 v30, $0x9;
	v25 =	vmin.u32 v53, $0x1FF  }
0x351: {  	v27 =	vmin.u32 v58, $0x1FF;
	vm8 =	veq.f32 v24, $5.000000000e-01;
	vm4 =	veq.f32 v26, $5.000000000e-01  }
0x352: {  	vm10 =	vgt.f32 v24, $5.000000000e-01;
	vm11 =	vgt.f32 v26, $5.000000000e-01;
	vm1 =	vmand vm8, vm2  }
0x353: {  	v26 =	vbroadcast v57, $0x0;
	vm0 =	vmand vm4, vm9;
	vm1 =	vmor vm10, vm1  }
0x354: {  	v24 =	vmin.u32 v54, $0x1FF;
	vm0 =	vmor vm11, vm0;
	v55 =	vsel vm1, $0x1, v6  }
0x355: {  	v25 =	vshll.u32 v25, $0x9;
	v60 =	vsel vm0, $0x1, v6;
	v23 =	vadd.s32 v55, v23  }
0x356: {  	s18 =	simm.s32 $0x6D0;
	v30 =	vor.u32 v24, v59;
	v21 =	vadd.s32 v60, v21;
	vm13 =	vgt.s32 v23, $0x0  }
0x357: {  	s12 =	simm.s32 $0x8D0;
	v28 =	vor.u32 v27, v59;
	[tilespmem:s18+$0xFFFFFFF0] =	vst v30;
	vm14 =	vgt.s32 v21, $0x0;
	v23 =	vnsel vm13, $0x0, v23  }
0x358: {  	s23 =	simm.s32 $0xAD0;
	v24 =	vor.u32 v24, v25;
	[tilespmem:s12+$0xFFFFFFF0] =	vst v28;
	v21 =	vnsel vm14, $0x0, v21;
	v23 =	vmin.u32 v23, $0x1FF  }
0x359: {  	s28 =	simm.s32 $0xCD0;
	v61 =	vor.u32 v27, v25;
	[tilespmem:s23+$0xFFFFFFF0] =	vst v24;
	v21 =	vmin.u32 v21, $0x1FF;
	v23 =	vshll.u32 v23, $0x9  }
0x35a: {  	s22 =	simm.s32 $0xED0;
	v62 =	vadd.s32 v0, v26;
	[tilespmem:s28+$0xFFFFFFF0] =	vst v61;
	v21 =	vor.u32 v21, v23  }
0x35b: {  	s26 =	simm.s32 $0x2AD0;
	v23 =	vadd.s32 v2, v26;
	[tilespmem:s22+$0xFFFFFFF0] =	vst v21  }
0x35c: {  	s4 =	simm.s32 $0x2CD0;
	[tilespmem:s26+$0xFFFFFFF0] =	vst v19  }
0x35d: {  	s31 =	simm.s32 $0x2ED0;
	v19 =	vadd.s32 v4, v26;
	[tilespmem:s4+$0xFFFFFFF0] =	vst v20  }
0x35e: {  	[tilespmem:s31+$0xFFFFFFF0] =	vst v22  }
0x35f: {  	v20 =	vld.idx.msk [tilespmem:v62+s16+$0x0], $0xffff  }
0x360: {  	v21 =	vld.idx.msk [tilespmem:v23+s16+$0x0], $0xffff;
	_ =	sdelay $0x1  }
0x361: {  	v19 =	vld.idx.msk [tilespmem:v19+s16+$0x0], $0xffff;
	_ =	sdelay $0x2  }
0x362: {  	v20 =	vsub.f32 v20, v16;
	v21 =	vsub.f32 v21, v17;
	_ =	sdelay $0x1  }
0x363: {  	v22 =	vshrl.u32 v20, $0x10;
	v19 =	vsub.f32 v19, v18;
	v23 =	vshrl.u32 v21, $0x10  }
0x364: {  	v22 =	vand.u32 $0x1, v22;
	v23 =	vand.u32 $0x1, v23  }
0x365: {  	v20 =	vadd.s32 v22, v20;
	v22 =	vshrl.u32 v19, $0x10;
	v21 =	vadd.s32 v23, v21  }
0x366: {  	v20 =	vadd.s32 $0x7FFF, v20;
	v22 =	vand.u32 $0x1, v22;
	v21 =	vadd.s32 $0x7FFF, v21  }
0x367: {  	v20 =	vand.u32 $0xFFFF0000, v20;
	v19 =	vadd.s32 v22, v19;
	v21 =	vand.u32 $0xFFFF0000, v21  }
0x368: {  	v19 =	vadd.s32 $0x7FFF, v19;
	v22 =	vmul.f32 v20, v13;
	v23 =	vmul.f32 v21, v14  }
0x369: {  	v63 =	vand.u32 $0xFFFF0000, v19  }
0x36a: {  	v19 =	vadd.f32 v23, v22;
	v22 =	vmul.f32 v63, v15;
	_ =	sdelay $0x1  }
0x36b: {  	v19 =	vadd.f32 v22, v19;
	_ =	sdelay $0x1  }
0x36c: {  	vm15 =	veq.f32 v19, $0.0e+00  }
0x36d: {  	v22 =	vsel vm15, $0x2EDBE6FF, v19  }
0x36e: {  	(erf) = vrcp.f32 v22  }
0x36f: {  	v23 =	vmul.f32 v21, v8;
	v22 =	vmul.f32 v20, v7  }
0x370: {  	v21 =	vmul.f32 v21, v11;
	v20 =	vmul.f32 v20, v10  }
0x371: {  	v22 =	vadd.f32 v23, v22;
	v23 =	vmul.f32 v63, v9  }
0x372: {  	v20 =	vadd.f32 v21, v20;
	v21 =	vmul.f32 v63, v12  }
0x373: {  	v22 =	vadd.f32 v23, v22  }
0x374: {  	v20 =	vadd.f32 v21, v20;
	_ =	sdelay $0x1  }
0x375: {  	v21 =	vmul.f32 $5.120000000e+02, v22;
	v20 =	vmul.f32 $5.120000000e+02, v20  }
0x376: {  	v22 =	vpop (erf)  }
0x377: {  	v21 =	vmul.f32 v22, v21;
	v20 =	vmul.f32 v22, v20;
	_ =	sdelay $0x1  }
0x378: {  	s7 =	simm.s32 $0x0;
	s3 =	simm.s32 $0x6F0;
	s20 =	simm.s32 $0x2AF0;
	v21 =	vadd.f32 $2.560000000e+02, v21;
	v20 =	vadd.f32 $2.560000000e+02, v20  }
0x379: {  	s14 =	simm.s32 $0x2EF0;
	s11 =	simm.s32 $0xAF0;
	s5 =	simm.s32 $0xCF0  }
0x37a: {  	s21 =	simm.s32 $0xEF0;
	s2 =	simm.s32 $0x8D0;
	s0 =	simm.s32 $0x2CF0;
	v21 =	vadd.f32 $-5.000000000e-01, v21;
	v20 =	vadd.f32 $-5.000000000e-01, v20  }
.LBB2_10:
0x37b: {  	s7 =	sadd.s32 $0x2, s7;
	s24 =	sadd.s32 $0x20, s24;
	s12 =	sadd.s32 $0x20, s12  }
0x37c: {  	p0 =	slt.u32 s7, $0x1E;
	v22 =	vtrunc.f32 v21;
	v23 =	vtrunc.f32 v20  }
0x37d: {  	v24 =	vcvt.f32.s32 v22;
	v25 =	vcvt.f32.s32 v23;
	vm0 =	vlt.f32 v20, v23  }
0x37e: {  	vm1 =	vlt.f32 v21, v22;
	v22 =	vsel vm0, $0xFFFFFFFF, v6  }
0x37f: {  	v23 =	vsel vm1, $0xFFFFFFFF, v6;
	v22 =	vadd.s32 v25, v22  }
0x380: {  	v23 =	vadd.s32 v24, v23;
	v24 =	vcvt.s32.f32 v22;
	v25 =	vand.u32 $0x1, v22  }
0x381: {  	v26 =	vcvt.s32.f32 v23;
	v27 =	vadd.s32 $0x1, v22;
	v28 =	vand.u32 $0x1, v23  }
0x382: {  	v29 =	vadd.s32 $0x1, v23;
	vm1 =	vgt.s32 v27, $0x0;
	v24 =	vsub.f32 v20, v24  }
0x383: {  	vm0 =	vgt.s32 v23, $0x0;
	vm2 =	veq.s32 v25, $0x1;
	v26 =	vsub.f32 v21, v26  }
0x384: {  	v25 =	vmov s24;
	v30 =	vnsel vm0, $0x0, v23;
	vm0 =	veq.f32 v24, $5.000000000e-01  }
0x385: {  	vm3 =	vgt.s32 v22, $0x0;
	v25 =	vmul.u32 $0x3, v25;
	vm0 =	vmand vm0, vm2  }
0x386: {  	v30 =	vmin.u32 v30, $0x1FF;
	vm4 =	veq.f32 v26, $5.000000000e-01;
	vm2 =	vgt.s32 v29, $0x0  }
0x387: {  	v31 =	vnsel vm3, $0x0, v22;
	vm3 =	veq.s32 v28, $0x1;
	v25 =	vbroadcast v25, $0x0  }
0x388: {  	vm3 =	vmand vm4, vm3;
	v28 =	vnsel vm2, $0x0, v29;
	vm2 =	vgt.f32 v26, $5.000000000e-01  }
0x389: {  	v26 =	vadd.s32 v0, v25;
	v29 =	vadd.s32 v2, v25;
	v28 =	vmin.u32 v28, $0x1FF  }
0x38a: {  	v31 =	vmin.u32 v31, $0x1FF;
	v26 =	vand.u32 $0xFFFFFFF8, v26;
	v29 =	vand.u32 $0xFFFFFFF8, v29  }
0x38b: {  	v31 =	vshll.u32 v31, $0x9;
	v26 =	vor.u32 v1, v26;
	v29 =	vor.u32 v3, v29  }
0x38c: {  	v27 =	vnsel vm1, $0x0, v27;
	v25 =	vadd.s32 v4, v25;
	vm1 =	vmor vm2, vm3  }
0x38d: {  	v27 =	vmin.u32 v27, $0x1FF;
	v33 =	vor.u32 v30, v31;
	v32 =	vsel vm1, $0x1, v6  }
0x38e: {  	v27 =	vshll.u32 v27, $0x9;
	v31 =	vor.u32 v28, v31;
	v23 =	vadd.s32 v32, v23;
	[tilespmem:s18+$0x0] =	vst v33;
	s18 =	smov.u32 s3  }
0x38f: {  	vm1 =	vgt.f32 v24, $5.000000000e-01;
	v24 =	vor.u32 v30, v27;
	vm2 =	vgt.s32 v23, $0x0;
	[tilespmem:s2+$0x0] =	vst v31;
	s2 =	smov.u32 s12  }
0x390: {  	v25 =	vand.u32 $0xFFFFFFF8, v25;
	vm0 =	vmor vm1, vm0;
	[tilespmem:s23+$0x0] =	vst v24;
	v24 =	vor.u32 v28, v27;
	s23 =	smov.u32 s11  }
0x391: {  	v25 =	vor.u32 v5, v25;
	v23 =	vnsel vm2, $0x0, v23;
	v27 =	vsel vm0, $0x1, v6;
	[tilespmem:s28+$0x0] =	vst v24;
	s28 =	smov.u32 s5  }
0x392: {  	v22 =	vadd.s32 v27, v22  }
0x393: {  	vm0 =	vgt.s32 v22, $0x0  }
0x394: {  	v22 =	vnsel vm0, $0x0, v22  }
0x395: {  	v22 =	vmin.u32 v22, $0x1FF  }
0x396: {  	v23 =	vmin.u32 v23, $0x1FF;
	v22 =	vshll.u32 v22, $0x9  }
0x397: {  	v22 =	vor.u32 v23, v22  }
0x398: {  	[tilespmem:s22+$0x0] =	vst v22;
	s22 =	smov.u32 s21  }
0x399: {  	[tilespmem:s26+$0x0] =	vst v21;
	s26 =	smov.u32 s20  }
0x39a: {  	[tilespmem:s4+$0x0] =	vst v20;
	s4 =	smov.u32 s0  }
0x39b: {  	[tilespmem:s31+$0x0] =	vst v19;
	s31 =	smov.u32 s14;
	_ =	sdelay $0x1  }
0x39c: {  	v19 =	vld.idx.msk [tilespmem:v26+s16+$0x0], $0xffff  }
0x39d: {  	v20 =	vld.idx.msk [tilespmem:v29+s16+$0x0], $0xffff;
	_ =	sdelay $0x1  }
0x39e: {  	v21 =	vld.idx.msk [tilespmem:v25+s16+$0x0], $0xffff;
	_ =	sdelay $0x2  }
0x39f: {  	v19 =	vsub.f32 v19, v16  }
0x3a0: {  	v20 =	vsub.f32 v20, v17  }
0x3a1: {  	v22 =	vshrl.u32 v19, $0x10  }
0x3a2: {  	v22 =	vand.u32 $0x1, v22;
	v23 =	vshrl.u32 v20, $0x10;
	v21 =	vsub.f32 v21, v18  }
0x3a3: {  	v19 =	vadd.s32 v22, v19;
	v22 =	vand.u32 $0x1, v23  }
0x3a4: {  	v20 =	vadd.s32 v22, v20;
	v22 =	vshrl.u32 v21, $0x10  }
0x3a5: {  	v19 =	vadd.s32 $0x7FFF, v19;
	v20 =	vadd.s32 $0x7FFF, v20;
	v22 =	vand.u32 $0x1, v22  }
0x3a6: {  	v19 =	vand.u32 $0xFFFF0000, v19;
	v20 =	vand.u32 $0xFFFF0000, v20;
	v21 =	vadd.s32 v22, v21  }
0x3a7: {  	v22 =	vmul.f32 v19, v10;
	v23 =	vmul.f32 v19, v13;
	v21 =	vadd.s32 $0x7FFF, v21  }
0x3a8: {  	v19 =	vmul.f32 v19, v7;
	v24 =	vmul.f32 v20, v14;
	v21 =	vand.u32 $0xFFFF0000, v21  }
0x3a9: {  	v25 =	vmul.f32 v20, v8;
	v26 =	vmul.f32 v21, v15  }
0x3aa: {  	v20 =	vmul.f32 v20, v11;
	v23 =	vadd.f32 v24, v23  }
0x3ab: {  	v24 =	vadd.f32 v25, v19;
	v25 =	vmul.f32 v21, v9  }
0x3ac: {  	v20 =	vadd.f32 v20, v22;
	v21 =	vmul.f32 v21, v12;
	v19 =	vadd.f32 v26, v23  }
0x3ad: {  	v22 =	vadd.f32 v25, v24  }
0x3ae: {  	v20 =	vadd.f32 v21, v20;
	vm0 =	veq.f32 v19, $0.0e+00  }
0x3af: {  	v21 =	vsel vm0, $0x2EDBE6FF, v19  }
0x3b0: {  	(erf) = vrcp.f32 v21;
	_ =	sdelay $0x7  }
0x3b1: {  	v20 =	vmul.f32 $5.120000000e+02, v20;
	v21 =	vmul.f32 $5.120000000e+02, v22  }
0x3b2: {  	v22 =	vpop (erf)  }
0x3b3: {  	v21 =	vmul.f32 v22, v21;
	v20 =	vmul.f32 v22, v20;
	_ =	sdelay $0x1  }
0x3b4: {  	v21 =	vadd.f32 $2.560000000e+02, v21;
	v20 =	vadd.f32 $2.560000000e+02, v20;
	_ =	sdelay $0x1  }
0x3b5: {  	v21 =	vadd.f32 $-5.000000000e-01, v21;
	v20 =	vadd.f32 $-5.000000000e-01, v20;
	_ =	sdelay $0x1  }
0x3b6: {  	v22 =	vtrunc.f32 v21;
	v23 =	vtrunc.f32 v20  }
0x3b7: {  	v24 =	vcvt.f32.s32 v22;
	v25 =	vcvt.f32.s32 v23;
	vm0 =	vlt.f32 v20, v23  }
0x3b8: {  	vm1 =	vlt.f32 v21, v22;
	v22 =	vsel vm0, $0xFFFFFFFF, v6  }
0x3b9: {  	v23 =	vsel vm1, $0xFFFFFFFF, v6;
	v22 =	vadd.s32 v25, v22  }
0x3ba: {  	v23 =	vadd.s32 v24, v23;
	v24 =	vcvt.s32.f32 v22;
	v25 =	vand.u32 $0x1, v22  }
0x3bb: {  	v26 =	vcvt.s32.f32 v23;
	vm0 =	vgt.s32 v22, $0x0;
	v27 =	vand.u32 $0x1, v23  }
0x3bc: {  	v28 =	vadd.s32 $0x1, v23;
	v29 =	vadd.s32 $0x1, v22;
	v24 =	vsub.f32 v20, v24  }
0x3bd: {  	v30 =	vnsel vm0, $0x0, v22;
	vm0 =	vgt.s32 v29, $0x0;
	v26 =	vsub.f32 v21, v26  }
0x3be: {  	vm2 =	veq.s32 v25, $0x1;
	v30 =	vmin.u32 v30, $0x1FF;
	vm1 =	veq.f32 v24, $5.000000000e-01  }
0x3bf: {  	vm3 =	vgt.s32 v23, $0x0;
	vm4 =	veq.f32 v26, $5.000000000e-01;
	vm1 =	vmand vm1, vm2  }
0x3c0: {  	s15 =	sadd.s32 $0x10, s24;
	v25 =	vnsel vm0, $0x0, v29;
	vm0 =	veq.s32 v27, $0x1;
	vm2 =	vgt.f32 v24, $5.000000000e-01  }
0x3c1: {  	v24 =	vnsel vm3, $0x0, v23;
	vm3 =	vgt.f32 v26, $5.000000000e-01;
	vm1 =	vmor vm2, vm1  }
0x3c2: {  	v27 =	vmov s15;
	vm0 =	vmand vm4, vm0;
	v26 =	vsel vm1, $0x1, v6  }
0x3c3: {  	vm1 =	vgt.s32 v28, $0x0;
	v22 =	vadd.s32 v26, v22;
	v26 =	vmul.u32 $0x3, v27  }
0x3c4: {  	v27 =	vnsel vm1, $0x0, v28;
	v28 =	vshll.u32 v30, $0x9;
	vm1 =	vgt.s32 v22, $0x0  }
0x3c5: {  	v25 =	vmin.u32 v25, $0x1FF;
	v22 =	vnsel vm1, $0x0, v22;
	v26 =	vbroadcast v26, $0x0  }
0x3c6: {  	v24 =	vmin.u32 v24, $0x1FF;
	vm0 =	vmor vm3, vm0;
	v22 =	vmin.u32 v22, $0x1FF  }
0x3c7: {  	v29 =	vsel vm0, $0x1, v6;
	v30 =	vadd.s32 v0, v26;
	v31 =	vadd.s32 v2, v26  }
0x3c8: {  	v25 =	vshll.u32 v25, $0x9;
	v32 =	vor.u32 v24, v28;
	v22 =	vshll.u32 v22, $0x9  }
0x3c9: {  	v23 =	vadd.s32 v29, v23;
	v27 =	vmin.u32 v27, $0x1FF  }
0x3ca: {  	vm0 =	vgt.s32 v23, $0x0;
	v28 =	vor.u32 v27, v28;
	[tilespmem:s3+$0xFFFFFFF0] =	vst v32  }
0x3cb: {  	v24 =	vor.u32 v24, v25;
	v23 =	vnsel vm0, $0x0, v23;
	[tilespmem:s12+$0xFFFFFFF0] =	vst v28  }
0x3cc: {  	v23 =	vmin.u32 v23, $0x1FF;
	[tilespmem:s11+$0xFFFFFFF0] =	vst v24;
	v24 =	vor.u32 v27, v25  }
0x3cd: {  	v22 =	vor.u32 v23, v22;
	[tilespmem:s5+$0xFFFFFFF0] =	vst v24  }
0x3ce: {  	[tilespmem:s21+$0xFFFFFFF0] =	vst v22  }
0x3cf: {  	[tilespmem:s20+$0xFFFFFFF0] =	vst v21;
	v21 =	vadd.s32 v4, v26  }
0x3d0: {  	[tilespmem:s0+$0xFFFFFFF0] =	vst v20  }
0x3d1: {  	[tilespmem:s14+$0xFFFFFFF0] =	vst v19  }
0x3d2: {  	v19 =	vld.idx.msk [tilespmem:v30+s16+$0x0], $0xffff  }
0x3d3: {  	v20 =	vld.idx.msk [tilespmem:v31+s16+$0x0], $0xffff  }
0x3d4: {  	v21 =	vld.idx.msk [tilespmem:v21+s16+$0x0], $0xffff;
	_ =	sdelay $0x3  }
0x3d5: {  	v19 =	vsub.f32 v19, v16  }
0x3d6: {  	v20 =	vsub.f32 v20, v17  }
0x3d7: {  	v22 =	vshrl.u32 v19, $0x10;
	v21 =	vsub.f32 v21, v18  }
0x3d8: {  	v22 =	vand.u32 $0x1, v22;
	v23 =	vshrl.u32 v20, $0x10  }
0x3d9: {  	v19 =	vadd.s32 v22, v19;
	v22 =	vand.u32 $0x1, v23;
	v23 =	vshrl.u32 v21, $0x10  }
0x3da: {  	v19 =	vadd.s32 $0x7FFF, v19;
	v20 =	vadd.s32 v22, v20;
	v22 =	vand.u32 $0x1, v23  }
0x3db: {  	v19 =	vand.u32 $0xFFFF0000, v19;
	v20 =	vadd.s32 $0x7FFF, v20;
	v21 =	vadd.s32 v22, v21  }
0x3dc: {  	v20 =	vand.u32 $0xFFFF0000, v20;
	v21 =	vadd.s32 $0x7FFF, v21;
	v22 =	vmul.f32 v19, v13  }
0x3dd: {  	v21 =	vand.u32 $0xFFFF0000, v21;
	v23 =	vmul.f32 v20, v11;
	v24 =	vmul.f32 v20, v14  }
0x3de: {  	v25 =	vmul.f32 v19, v7;
	v20 =	vmul.f32 v20, v8  }
0x3df: {  	v19 =	vmul.f32 v19, v10;
	v22 =	vadd.f32 v24, v22;
	v24 =	vmul.f32 v21, v15  }
0x3e0: {  	v20 =	vadd.f32 v20, v25;
	v25 =	vmul.f32 v21, v9  }
0x3e1: {  	v23 =	vadd.f32 v23, v19;
	v21 =	vmul.f32 v21, v12;
	v19 =	vadd.f32 v24, v22  }
0x3e2: {  	v20 =	vadd.f32 v25, v20  }
0x3e3: {  	v21 =	vadd.f32 v21, v23;
	vm0 =	veq.f32 v19, $0.0e+00  }
0x3e4: {  	v22 =	vsel vm0, $0x2EDBE6FF, v19  }
0x3e5: {  	(erf) = vrcp.f32 v22;
	_ =	sdelay $0x7  }
0x3e6: {  	v20 =	vmul.f32 $5.120000000e+02, v20;
	v21 =	vmul.f32 $5.120000000e+02, v21  }
0x3e7: {  	v22 =	vpop (erf)  }
.Ltmp4:
0x3e8: {  	v20 =	vmul.f32 v22, v20;
	v21 =	vmul.f32 v22, v21;
	(pc) =	sbr.rel @p0 .LBB2_10-.Ltmp4, $4  }
0x3e9: {  	_ = 	snop  }
0x3ea: {  	s3 =	sadd.s32 $0x20, s3;
	v20 =	vadd.f32 $2.560000000e+02, v20;
	v22 =	vadd.f32 $2.560000000e+02, v21  }
0x3eb: {  	s20 =	sadd.s32 $0x20, s20;
	s0 =	sadd.s32 $0x20, s0;
	s14 =	sadd.s32 $0x20, s14  }
0x3ec: {  	s11 =	sadd.s32 $0x20, s11;
	s5 =	sadd.s32 $0x20, s5;
	s21 =	sadd.s32 $0x20, s21;
	v21 =	vadd.f32 $-5.000000000e-01, v20;
	v20 =	vadd.f32 $-5.000000000e-01, v22  }
0x3ed: {  	_ = 	snop  }
0x3ee: {  	v22 =	vtrunc.f32 v20  }
0x3ef: {  	v23 =	vtrunc.f32 v21;
	v24 =	vcvt.f32.s32 v22;
	vm0 =	vlt.f32 v20, v22  }
0x3f0: {  	v51 =	vcvt.f32.s32 v23;
	vm1 =	vlt.f32 v21, v23;
	v52 =	vsel vm0, $0xFFFFFFFF, v6  }
0x3f1: {  	v25 =	vsel vm1, $0xFFFFFFFF, v6;
	v23 =	vadd.s32 v24, v52  }
0x3f2: {  	v22 =	vadd.s32 v51, v25;
	v24 =	vcvt.s32.f32 v23;
	v53 =	vand.u32 $0x1, v23  }
0x3f3: {  	v26 =	vcvt.s32.f32 v22;
	v27 =	vadd.s32 $0x1, v23;
	v28 =	vand.u32 $0x1, v22  }
0x3f4: {  	v29 =	vadd.s32 $0x1, v22;
	vm6 =	vgt.s32 v22, $0x0;
	vm3 =	vgt.s32 v23, $0x0  }
0x3f5: {  	vm15 =	vgt.s32 v27, $0x0;
	vm2 =	veq.s32 v53, $0x1;
	v54 =	vnsel vm6, $0x0, v22  }
0x3f6: {  	vm8 =	vgt.s32 v29, $0x0;
	v30 =	vnsel vm3, $0x0, v23;
	vm9 =	veq.s32 v28, $0x1  }
0x3f7: {  	v24 =	vsub.f32 v20, v24;
	v26 =	vsub.f32 v21, v26;
	v25 =	vmin.u32 v54, $0x1FF  }
0x3f8: {  	v55 =	vnsel vm8, $0x0, v29;
	v57 =	vmin.u32 v30, $0x1FF;
	v27 =	vnsel vm15, $0x0, v27  }
0x3f9: {  	v56 =	vmin.u32 v55, $0x1FF;
	v58 =	vshll.u32 v57, $0x9;
	vm7 =	veq.f32 v24, $5.000000000e-01  }
0x3fa: {  	vm4 =	veq.f32 v26, $5.000000000e-01;
	vm11 =	vgt.f32 v24, $5.000000000e-01;
	vm1 =	vmand vm7, vm2  }
0x3fb: {  	vm10 =	vgt.f32 v26, $5.000000000e-01;
	vm3 =	vmand vm4, vm9;
	vm12 =	vmor vm11, vm1  }
0x3fc: {  	v27 =	vmin.u32 v27, $0x1FF;
	vm13 =	vmor vm10, vm3;
	v59 =	vsel vm12, $0x1, v6  }
0x3fd: {  	v61 =	vor.u32 v25, v58;
	v60 =	vsel vm13, $0x1, v6;
	v23 =	vadd.s32 v59, v23  }
0x3fe: {  	v27 =	vshll.u32 v27, $0x9;
	v22 =	vadd.s32 v60, v22;
	vm14 =	vgt.s32 v23, $0x0  }
0x3ff: {  	v24 =	vor.u32 v56, v58;
	[tilespmem:s18+$0x0] =	vst v61;
	vm15 =	vgt.s32 v22, $0x0;
	v23 =	vnsel vm14, $0x0, v23  }
0x400: {  	v62 =	vor.u32 v25, v27;
	[tilespmem:s2+$0x0] =	vst v24;
	v22 =	vnsel vm15, $0x0, v22;
	v23 =	vmin.u32 v23, $0x1FF  }
0x401: {  	v63 =	vor.u32 v56, v27;
	[tilespmem:s23+$0x0] =	vst v62;
	v22 =	vmin.u32 v22, $0x1FF;
	v23 =	vshll.u32 v23, $0x9  }
0x402: {  	[tilespmem:s28+$0x0] =	vst v63;
	v22 =	vor.u32 v22, v23  }
0x403: {  	[tilespmem:s22+$0x0] =	vst v22  }
0x404: {  	[tilespmem:s26+$0x0] =	vst v21  }
0x405: {  	[tilespmem:s4+$0x0] =	vst v20  }
0x406: {  	s0 =	simm.s32 $0x6C0;
	s3 =	simm.s32 $0x10C0;
	[tilespmem:s31+$0x0] =	vst v19  }
0x407: {  	[tilespmem:s3], [sflag:$0x1] =	stream.indirect.gather [hbm4b:s8+s17], $0x1, s0, s17, $0xb8;
	[tilespmem:$0x6CC0] =	vst v63  }
0x408: {  	s4 =	simm.s32 $0x12C0  }
0x409: {  	[tilespmem:s4], [sflag:$0x1] =	stream.indirect.gather [hbm4b:s9+s17], $0x1, s0, s17, $0xb8;
	[tilespmem:$0x6CC0] =	vst v63  }
0x40a: {  	s5 =	simm.s32 $0x14C0  }
0x40b: {  	[tilespmem:s5], [sflag:$0x1] =	stream.indirect.gather [hbm4b:s10+s17], $0x1, s0, s17, $0xb8;
	[tilespmem:$0x6CC0] =	vst v63  }
0x40c: {  	s7 =	simm.s32 $0x8C0;
	s11 =	simm.s32 $0x16C0  }
0x40d: {  	[tilespmem:s11], [sflag:$0x1] =	stream.indirect.gather [hbm4b:s8+s17], $0x1, s7, s17, $0xb8;
	[tilespmem:$0x6CC0] =	vst v63  }
0x40e: {  	s12 =	simm.s32 $0x18C0  }
0x40f: {  	[tilespmem:s12], [sflag:$0x1] =	stream.indirect.gather [hbm4b:s9+s17], $0x1, s7, s17, $0xb8;
	[tilespmem:$0x6CC0] =	vst v63  }
0x410: {  	s14 =	simm.s32 $0x1AC0  }
0x411: {  	[tilespmem:s14], [sflag:$0x1] =	stream.indirect.gather [hbm4b:s10+s17], $0x1, s7, s17, $0xb8;
	[tilespmem:$0x6CC0] =	vst v63  }
0x412: {  	s15 =	simm.s32 $0xAC0;
	s18 =	simm.s32 $0x1CC0  }
0x413: {  	[tilespmem:s18], [sflag:$0x1] =	stream.indirect.gather [hbm4b:s8+s17], $0x1, s15, s17, $0xb8;
	[tilespmem:$0x6CC0] =	vst v63  }
0x414: {  	s20 =	simm.s32 $0x1EC0  }
0x415: {  	[tilespmem:s20], [sflag:$0x1] =	stream.indirect.gather [hbm4b:s9+s17], $0x1, s15, s17, $0xb8;
	[tilespmem:$0x6CC0] =	vst v63  }
0x416: {  	s21 =	simm.s32 $0x20C0  }
0x417: {  	[tilespmem:s21], [sflag:$0x1] =	stream.indirect.gather [hbm4b:s10+s17], $0x1, s15, s17, $0xb8;
	[tilespmem:$0x6CC0] =	vst v63  }
0x418: {  	s23 =	simm.s32 $0x22C0;
	s22 =	simm.s32 $0xCC0  }
0x419: {  	[tilespmem:s23], [sflag:$0x1] =	stream.indirect.gather [hbm4b:s8+s17], $0x1, s22, s17, $0xb8;
	[tilespmem:$0x6CC0] =	vst v63  }
0x41a: {  	s24 =	simm.s32 $0x24C0  }
0x41b: {  	[tilespmem:s24], [sflag:$0x1] =	stream.indirect.gather [hbm4b:s9+s17], $0x1, s22, s17, $0xb8;
	[tilespmem:$0x6CC0] =	vst v63  }
0x41c: {  	s26 =	simm.s32 $0x26C0  }
0x41d: {  	[tilespmem:s26], [sflag:$0x1] =	stream.indirect.gather [hbm4b:s10+s17], $0x1, s22, s17, $0xb8;
	[tilespmem:$0x6CC0] =	vst v63  }
0x41e: {  	s28 =	rddreg [dreg:$0x8];
	s31 =	simm.s32 $0xEC0;
	s3 =	simm.s32 $0x28C0  }
0x41f: {  	[tilespmem:s3], [sflag:$0x1] =	stream.indirect.gather [hbm4b:s28+s17], $0x1, s31, s17, $0xb8;
	[tilespmem:$0x6CC0] =	vst v63  }
.LBB2_12:
0x420: {  	_ =	swait.ge [sflag:s1], $0x200  }
0x421: {  	[sflag:s1] =	ssyncset.done $0x0  }
0x422: {  	[sflag:s1] =	ssyncadd.s32 $0xFFFFFE00  }
0x423: {  	_ =	swait.ge [sflag:s1], $0x200  }
0x424: {  	[sflag:s1] =	ssyncset.done $0x0  }
0x425: {  	[sflag:s1] =	ssyncadd.s32 $0xFFFFFE00  }
0x426: {  	_ =	swait.ge [sflag:s1], $0x200  }
0x427: {  	[sflag:s1] =	ssyncset.done $0x0  }
0x428: {  	[sflag:s1] =	ssyncadd.s32 $0xFFFFFE00  }
0x429: {  	_ =	swait.ge [sflag:s1], $0x200  }
0x42a: {  	[sflag:s1] =	ssyncset.done $0x0  }
0x42b: {  	[sflag:s1] =	ssyncadd.s32 $0xFFFFFE00  }
0x42c: {  	_ =	swait.ge [sflag:s1], $0x200  }
0x42d: {  	[sflag:s1] =	ssyncset.done $0x0  }
0x42e: {  	[sflag:s1] =	ssyncadd.s32 $0xFFFFFE00  }
0x42f: {  	_ =	swait.ge [sflag:s1], $0x200  }
0x430: {  	[sflag:s1] =	ssyncset.done $0x0  }
0x431: {  	[sflag:s1] =	ssyncadd.s32 $0xFFFFFE00  }
0x432: {  	_ =	swait.ge [sflag:s1], $0x200  }
0x433: {  	[sflag:s1] =	ssyncset.done $0x0  }
0x434: {  	[sflag:s1] =	ssyncadd.s32 $0xFFFFFE00  }
0x435: {  	_ =	swait.ge [sflag:s1], $0x200  }
0x436: {  	[sflag:s1] =	ssyncset.done $0x0  }
0x437: {  	[sflag:s1] =	ssyncadd.s32 $0xFFFFFE00  }
0x438: {  	_ =	swait.ge [sflag:s1], $0x200  }
0x439: {  	[sflag:s1] =	ssyncset.done $0x0  }
0x43a: {  	[sflag:s1] =	ssyncadd.s32 $0xFFFFFE00  }
0x43b: {  	_ =	swait.ge [sflag:s1], $0x200  }
0x43c: {  	[sflag:s1] =	ssyncset.done $0x0  }
0x43d: {  	[sflag:s1] =	ssyncadd.s32 $0xFFFFFE00  }
0x43e: {  	_ =	swait.ge [sflag:s1], $0x200  }
0x43f: {  	[sflag:s1] =	ssyncset.done $0x0  }
0x440: {  	[sflag:s1] =	ssyncadd.s32 $0xFFFFFE00  }
0x441: {  	_ =	swait.ge [sflag:s1], $0x200  }
0x442: {  	[sflag:s1] =	ssyncset.done $0x0  }
0x443: {  	[sflag:s1] =	ssyncadd.s32 $0xFFFFFE00  }
0x444: {  	_ =	swait.ge [sflag:s1], $0x200  }
0x445: {  	[sflag:s1] =	ssyncset.done $0x0  }
0x446: {  	s4 =	simm.s32 $0x0;
	[sflag:s1] =	ssyncadd.s32 $0xFFFFFE00  }
0x447: {  	v19 =	vld [tilespmem:s4+$0x60C0]  }
0x448: {  	v20 =	vld [tilespmem:s4+$0x62C0];
	_ =	sdelay $0x2  }
0x449: {  	s2 =	simm.s32 $0x0  }
0x44a: {  	v21 =	vmov s2;
	v22 =	vtrunc.f32 v19  }
0x44b: {  	v21 =	vmul.u32 $0x3, v21;
	v24 =	vtrunc.f32 v20;
	v23 =	vcvt.f32.s32 v22  }
0x44c: {  	vm0 =	vlt.f32 v19, v22;
	v22 =	vcvt.f32.s32 v24;
	vm1 =	vlt.f32 v20, v24  }
0x44d: {  	v27 =	vbroadcast v21, $0x0;
	v25 =	vsel vm0, $0xFFFFFFFF, v6;
	v26 =	vsel vm1, $0xFFFFFFFF, v6  }
0x44e: {  	v24 =	vadd.f32 $5.000000000e-01, v19;
	v21 =	vadd.s32 v23, v25;
	v22 =	vadd.s32 v22, v26  }
0x44f: {  	v23 =	vcvt.s32.f32 v21;
	v25 =	vcvt.s32.f32 v22  }
0x450: {  	v36 =	vadd.f32 $5.000000000e-01, v20;
	vm0 =	vge.f32 v24, $0.0e+00  }
0x451: {  	v26 =	vadd.s32 v0, v27;
	v19 =	vsub.f32 v19, v23;
	v23 =	vsub.f32 v20, v25  }
0x452: {  	v31 =	vld [tilespmem:s4+$0x46C0];
	vm1 =	vlt.f32 v24, $5.120000000e+02;
	v28 =	vadd.s32 $0x1, v21;
	v29 =	vor.u32 v21, v22  }
0x453: {  	v26 =	vand.u32 $0xFFFFFFF8, v26;
	v25 =	vld [tilespmem:s4+$0x4CC0];
	v32 =	vsub.f32 $1.000000000e+00, v19;
	v33 =	vsub.f32 $1.000000000e+00, v23  }
0x454: {  	v34 =	vld [tilespmem:s4+$0x64C0];
	v30 =	vor.u32 v22, v28;
	v22 =	vadd.s32 $0x1, v22;
	v63 =	vmul.f32 v23, v19  }
0x455: {  	v35 =	vld [tilespmem:s4+$0x52C0];
	vm2 =	vlt.u32 v29, $0x200;
	v20 =	vmul.f32 v33, v32;
	v19 =	vmul.f32 v33, v19  }
0x456: {  	v21 =	vor.u32 v21, v22;
	v22 =	vor.u32 v28, v22;
	vm3 =	vlt.u32 v30, $0x200  }
0x457: {  	v24 =	vld [tilespmem:s4+$0x58C0];
	v23 =	vmul.f32 v23, v32;
	v29 =	vnsel vm2, $0x0, v20;
	v30 =	vnsel vm3, $0x0, v19  }
0x458: {  	vm2 =	vlt.u32 v21, $0x200;
	v19 =	vmul.f32 v29, v31;
	v21 =	vmul.f32 v30, v25  }
0x459: {  	vm3 =	vgt.f32 v34, $0.0e+00;
	v25 =	vld [tilespmem:s4+$0x5EC0];
	v20 =	vnsel vm2, $0x0, v23;
	vm2 =	vlt.u32 v22, $0x200  }
0x45a: {  	vm0 =	vmand vm0, vm3;
	v22 =	vmul.f32 v20, v35;
	v19 =	vadd.f32 v21, v19  }
0x45b: {  	v23 =	vor.u32 v1, v26;
	vm0 =	vmand vm1, vm0;
	v21 =	vnsel vm2, $0x0, v63  }
0x45c: {  	vm1 =	vge.f32 v36, $0.0e+00;
	v19 =	vadd.f32 v19, v22;
	v22 =	vmul.f32 v21, v24  }
0x45d: {  	vm0 =	vmand vm1, vm0;
	vm1 =	vlt.f32 v36, $5.120000000e+02  }
0x45e: {  	vm0 =	vmand vm1, vm0;
	vm2 =	vle.f32 v34, v25;
	v19 =	vadd.f32 v19, v22  }
0x45f: {  	vm0 =	vmand vm2, vm0  }
0x460: {  	v19 =	vnsel vm0, $0x0, v19  }
0x461: {  	[tilespmem:v23+s6+$0x0] =	vst.idx.msk $0xffff, v19  }
0x462: {  	v19 =	vld [tilespmem:s4+$0x48C0]  }
0x463: {  	v22 =	vld [tilespmem:s4+$0x4EC0];
	_ =	sdelay $0x1  }
0x464: {  	v23 =	vld [tilespmem:s4+$0x54C0];
	_ =	sdelay $0x1  }
0x465: {  	v24 =	vld [tilespmem:s4+$0x5AC0]  }
0x466: {  	v19 =	vmul.f32 v29, v19;
	v22 =	vmul.f32 v30, v22;
	_ =	sdelay $0x1  }
0x467: {  	v25 =	vadd.s32 v2, v27;
	v19 =	vadd.f32 v22, v19;
	v22 =	vmul.f32 v23, v20  }
0x468: {  	v23 =	vand.u32 $0xFFFFFFF8, v25  }
0x469: {  	v23 =	vor.u32 v3, v23;
	v19 =	vadd.f32 v19, v22;
	v22 =	vmul.f32 v24, v21;
	_ =	sdelay $0x1  }
0x46a: {  	v19 =	vadd.f32 v19, v22;
	_ =	sdelay $0x1  }
0x46b: {  	v19 =	vnsel vm0, $0x0, v19  }
0x46c: {  	[tilespmem:v23+s6+$0x0] =	vst.idx.msk $0xffff, v19  }
0x46d: {  	v24 =	vld [tilespmem:s4+$0x4AC0]  }
0x46e: {  	v26 =	vld [tilespmem:s4+$0x50C0]  }
0x46f: {  	s0 =	simm.s32 $0x10  }
0x470: {  	v19 =	vmov s0;
	v23 =	vld [tilespmem:s4+$0x56C0]  }
0x471: {  	v19 =	vmul.u32 $0x3, v19  }
0x472: {  	v22 =	vadd.s32 v4, v27;
	v25 =	vmul.f32 v24, v29;
	v24 =	vld [tilespmem:s4+$0x5CC0]  }
0x473: {  	s13 =	sadd.s32 $0x1, s13;
	s3 =	simm.s32 $0x0;
	v22 =	vand.u32 $0xFFFFFFF8, v22;
	s0 =	simm.s32 $0x0;
	v19 =	vbroadcast v19, $0x0;
	v26 =	vmul.f32 v26, v30  }
.LBB2_13:
0x474: {  	s0 =	sadd.s32 $0x2, s0;
	s2 =	sadd.s32 $0x20, s2;
	s3 =	sadd.s32 $0x80, s3  }
0x475: {  	s5 =	sadd.s32 $0x10, s2;
	p0 =	slt.u32 s0, $0x1E;
	v25 =	vadd.f32 v26, v25;
	v20 =	vmul.f32 v23, v20  }
0x476: {  	v23 =	vmov s5  }
0x477: {  	v22 =	vor.u32 v5, v22;
	v20 =	vadd.f32 v20, v25;
	v21 =	vmul.f32 v24, v21  }
0x478: {  	v23 =	vmul.u32 $0x3, v23  }
0x479: {  	v21 =	vadd.f32 v21, v20  }
0x47a: {  	s5 =	sshra.s32 s3, $0x2;
	v20 =	vbroadcast v23, $0x0  }
0x47b: {  	v21 =	vnsel vm0, $0x0, v21  }
0x47c: {  	[tilespmem:v22+s6+$0x0] =	vst.idx.msk $0xffff, v21  }
0x47d: {  	v21 =	vld [tilespmem:s4+$0x60D0]  }
0x47e: {  	v22 =	vld [tilespmem:s4+$0x62D0]  }
0x47f: {  	v23 =	vld [tilespmem:s4+$0x64D0];
	_ =	sdelay $0x2  }
0x480: {  	v24 =	vtrunc.f32 v21;
	v25 =	vadd.f32 $5.000000000e-01, v21  }
0x481: {  	v26 =	vcvt.f32.s32 v24;
	vm0 =	vlt.f32 v21, v24;
	v24 =	vtrunc.f32 v22  }
0x482: {  	v27 =	vcvt.f32.s32 v24;
	vm1 =	vlt.f32 v22, v24;
	vm2 =	vgt.f32 v23, $0.0e+00  }
0x483: {  	v29 =	vadd.f32 $5.000000000e-01, v22;
	v24 =	vsel vm0, $0xFFFFFFFF, v6;
	v28 =	vsel vm1, $0xFFFFFFFF, v6  }
0x484: {  	v24 =	vadd.s32 v26, v24;
	vm1 =	vge.f32 v25, $0.0e+00;
	v26 =	vadd.s32 v27, v28  }
0x485: {  	vm0 =	vlt.f32 v29, $5.120000000e+02;
	v27 =	vcvt.s32.f32 v24;
	v28 =	vcvt.s32.f32 v26  }
0x486: {  	v30 =	vadd.s32 $0x1, v24;
	vm1 =	vmand vm1, vm2;
	v31 =	vadd.s32 $0x1, v26  }
0x487: {  	vm2 =	vlt.f32 v25, $5.120000000e+02;
	v21 =	vsub.f32 v21, v27;
	v22 =	vsub.f32 v22, v28  }
0x488: {  	v25 =	vor.u32 v26, v30;
	vm1 =	vmand vm2, vm1;
	v27 =	vor.u32 v24, v31;
	v28 =	vld [tilespmem:s4+$0x4CD0]  }
0x489: {  	vm2 =	vge.f32 v29, $0.0e+00;
	v32 =	vsub.f32 $1.000000000e+00, v21;
	v33 =	vsub.f32 $1.000000000e+00, v22;
	v29 =	vld [tilespmem:s4+$0x46D0]  }
0x48a: {  	v24 =	vor.u32 v24, v26;
	vm1 =	vmand vm2, vm1;
	v26 =	vmul.f32 v22, v21  }
0x48b: {  	v30 =	vor.u32 v30, v31;
	v34 =	vmul.f32 v33, v32;
	v21 =	vmul.f32 v33, v21;
	v31 =	vld [tilespmem:s4+$0x52D0]  }
0x48c: {  	vm3 =	vlt.u32 v25, $0x200;
	vm2 =	vlt.u32 v24, $0x200;
	v22 =	vmul.f32 v22, v32  }
0x48d: {  	v24 =	vnsel vm2, $0x0, v34;
	v21 =	vnsel vm3, $0x0, v21;
	vm2 =	vlt.u32 v27, $0x200;
	v25 =	vld [tilespmem:s4+$0x58D0]  }
0x48e: {  	v22 =	vnsel vm2, $0x0, v22;
	v27 =	vmul.f32 v24, v29;
	v28 =	vmul.f32 v21, v28  }
0x48f: {  	vm0 =	vmand vm0, vm1;
	v29 =	vld [tilespmem:s4+$0x5ED0]  }
0x490: {  	vm1 =	vlt.u32 v30, $0x200;
	v27 =	vadd.f32 v28, v27;
	v28 =	vmul.f32 v22, v31  }
0x491: {  	v26 =	vnsel vm1, $0x0, v26  }
0x492: {  	v30 =	vadd.s32 v0, v19;
	v27 =	vadd.f32 v27, v28;
	v25 =	vmul.f32 v26, v25;
	_ =	sdelay $0x1  }
0x493: {  	vm1 =	vle.f32 v23, v29;
	v23 =	vadd.f32 v27, v25  }
0x494: {  	vm0 =	vmand vm1, vm0  }
0x495: {  	v23 =	vnsel vm0, $0x0, v23  }
0x496: {  	[tilespmem:v30+s6+$0x0] =	vst.idx.msk $0xffff, v23  }
0x497: {  	v23 =	vld [tilespmem:s4+$0x48D0]  }
0x498: {  	v25 =	vld [tilespmem:s4+$0x4ED0]  }
0x499: {  	v27 =	vld [tilespmem:s4+$0x54D0]  }
0x49a: {  	v28 =	vld [tilespmem:s4+$0x5AD0];
	_ =	sdelay $0x1  }
0x49b: {  	v23 =	vmul.f32 v24, v23  }
0x49c: {  	v25 =	vmul.f32 v21, v25  }
0x49d: {  	v27 =	vmul.f32 v27, v22  }
0x49e: {  	v23 =	vadd.f32 v25, v23;
	_ =	sdelay $0x1  }
0x49f: {  	v25 =	vmul.f32 v28, v26;
	v23 =	vadd.f32 v23, v27;
	v27 =	vadd.s32 v2, v19;
	_ =	sdelay $0x1  }
0x4a0: {  	v23 =	vadd.f32 v23, v25;
	_ =	sdelay $0x1  }
0x4a1: {  	v23 =	vnsel vm0, $0x0, v23  }
0x4a2: {  	[tilespmem:v27+s6+$0x0] =	vst.idx.msk $0xffff, v23  }
0x4a3: {  	v23 =	vld [tilespmem:s4+$0x4AD0]  }
0x4a4: {  	v25 =	vld [tilespmem:s4+$0x50D0]  }
0x4a5: {  	v27 =	vld [tilespmem:s4+$0x56D0]  }
0x4a6: {  	v28 =	vld [tilespmem:s4+$0x5CD0];
	s4 =	smov.u32 s5;
	_ =	sdelay $0x1  }
0x4a7: {  	v23 =	vmul.f32 v23, v24  }
0x4a8: {  	v21 =	vmul.f32 v25, v21  }
0x4a9: {  	v22 =	vmul.f32 v27, v22  }
0x4aa: {  	v21 =	vadd.f32 v21, v23;
	_ =	sdelay $0x1  }
0x4ab: {  	v23 =	vadd.s32 v4, v19;
	v19 =	vmovc v20;
	v21 =	vadd.f32 v22, v21;
	v22 =	vmul.f32 v28, v26;
	_ =	sdelay $0x1  }
0x4ac: {  	v20 =	vadd.f32 v22, v21;
	_ =	sdelay $0x1  }
0x4ad: {  	v20 =	vnsel vm0, $0x0, v20  }
0x4ae: {  	v21 =	vmov s2;
	[tilespmem:v23+s6+$0x0] =	vst.idx.msk $0xffff, v20  }
0x4af: {  	v21 =	vmul.u32 $0x3, v21;
	v20 =	vld [tilespmem:s4+$0x60C0]  }
0x4b0: {  	v22 =	vld [tilespmem:s4+$0x62C0];
	_ =	sdelay $0x3  }
0x4b1: {  	v23 =	vtrunc.f32 v20;
	v24 =	vadd.f32 $5.000000000e-01, v20  }
0x4b2: {  	v25 =	vcvt.f32.s32 v23;
	vm0 =	vlt.f32 v20, v23;
	v23 =	vtrunc.f32 v22  }
0x4b3: {  	v21 =	vbroadcast v21, $0x0;
	v26 =	vcvt.f32.s32 v23;
	vm1 =	vlt.f32 v22, v23  }
0x4b4: {  	v23 =	vsel vm0, $0xFFFFFFFF, v6;
	vm0 =	vge.f32 v24, $0.0e+00;
	v27 =	vsel vm1, $0xFFFFFFFF, v6  }
0x4b5: {  	v23 =	vadd.s32 v25, v23;
	v25 =	vadd.s32 v26, v27;
	v26 =	vadd.s32 v0, v21;
	v27 =	vld [tilespmem:s4+$0x4CC0]  }
0x4b6: {  	v28 =	vcvt.s32.f32 v23;
	v30 =	vadd.s32 $0x1, v23;
	v29 =	vcvt.s32.f32 v25;
	v31 =	vld [tilespmem:s4+$0x52C0]  }
0x4b7: {  	v32 =	vor.u32 v23, v25;
	v33 =	vor.u32 v25, v30;
	v26 =	vand.u32 $0xFFFFFFF8, v26;
	v34 =	vld [tilespmem:s4+$0x46C0]  }
0x4b8: {  	v25 =	vadd.s32 $0x1, v25;
	v20 =	vsub.f32 v20, v28;
	v28 =	vsub.f32 v22, v29;
	v29 =	vld [tilespmem:s4+$0x58C0]  }
0x4b9: {  	v23 =	vor.u32 v23, v25;
	v25 =	vor.u32 v30, v25;
	v22 =	vadd.f32 $5.000000000e-01, v22;
	v35 =	vld [tilespmem:s4+$0x64C0]  }
0x4ba: {  	v36 =	vsub.f32 $1.000000000e+00, v20;
	v30 =	vld [tilespmem:s4+$0x5EC0];
	v37 =	vsub.f32 $1.000000000e+00, v28;
	v38 =	vmul.f32 v28, v20  }
0x4bb: {  	v39 =	vadd.s32 v4, v21;
	vm1 =	vlt.f32 v24, $5.120000000e+02;
	v24 =	vadd.s32 v2, v21  }
0x4bc: {  	vm2 =	vlt.u32 v23, $0x200;
	v21 =	vmul.f32 v37, v36;
	v20 =	vmul.f32 v37, v20  }
0x4bd: {  	vm3 =	vlt.u32 v32, $0x200;
	vm4 =	vlt.u32 v33, $0x200;
	v23 =	vmul.f32 v28, v36  }
0x4be: {  	v26 =	vor.u32 v1, v26;
	v28 =	vnsel vm3, $0x0, v21;
	v32 =	vnsel vm4, $0x0, v20  }
0x4bf: {  	vm3 =	vle.f32 v35, v30;
	v21 =	vmul.f32 v28, v34;
	v27 =	vmul.f32 v32, v27  }
0x4c0: {  	v20 =	vnsel vm2, $0x0, v23;
	vm2 =	vlt.u32 v25, $0x200;
	vm4 =	vgt.f32 v35, $0.0e+00  }
0x4c1: {  	vm0 =	vmand vm0, vm4;
	v25 =	vmul.f32 v20, v31;
	v23 =	vadd.f32 v27, v21  }
0x4c2: {  	vm0 =	vmand vm1, vm0;
	vm1 =	vge.f32 v22, $0.0e+00;
	v21 =	vnsel vm2, $0x0, v38  }
0x4c3: {  	vm0 =	vmand vm1, vm0;
	v23 =	vadd.f32 v23, v25;
	v25 =	vmul.f32 v21, v29  }
0x4c4: {  	v24 =	vand.u32 $0xFFFFFFF8, v24;
	vm1 =	vlt.f32 v22, $5.120000000e+02;
	v22 =	vand.u32 $0xFFFFFFF8, v39  }
0x4c5: {  	vm0 =	vmand vm1, vm0;
	v23 =	vadd.f32 v23, v25  }
0x4c6: {  	vm0 =	vmand vm3, vm0  }
0x4c7: {  	v23 =	vnsel vm0, $0x0, v23  }
0x4c8: {  	[tilespmem:v26+s6+$0x0] =	vst.idx.msk $0xffff, v23  }
0x4c9: {  	v23 =	vld [tilespmem:s4+$0x48C0]  }
0x4ca: {  	v25 =	vld [tilespmem:s4+$0x4EC0];
	_ =	sdelay $0x1  }
0x4cb: {  	v26 =	vld [tilespmem:s4+$0x54C0];
	_ =	sdelay $0x1  }
0x4cc: {  	v23 =	vmul.f32 v28, v23;
	v27 =	vld [tilespmem:s4+$0x5AC0]  }
0x4cd: {  	v25 =	vmul.f32 v32, v25;
	_ =	sdelay $0x1  }
0x4ce: {  	v23 =	vadd.f32 v25, v23;
	v25 =	vmul.f32 v26, v20;
	_ =	sdelay $0x1  }
0x4cf: {  	v24 =	vor.u32 v3, v24;
	v23 =	vadd.f32 v23, v25;
	v25 =	vmul.f32 v27, v21;
	_ =	sdelay $0x1  }
0x4d0: {  	v23 =	vadd.f32 v23, v25;
	_ =	sdelay $0x1  }
0x4d1: {  	v23 =	vnsel vm0, $0x0, v23  }
0x4d2: {  	[tilespmem:v24+s6+$0x0] =	vst.idx.msk $0xffff, v23  }
0x4d3: {  	v24 =	vld [tilespmem:s4+$0x4AC0]  }
0x4d4: {  	v26 =	vld [tilespmem:s4+$0x50C0]  }
.Ltmp5:
0x4d5: {  	(pc) =	sbr.rel @p0 .LBB2_13-.Ltmp5, $3  }
0x4d6: {  	v23 =	vld [tilespmem:s4+$0x56C0];
	_ =	sdelay $0x1  }
0x4d7: {  	v25 =	vmul.f32 v24, v28;
	v24 =	vld [tilespmem:s4+$0x5CC0]  }
0x4d8: {  	v26 =	vmul.f32 v26, v32  }
0x4d9: {  	_ = 	snop  }
0x4da: {  	v25 =	vadd.f32 v26, v25;
	v20 =	vmul.f32 v23, v20;
	_ =	sdelay $0x1  }
0x4db: {  	v22 =	vor.u32 v5, v22;
	v20 =	vadd.f32 v20, v25;
	v21 =	vmul.f32 v24, v21;
	_ =	sdelay $0x1  }
0x4dc: {  	v20 =	vadd.f32 v21, v20;
	_ =	sdelay $0x1  }
0x4dd: {  	v20 =	vnsel vm0, $0x0, v20  }
0x4de: {  	[tilespmem:v22+s6+$0x0] =	vst.idx.msk $0xffff, v20  }
0x4df: {  	v20 =	vld [tilespmem:s4+$0x60D0]  }
0x4e0: {  	v38 =	vld [tilespmem:s4+$0x62D0];
	_ =	sdelay $0x3  }
0x4e1: {  	v39 =	vtrunc.f32 v20  }
0x4e2: {  	v41 =	vtrunc.f32 v38;
	v40 =	vcvt.f32.s32 v39  }
0x4e3: {  	v45 =	vld [tilespmem:s4+$0x64D0];
	vm6 =	vlt.f32 v20, v39;
	v42 =	vcvt.f32.s32 v41;
	vm1 =	vlt.f32 v38, v41  }
0x4e4: {  	v43 =	vsel vm6, $0xFFFFFFFF, v6;
	v44 =	vsel vm1, $0xFFFFFFFF, v6  }
0x4e5: {  	v23 =	vadd.s32 v40, v43;
	v22 =	vadd.s32 v42, v44  }
0x4e6: {  	v46 =	vcvt.s32.f32 v23;
	v47 =	vcvt.s32.f32 v22  }
0x4e7: {  	v54 =	vadd.s32 v0, v19  }
0x4e8: {  	vm7 =	vgt.f32 v45, $0.0e+00;
	v25 =	vsub.f32 v20, v46;
	v26 =	vsub.f32 v38, v47  }
0x4e9: {  	v29 =	vld [tilespmem:s4+$0x4CD0];
	v21 =	vadd.f32 $5.000000000e-01, v38;
	v30 =	vadd.s32 $0x1, v23;
	v20 =	vadd.f32 $5.000000000e-01, v20  }
0x4ea: {  	v31 =	vld [tilespmem:s4+$0x46D0];
	v32 =	vor.u32 v23, v22;
	v27 =	vsub.f32 $1.000000000e+00, v25;
	v28 =	vsub.f32 $1.000000000e+00, v26  }
0x4eb: {  	vm8 =	vge.f32 v20, $0.0e+00;
	vm9 =	vlt.f32 v20, $5.120000000e+02;
	v20 =	vor.u32 v22, v30  }
0x4ec: {  	v48 =	vld [tilespmem:s4+$0x52D0];
	v22 =	vadd.s32 $0x1, v22;
	v33 =	vmul.f32 v28, v27;
	v28 =	vmul.f32 v28, v25  }
0x4ed: {  	vm2 =	vlt.u32 v32, $0x200;
	vm10 =	vlt.u32 v20, $0x200;
	v20 =	vor.u32 v23, v22  }
0x4ee: {  	v51 =	vld [tilespmem:s4+$0x58D0];
	v49 =	vmul.f32 v26, v27;
	v32 =	vnsel vm2, $0x0, v33;
	v50 =	vnsel vm10, $0x0, v28  }
0x4ef: {  	vm11 =	vlt.u32 v20, $0x200;
	v20 =	vmul.f32 v32, v31;
	v29 =	vmul.f32 v50, v29  }
0x4f0: {  	v52 =	vld [tilespmem:s4+$0x5ED0];
	v22 =	vor.u32 v30, v22;
	v25 =	vmul.f32 v26, v25;
	v23 =	vnsel vm11, $0x0, v49  }
0x4f1: {  	vm12 =	vlt.u32 v22, $0x200;
	v53 =	vmul.f32 v23, v48;
	v20 =	vadd.f32 v29, v20  }
0x4f2: {  	vm13 =	vge.f32 v21, $0.0e+00;
	vm0 =	vmand vm8, vm7;
	v25 =	vnsel vm12, $0x0, v25  }
0x4f3: {  	vm0 =	vmand vm9, vm0;
	v55 =	vmul.f32 v25, v51;
	v20 =	vadd.f32 v20, v53  }
0x4f4: {  	vm14 =	vlt.f32 v21, $5.120000000e+02;
	vm0 =	vmand vm13, vm0  }
0x4f5: {  	vm15 =	vle.f32 v45, v52;
	vm0 =	vmand vm14, vm0;
	v20 =	vadd.f32 v20, v55  }
0x4f6: {  	vm0 =	vmand vm15, vm0  }
0x4f7: {  	v20 =	vnsel vm0, $0x0, v20  }
0x4f8: {  	[tilespmem:v54+s6+$0x0] =	vst.idx.msk $0xffff, v20  }
0x4f9: {  	v20 =	vld [tilespmem:s4+$0x48D0]  }
0x4fa: {  	v56 =	vld [tilespmem:s4+$0x4ED0];
	_ =	sdelay $0x1  }
0x4fb: {  	v57 =	vld [tilespmem:s4+$0x54D0];
	_ =	sdelay $0x1  }
0x4fc: {  	v58 =	vld [tilespmem:s4+$0x5AD0]  }
0x4fd: {  	v20 =	vmul.f32 v32, v20;
	v21 =	vmul.f32 v50, v56;
	_ =	sdelay $0x1  }
0x4fe: {  	v22 =	vmul.f32 v57, v23;
	v20 =	vadd.f32 v21, v20;
	_ =	sdelay $0x1  }
0x4ff: {  	v60 =	vadd.s32 v2, v19;
	v59 =	vmul.f32 v58, v25;
	v20 =	vadd.f32 v20, v22;
	_ =	sdelay $0x1  }
0x500: {  	v20 =	vadd.f32 v20, v59;
	_ =	sdelay $0x1  }
0x501: {  	v20 =	vnsel vm0, $0x0, v20  }
0x502: {  	[tilespmem:v60+s6+$0x0] =	vst.idx.msk $0xffff, v20  }
0x503: {  	v20 =	vld [tilespmem:s4+$0x4AD0]  }
0x504: {  	v61 =	vld [tilespmem:s4+$0x50D0];
	_ =	sdelay $0x1  }
0x505: {  	v22 =	vld [tilespmem:s4+$0x56D0];
	_ =	sdelay $0x1  }
0x506: {  	v62 =	vld [tilespmem:s4+$0x5CD0]  }
0x507: {  	v20 =	vmul.f32 v20, v32;
	v21 =	vmul.f32 v61, v50;
	_ =	sdelay $0x1  }
0x508: {  	v22 =	vmul.f32 v22, v23;
	v20 =	vadd.f32 v21, v20;
	_ =	sdelay $0x1  }
0x509: {  	v19 =	vadd.s32 v4, v19;
	v63 =	vmul.f32 v62, v25;
	v20 =	vadd.f32 v22, v20;
	_ =	sdelay $0x1  }
0x50a: {  	v20 =	vadd.f32 v63, v20  }
0x50b: {  	s0 =	rddreg [dreg:$0x5]  }
0x50c: {  	s2 =	rddreg [dreg:$0xd];
	p0 =	sne.s32 s13, $0x19;
	v20 =	vnsel vm0, $0x0, v20  }
.Ltmp6:
0x50d: {  	s31 =	simm.s32 $0x0;
	s0 =	sadd.s32 s0, s2;
	[tilespmem:v19+s6+$0x0] =	vst.idx.msk $0xffff, v20;
	(pc) =	sbr.rel @p0 .LBB2_4-.Ltmp6, $4  }
0x50e: {  	[hbm4b:s0+s31] =	stream.linear.scatter [tilespmem:s6], [sflag:$0x3], $0x600, $0x38;
	[tilespmem:$0x6CC0] =	vst v63  }
0x50f: {  	_ =	swait.ge [sflag:s25], $0x600  }
0x510: {  	[sflag:s25] =	ssyncset.done $0x0  }
0x511: {  	[sflag:s25] =	ssyncadd.s32 $0xFFFFFA00  }
0x512: {  	s2 =	rddreg [dreg:$0xc]  }
0x513: {  	s0 =	rddreg [dreg:$0xb];
	s2 =	sadd.s32 $0x1, s2  }
0x514: {  	p0 =	sne.s32 s2, s0  }
.Ltmp7:
0x515: {  	_ = 	snop;
	(pc) =	sbr.rel @p0 .LBB2_1-.Ltmp7, $1  }
0x516: {  	_ =	sdelay $0x3  }
0x517: {  	_ =	sfence.sel $0x180000  }
0x518: {  	[bflag:$0x0] =	sbarrier.arrive $0xFFFF  }
0x519: {  	_ =	strace $0x90000047  }
0x51a: {  	s0 =	stileid.u32;
	[bflag:$0x2] =	sbarrier.arrive $0xFFFF  }
0x51b: {  	p0 =	sne.s32 s0, $0x0;
	s0 =	rddreg [dreg:$0x2]  }
0x51c: {  	s0 =	sadd.s32 @!p0 $0x100000, s0  }
0x51d: {  	[sflag:s0] =	ssyncadd.tile.s32 @!p0 $0x1;
	_ =	shalt  }
.Lfunc_end2:
_tile_overlayer_lowered:
.L_overlay_start_2:
0x51e: {  	(tag) =	ssettag $0x2  }
0x51f: {  	s0 =	rddreg [dreg:$0x0];
	s2 =	stileid.u32  }
0x520: {  	s1 =	rddreg [dreg:$0x1];
	p0 =	sne.s32 s2, $0x0  }
0x521: {  	s3 =	rddreg [dreg:$0x2];
	[bflag:$0x3] =	sbarrier.arrive $0xFFFF;
	s2 =	simm.s32 @!p0 $0x1C03  }
0x522: {  	[timem:s3], [sflag:s2] =	dma.local @!p0 [hbm:s0], s1  }
0x523: {  	s0 =	simm.s32 @!p0 $0x3  }
0x524: {  	_ =	swait.ge @!p0 [sflag:s0], s1  }
0x525: {  	s1 =	ssub.s32 @!p0 $0x0, s1;
	[sflag:s0] =	ssyncset.done @!p0 $0x0  }
0x526: {  	[sflag:s0] =	ssyncadd.s32 @!p0 s1  }
0x527: {  	[bflag:$0x3] =	sbarrier.arrive $0xFFFF  }
0x528: {  	_ =	shalt  }

</sc_bundles>
